<compile_context>
chip_gen: v7x
topology: tpu7x:2x2x1
jax: 0.10.2.dev20260603
libtpu: 0.0.44.dev20260713+nightly
codegen_flags: <defaults>
</compile_context>

<pallas_src>
import functools

import jax
import jax.numpy as jnp
from jax import lax
from jax.experimental import pallas as pl
from jax.experimental.pallas import tpu as pltpu
from jax.experimental.pallas import tpu_sc as plsc

_N_ATOMS = 100000
_N_SEL = 50000
_D = 128
_DC = 3
_CHUNK = 80
_NCHUNK = _N_SEL // _CHUNK
_NW = 32
_MAXC = 20
_BIG = 17
_NB = 6
_LAG = 3

_mesh = plsc.VectorSubcoreMesh(core_axis_name="c", subcore_axis_name="s")


def _worker_span():
    w = lax.axis_index("s") * 2 + lax.axis_index("c")
    cnt = jnp.where(w < _BIG, _MAXC, _MAXC - 1)
    start_chunk = w * (_MAXC - 1) + jnp.minimum(w, _BIG)
    return start_chunk * _CHUNK, cnt


def _load_indices(idx_hbm, idx_v, rbase, cnt):
    low = (_MAXC - 1) * _CHUNK
    pltpu.sync_copy(idx_hbm.at[pl.ds(rbase, low)], idx_v.at[pl.ds(0, low)])

    @pl.when(cnt == _MAXC)
    def _():
        pltpu.sync_copy(idx_hbm.at[pl.ds(rbase + low, _CHUNK)],
                        idx_v.at[pl.ds(low, _CHUNK)])


@functools.partial(
    pl.kernel,
    mesh=_mesh,
    out_type=(jax.ShapeDtypeStruct((1, _N_SEL, _D), jnp.float32),
              jax.ShapeDtypeStruct((_N_SEL, _D), jnp.float32)),
    scratch_types=(
        [pltpu.VMEM((_MAXC * _CHUNK,), jnp.int32),
         pltpu.VMEM((_NB, _CHUNK, _D), jnp.float32),
         pltpu.VMEM((_NB, _CHUNK, _D), jnp.float32)]
        + [pltpu.SemaphoreType.DMA] * (4 * _NB)
    ),
)
def _gather_both(idx_hbm, atm_hbm, crd_hbm, atm_out, crd_out,
                 idx_v, abufs, cbufs, *sems):
    ga, gc = sems[:_NB], sems[_NB:2 * _NB]
    wa, wc = sems[2 * _NB:3 * _NB], sems[3 * _NB:]
    rbase, cnt = _worker_span()
    _load_indices(idx_hbm, idx_v, rbase, cnt)

    atm_t = atm_hbm.at[0]
    a_out = atm_out.at[0]
    c_out = crd_out

    def wait_gather(b):
        pltpu.make_async_copy(atm_t.at[pl.ds(0, _CHUNK)], abufs.at[b],
                              ga[b]).wait()
        pltpu.make_async_copy(crd_hbm.at[pl.ds(0, _CHUNK)], cbufs.at[b],
                              gc[b]).wait()

    def wait_wb(b):
        pltpu.make_async_copy(abufs.at[b], a_out.at[pl.ds(0, _CHUNK)],
                              wa[b]).wait()
        pltpu.make_async_copy(cbufs.at[b], c_out.at[pl.ds(0, _CHUNK)],
                              wc[b]).wait()

    for j in range(_MAXC + _LAG):
        jc = j - _LAG
        if 0 <= jc < _MAXC:
            b = jc % _NB

            @pl.when(jc < cnt)
            def _(jc=jc, b=b):
                wait_gather(b)
                dst = pl.ds(rbase + jc * _CHUNK, _CHUNK)
                pltpu.async_copy(abufs.at[b], a_out.at[dst], wa[b])
                pltpu.async_copy(cbufs.at[b], c_out.at[dst], wc[b])

        if j < _MAXC:
            b = j % _NB

            @pl.when(j < cnt)
            def _(j=j, b=b):
                if j >= _NB:
                    wait_wb(b)
                sel = idx_v.at[pl.ds(j * _CHUNK, _CHUNK)]
                pltpu.async_copy(atm_t.at[sel], abufs.at[b], ga[b])
                pltpu.async_copy(crd_hbm.at[sel], cbufs.at[b], gc[b])

    for b in range(_NB):
        wait_wb(b)


def kernel(ent, atm, coord, mol_feat):
    e = jnp.reshape(ent, (_N_SEL,)).astype(jnp.int32)
    crd128 = jnp.pad(jnp.reshape(coord, (_N_ATOMS, _DC)),
                     ((0, 0), (0, _D - _DC)))
    atm_sel, coord_sel = _gather_both(e, atm, crd128)
    coord_out = jnp.reshape(coord_sel[:, :_DC], (1, _N_SEL, _DC))
    return (atm_sel, coord_out, mol_feat)

# --- scband reference (transcript-rebuilt; emitter-appended) ---
"""Pipeline reference for scband-pak-atm-89910845375133 (READ-ONLY COPY).

The authoritative reference and input builder live on the scoring server;
editing this copy changes nothing except your own understanding.
"""

import jax, jax.numpy as jnp
import numpy as np

# PakAtm: given a molecule dict with an entity-index tensor 'ent' (shape [1, S]),
# gather rows of every atom-wise tensor (keys in `atoms` = {'atm', 'coord'})
# via x[:, ent]; non-atom tensors (e.g. 'mol_feat') pass through unchanged.

N_ATOMS = 100000
N_SEL = 50000
D_FEAT = 128

def setup_inputs(seed: int = 0) -> dict:
    key = jax.random.key(seed)
    k1, k2, k3, k4 = jax.random.split(key, 4)
    ent = jax.random.randint(k1, (1, N_SEL), 0, N_ATOMS)
    atm = jax.random.normal(k2, (1, N_ATOMS, D_FEAT), dtype=jnp.float32)
    coord = jax.random.normal(k3, (1, N_ATOMS, 3), dtype=jnp.float32)
    mol_feat = jax.random.normal(k4, (1, 256), dtype=jnp.float32)
    return {"ent": ent, "atm": atm, "coord": coord, "mol_feat": mol_feat}

def reference(ent, atm, coord, mol_feat):
    # ent = mol[p.ent].squeeze(0); assert ent.dim() == 1
    e = jnp.squeeze(ent, axis=0)
    # atom-wise keys are gathered along the atom axis: ret[key] = mol[key][:, ent]
    atm_sel = jnp.take(atm, e, axis=1)
    coord_sel = jnp.take(coord, e, axis=1)
    # non-atom keys pass through unchanged
    return (atm_sel, coord_sel, mol_feat)

if __name__ == "__main__":
    import jax
    _d = setup_inputs()
    print(jax.jit(kernel)(*tuple(_d.values())))

</pallas_src>

<mosaic_0001>
#map = affine_map<(d0, d1) -> (0)>
#map1 = affine_map<(d0, d1) -> (0, 0, 0)>
#map2 = affine_map<(d0, d1) -> (0, 0)>
module attributes {stable_mosaic.version = 14 : i64} {
  func.func @_gather_both(%arg0: i32, %arg1: i32, %arg2: memref<50000xi32, #tpu.memory_space<hbm>>, %arg3: memref<1x100000x128xf32, #tpu.memory_space<hbm>>, %arg4: memref<100000x128xf32, #tpu.memory_space<hbm>>, %arg5: memref<1x50000x128xf32, #tpu.memory_space<hbm>>, %arg6: memref<50000x128xf32, #tpu.memory_space<hbm>>, %arg7: memref<1600xi32, #tpu.memory_space<vmem>>, %arg8: memref<6x80x128xf32, #tpu.memory_space<vmem>>, %arg9: memref<6x80x128xf32, #tpu.memory_space<vmem>>, %arg10: memref<!tpu.dma_semaphore, #tpu.memory_space<semaphore_mem>>, %arg11: memref<!tpu.dma_semaphore, #tpu.memory_space<semaphore_mem>>, %arg12: memref<!tpu.dma_semaphore, #tpu.memory_space<semaphore_mem>>, %arg13: memref<!tpu.dma_semaphore, #tpu.memory_space<semaphore_mem>>, %arg14: memref<!tpu.dma_semaphore, #tpu.memory_space<semaphore_mem>>, %arg15: memref<!tpu.dma_semaphore, #tpu.memory_space<semaphore_mem>>, %arg16: memref<!tpu.dma_semaphore, #tpu.memory_space<semaphore_mem>>, %arg17: memref<!tpu.dma_semaphore, #tpu.memory_space<semaphore_mem>>, %arg18: memref<!tpu.dma_semaphore, #tpu.memory_space<semaphore_mem>>, %arg19: memref<!tpu.dma_semaphore, #tpu.memory_space<semaphore_mem>>, %arg20: memref<!tpu.dma_semaphore, #tpu.memory_space<semaphore_mem>>, %arg21: memref<!tpu.dma_semaphore, #tpu.memory_space<semaphore_mem>>, %arg22: memref<!tpu.dma_semaphore, #tpu.memory_space<semaphore_mem>>, %arg23: memref<!tpu.dma_semaphore, #tpu.memory_space<semaphore_mem>>, %arg24: memref<!tpu.dma_semaphore, #tpu.memory_space<semaphore_mem>>, %arg25: memref<!tpu.dma_semaphore, #tpu.memory_space<semaphore_mem>>, %arg26: memref<!tpu.dma_semaphore, #tpu.memory_space<semaphore_mem>>, %arg27: memref<!tpu.dma_semaphore, #tpu.memory_space<semaphore_mem>>, %arg28: memref<!tpu.dma_semaphore, #tpu.memory_space<semaphore_mem>>, %arg29: memref<!tpu.dma_semaphore, #tpu.memory_space<semaphore_mem>>, %arg30: memref<!tpu.dma_semaphore, #tpu.memory_space<semaphore_mem>>, %arg31: memref<!tpu.dma_semaphore, #tpu.memory_space<semaphore_mem>>, %arg32: memref<!tpu.dma_semaphore, #tpu.memory_space<semaphore_mem>>, %arg33: memref<!tpu.dma_semaphore, #tpu.memory_space<semaphore_mem>>) attributes {dimension_semantics = [#tpu.dimension_semantics<core_parallel>, #tpu.dimension_semantics<subcore_parallel>], iteration_bounds = array<i64: 2, 16>, scalar_prefetch = 0 : i64, scratch_operands = 27 : i64, tpu.core_type = #tpu.core_type<sc_vector_subcore>, window_params = [{transform_indices = #map}, {transform_indices = #map1}, {transform_indices = #map2}, {transform_indices = #map1}, {transform_indices = #map2}]} {
    %mul3A = arith.constant 2 : i32
    %mul3A_0 = arith.muli %arg1, %mul3A : i32
    %add3A = arith.addi %mul3A_0, %arg0 : i32
    %lt3A = arith.constant 17 : i32
    %lt3A_1 = arith.cmpi slt, %add3A, %lt3A : i32
    %jit3A = arith.constant 20 : i32
    %jit3A_2 = arith.constant 19 : i32
    %select_n3A = arith.select %lt3A_1, %jit3A, %jit3A_2 : i32
    %mul3A_3 = arith.constant 19 : i32
    %mul3A_4 = arith.muli %add3A, %mul3A_3 : i32
    %min3A = arith.constant 17 : i32
    %min3A_5 = arith.minsi %add3A, %min3A : i32
    %add3A_6 = arith.addi %mul3A_4, %min3A_5 : i32
    %mul3A_7 = arith.constant 80 : i32
    %mul3A_8 = arith.muli %add3A_6, %mul3A_7 : i32
    "tpu.region"() ({
      %run_scoped3A = tpu.sem_alloc : memref<!tpu.dma_semaphore, #tpu.memory_space<semaphore_mem>>
      %dma_start3A = arith.constant 0 : i32
      %dma_start3A_517 = tpu.memref_slice %arg7[%dma_start3A] : memref<1600xi32, #tpu.memory_space<vmem>> -> memref<1520xi32, #tpu.memory_space<vmem>>
      %dma_start3A_518 = tpu.memref_slice %arg2[%mul3A_8] : memref<50000xi32, #tpu.memory_space<hbm>> -> memref<1520xi32, #tpu.memory_space<hbm>>
      %dma_start3A_519 = arith.constant 0 : i32
      %dma_start3A_520 = tpu.memref_slice %arg7[%dma_start3A_519] : memref<1600xi32, #tpu.memory_space<vmem>> -> memref<1520xi32, #tpu.memory_space<vmem>>
      %dma_start3A_521 = tpu.memref_slice %arg2[%mul3A_8] : memref<50000xi32, #tpu.memory_space<hbm>> -> memref<1520xi32, #tpu.memory_space<hbm>>
      tpu.enqueue_dma source(%dma_start3A_521 : memref<1520xi32, #tpu.memory_space<hbm>>) target(%dma_start3A_520 : memref<1520xi32, #tpu.memory_space<vmem>>) target_semaphore(%run_scoped3A : memref<!tpu.dma_semaphore, #tpu.memory_space<semaphore_mem>>)
      %dma_wait3A_522 = arith.constant 0 : i32
      %dma_wait3A_523 = tpu.memref_slice %arg7[%dma_wait3A_522] : memref<1600xi32, #tpu.memory_space<vmem>> -> memref<1520xi32, #tpu.memory_space<vmem>>
      %dma_wait3A_524 = tpu.memref_slice %arg2[%mul3A_8] : memref<50000xi32, #tpu.memory_space<hbm>> -> memref<1520xi32, #tpu.memory_space<hbm>>
      %dma_wait3A_525 = arith.constant 0 : i32
      %dma_wait3A_526 = tpu.memref_slice %arg7[%dma_wait3A_525] : memref<1600xi32, #tpu.memory_space<vmem>> -> memref<1520xi32, #tpu.memory_space<vmem>>
      %dma_wait3A_527 = tpu.memref_slice %arg2[%mul3A_8] : memref<50000xi32, #tpu.memory_space<hbm>> -> memref<1520xi32, #tpu.memory_space<hbm>>
      tpu.wait_dma2 semaphore(%run_scoped3A : memref<!tpu.dma_semaphore, #tpu.memory_space<semaphore_mem>>) src(%dma_wait3A_527 : memref<1520xi32, #tpu.memory_space<hbm>>) dst(%dma_wait3A_526 : memref<1520xi32, #tpu.memory_space<vmem>>)
      tpu.yield
    }) : () -> ()
    %eq3A = arith.constant 20 : i32
    %eq3A_9 = arith.cmpi eq, %select_n3A, %eq3A : i32
    %convert_element_type3A = arith.extui %eq3A_9 : i1 to i32
    %cond3A = arith.constant 0 : i32
    %cond3A_10 = arith.cmpi ne, %convert_element_type3A, %cond3A : i32
    scf.if %cond3A_10 {
      %add3A_517 = arith.constant 1520 : i32
      %add3A_518 = arith.addi %mul3A_8, %add3A_517 : i32
      "tpu.region"() ({
        %run_scoped3A = tpu.sem_alloc : memref<!tpu.dma_semaphore, #tpu.memory_space<semaphore_mem>>
        %dma_start3A = arith.constant 1520 : i32
        %dma_start3A_519 = tpu.memref_slice %arg7[%dma_start3A] : memref<1600xi32, #tpu.memory_space<vmem>> -> memref<80xi32, #tpu.memory_space<vmem>>
        %dma_start3A_520 = tpu.memref_slice %arg2[%add3A_518] : memref<50000xi32, #tpu.memory_space<hbm>> -> memref<80xi32, #tpu.memory_space<hbm>>
        %dma_start3A_521 = arith.constant 1520 : i32
        %dma_start3A_522 = tpu.memref_slice %arg7[%dma_start3A_521] : memref<1600xi32, #tpu.memory_space<vmem>> -> memref<80xi32, #tpu.memory_space<vmem>>
        %dma_start3A_523 = tpu.memref_slice %arg2[%add3A_518] : memref<50000xi32, #tpu.memory_space<hbm>> -> memref<80xi32, #tpu.memory_space<hbm>>
        tpu.enqueue_dma source(%dma_start3A_523 : memref<80xi32, #tpu.memory_space<hbm>>) target(%dma_start3A_522 : memref<80xi32, #tpu.memory_space<vmem>>) target_semaphore(%run_scoped3A : memref<!tpu.dma_semaphore, #tpu.memory_space<semaphore_mem>>)
        %dma_wait3A_524 = arith.constant 1520 : i32
        %dma_wait3A_525 = tpu.memref_slice %arg7[%dma_wait3A_524] : memref<1600xi32, #tpu.memory_space<vmem>> -> memref<80xi32, #tpu.memory_space<vmem>>
        %dma_wait3A_526 = tpu.memref_slice %arg2[%add3A_518] : memref<50000xi32, #tpu.memory_space<hbm>> -> memref<80xi32, #tpu.memory_space<hbm>>
        %dma_wait3A_527 = arith.constant 1520 : i32
        %dma_wait3A_528 = tpu.memref_slice %arg7[%dma_wait3A_527] : memref<1600xi32, #tpu.memory_space<vmem>> -> memref<80xi32, #tpu.memory_space<vmem>>
        %dma_wait3A_529 = tpu.memref_slice %arg2[%add3A_518] : memref<50000xi32, #tpu.memory_space<hbm>> -> memref<80xi32, #tpu.memory_space<hbm>>
        tpu.wait_dma2 semaphore(%run_scoped3A : memref<!tpu.dma_semaphore, #tpu.memory_space<semaphore_mem>>) src(%dma_wait3A_529 : memref<80xi32, #tpu.memory_space<hbm>>) dst(%dma_wait3A_528 : memref<80xi32, #tpu.memory_space<vmem>>)
        tpu.yield
      }) : () -> ()
    } else {
    }
    %gt3A = arith.constant 0 : i32
    %gt3A_11 = arith.cmpi sgt, %select_n3A, %gt3A : i32
    %convert_element_type3A_12 = arith.extui %gt3A_11 : i1 to i32
    %cond3A_13 = arith.constant 0 : i32
    %cond3A_14 = arith.constant 0 : i32
    %cond3A_15 = arith.cmpi ne, %convert_element_type3A_12, %cond3A_14 : i32
    scf.if %cond3A_15 {
      %dma_start3A = arith.constant 0 : i32
      %dma_start3A_517 = arith.constant 0 : i32
      %dma_start3A_518 = arith.constant 0 : i32
      %dma_start3A_519 = tpu.memref_slice %arg8[%dma_start3A, %dma_start3A_517, %dma_start3A_518] : memref<6x80x128xf32, #tpu.memory_space<vmem>> -> memref<1x80x128xf32, #tpu.memory_space<vmem>>
      %dma_start3A_520 = tpu.memref_squeeze %dma_start3A_519 : memref<1x80x128xf32, #tpu.memory_space<vmem>> -> memref<80x128xf32, #tpu.memory_space<vmem>>
      %dma_start3A_521 = arith.constant 0 : i32
      %dma_start3A_522 = tpu.memref_slice %arg7[%dma_start3A_521] : memref<1600xi32, #tpu.memory_space<vmem>> -> memref<80xi32, #tpu.memory_space<vmem>>
      %dma_start3A_523 = arith.constant 0 : i32
      %dma_start3A_524 = arith.constant 0 : i32
      %dma_start3A_525 = tpu.memref_slice %arg3[%cond3A_13, %dma_start3A_523, %dma_start3A_524] : memref<1x100000x128xf32, #tpu.memory_space<hbm>> -> memref<1x100000x128xf32, #tpu.memory_space<hbm>>
      %dma_start3A_526 = tpu.memref_squeeze %dma_start3A_525 : memref<1x100000x128xf32, #tpu.memory_space<hbm>> -> memref<100000x128xf32, #tpu.memory_space<hbm>>
      %dma_start3A_527 = arith.constant 0 : i32
      %dma_start3A_528 = arith.constant 0 : i32
      %dma_start3A_529 = tpu.memref_slice %dma_start3A_526[%dma_start3A_527, %dma_start3A_528] : memref<100000x128xf32, #tpu.memory_space<hbm>> -> memref<100000x128xf32, #tpu.memory_space<hbm>>
      tpu.enqueue_indirect_dma source(%dma_start3A_529 : memref<100000x128xf32, #tpu.memory_space<hbm>>) target(%dma_start3A_520 : memref<80x128xf32, #tpu.memory_space<vmem>>) offsets(%dma_start3A_522 : memref<80xi32, #tpu.memory_space<vmem>>) semaphore(%arg10 : memref<!tpu.dma_semaphore, #tpu.memory_space<semaphore_mem>>)
      %dma_start3A_530 = arith.constant 0 : i32
      %dma_start3A_531 = arith.constant 0 : i32
      %dma_start3A_532 = arith.constant 0 : i32
      %dma_start3A_533 = tpu.memref_slice %arg9[%dma_start3A_530, %dma_start3A_531, %dma_start3A_532] : memref<6x80x128xf32, #tpu.memory_space<vmem>> -> memref<1x80x128xf32, #tpu.memory_space<vmem>>
      %dma_start3A_534 = tpu.memref_squeeze %dma_start3A_533 : memref<1x80x128xf32, #tpu.memory_space<vmem>> -> memref<80x128xf32, #tpu.memory_space<vmem>>
      %dma_start3A_535 = arith.constant 0 : i32
      %dma_start3A_536 = tpu.memref_slice %arg7[%dma_start3A_535] : memref<1600xi32, #tpu.memory_space<vmem>> -> memref<80xi32, #tpu.memory_space<vmem>>
      %dma_start3A_537 = arith.constant 0 : i32
      %dma_start3A_538 = arith.constant 0 : i32
      %dma_start3A_539 = tpu.memref_slice %arg4[%dma_start3A_537, %dma_start3A_538] : memref<100000x128xf32, #tpu.memory_space<hbm>> -> memref<100000x128xf32, #tpu.memory_space<hbm>>
      tpu.enqueue_indirect_dma source(%dma_start3A_539 : memref<100000x128xf32, #tpu.memory_space<hbm>>) target(%dma_start3A_534 : memref<80x128xf32, #tpu.memory_space<vmem>>) offsets(%dma_start3A_536 : memref<80xi32, #tpu.memory_space<vmem>>) semaphore(%arg16 : memref<!tpu.dma_semaphore, #tpu.memory_space<semaphore_mem>>)
    } else {
    }
    %gt3A_16 = arith.constant 1 : i32
    %gt3A_17 = arith.cmpi sgt, %select_n3A, %gt3A_16 : i32
    %convert_element_type3A_18 = arith.extui %gt3A_17 : i1 to i32
    %cond3A_19 = arith.constant 0 : i32
    %cond3A_20 = arith.constant 0 : i32
    %cond3A_21 = arith.cmpi ne, %convert_element_type3A_18, %cond3A_20 : i32
    scf.if %cond3A_21 {
      %dma_start3A = arith.constant 1 : i32
      %dma_start3A_517 = arith.constant 0 : i32
      %dma_start3A_518 = arith.constant 0 : i32
      %dma_start3A_519 = tpu.memref_slice %arg8[%dma_start3A, %dma_start3A_517, %dma_start3A_518] : memref<6x80x128xf32, #tpu.memory_space<vmem>> -> memref<1x80x128xf32, #tpu.memory_space<vmem>>
      %dma_start3A_520 = tpu.memref_squeeze %dma_start3A_519 : memref<1x80x128xf32, #tpu.memory_space<vmem>> -> memref<80x128xf32, #tpu.memory_space<vmem>>
      %dma_start3A_521 = arith.constant 80 : i32
      %dma_start3A_522 = tpu.memref_slice %arg7[%dma_start3A_521] : memref<1600xi32, #tpu.memory_space<vmem>> -> memref<80xi32, #tpu.memory_space<vmem>>
      %dma_start3A_523 = arith.constant 0 : i32
      %dma_start3A_524 = arith.constant 0 : i32
      %dma_start3A_525 = tpu.memref_slice %arg3[%cond3A_19, %dma_start3A_523, %dma_start3A_524] : memref<1x100000x128xf32, #tpu.memory_space<hbm>> -> memref<1x100000x128xf32, #tpu.memory_space<hbm>>
      %dma_start3A_526 = tpu.memref_squeeze %dma_start3A_525 : memref<1x100000x128xf32, #tpu.memory_space<hbm>> -> memref<100000x128xf32, #tpu.memory_space<hbm>>
      %dma_start3A_527 = arith.constant 0 : i32
      %dma_start3A_528 = arith.constant 0 : i32
      %dma_start3A_529 = tpu.memref_slice %dma_start3A_526[%dma_start3A_527, %dma_start3A_528] : memref<100000x128xf32, #tpu.memory_space<hbm>> -> memref<100000x128xf32, #tpu.memory_space<hbm>>
      tpu.enqueue_indirect_dma source(%dma_start3A_529 : memref<100000x128xf32, #tpu.memory_space<hbm>>) target(%dma_start3A_520 : memref<80x128xf32, #tpu.memory_space<vmem>>) offsets(%dma_start3A_522 : memref<80xi32, #tpu.memory_space<vmem>>) semaphore(%arg11 : memref<!tpu.dma_semaphore, #tpu.memory_space<semaphore_mem>>)
      %dma_start3A_530 = arith.constant 1 : i32
      %dma_start3A_531 = arith.constant 0 : i32
      %dma_start3A_532 = arith.constant 0 : i32
      %dma_start3A_533 = tpu.memref_slice %arg9[%dma_start3A_530, %dma_start3A_531, %dma_start3A_532] : memref<6x80x128xf32, #tpu.memory_space<vmem>> -> memref<1x80x128xf32, #tpu.memory_space<vmem>>
      %dma_start3A_534 = tpu.memref_squeeze %dma_start3A_533 : memref<1x80x128xf32, #tpu.memory_space<vmem>> -> memref<80x128xf32, #tpu.memory_space<vmem>>
      %dma_start3A_535 = arith.constant 80 : i32
      %dma_start3A_536 = tpu.memref_slice %arg7[%dma_start3A_535] : memref<1600xi32, #tpu.memory_space<vmem>> -> memref<80xi32, #tpu.memory_space<vmem>>
      %dma_start3A_537 = arith.constant 0 : i32
      %dma_start3A_538 = arith.constant 0 : i32
      %dma_start3A_539 = tpu.memref_slice %arg4[%dma_start3A_537, %dma_start3A_538] : memref<100000x128xf32, #tpu.memory_space<hbm>> -> memref<100000x128xf32, #tpu.memory_space<hbm>>
      tpu.enqueue_indirect_dma source(%dma_start3A_539 : memref<100000x128xf32, #tpu.memory_space<hbm>>) target(%dma_start3A_534 : memref<80x128xf32, #tpu.memory_space<vmem>>) offsets(%dma_start3A_536 : memref<80xi32, #tpu.memory_space<vmem>>) semaphore(%arg17 : memref<!tpu.dma_semaphore, #tpu.memory_space<semaphore_mem>>)
    } else {
    }
    %gt3A_22 = arith.constant 2 : i32
    %gt3A_23 = arith.cmpi sgt, %select_n3A, %gt3A_22 : i32
    %convert_element_type3A_24 = arith.extui %gt3A_23 : i1 to i32
    %cond3A_25 = arith.constant 0 : i32
    %cond3A_26 = arith.constant 0 : i32
    %cond3A_27 = arith.cmpi ne, %convert_element_type3A_24, %cond3A_26 : i32
    scf.if %cond3A_27 {
      %dma_start3A = arith.constant 2 : i32
      %dma_start3A_517 = arith.constant 0 : i32
      %dma_start3A_518 = arith.constant 0 : i32
      %dma_start3A_519 = tpu.memref_slice %arg8[%dma_start3A, %dma_start3A_517, %dma_start3A_518] : memref<6x80x128xf32, #tpu.memory_space<vmem>> -> memref<1x80x128xf32, #tpu.memory_space<vmem>>
      %dma_start3A_520 = tpu.memref_squeeze %dma_start3A_519 : memref<1x80x128xf32, #tpu.memory_space<vmem>> -> memref<80x128xf32, #tpu.memory_space<vmem>>
      %dma_start3A_521 = arith.constant 160 : i32
      %dma_start3A_522 = tpu.memref_slice %arg7[%dma_start3A_521] : memref<1600xi32, #tpu.memory_space<vmem>> -> memref<80xi32, #tpu.memory_space<vmem>>
      %dma_start3A_523 = arith.constant 0 : i32
      %dma_start3A_524 = arith.constant 0 : i32
      %dma_start3A_525 = tpu.memref_slice %arg3[%cond3A_25, %dma_start3A_523, %dma_start3A_524] : memref<1x100000x128xf32, #tpu.memory_space<hbm>> -> memref<1x100000x128xf32, #tpu.memory_space<hbm>>
      %dma_start3A_526 = tpu.memref_squeeze %dma_start3A_525 : memref<1x100000x128xf32, #tpu.memory_space<hbm>> -> memref<100000x128xf32, #tpu.memory_space<hbm>>
      %dma_start3A_527 = arith.constant 0 : i32
      %dma_start3A_528 = arith.constant 0 : i32
      %dma_start3A_529 = tpu.memref_slice %dma_start3A_526[%dma_start3A_527, %dma_start3A_528] : memref<100000x128xf32, #tpu.memory_space<hbm>> -> memref<100000x128xf32, #tpu.memory_space<hbm>>
      tpu.enqueue_indirect_dma source(%dma_start3A_529 : memref<100000x128xf32, #tpu.memory_space<hbm>>) target(%dma_start3A_520 : memref<80x128xf32, #tpu.memory_space<vmem>>) offsets(%dma_start3A_522 : memref<80xi32, #tpu.memory_space<vmem>>) semaphore(%arg12 : memref<!tpu.dma_semaphore, #tpu.memory_space<semaphore_mem>>)
      %dma_start3A_530 = arith.constant 2 : i32
      %dma_start3A_531 = arith.constant 0 : i32
      %dma_start3A_532 = arith.constant 0 : i32
      %dma_start3A_533 = tpu.memref_slice %arg9[%dma_start3A_530, %dma_start3A_531, %dma_start3A_532] : memref<6x80x128xf32, #tpu.memory_space<vmem>> -> memref<1x80x128xf32, #tpu.memory_space<vmem>>
      %dma_start3A_534 = tpu.memref_squeeze %dma_start3A_533 : memref<1x80x128xf32, #tpu.memory_space<vmem>> -> memref<80x128xf32, #tpu.memory_space<vmem>>
      %dma_start3A_535 = arith.constant 160 : i32
      %dma_start3A_536 = tpu.memref_slice %arg7[%dma_start3A_535] : memref<1600xi32, #tpu.memory_space<vmem>> -> memref<80xi32, #tpu.memory_space<vmem>>
      %dma_start3A_537 = arith.constant 0 : i32
      %dma_start3A_538 = arith.constant 0 : i32
      %dma_start3A_539 = tpu.memref_slice %arg4[%dma_start3A_537, %dma_start3A_538] : memref<100000x128xf32, #tpu.memory_space<hbm>> -> memref<100000x128xf32, #tpu.memory_space<hbm>>
      tpu.enqueue_indirect_dma source(%dma_start3A_539 : memref<100000x128xf32, #tpu.memory_space<hbm>>) target(%dma_start3A_534 : memref<80x128xf32, #tpu.memory_space<vmem>>) offsets(%dma_start3A_536 : memref<80xi32, #tpu.memory_space<vmem>>) semaphore(%arg18 : memref<!tpu.dma_semaphore, #tpu.memory_space<semaphore_mem>>)
    } else {
    }
    %gt3A_28 = arith.constant 0 : i32
    %gt3A_29 = arith.cmpi sgt, %select_n3A, %gt3A_28 : i32
    %convert_element_type3A_30 = arith.extui %gt3A_29 : i1 to i32
    %cond3A_31 = arith.constant 0 : i32
    %cond3A_32 = arith.constant 0 : i32
    %cond3A_33 = arith.constant 0 : i32
    %cond3A_34 = arith.cmpi ne, %convert_element_type3A_30, %cond3A_33 : i32
    scf.if %cond3A_34 {
      %dma_wait3A_517 = arith.constant 0 : i32
      %dma_wait3A_518 = arith.constant 0 : i32
      %dma_wait3A_519 = arith.constant 0 : i32
      %dma_wait3A_520 = tpu.memref_slice %arg8[%dma_wait3A_517, %dma_wait3A_518, %dma_wait3A_519] : memref<6x80x128xf32, #tpu.memory_space<vmem>> -> memref<1x80x128xf32, #tpu.memory_space<vmem>>
      %dma_wait3A_521 = tpu.memref_squeeze %dma_wait3A_520 : memref<1x80x128xf32, #tpu.memory_space<vmem>> -> memref<80x128xf32, #tpu.memory_space<vmem>>
      %dma_wait3A_522 = arith.constant 0 : i32
      %dma_wait3A_523 = arith.constant 0 : i32
      %dma_wait3A_524 = tpu.memref_slice %arg3[%cond3A_31, %dma_wait3A_522, %dma_wait3A_523] : memref<1x100000x128xf32, #tpu.memory_space<hbm>> -> memref<1x100000x128xf32, #tpu.memory_space<hbm>>
      %dma_wait3A_525 = tpu.memref_squeeze %dma_wait3A_524 : memref<1x100000x128xf32, #tpu.memory_space<hbm>> -> memref<100000x128xf32, #tpu.memory_space<hbm>>
      %dma_wait3A_526 = arith.constant 0 : i32
      %dma_wait3A_527 = arith.constant 0 : i32
      %dma_wait3A_528 = tpu.memref_slice %dma_wait3A_525[%dma_wait3A_526, %dma_wait3A_527] : memref<100000x128xf32, #tpu.memory_space<hbm>> -> memref<80x128xf32, #tpu.memory_space<hbm>>
      %dma_wait3A_529 = arith.constant 0 : i32
      %dma_wait3A_530 = arith.constant 0 : i32
      %dma_wait3A_531 = tpu.memref_slice %arg8[%dma_wait3A_517, %dma_wait3A_529, %dma_wait3A_530] : memref<6x80x128xf32, #tpu.memory_space<vmem>> -> memref<1x80x128xf32, #tpu.memory_space<vmem>>
      %dma_wait3A_532 = tpu.memref_squeeze %dma_wait3A_531 : memref<1x80x128xf32, #tpu.memory_space<vmem>> -> memref<80x128xf32, #tpu.memory_space<vmem>>
      %dma_wait3A_533 = arith.constant 0 : i32
      %dma_wait3A_534 = arith.constant 0 : i32
      %dma_wait3A_535 = tpu.memref_slice %arg3[%cond3A_31, %dma_wait3A_533, %dma_wait3A_534] : memref<1x100000x128xf32, #tpu.memory_space<hbm>> -> memref<1x100000x128xf32, #tpu.memory_space<hbm>>
      %dma_wait3A_536 = tpu.memref_squeeze %dma_wait3A_535 : memref<1x100000x128xf32, #tpu.memory_space<hbm>> -> memref<100000x128xf32, #tpu.memory_space<hbm>>
      %dma_wait3A_537 = arith.constant 0 : i32
      %dma_wait3A_538 = arith.constant 0 : i32
      %dma_wait3A_539 = tpu.memref_slice %dma_wait3A_536[%dma_wait3A_537, %dma_wait3A_538] : memref<100000x128xf32, #tpu.memory_space<hbm>> -> memref<80x128xf32, #tpu.memory_space<hbm>>
      tpu.wait_dma2 semaphore(%arg10 : memref<!tpu.dma_semaphore, #tpu.memory_space<semaphore_mem>>) src(%dma_wait3A_539 : memref<80x128xf32, #tpu.memory_space<hbm>>) dst(%dma_wait3A_532 : memref<80x128xf32, #tpu.memory_space<vmem>>)
      %dma_wait3A_540 = arith.constant 0 : i32
      %dma_wait3A_541 = arith.constant 0 : i32
      %dma_wait3A_542 = arith.constant 0 : i32
      %dma_wait3A_543 = tpu.memref_slice %arg9[%dma_wait3A_540, %dma_wait3A_541, %dma_wait3A_542] : memref<6x80x128xf32, #tpu.memory_space<vmem>> -> memref<1x80x128xf32, #tpu.memory_space<vmem>>
      %dma_wait3A_544 = tpu.memref_squeeze %dma_wait3A_543 : memref<1x80x128xf32, #tpu.memory_space<vmem>> -> memref<80x128xf32, #tpu.memory_space<vmem>>
      %dma_wait3A_545 = arith.constant 0 : i32
      %dma_wait3A_546 = arith.constant 0 : i32
      %dma_wait3A_547 = tpu.memref_slice %arg4[%dma_wait3A_545, %dma_wait3A_546] : memref<100000x128xf32, #tpu.memory_space<hbm>> -> memref<80x128xf32, #tpu.memory_space<hbm>>
      %dma_wait3A_548 = arith.constant 0 : i32
      %dma_wait3A_549 = arith.constant 0 : i32
      %dma_wait3A_550 = tpu.memref_slice %arg9[%dma_wait3A_540, %dma_wait3A_548, %dma_wait3A_549] : memref<6x80x128xf32, #tpu.memory_space<vmem>> -> memref<1x80x128xf32, #tpu.memory_space<vmem>>
      %dma_wait3A_551 = tpu.memref_squeeze %dma_wait3A_550 : memref<1x80x128xf32, #tpu.memory_space<vmem>> -> memref<80x128xf32, #tpu.memory_space<vmem>>
      %dma_wait3A_552 = arith.constant 0 : i32
      %dma_wait3A_553 = arith.constant 0 : i32
      %dma_wait3A_554 = tpu.memref_slice %arg4[%dma_wait3A_552, %dma_wait3A_553] : memref<100000x128xf32, #tpu.memory_space<hbm>> -> memref<80x128xf32, #tpu.memory_space<hbm>>
      tpu.wait_dma2 semaphore(%arg16 : memref<!tpu.dma_semaphore, #tpu.memory_space<semaphore_mem>>) src(%dma_wait3A_554 : memref<80x128xf32, #tpu.memory_space<hbm>>) dst(%dma_wait3A_551 : memref<80x128xf32, #tpu.memory_space<vmem>>)
      %add3A_555 = arith.constant 0 : i32
      %add3A_556 = arith.addi %mul3A_8, %add3A_555 : i32
      %dma_start3A = arith.constant 0 : i32
      %dma_start3A_557 = arith.constant 0 : i32
      %dma_start3A_558 = arith.constant 0 : i32
      %dma_start3A_559 = tpu.memref_slice %arg8[%dma_start3A, %dma_start3A_557, %dma_start3A_558] : memref<6x80x128xf32, #tpu.memory_space<vmem>> -> memref<1x80x128xf32, #tpu.memory_space<vmem>>
      %dma_start3A_560 = tpu.memref_squeeze %dma_start3A_559 : memref<1x80x128xf32, #tpu.memory_space<vmem>> -> memref<80x128xf32, #tpu.memory_space<vmem>>
      %dma_start3A_561 = arith.constant 0 : i32
      %dma_start3A_562 = arith.constant 0 : i32
      %dma_start3A_563 = tpu.memref_slice %arg5[%cond3A_32, %dma_start3A_561, %dma_start3A_562] : memref<1x50000x128xf32, #tpu.memory_space<hbm>> -> memref<1x50000x128xf32, #tpu.memory_space<hbm>>
      %dma_start3A_564 = tpu.memref_squeeze %dma_start3A_563 : memref<1x50000x128xf32, #tpu.memory_space<hbm>> -> memref<50000x128xf32, #tpu.memory_space<hbm>>
      %dma_start3A_565 = arith.constant 0 : i32
      %dma_start3A_566 = tpu.memref_slice %dma_start3A_564[%add3A_556, %dma_start3A_565] : memref<50000x128xf32, #tpu.memory_space<hbm>> -> memref<80x128xf32, #tpu.memory_space<hbm>>
      %dma_start3A_567 = arith.constant 0 : i32
      %dma_start3A_568 = arith.constant 0 : i32
      %dma_start3A_569 = tpu.memref_slice %arg5[%cond3A_32, %dma_start3A_567, %dma_start3A_568] : memref<1x50000x128xf32, #tpu.memory_space<hbm>> -> memref<1x50000x128xf32, #tpu.memory_space<hbm>>
      %dma_start3A_570 = tpu.memref_squeeze %dma_start3A_569 : memref<1x50000x128xf32, #tpu.memory_space<hbm>> -> memref<50000x128xf32, #tpu.memory_space<hbm>>
      %dma_start3A_571 = arith.constant 0 : i32
      %dma_start3A_572 = tpu.memref_slice %dma_start3A_570[%add3A_556, %dma_start3A_571] : memref<50000x128xf32, #tpu.memory_space<hbm>> -> memref<80x128xf32, #tpu.memory_space<hbm>>
      %dma_start3A_573 = arith.constant 0 : i32
      %dma_start3A_574 = arith.constant 0 : i32
      %dma_start3A_575 = tpu.memref_slice %arg8[%dma_start3A, %dma_start3A_573, %dma_start3A_574] : memref<6x80x128xf32, #tpu.memory_space<vmem>> -> memref<1x80x128xf32, #tpu.memory_space<vmem>>
      %dma_start3A_576 = tpu.memref_squeeze %dma_start3A_575 : memref<1x80x128xf32, #tpu.memory_space<vmem>> -> memref<80x128xf32, #tpu.memory_space<vmem>>
      tpu.enqueue_dma source(%dma_start3A_576 : memref<80x128xf32, #tpu.memory_space<vmem>>) target(%dma_start3A_572 : memref<80x128xf32, #tpu.memory_space<hbm>>) target_semaphore(%arg22 : memref<!tpu.dma_semaphore, #tpu.memory_space<semaphore_mem>>)
      %dma_start3A_577 = arith.constant 0 : i32
      %dma_start3A_578 = arith.constant 0 : i32
      %dma_start3A_579 = arith.constant 0 : i32
      %dma_start3A_580 = tpu.memref_slice %arg9[%dma_start3A_577, %dma_start3A_578, %dma_start3A_579] : memref<6x80x128xf32, #tpu.memory_space<vmem>> -> memref<1x80x128xf32, #tpu.memory_space<vmem>>
      %dma_start3A_581 = tpu.memref_squeeze %dma_start3A_580 : memref<1x80x128xf32, #tpu.memory_space<vmem>> -> memref<80x128xf32, #tpu.memory_space<vmem>>
      %dma_start3A_582 = arith.constant 0 : i32
      %dma_start3A_583 = tpu.memref_slice %arg6[%add3A_556, %dma_start3A_582] : memref<50000x128xf32, #tpu.memory_space<hbm>> -> memref<80x128xf32, #tpu.memory_space<hbm>>
      %dma_start3A_584 = arith.constant 0 : i32
      %dma_start3A_585 = tpu.memref_slice %arg6[%add3A_556, %dma_start3A_584] : memref<50000x128xf32, #tpu.memory_space<hbm>> -> memref<80x128xf32, #tpu.memory_space<hbm>>
      %dma_start3A_586 = arith.constant 0 : i32
      %dma_start3A_587 = arith.constant 0 : i32
      %dma_start3A_588 = tpu.memref_slice %arg9[%dma_start3A_577, %dma_start3A_586, %dma_start3A_587] : memref<6x80x128xf32, #tpu.memory_space<vmem>> -> memref<1x80x128xf32, #tpu.memory_space<vmem>>
      %dma_start3A_589 = tpu.memref_squeeze %dma_start3A_588 : memref<1x80x128xf32, #tpu.memory_space<vmem>> -> memref<80x128xf32, #tpu.memory_space<vmem>>
      tpu.enqueue_dma source(%dma_start3A_589 : memref<80x128xf32, #tpu.memory_space<vmem>>) target(%dma_start3A_585 : memref<80x128xf32, #tpu.memory_space<hbm>>) target_semaphore(%arg28 : memref<!tpu.dma_semaphore, #tpu.memory_space<semaphore_mem>>)
    } else {
    }
    %gt3A_35 = arith.constant 3 : i32
    %gt3A_36 = arith.cmpi sgt, %select_n3A, %gt3A_35 : i32
    %convert_element_type3A_37 = arith.extui %gt3A_36 : i1 to i32
    %cond3A_38 = arith.constant 0 : i32
    %cond3A_39 = arith.constant 0 : i32
    %cond3A_40 = arith.cmpi ne, %convert_element_type3A_37, %cond3A_39 : i32
    scf.if %cond3A_40 {
      %dma_start3A = arith.constant 3 : i32
      %dma_start3A_517 = arith.constant 0 : i32
      %dma_start3A_518 = arith.constant 0 : i32
      %dma_start3A_519 = tpu.memref_slice %arg8[%dma_start3A, %dma_start3A_517, %dma_start3A_518] : memref<6x80x128xf32, #tpu.memory_space<vmem>> -> memref<1x80x128xf32, #tpu.memory_space<vmem>>
      %dma_start3A_520 = tpu.memref_squeeze %dma_start3A_519 : memref<1x80x128xf32, #tpu.memory_space<vmem>> -> memref<80x128xf32, #tpu.memory_space<vmem>>
      %dma_start3A_521 = arith.constant 240 : i32
      %dma_start3A_522 = tpu.memref_slice %arg7[%dma_start3A_521] : memref<1600xi32, #tpu.memory_space<vmem>> -> memref<80xi32, #tpu.memory_space<vmem>>
      %dma_start3A_523 = arith.constant 0 : i32
      %dma_start3A_524 = arith.constant 0 : i32
      %dma_start3A_525 = tpu.memref_slice %arg3[%cond3A_38, %dma_start3A_523, %dma_start3A_524] : memref<1x100000x128xf32, #tpu.memory_space<hbm>> -> memref<1x100000x128xf32, #tpu.memory_space<hbm>>
      %dma_start3A_526 = tpu.memref_squeeze %dma_start3A_525 : memref<1x100000x128xf32, #tpu.memory_space<hbm>> -> memref<100000x128xf32, #tpu.memory_space<hbm>>
      %dma_start3A_527 = arith.constant 0 : i32
      %dma_start3A_528 = arith.constant 0 : i32
      %dma_start3A_529 = tpu.memref_slice %dma_start3A_526[%dma_start3A_527, %dma_start3A_528] : memref<100000x128xf32, #tpu.memory_space<hbm>> -> memref<100000x128xf32, #tpu.memory_space<hbm>>
      tpu.enqueue_indirect_dma source(%dma_start3A_529 : memref<100000x128xf32, #tpu.memory_space<hbm>>) target(%dma_start3A_520 : memref<80x128xf32, #tpu.memory_space<vmem>>) offsets(%dma_start3A_522 : memref<80xi32, #tpu.memory_space<vmem>>) semaphore(%arg13 : memref<!tpu.dma_semaphore, #tpu.memory_space<semaphore_mem>>)
      %dma_start3A_530 = arith.constant 3 : i32
      %dma_start3A_531 = arith.constant 0 : i32
      %dma_start3A_532 = arith.constant 0 : i32
      %dma_start3A_533 = tpu.memref_slice %arg9[%dma_start3A_530, %dma_start3A_531, %dma_start3A_532] : memref<6x80x128xf32, #tpu.memory_space<vmem>> -> memref<1x80x128xf32, #tpu.memory_space<vmem>>
      %dma_start3A_534 = tpu.memref_squeeze %dma_start3A_533 : memref<1x80x128xf32, #tpu.memory_space<vmem>> -> memref<80x128xf32, #tpu.memory_space<vmem>>
      %dma_start3A_535 = arith.constant 240 : i32
      %dma_start3A_536 = tpu.memref_slice %arg7[%dma_start3A_535] : memref<1600xi32, #tpu.memory_space<vmem>> -> memref<80xi32, #tpu.memory_space<vmem>>
      %dma_start3A_537 = arith.constant 0 : i32
      %dma_start3A_538 = arith.constant 0 : i32
      %dma_start3A_539 = tpu.memref_slice %arg4[%dma_start3A_537, %dma_start3A_538] : memref<100000x128xf32, #tpu.memory_space<hbm>> -> memref<100000x128xf32, #tpu.memory_space<hbm>>
      tpu.enqueue_indirect_dma source(%dma_start3A_539 : memref<100000x128xf32, #tpu.memory_space<hbm>>) target(%dma_start3A_534 : memref<80x128xf32, #tpu.memory_space<vmem>>) offsets(%dma_start3A_536 : memref<80xi32, #tpu.memory_space<vmem>>) semaphore(%arg19 : memref<!tpu.dma_semaphore, #tpu.memory_space<semaphore_mem>>)
    } else {
    }
    %gt3A_41 = arith.constant 1 : i32
    %gt3A_42 = arith.cmpi sgt, %select_n3A, %gt3A_41 : i32
    %convert_element_type3A_43 = arith.extui %gt3A_42 : i1 to i32
    %cond3A_44 = arith.constant 0 : i32
    %cond3A_45 = arith.constant 0 : i32
    %cond3A_46 = arith.constant 0 : i32
    %cond3A_47 = arith.cmpi ne, %convert_element_type3A_43, %cond3A_46 : i32
    scf.if %cond3A_47 {
      %dma_wait3A_517 = arith.constant 1 : i32
      %dma_wait3A_518 = arith.constant 0 : i32
      %dma_wait3A_519 = arith.constant 0 : i32
      %dma_wait3A_520 = tpu.memref_slice %arg8[%dma_wait3A_517, %dma_wait3A_518, %dma_wait3A_519] : memref<6x80x128xf32, #tpu.memory_space<vmem>> -> memref<1x80x128xf32, #tpu.memory_space<vmem>>
      %dma_wait3A_521 = tpu.memref_squeeze %dma_wait3A_520 : memref<1x80x128xf32, #tpu.memory_space<vmem>> -> memref<80x128xf32, #tpu.memory_space<vmem>>
      %dma_wait3A_522 = arith.constant 0 : i32
      %dma_wait3A_523 = arith.constant 0 : i32
      %dma_wait3A_524 = tpu.memref_slice %arg3[%cond3A_44, %dma_wait3A_522, %dma_wait3A_523] : memref<1x100000x128xf32, #tpu.memory_space<hbm>> -> memref<1x100000x128xf32, #tpu.memory_space<hbm>>
      %dma_wait3A_525 = tpu.memref_squeeze %dma_wait3A_524 : memref<1x100000x128xf32, #tpu.memory_space<hbm>> -> memref<100000x128xf32, #tpu.memory_space<hbm>>
      %dma_wait3A_526 = arith.constant 0 : i32
      %dma_wait3A_527 = arith.constant 0 : i32
      %dma_wait3A_528 = tpu.memref_slice %dma_wait3A_525[%dma_wait3A_526, %dma_wait3A_527] : memref<100000x128xf32, #tpu.memory_space<hbm>> -> memref<80x128xf32, #tpu.memory_space<hbm>>
      %dma_wait3A_529 = arith.constant 0 : i32
      %dma_wait3A_530 = arith.constant 0 : i32
      %dma_wait3A_531 = tpu.memref_slice %arg8[%dma_wait3A_517, %dma_wait3A_529, %dma_wait3A_530] : memref<6x80x128xf32, #tpu.memory_space<vmem>> -> memref<1x80x128xf32, #tpu.memory_space<vmem>>
      %dma_wait3A_532 = tpu.memref_squeeze %dma_wait3A_531 : memref<1x80x128xf32, #tpu.memory_space<vmem>> -> memref<80x128xf32, #tpu.memory_space<vmem>>
      %dma_wait3A_533 = arith.constant 0 : i32
      %dma_wait3A_534 = arith.constant 0 : i32
      %dma_wait3A_535 = tpu.memref_slice %arg3[%cond3A_44, %dma_wait3A_533, %dma_wait3A_534] : memref<1x100000x128xf32, #tpu.memory_space<hbm>> -> memref<1x100000x128xf32, #tpu.memory_space<hbm>>
      %dma_wait3A_536 = tpu.memref_squeeze %dma_wait3A_535 : memref<1x100000x128xf32, #tpu.memory_space<hbm>> -> memref<100000x128xf32, #tpu.memory_space<hbm>>
      %dma_wait3A_537 = arith.constant 0 : i32
      %dma_wait3A_538 = arith.constant 0 : i32
      %dma_wait3A_539 = tpu.memref_slice %dma_wait3A_536[%dma_wait3A_537, %dma_wait3A_538] : memref<100000x128xf32, #tpu.memory_space<hbm>> -> memref<80x128xf32, #tpu.memory_space<hbm>>
      tpu.wait_dma2 semaphore(%arg11 : memref<!tpu.dma_semaphore, #tpu.memory_space<semaphore_mem>>) src(%dma_wait3A_539 : memref<80x128xf32, #tpu.memory_space<hbm>>) dst(%dma_wait3A_532 : memref<80x128xf32, #tpu.memory_space<vmem>>)
      %dma_wait3A_540 = arith.constant 1 : i32
      %dma_wait3A_541 = arith.constant 0 : i32
      %dma_wait3A_542 = arith.constant 0 : i32
      %dma_wait3A_543 = tpu.memref_slice %arg9[%dma_wait3A_540, %dma_wait3A_541, %dma_wait3A_542] : memref<6x80x128xf32, #tpu.memory_space<vmem>> -> memref<1x80x128xf32, #tpu.memory_space<vmem>>
      %dma_wait3A_544 = tpu.memref_squeeze %dma_wait3A_543 : memref<1x80x128xf32, #tpu.memory_space<vmem>> -> memref<80x128xf32, #tpu.memory_space<vmem>>
      %dma_wait3A_545 = arith.constant 0 : i32
      %dma_wait3A_546 = arith.constant 0 : i32
      %dma_wait3A_547 = tpu.memref_slice %arg4[%dma_wait3A_545, %dma_wait3A_546] : memref<100000x128xf32, #tpu.memory_space<hbm>> -> memref<80x128xf32, #tpu.memory_space<hbm>>
      %dma_wait3A_548 = arith.constant 0 : i32
      %dma_wait3A_549 = arith.constant 0 : i32
      %dma_wait3A_550 = tpu.memref_slice %arg9[%dma_wait3A_540, %dma_wait3A_548, %dma_wait3A_549] : memref<6x80x128xf32, #tpu.memory_space<vmem>> -> memref<1x80x128xf32, #tpu.memory_space<vmem>>
      %dma_wait3A_551 = tpu.memref_squeeze %dma_wait3A_550 : memref<1x80x128xf32, #tpu.memory_space<vmem>> -> memref<80x128xf32, #tpu.memory_space<vmem>>
      %dma_wait3A_552 = arith.constant 0 : i32
      %dma_wait3A_553 = arith.constant 0 : i32
      %dma_wait3A_554 = tpu.memref_slice %arg4[%dma_wait3A_552, %dma_wait3A_553] : memref<100000x128xf32, #tpu.memory_space<hbm>> -> memref<80x128xf32, #tpu.memory_space<hbm>>
      tpu.wait_dma2 semaphore(%arg17 : memref<!tpu.dma_semaphore, #tpu.memory_space<semaphore_mem>>) src(%dma_wait3A_554 : memref<80x128xf32, #tpu.memory_space<hbm>>) dst(%dma_wait3A_551 : memref<80x128xf32, #tpu.memory_space<vmem>>)
      %add3A_555 = arith.constant 80 : i32
      %add3A_556 = arith.addi %mul3A_8, %add3A_555 : i32
      %dma_start3A = arith.constant 1 : i32
      %dma_start3A_557 = arith.constant 0 : i32
      %dma_start3A_558 = arith.constant 0 : i32
      %dma_start3A_559 = tpu.memref_slice %arg8[%dma_start3A, %dma_start3A_557, %dma_start3A_558] : memref<6x80x128xf32, #tpu.memory_space<vmem>> -> memref<1x80x128xf32, #tpu.memory_space<vmem>>
      %dma_start3A_560 = tpu.memref_squeeze %dma_start3A_559 : memref<1x80x128xf32, #tpu.memory_space<vmem>> -> memref<80x128xf32, #tpu.memory_space<vmem>>
      %dma_start3A_561 = arith.constant 0 : i32
      %dma_start3A_562 = arith.constant 0 : i32
      %dma_start3A_563 = tpu.memref_slice %arg5[%cond3A_45, %dma_start3A_561, %dma_start3A_562] : memref<1x50000x128xf32, #tpu.memory_space<hbm>> -> memref<1x50000x128xf32, #tpu.memory_space<hbm>>
      %dma_start3A_564 = tpu.memref_squeeze %dma_start3A_563 : memref<1x50000x128xf32, #tpu.memory_space<hbm>> -> memref<50000x128xf32, #tpu.memory_space<hbm>>
      %dma_start3A_565 = arith.constant 0 : i32
      %dma_start3A_566 = tpu.memref_slice %dma_start3A_564[%add3A_556, %dma_start3A_565] : memref<50000x128xf32, #tpu.memory_space<hbm>> -> memref<80x128xf32, #tpu.memory_space<hbm>>
      %dma_start3A_567 = arith.constant 0 : i32
      %dma_start3A_568 = arith.constant 0 : i32
      %dma_start3A_569 = tpu.memref_slice %arg5[%cond3A_45, %dma_start3A_567, %dma_start3A_568] : memref<1x50000x128xf32, #tpu.memory_space<hbm>> -> memref<1x50000x128xf32, #tpu.memory_space<hbm>>
      %dma_start3A_570 = tpu.memref_squeeze %dma_start3A_569 : memref<1x50000x128xf32, #tpu.memory_space<hbm>> -> memref<50000x128xf32, #tpu.memory_space<hbm>>
      %dma_start3A_571 = arith.constant 0 : i32
      %dma_start3A_572 = tpu.memref_slice %dma_start3A_570[%add3A_556, %dma_start3A_571] : memref<50000x128xf32, #tpu.memory_space<hbm>> -> memref<80x128xf32, #tpu.memory_space<hbm>>
      %dma_start3A_573 = arith.constant 0 : i32
      %dma_start3A_574 = arith.constant 0 : i32
      %dma_start3A_575 = tpu.memref_slice %arg8[%dma_start3A, %dma_start3A_573, %dma_start3A_574] : memref<6x80x128xf32, #tpu.memory_space<vmem>> -> memref<1x80x128xf32, #tpu.memory_space<vmem>>
      %dma_start3A_576 = tpu.memref_squeeze %dma_start3A_575 : memref<1x80x128xf32, #tpu.memory_space<vmem>> -> memref<80x128xf32, #tpu.memory_space<vmem>>
      tpu.enqueue_dma source(%dma_start3A_576 : memref<80x128xf32, #tpu.memory_space<vmem>>) target(%dma_start3A_572 : memref<80x128xf32, #tpu.memory_space<hbm>>) target_semaphore(%arg23 : memref<!tpu.dma_semaphore, #tpu.memory_space<semaphore_mem>>)
      %dma_start3A_577 = arith.constant 1 : i32
      %dma_start3A_578 = arith.constant 0 : i32
      %dma_start3A_579 = arith.constant 0 : i32
      %dma_start3A_580 = tpu.memref_slice %arg9[%dma_start3A_577, %dma_start3A_578, %dma_start3A_579] : memref<6x80x128xf32, #tpu.memory_space<vmem>> -> memref<1x80x128xf32, #tpu.memory_space<vmem>>
      %dma_start3A_581 = tpu.memref_squeeze %dma_start3A_580 : memref<1x80x128xf32, #tpu.memory_space<vmem>> -> memref<80x128xf32, #tpu.memory_space<vmem>>
      %dma_start3A_582 = arith.constant 0 : i32
      %dma_start3A_583 = tpu.memref_slice %arg6[%add3A_556, %dma_start3A_582] : memref<50000x128xf32, #tpu.memory_space<hbm>> -> memref<80x128xf32, #tpu.memory_space<hbm>>
      %dma_start3A_584 = arith.constant 0 : i32
      %dma_start3A_585 = tpu.memref_slice %arg6[%add3A_556, %dma_start3A_584] : memref<50000x128xf32, #tpu.memory_space<hbm>> -> memref<80x128xf32, #tpu.memory_space<hbm>>
      %dma_start3A_586 = arith.constant 0 : i32
      %dma_start3A_587 = arith.constant 0 : i32
      %dma_start3A_588 = tpu.memref_slice %arg9[%dma_start3A_577, %dma_start3A_586, %dma_start3A_587] : memref<6x80x128xf32, #tpu.memory_space<vmem>> -> memref<1x80x128xf32, #tpu.memory_space<vmem>>
      %dma_start3A_589 = tpu.memref_squeeze %dma_start3A_588 : memref<1x80x128xf32, #tpu.memory_space<vmem>> -> memref<80x128xf32, #tpu.memory_space<vmem>>
      tpu.enqueue_dma source(%dma_start3A_589 : memref<80x128xf32, #tpu.memory_space<vmem>>) target(%dma_start3A_585 : memref<80x128xf32, #tpu.memory_space<hbm>>) target_semaphore(%arg29 : memref<!tpu.dma_semaphore, #tpu.memory_space<semaphore_mem>>)
    } else {
    }
    %gt3A_48 = arith.constant 4 : i32
    %gt3A_49 = arith.cmpi sgt, %select_n3A, %gt3A_48 : i32
    %convert_element_type3A_50 = arith.extui %gt3A_49 : i1 to i32
    %cond3A_51 = arith.constant 0 : i32
    %cond3A_52 = arith.constant 0 : i32
    %cond3A_53 = arith.cmpi ne, %convert_element_type3A_50, %cond3A_52 : i32
    scf.if %cond3A_53 {
      %dma_start3A = arith.constant 4 : i32
      %dma_start3A_517 = arith.constant 0 : i32
      %dma_start3A_518 = arith.constant 0 : i32
      %dma_start3A_519 = tpu.memref_slice %arg8[%dma_start3A, %dma_start3A_517, %dma_start3A_518] : memref<6x80x128xf32, #tpu.memory_space<vmem>> -> memref<1x80x128xf32, #tpu.memory_space<vmem>>
      %dma_start3A_520 = tpu.memref_squeeze %dma_start3A_519 : memref<1x80x128xf32, #tpu.memory_space<vmem>> -> memref<80x128xf32, #tpu.memory_space<vmem>>
      %dma_start3A_521 = arith.constant 320 : i32
      %dma_start3A_522 = tpu.memref_slice %arg7[%dma_start3A_521] : memref<1600xi32, #tpu.memory_space<vmem>> -> memref<80xi32, #tpu.memory_space<vmem>>
      %dma_start3A_523 = arith.constant 0 : i32
      %dma_start3A_524 = arith.constant 0 : i32
      %dma_start3A_525 = tpu.memref_slice %arg3[%cond3A_51, %dma_start3A_523, %dma_start3A_524] : memref<1x100000x128xf32, #tpu.memory_space<hbm>> -> memref<1x100000x128xf32, #tpu.memory_space<hbm>>
      %dma_start3A_526 = tpu.memref_squeeze %dma_start3A_525 : memref<1x100000x128xf32, #tpu.memory_space<hbm>> -> memref<100000x128xf32, #tpu.memory_space<hbm>>
      %dma_start3A_527 = arith.constant 0 : i32
      %dma_start3A_528 = arith.constant 0 : i32
      %dma_start3A_529 = tpu.memref_slice %dma_start3A_526[%dma_start3A_527, %dma_start3A_528] : memref<100000x128xf32, #tpu.memory_space<hbm>> -> memref<100000x128xf32, #tpu.memory_space<hbm>>
      tpu.enqueue_indirect_dma source(%dma_start3A_529 : memref<100000x128xf32, #tpu.memory_space<hbm>>) target(%dma_start3A_520 : memref<80x128xf32, #tpu.memory_space<vmem>>) offsets(%dma_start3A_522 : memref<80xi32, #tpu.memory_space<vmem>>) semaphore(%arg14 : memref<!tpu.dma_semaphore, #tpu.memory_space<semaphore_mem>>)
      %dma_start3A_530 = arith.constant 4 : i32
      %dma_start3A_531 = arith.constant 0 : i32
      %dma_start3A_532 = arith.constant 0 : i32
      %dma_start3A_533 = tpu.memref_slice %arg9[%dma_start3A_530, %dma_start3A_531, %dma_start3A_532] : memref<6x80x128xf32, #tpu.memory_space<vmem>> -> memref<1x80x128xf32, #tpu.memory_space<vmem>>
      %dma_start3A_534 = tpu.memref_squeeze %dma_start3A_533 : memref<1x80x128xf32, #tpu.memory_space<vmem>> -> memref<80x128xf32, #tpu.memory_space<vmem>>
      %dma_start3A_535 = arith.constant 320 : i32
      %dma_start3A_536 = tpu.memref_slice %arg7[%dma_start3A_535] : memref<1600xi32, #tpu.memory_space<vmem>> -> memref<80xi32, #tpu.memory_space<vmem>>
      %dma_start3A_537 = arith.constant 0 : i32
      %dma_start3A_538 = arith.constant 0 : i32
      %dma_start3A_539 = tpu.memref_slice %arg4[%dma_start3A_537, %dma_start3A_538] : memref<100000x128xf32, #tpu.memory_space<hbm>> -> memref<100000x128xf32, #tpu.memory_space<hbm>>
      tpu.enqueue_indirect_dma source(%dma_start3A_539 : memref<100000x128xf32, #tpu.memory_space<hbm>>) target(%dma_start3A_534 : memref<80x128xf32, #tpu.memory_space<vmem>>) offsets(%dma_start3A_536 : memref<80xi32, #tpu.memory_space<vmem>>) semaphore(%arg20 : memref<!tpu.dma_semaphore, #tpu.memory_space<semaphore_mem>>)
    } else {
    }
    %gt3A_54 = arith.constant 2 : i32
    %gt3A_55 = arith.cmpi sgt, %select_n3A, %gt3A_54 : i32
    %convert_element_type3A_56 = arith.extui %gt3A_55 : i1 to i32
    %cond3A_57 = arith.constant 0 : i32
    %cond3A_58 = arith.constant 0 : i32
    %cond3A_59 = arith.constant 0 : i32
    %cond3A_60 = arith.cmpi ne, %convert_element_type3A_56, %cond3A_59 : i32
    scf.if %cond3A_60 {
      %dma_wait3A_517 = arith.constant 2 : i32
      %dma_wait3A_518 = arith.constant 0 : i32
      %dma_wait3A_519 = arith.constant 0 : i32
      %dma_wait3A_520 = tpu.memref_slice %arg8[%dma_wait3A_517, %dma_wait3A_518, %dma_wait3A_519] : memref<6x80x128xf32, #tpu.memory_space<vmem>> -> memref<1x80x128xf32, #tpu.memory_space<vmem>>
      %dma_wait3A_521 = tpu.memref_squeeze %dma_wait3A_520 : memref<1x80x128xf32, #tpu.memory_space<vmem>> -> memref<80x128xf32, #tpu.memory_space<vmem>>
      %dma_wait3A_522 = arith.constant 0 : i32
      %dma_wait3A_523 = arith.constant 0 : i32
      %dma_wait3A_524 = tpu.memref_slice %arg3[%cond3A_57, %dma_wait3A_522, %dma_wait3A_523] : memref<1x100000x128xf32, #tpu.memory_space<hbm>> -> memref<1x100000x128xf32, #tpu.memory_space<hbm>>
      %dma_wait3A_525 = tpu.memref_squeeze %dma_wait3A_524 : memref<1x100000x128xf32, #tpu.memory_space<hbm>> -> memref<100000x128xf32, #tpu.memory_space<hbm>>
      %dma_wait3A_526 = arith.constant 0 : i32
      %dma_wait3A_527 = arith.constant 0 : i32
      %dma_wait3A_528 = tpu.memref_slice %dma_wait3A_525[%dma_wait3A_526, %dma_wait3A_527] : memref<100000x128xf32, #tpu.memory_space<hbm>> -> memref<80x128xf32, #tpu.memory_space<hbm>>
      %dma_wait3A_529 = arith.constant 0 : i32
      %dma_wait3A_530 = arith.constant 0 : i32
      %dma_wait3A_531 = tpu.memref_slice %arg8[%dma_wait3A_517, %dma_wait3A_529, %dma_wait3A_530] : memref<6x80x128xf32, #tpu.memory_space<vmem>> -> memref<1x80x128xf32, #tpu.memory_space<vmem>>
      %dma_wait3A_532 = tpu.memref_squeeze %dma_wait3A_531 : memref<1x80x128xf32, #tpu.memory_space<vmem>> -> memref<80x128xf32, #tpu.memory_space<vmem>>
      %dma_wait3A_533 = arith.constant 0 : i32
      %dma_wait3A_534 = arith.constant 0 : i32
      %dma_wait3A_535 = tpu.memref_slice %arg3[%cond3A_57, %dma_wait3A_533, %dma_wait3A_534] : memref<1x100000x128xf32, #tpu.memory_space<hbm>> -> memref<1x100000x128xf32, #tpu.memory_space<hbm>>
      %dma_wait3A_536 = tpu.memref_squeeze %dma_wait3A_535 : memref<1x100000x128xf32, #tpu.memory_space<hbm>> -> memref<100000x128xf32, #tpu.memory_space<hbm>>
      %dma_wait3A_537 = arith.constant 0 : i32
      %dma_wait3A_538 = arith.constant 0 : i32
      %dma_wait3A_539 = tpu.memref_slice %dma_wait3A_536[%dma_wait3A_537, %dma_wait3A_538] : memref<100000x128xf32, #tpu.memory_space<hbm>> -> memref<80x128xf32, #tpu.memory_space<hbm>>
      tpu.wait_dma2 semaphore(%arg12 : memref<!tpu.dma_semaphore, #tpu.memory_space<semaphore_mem>>) src(%dma_wait3A_539 : memref<80x128xf32, #tpu.memory_space<hbm>>) dst(%dma_wait3A_532 : memref<80x128xf32, #tpu.memory_space<vmem>>)
      %dma_wait3A_540 = arith.constant 2 : i32
      %dma_wait3A_541 = arith.constant 0 : i32
      %dma_wait3A_542 = arith.constant 0 : i32
      %dma_wait3A_543 = tpu.memref_slice %arg9[%dma_wait3A_540, %dma_wait3A_541, %dma_wait3A_542] : memref<6x80x128xf32, #tpu.memory_space<vmem>> -> memref<1x80x128xf32, #tpu.memory_space<vmem>>
      %dma_wait3A_544 = tpu.memref_squeeze %dma_wait3A_543 : memref<1x80x128xf32, #tpu.memory_space<vmem>> -> memref<80x128xf32, #tpu.memory_space<vmem>>
      %dma_wait3A_545 = arith.constant 0 : i32
      %dma_wait3A_546 = arith.constant 0 : i32
      %dma_wait3A_547 = tpu.memref_slice %arg4[%dma_wait3A_545, %dma_wait3A_546] : memref<100000x128xf32, #tpu.memory_space<hbm>> -> memref<80x128xf32, #tpu.memory_space<hbm>>
      %dma_wait3A_548 = arith.constant 0 : i32
      %dma_wait3A_549 = arith.constant 0 : i32
      %dma_wait3A_550 = tpu.memref_slice %arg9[%dma_wait3A_540, %dma_wait3A_548, %dma_wait3A_549] : memref<6x80x128xf32, #tpu.memory_space<vmem>> -> memref<1x80x128xf32, #tpu.memory_space<vmem>>
      %dma_wait3A_551 = tpu.memref_squeeze %dma_wait3A_550 : memref<1x80x128xf32, #tpu.memory_space<vmem>> -> memref<80x128xf32, #tpu.memory_space<vmem>>
      %dma_wait3A_552 = arith.constant 0 : i32
      %dma_wait3A_553 = arith.constant 0 : i32
      %dma_wait3A_554 = tpu.memref_slice %arg4[%dma_wait3A_552, %dma_wait3A_553] : memref<100000x128xf32, #tpu.memory_space<hbm>> -> memref<80x128xf32, #tpu.memory_space<hbm>>
      tpu.wait_dma2 semaphore(%arg18 : memref<!tpu.dma_semaphore, #tpu.memory_space<semaphore_mem>>) src(%dma_wait3A_554 : memref<80x128xf32, #tpu.memory_space<hbm>>) dst(%dma_wait3A_551 : memref<80x128xf32, #tpu.memory_space<vmem>>)
      %add3A_555 = arith.constant 160 : i32
      %add3A_556 = arith.addi %mul3A_8, %add3A_555 : i32
      %dma_start3A = arith.constant 2 : i32
      %dma_start3A_557 = arith.constant 0 : i32
      %dma_start3A_558 = arith.constant 0 : i32
      %dma_start3A_559 = tpu.memref_slice %arg8[%dma_start3A, %dma_start3A_557, %dma_start3A_558] : memref<6x80x128xf32, #tpu.memory_space<vmem>> -> memref<1x80x128xf32, #tpu.memory_space<vmem>>
      %dma_start3A_560 = tpu.memref_squeeze %dma_start3A_559 : memref<1x80x128xf32, #tpu.memory_space<vmem>> -> memref<80x128xf32, #tpu.memory_space<vmem>>
      %dma_start3A_561 = arith.constant 0 : i32
      %dma_start3A_562 = arith.constant 0 : i32
      %dma_start3A_563 = tpu.memref_slice %arg5[%cond3A_58, %dma_start3A_561, %dma_start3A_562] : memref<1x50000x128xf32, #tpu.memory_space<hbm>> -> memref<1x50000x128xf32, #tpu.memory_space<hbm>>
      %dma_start3A_564 = tpu.memref_squeeze %dma_start3A_563 : memref<1x50000x128xf32, #tpu.memory_space<hbm>> -> memref<50000x128xf32, #tpu.memory_space<hbm>>
      %dma_start3A_565 = arith.constant 0 : i32
      %dma_start3A_566 = tpu.memref_slice %dma_start3A_564[%add3A_556, %dma_start3A_565] : memref<50000x128xf32, #tpu.memory_space<hbm>> -> memref<80x128xf32, #tpu.memory_space<hbm>>
      %dma_start3A_567 = arith.constant 0 : i32
      %dma_start3A_568 = arith.constant 0 : i32
      %dma_start3A_569 = tpu.memref_slice %arg5[%cond3A_58, %dma_start3A_567, %dma_start3A_568] : memref<1x50000x128xf32, #tpu.memory_space<hbm>> -> memref<1x50000x128xf32, #tpu.memory_space<hbm>>
      %dma_start3A_570 = tpu.memref_squeeze %dma_start3A_569 : memref<1x50000x128xf32, #tpu.memory_space<hbm>> -> memref<50000x128xf32, #tpu.memory_space<hbm>>
      %dma_start3A_571 = arith.constant 0 : i32
      %dma_start3A_572 = tpu.memref_slice %dma_start3A_570[%add3A_556, %dma_start3A_571] : memref<50000x128xf32, #tpu.memory_space<hbm>> -> memref<80x128xf32, #tpu.memory_space<hbm>>
      %dma_start3A_573 = arith.constant 0 : i32
      %dma_start3A_574 = arith.constant 0 : i32
      %dma_start3A_575 = tpu.memref_slice %arg8[%dma_start3A, %dma_start3A_573, %dma_start3A_574] : memref<6x80x128xf32, #tpu.memory_space<vmem>> -> memref<1x80x128xf32, #tpu.memory_space<vmem>>
      %dma_start3A_576 = tpu.memref_squeeze %dma_start3A_575 : memref<1x80x128xf32, #tpu.memory_space<vmem>> -> memref<80x128xf32, #tpu.memory_space<vmem>>
      tpu.enqueue_dma source(%dma_start3A_576 : memref<80x128xf32, #tpu.memory_space<vmem>>) target(%dma_start3A_572 : memref<80x128xf32, #tpu.memory_space<hbm>>) target_semaphore(%arg24 : memref<!tpu.dma_semaphore, #tpu.memory_space<semaphore_mem>>)
      %dma_start3A_577 = arith.constant 2 : i32
      %dma_start3A_578 = arith.constant 0 : i32
      %dma_start3A_579 = arith.constant 0 : i32
      %dma_start3A_580 = tpu.memref_slice %arg9[%dma_start3A_577, %dma_start3A_578, %dma_start3A_579] : memref<6x80x128xf32, #tpu.memory_space<vmem>> -> memref<1x80x128xf32, #tpu.memory_space<vmem>>
      %dma_start3A_581 = tpu.memref_squeeze %dma_start3A_580 : memref<1x80x128xf32, #tpu.memory_space<vmem>> -> memref<80x128xf32, #tpu.memory_space<vmem>>
      %dma_start3A_582 = arith.constant 0 : i32
      %dma_start3A_583 = tpu.memref_slice %arg6[%add3A_556, %dma_start3A_582] : memref<50000x128xf32, #tpu.memory_space<hbm>> -> memref<80x128xf32, #tpu.memory_space<hbm>>
      %dma_start3A_584 = arith.constant 0 : i32
      %dma_start3A_585 = tpu.memref_slice %arg6[%add3A_556, %dma_start3A_584] : memref<50000x128xf32, #tpu.memory_space<hbm>> -> memref<80x128xf32, #tpu.memory_space<hbm>>
      %dma_start3A_586 = arith.constant 0 : i32
      %dma_start3A_587 = arith.constant 0 : i32
      %dma_start3A_588 = tpu.memref_slice %arg9[%dma_start3A_577, %dma_start3A_586, %dma_start3A_587] : memref<6x80x128xf32, #tpu.memory_space<vmem>> -> memref<1x80x128xf32, #tpu.memory_space<vmem>>
      %dma_start3A_589 = tpu.memref_squeeze %dma_start3A_588 : memref<1x80x128xf32, #tpu.memory_space<vmem>> -> memref<80x128xf32, #tpu.memory_space<vmem>>
      tpu.enqueue_dma source(%dma_start3A_589 : memref<80x128xf32, #tpu.memory_space<vmem>>) target(%dma_start3A_585 : memref<80x128xf32, #tpu.memory_space<hbm>>) target_semaphore(%arg30 : memref<!tpu.dma_semaphore, #tpu.memory_space<semaphore_mem>>)
    } else {
    }
    %gt3A_61 = arith.constant 5 : i32
    %gt3A_62 = arith.cmpi sgt, %select_n3A, %gt3A_61 : i32
    %convert_element_type3A_63 = arith.extui %gt3A_62 : i1 to i32
    %cond3A_64 = arith.constant 0 : i32
    %cond3A_65 = arith.constant 0 : i32
    %cond3A_66 = arith.cmpi ne, %convert_element_type3A_63, %cond3A_65 : i32
    scf.if %cond3A_66 {
      %dma_start3A = arith.constant 5 : i32
      %dma_start3A_517 = arith.constant 0 : i32
      %dma_start3A_518 = arith.constant 0 : i32
      %dma_start3A_519 = tpu.memref_slice %arg8[%dma_start3A, %dma_start3A_517, %dma_start3A_518] : memref<6x80x128xf32, #tpu.memory_space<vmem>> -> memref<1x80x128xf32, #tpu.memory_space<vmem>>
      %dma_start3A_520 = tpu.memref_squeeze %dma_start3A_519 : memref<1x80x128xf32, #tpu.memory_space<vmem>> -> memref<80x128xf32, #tpu.memory_space<vmem>>
      %dma_start3A_521 = arith.constant 400 : i32
      %dma_start3A_522 = tpu.memref_slice %arg7[%dma_start3A_521] : memref<1600xi32, #tpu.memory_space<vmem>> -> memref<80xi32, #tpu.memory_space<vmem>>
      %dma_start3A_523 = arith.constant 0 : i32
      %dma_start3A_524 = arith.constant 0 : i32
      %dma_start3A_525 = tpu.memref_slice %arg3[%cond3A_64, %dma_start3A_523, %dma_start3A_524] : memref<1x100000x128xf32, #tpu.memory_space<hbm>> -> memref<1x100000x128xf32, #tpu.memory_space<hbm>>
      %dma_start3A_526 = tpu.memref_squeeze %dma_start3A_525 : memref<1x100000x128xf32, #tpu.memory_space<hbm>> -> memref<100000x128xf32, #tpu.memory_space<hbm>>
      %dma_start3A_527 = arith.constant 0 : i32
      %dma_start3A_528 = arith.constant 0 : i32
      %dma_start3A_529 = tpu.memref_slice %dma_start3A_526[%dma_start3A_527, %dma_start3A_528] : memref<100000x128xf32, #tpu.memory_space<hbm>> -> memref<100000x128xf32, #tpu.memory_space<hbm>>
      tpu.enqueue_indirect_dma source(%dma_start3A_529 : memref<100000x128xf32, #tpu.memory_space<hbm>>) target(%dma_start3A_520 : memref<80x128xf32, #tpu.memory_space<vmem>>) offsets(%dma_start3A_522 : memref<80xi32, #tpu.memory_space<vmem>>) semaphore(%arg15 : memref<!tpu.dma_semaphore, #tpu.memory_space<semaphore_mem>>)
      %dma_start3A_530 = arith.constant 5 : i32
      %dma_start3A_531 = arith.constant 0 : i32
      %dma_start3A_532 = arith.constant 0 : i32
      %dma_start3A_533 = tpu.memref_slice %arg9[%dma_start3A_530, %dma_start3A_531, %dma_start3A_532] : memref<6x80x128xf32, #tpu.memory_space<vmem>> -> memref<1x80x128xf32, #tpu.memory_space<vmem>>
      %dma_start3A_534 = tpu.memref_squeeze %dma_start3A_533 : memref<1x80x128xf32, #tpu.memory_space<vmem>> -> memref<80x128xf32, #tpu.memory_space<vmem>>
      %dma_start3A_535 = arith.constant 400 : i32
      %dma_start3A_536 = tpu.memref_slice %arg7[%dma_start3A_535] : memref<1600xi32, #tpu.memory_space<vmem>> -> memref<80xi32, #tpu.memory_space<vmem>>
      %dma_start3A_537 = arith.constant 0 : i32
      %dma_start3A_538 = arith.constant 0 : i32
      %dma_start3A_539 = tpu.memref_slice %arg4[%dma_start3A_537, %dma_start3A_538] : memref<100000x128xf32, #tpu.memory_space<hbm>> -> memref<100000x128xf32, #tpu.memory_space<hbm>>
      tpu.enqueue_indirect_dma source(%dma_start3A_539 : memref<100000x128xf32, #tpu.memory_space<hbm>>) target(%dma_start3A_534 : memref<80x128xf32, #tpu.memory_space<vmem>>) offsets(%dma_start3A_536 : memref<80xi32, #tpu.memory_space<vmem>>) semaphore(%arg21 : memref<!tpu.dma_semaphore, #tpu.memory_space<semaphore_mem>>)
    } else {
    }
    %gt3A_67 = arith.constant 3 : i32
    %gt3A_68 = arith.cmpi sgt, %select_n3A, %gt3A_67 : i32
    %convert_element_type3A_69 = arith.extui %gt3A_68 : i1 to i32
    %cond3A_70 = arith.constant 0 : i32
    %cond3A_71 = arith.constant 0 : i32
    %cond3A_72 = arith.constant 0 : i32
    %cond3A_73 = arith.cmpi ne, %convert_element_type3A_69, %cond3A_72 : i32
    scf.if %cond3A_73 {
      %dma_wait3A_517 = arith.constant 3 : i32
      %dma_wait3A_518 = arith.constant 0 : i32
      %dma_wait3A_519 = arith.constant 0 : i32
      %dma_wait3A_520 = tpu.memref_slice %arg8[%dma_wait3A_517, %dma_wait3A_518, %dma_wait3A_519] : memref<6x80x128xf32, #tpu.memory_space<vmem>> -> memref<1x80x128xf32, #tpu.memory_space<vmem>>
      %dma_wait3A_521 = tpu.memref_squeeze %dma_wait3A_520 : memref<1x80x128xf32, #tpu.memory_space<vmem>> -> memref<80x128xf32, #tpu.memory_space<vmem>>
      %dma_wait3A_522 = arith.constant 0 : i32
      %dma_wait3A_523 = arith.constant 0 : i32
      %dma_wait3A_524 = tpu.memref_slice %arg3[%cond3A_70, %dma_wait3A_522, %dma_wait3A_523] : memref<1x100000x128xf32, #tpu.memory_space<hbm>> -> memref<1x100000x128xf32, #tpu.memory_space<hbm>>
      %dma_wait3A_525 = tpu.memref_squeeze %dma_wait3A_524 : memref<1x100000x128xf32, #tpu.memory_space<hbm>> -> memref<100000x128xf32, #tpu.memory_space<hbm>>
      %dma_wait3A_526 = arith.constant 0 : i32
      %dma_wait3A_527 = arith.constant 0 : i32
      %dma_wait3A_528 = tpu.memref_slice %dma_wait3A_525[%dma_wait3A_526, %dma_wait3A_527] : memref<100000x128xf32, #tpu.memory_space<hbm>> -> memref<80x128xf32, #tpu.memory_space<hbm>>
      %dma_wait3A_529 = arith.constant 0 : i32
      %dma_wait3A_530 = arith.constant 0 : i32
      %dma_wait3A_531 = tpu.memref_slice %arg8[%dma_wait3A_517, %dma_wait3A_529, %dma_wait3A_530] : memref<6x80x128xf32, #tpu.memory_space<vmem>> -> memref<1x80x128xf32, #tpu.memory_space<vmem>>
      %dma_wait3A_532 = tpu.memref_squeeze %dma_wait3A_531 : memref<1x80x128xf32, #tpu.memory_space<vmem>> -> memref<80x128xf32, #tpu.memory_space<vmem>>
      %dma_wait3A_533 = arith.constant 0 : i32
      %dma_wait3A_534 = arith.constant 0 : i32
      %dma_wait3A_535 = tpu.memref_slice %arg3[%cond3A_70, %dma_wait3A_533, %dma_wait3A_534] : memref<1x100000x128xf32, #tpu.memory_space<hbm>> -> memref<1x100000x128xf32, #tpu.memory_space<hbm>>
      %dma_wait3A_536 = tpu.memref_squeeze %dma_wait3A_535 : memref<1x100000x128xf32, #tpu.memory_space<hbm>> -> memref<100000x128xf32, #tpu.memory_space<hbm>>
      %dma_wait3A_537 = arith.constant 0 : i32
      %dma_wait3A_538 = arith.constant 0 : i32
      %dma_wait3A_539 = tpu.memref_slice %dma_wait3A_536[%dma_wait3A_537, %dma_wait3A_538] : memref<100000x128xf32, #tpu.memory_space<hbm>> -> memref<80x128xf32, #tpu.memory_space<hbm>>
      tpu.wait_dma2 semaphore(%arg13 : memref<!tpu.dma_semaphore, #tpu.memory_space<semaphore_mem>>) src(%dma_wait3A_539 : memref<80x128xf32, #tpu.memory_space<hbm>>) dst(%dma_wait3A_532 : memref<80x128xf32, #tpu.memory_space<vmem>>)
      %dma_wait3A_540 = arith.constant 3 : i32
      %dma_wait3A_541 = arith.constant 0 : i32
      %dma_wait3A_542 = arith.constant 0 : i32
      %dma_wait3A_543 = tpu.memref_slice %arg9[%dma_wait3A_540, %dma_wait3A_541, %dma_wait3A_542] : memref<6x80x128xf32, #tpu.memory_space<vmem>> -> memref<1x80x128xf32, #tpu.memory_space<vmem>>
      %dma_wait3A_544 = tpu.memref_squeeze %dma_wait3A_543 : memref<1x80x128xf32, #tpu.memory_space<vmem>> -> memref<80x128xf32, #tpu.memory_space<vmem>>
      %dma_wait3A_545 = arith.constant 0 : i32
      %dma_wait3A_546 = arith.constant 0 : i32
      %dma_wait3A_547 = tpu.memref_slice %arg4[%dma_wait3A_545, %dma_wait3A_546] : memref<100000x128xf32, #tpu.memory_space<hbm>> -> memref<80x128xf32, #tpu.memory_space<hbm>>
      %dma_wait3A_548 = arith.constant 0 : i32
      %dma_wait3A_549 = arith.constant 0 : i32
      %dma_wait3A_550 = tpu.memref_slice %arg9[%dma_wait3A_540, %dma_wait3A_548, %dma_wait3A_549] : memref<6x80x128xf32, #tpu.memory_space<vmem>> -> memref<1x80x128xf32, #tpu.memory_space<vmem>>
      %dma_wait3A_551 = tpu.memref_squeeze %dma_wait3A_550 : memref<1x80x128xf32, #tpu.memory_space<vmem>> -> memref<80x128xf32, #tpu.memory_space<vmem>>
      %dma_wait3A_552 = arith.constant 0 : i32
      %dma_wait3A_553 = arith.constant 0 : i32
      %dma_wait3A_554 = tpu.memref_slice %arg4[%dma_wait3A_552, %dma_wait3A_553] : memref<100000x128xf32, #tpu.memory_space<hbm>> -> memref<80x128xf32, #tpu.memory_space<hbm>>
      tpu.wait_dma2 semaphore(%arg19 : memref<!tpu.dma_semaphore, #tpu.memory_space<semaphore_mem>>) src(%dma_wait3A_554 : memref<80x128xf32, #tpu.memory_space<hbm>>) dst(%dma_wait3A_551 : memref<80x128xf32, #tpu.memory_space<vmem>>)
      %add3A_555 = arith.constant 240 : i32
      %add3A_556 = arith.addi %mul3A_8, %add3A_555 : i32
      %dma_start3A = arith.constant 3 : i32
      %dma_start3A_557 = arith.constant 0 : i32
      %dma_start3A_558 = arith.constant 0 : i32
      %dma_start3A_559 = tpu.memref_slice %arg8[%dma_start3A, %dma_start3A_557, %dma_start3A_558] : memref<6x80x128xf32, #tpu.memory_space<vmem>> -> memref<1x80x128xf32, #tpu.memory_space<vmem>>
      %dma_start3A_560 = tpu.memref_squeeze %dma_start3A_559 : memref<1x80x128xf32, #tpu.memory_space<vmem>> -> memref<80x128xf32, #tpu.memory_space<vmem>>
      %dma_start3A_561 = arith.constant 0 : i32
      %dma_start3A_562 = arith.constant 0 : i32
      %dma_start3A_563 = tpu.memref_slice %arg5[%cond3A_71, %dma_start3A_561, %dma_start3A_562] : memref<1x50000x128xf32, #tpu.memory_space<hbm>> -> memref<1x50000x128xf32, #tpu.memory_space<hbm>>
      %dma_start3A_564 = tpu.memref_squeeze %dma_start3A_563 : memref<1x50000x128xf32, #tpu.memory_space<hbm>> -> memref<50000x128xf32, #tpu.memory_space<hbm>>
      %dma_start3A_565 = arith.constant 0 : i32
      %dma_start3A_566 = tpu.memref_slice %dma_start3A_564[%add3A_556, %dma_start3A_565] : memref<50000x128xf32, #tpu.memory_space<hbm>> -> memref<80x128xf32, #tpu.memory_space<hbm>>
      %dma_start3A_567 = arith.constant 0 : i32
      %dma_start3A_568 = arith.constant 0 : i32
      %dma_start3A_569 = tpu.memref_slice %arg5[%cond3A_71, %dma_start3A_567, %dma_start3A_568] : memref<1x50000x128xf32, #tpu.memory_space<hbm>> -> memref<1x50000x128xf32, #tpu.memory_space<hbm>>
      %dma_start3A_570 = tpu.memref_squeeze %dma_start3A_569 : memref<1x50000x128xf32, #tpu.memory_space<hbm>> -> memref<50000x128xf32, #tpu.memory_space<hbm>>
      %dma_start3A_571 = arith.constant 0 : i32
      %dma_start3A_572 = tpu.memref_slice %dma_start3A_570[%add3A_556, %dma_start3A_571] : memref<50000x128xf32, #tpu.memory_space<hbm>> -> memref<80x128xf32, #tpu.memory_space<hbm>>
      %dma_start3A_573 = arith.constant 0 : i32
      %dma_start3A_574 = arith.constant 0 : i32
      %dma_start3A_575 = tpu.memref_slice %arg8[%dma_start3A, %dma_start3A_573, %dma_start3A_574] : memref<6x80x128xf32, #tpu.memory_space<vmem>> -> memref<1x80x128xf32, #tpu.memory_space<vmem>>
      %dma_start3A_576 = tpu.memref_squeeze %dma_start3A_575 : memref<1x80x128xf32, #tpu.memory_space<vmem>> -> memref<80x128xf32, #tpu.memory_space<vmem>>
      tpu.enqueue_dma source(%dma_start3A_576 : memref<80x128xf32, #tpu.memory_space<vmem>>) target(%dma_start3A_572 : memref<80x128xf32, #tpu.memory_space<hbm>>) target_semaphore(%arg25 : memref<!tpu.dma_semaphore, #tpu.memory_space<semaphore_mem>>)
      %dma_start3A_577 = arith.constant 3 : i32
      %dma_start3A_578 = arith.constant 0 : i32
      %dma_start3A_579 = arith.constant 0 : i32
      %dma_start3A_580 = tpu.memref_slice %arg9[%dma_start3A_577, %dma_start3A_578, %dma_start3A_579] : memref<6x80x128xf32, #tpu.memory_space<vmem>> -> memref<1x80x128xf32, #tpu.memory_space<vmem>>
      %dma_start3A_581 = tpu.memref_squeeze %dma_start3A_580 : memref<1x80x128xf32, #tpu.memory_space<vmem>> -> memref<80x128xf32, #tpu.memory_space<vmem>>
      %dma_start3A_582 = arith.constant 0 : i32
      %dma_start3A_583 = tpu.memref_slice %arg6[%add3A_556, %dma_start3A_582] : memref<50000x128xf32, #tpu.memory_space<hbm>> -> memref<80x128xf32, #tpu.memory_space<hbm>>
      %dma_start3A_584 = arith.constant 0 : i32
      %dma_start3A_585 = tpu.memref_slice %arg6[%add3A_556, %dma_start3A_584] : memref<50000x128xf32, #tpu.memory_space<hbm>> -> memref<80x128xf32, #tpu.memory_space<hbm>>
      %dma_start3A_586 = arith.constant 0 : i32
      %dma_start3A_587 = arith.constant 0 : i32
      %dma_start3A_588 = tpu.memref_slice %arg9[%dma_start3A_577, %dma_start3A_586, %dma_start3A_587] : memref<6x80x128xf32, #tpu.memory_space<vmem>> -> memref<1x80x128xf32, #tpu.memory_space<vmem>>
      %dma_start3A_589 = tpu.memref_squeeze %dma_start3A_588 : memref<1x80x128xf32, #tpu.memory_space<vmem>> -> memref<80x128xf32, #tpu.memory_space<vmem>>
      tpu.enqueue_dma source(%dma_start3A_589 : memref<80x128xf32, #tpu.memory_space<vmem>>) target(%dma_start3A_585 : memref<80x128xf32, #tpu.memory_space<hbm>>) target_semaphore(%arg31 : memref<!tpu.dma_semaphore, #tpu.memory_space<semaphore_mem>>)
    } else {
    }
    %gt3A_74 = arith.constant 6 : i32
    %gt3A_75 = arith.cmpi sgt, %select_n3A, %gt3A_74 : i32
    %convert_element_type3A_76 = arith.extui %gt3A_75 : i1 to i32
    %cond3A_77 = arith.constant 0 : i32
    %cond3A_78 = arith.constant 0 : i32
    %cond3A_79 = arith.constant 0 : i32
    %cond3A_80 = arith.cmpi ne, %convert_element_type3A_76, %cond3A_79 : i32
    scf.if %cond3A_80 {
      %dma_wait3A_517 = arith.constant 0 : i32
      %dma_wait3A_518 = arith.constant 0 : i32
      %dma_wait3A_519 = arith.constant 0 : i32
      %dma_wait3A_520 = tpu.memref_slice %arg8[%dma_wait3A_517, %dma_wait3A_518, %dma_wait3A_519] : memref<6x80x128xf32, #tpu.memory_space<vmem>> -> memref<1x80x128xf32, #tpu.memory_space<vmem>>
      %dma_wait3A_521 = tpu.memref_squeeze %dma_wait3A_520 : memref<1x80x128xf32, #tpu.memory_space<vmem>> -> memref<80x128xf32, #tpu.memory_space<vmem>>
      %dma_wait3A_522 = arith.constant 0 : i32
      %dma_wait3A_523 = arith.constant 0 : i32
      %dma_wait3A_524 = tpu.memref_slice %arg5[%cond3A_77, %dma_wait3A_522, %dma_wait3A_523] : memref<1x50000x128xf32, #tpu.memory_space<hbm>> -> memref<1x50000x128xf32, #tpu.memory_space<hbm>>
      %dma_wait3A_525 = tpu.memref_squeeze %dma_wait3A_524 : memref<1x50000x128xf32, #tpu.memory_space<hbm>> -> memref<50000x128xf32, #tpu.memory_space<hbm>>
      %dma_wait3A_526 = arith.constant 0 : i32
      %dma_wait3A_527 = arith.constant 0 : i32
      %dma_wait3A_528 = tpu.memref_slice %dma_wait3A_525[%dma_wait3A_526, %dma_wait3A_527] : memref<50000x128xf32, #tpu.memory_space<hbm>> -> memref<80x128xf32, #tpu.memory_space<hbm>>
      %dma_wait3A_529 = arith.constant 0 : i32
      %dma_wait3A_530 = arith.constant 0 : i32
      %dma_wait3A_531 = tpu.memref_slice %arg5[%cond3A_77, %dma_wait3A_529, %dma_wait3A_530] : memref<1x50000x128xf32, #tpu.memory_space<hbm>> -> memref<1x50000x128xf32, #tpu.memory_space<hbm>>
      %dma_wait3A_532 = tpu.memref_squeeze %dma_wait3A_531 : memref<1x50000x128xf32, #tpu.memory_space<hbm>> -> memref<50000x128xf32, #tpu.memory_space<hbm>>
      %dma_wait3A_533 = arith.constant 0 : i32
      %dma_wait3A_534 = arith.constant 0 : i32
      %dma_wait3A_535 = tpu.memref_slice %dma_wait3A_532[%dma_wait3A_533, %dma_wait3A_534] : memref<50000x128xf32, #tpu.memory_space<hbm>> -> memref<80x128xf32, #tpu.memory_space<hbm>>
      %dma_wait3A_536 = arith.constant 0 : i32
      %dma_wait3A_537 = arith.constant 0 : i32
      %dma_wait3A_538 = tpu.memref_slice %arg8[%dma_wait3A_517, %dma_wait3A_536, %dma_wait3A_537] : memref<6x80x128xf32, #tpu.memory_space<vmem>> -> memref<1x80x128xf32, #tpu.memory_space<vmem>>
      %dma_wait3A_539 = tpu.memref_squeeze %dma_wait3A_538 : memref<1x80x128xf32, #tpu.memory_space<vmem>> -> memref<80x128xf32, #tpu.memory_space<vmem>>
      tpu.wait_dma2 semaphore(%arg22 : memref<!tpu.dma_semaphore, #tpu.memory_space<semaphore_mem>>) src(%dma_wait3A_539 : memref<80x128xf32, #tpu.memory_space<vmem>>) dst(%dma_wait3A_535 : memref<80x128xf32, #tpu.memory_space<hbm>>)
      %dma_wait3A_540 = arith.constant 0 : i32
      %dma_wait3A_541 = arith.constant 0 : i32
      %dma_wait3A_542 = arith.constant 0 : i32
      %dma_wait3A_543 = tpu.memref_slice %arg9[%dma_wait3A_540, %dma_wait3A_541, %dma_wait3A_542] : memref<6x80x128xf32, #tpu.memory_space<vmem>> -> memref<1x80x128xf32, #tpu.memory_space<vmem>>
      %dma_wait3A_544 = tpu.memref_squeeze %dma_wait3A_543 : memref<1x80x128xf32, #tpu.memory_space<vmem>> -> memref<80x128xf32, #tpu.memory_space<vmem>>
      %dma_wait3A_545 = arith.constant 0 : i32
      %dma_wait3A_546 = arith.constant 0 : i32
      %dma_wait3A_547 = tpu.memref_slice %arg6[%dma_wait3A_545, %dma_wait3A_546] : memref<50000x128xf32, #tpu.memory_space<hbm>> -> memref<80x128xf32, #tpu.memory_space<hbm>>
      %dma_wait3A_548 = arith.constant 0 : i32
      %dma_wait3A_549 = arith.constant 0 : i32
      %dma_wait3A_550 = tpu.memref_slice %arg6[%dma_wait3A_548, %dma_wait3A_549] : memref<50000x128xf32, #tpu.memory_space<hbm>> -> memref<80x128xf32, #tpu.memory_space<hbm>>
      %dma_wait3A_551 = arith.constant 0 : i32
      %dma_wait3A_552 = arith.constant 0 : i32
      %dma_wait3A_553 = tpu.memref_slice %arg9[%dma_wait3A_540, %dma_wait3A_551, %dma_wait3A_552] : memref<6x80x128xf32, #tpu.memory_space<vmem>> -> memref<1x80x128xf32, #tpu.memory_space<vmem>>
      %dma_wait3A_554 = tpu.memref_squeeze %dma_wait3A_553 : memref<1x80x128xf32, #tpu.memory_space<vmem>> -> memref<80x128xf32, #tpu.memory_space<vmem>>
      tpu.wait_dma2 semaphore(%arg28 : memref<!tpu.dma_semaphore, #tpu.memory_space<semaphore_mem>>) src(%dma_wait3A_554 : memref<80x128xf32, #tpu.memory_space<vmem>>) dst(%dma_wait3A_550 : memref<80x128xf32, #tpu.memory_space<hbm>>)
      %dma_start3A = arith.constant 0 : i32
      %dma_start3A_555 = arith.constant 0 : i32
      %dma_start3A_556 = arith.constant 0 : i32
      %dma_start3A_557 = tpu.memref_slice %arg8[%dma_start3A, %dma_start3A_555, %dma_start3A_556] : memref<6x80x128xf32, #tpu.memory_space<vmem>> -> memref<1x80x128xf32, #tpu.memory_space<vmem>>
      %dma_start3A_558 = tpu.memref_squeeze %dma_start3A_557 : memref<1x80x128xf32, #tpu.memory_space<vmem>> -> memref<80x128xf32, #tpu.memory_space<vmem>>
      %dma_start3A_559 = arith.constant 480 : i32
      %dma_start3A_560 = tpu.memref_slice %arg7[%dma_start3A_559] : memref<1600xi32, #tpu.memory_space<vmem>> -> memref<80xi32, #tpu.memory_space<vmem>>
      %dma_start3A_561 = arith.constant 0 : i32
      %dma_start3A_562 = arith.constant 0 : i32
      %dma_start3A_563 = tpu.memref_slice %arg3[%cond3A_78, %dma_start3A_561, %dma_start3A_562] : memref<1x100000x128xf32, #tpu.memory_space<hbm>> -> memref<1x100000x128xf32, #tpu.memory_space<hbm>>
      %dma_start3A_564 = tpu.memref_squeeze %dma_start3A_563 : memref<1x100000x128xf32, #tpu.memory_space<hbm>> -> memref<100000x128xf32, #tpu.memory_space<hbm>>
      %dma_start3A_565 = arith.constant 0 : i32
      %dma_start3A_566 = arith.constant 0 : i32
      %dma_start3A_567 = tpu.memref_slice %dma_start3A_564[%dma_start3A_565, %dma_start3A_566] : memref<100000x128xf32, #tpu.memory_space<hbm>> -> memref<100000x128xf32, #tpu.memory_space<hbm>>
      tpu.enqueue_indirect_dma source(%dma_start3A_567 : memref<100000x128xf32, #tpu.memory_space<hbm>>) target(%dma_start3A_558 : memref<80x128xf32, #tpu.memory_space<vmem>>) offsets(%dma_start3A_560 : memref<80xi32, #tpu.memory_space<vmem>>) semaphore(%arg10 : memref<!tpu.dma_semaphore, #tpu.memory_space<semaphore_mem>>)
      %dma_start3A_568 = arith.constant 0 : i32
      %dma_start3A_569 = arith.constant 0 : i32
      %dma_start3A_570 = arith.constant 0 : i32
      %dma_start3A_571 = tpu.memref_slice %arg9[%dma_start3A_568, %dma_start3A_569, %dma_start3A_570] : memref<6x80x128xf32, #tpu.memory_space<vmem>> -> memref<1x80x128xf32, #tpu.memory_space<vmem>>
      %dma_start3A_572 = tpu.memref_squeeze %dma_start3A_571 : memref<1x80x128xf32, #tpu.memory_space<vmem>> -> memref<80x128xf32, #tpu.memory_space<vmem>>
      %dma_start3A_573 = arith.constant 480 : i32
      %dma_start3A_574 = tpu.memref_slice %arg7[%dma_start3A_573] : memref<1600xi32, #tpu.memory_space<vmem>> -> memref<80xi32, #tpu.memory_space<vmem>>
      %dma_start3A_575 = arith.constant 0 : i32
      %dma_start3A_576 = arith.constant 0 : i32
      %dma_start3A_577 = tpu.memref_slice %arg4[%dma_start3A_575, %dma_start3A_576] : memref<100000x128xf32, #tpu.memory_space<hbm>> -> memref<100000x128xf32, #tpu.memory_space<hbm>>
      tpu.enqueue_indirect_dma source(%dma_start3A_577 : memref<100000x128xf32, #tpu.memory_space<hbm>>) target(%dma_start3A_572 : memref<80x128xf32, #tpu.memory_space<vmem>>) offsets(%dma_start3A_574 : memref<80xi32, #tpu.memory_space<vmem>>) semaphore(%arg16 : memref<!tpu.dma_semaphore, #tpu.memory_space<semaphore_mem>>)
    } else {
    }
    %gt3A_81 = arith.constant 4 : i32
    %gt3A_82 = arith.cmpi sgt, %select_n3A, %gt3A_81 : i32
    %convert_element_type3A_83 = arith.extui %gt3A_82 : i1 to i32
    %cond3A_84 = arith.constant 0 : i32
    %cond3A_85 = arith.constant 0 : i32
    %cond3A_86 = arith.constant 0 : i32
    %cond3A_87 = arith.cmpi ne, %convert_element_type3A_83, %cond3A_86 : i32
    scf.if %cond3A_87 {
      %dma_wait3A_517 = arith.constant 4 : i32
      %dma_wait3A_518 = arith.constant 0 : i32
      %dma_wait3A_519 = arith.constant 0 : i32
      %dma_wait3A_520 = tpu.memref_slice %arg8[%dma_wait3A_517, %dma_wait3A_518, %dma_wait3A_519] : memref<6x80x128xf32, #tpu.memory_space<vmem>> -> memref<1x80x128xf32, #tpu.memory_space<vmem>>
      %dma_wait3A_521 = tpu.memref_squeeze %dma_wait3A_520 : memref<1x80x128xf32, #tpu.memory_space<vmem>> -> memref<80x128xf32, #tpu.memory_space<vmem>>
      %dma_wait3A_522 = arith.constant 0 : i32
      %dma_wait3A_523 = arith.constant 0 : i32
      %dma_wait3A_524 = tpu.memref_slice %arg3[%cond3A_84, %dma_wait3A_522, %dma_wait3A_523] : memref<1x100000x128xf32, #tpu.memory_space<hbm>> -> memref<1x100000x128xf32, #tpu.memory_space<hbm>>
      %dma_wait3A_525 = tpu.memref_squeeze %dma_wait3A_524 : memref<1x100000x128xf32, #tpu.memory_space<hbm>> -> memref<100000x128xf32, #tpu.memory_space<hbm>>
      %dma_wait3A_526 = arith.constant 0 : i32
      %dma_wait3A_527 = arith.constant 0 : i32
      %dma_wait3A_528 = tpu.memref_slice %dma_wait3A_525[%dma_wait3A_526, %dma_wait3A_527] : memref<100000x128xf32, #tpu.memory_space<hbm>> -> memref<80x128xf32, #tpu.memory_space<hbm>>
      %dma_wait3A_529 = arith.constant 0 : i32
      %dma_wait3A_530 = arith.constant 0 : i32
      %dma_wait3A_531 = tpu.memref_slice %arg8[%dma_wait3A_517, %dma_wait3A_529, %dma_wait3A_530] : memref<6x80x128xf32, #tpu.memory_space<vmem>> -> memref<1x80x128xf32, #tpu.memory_space<vmem>>
      %dma_wait3A_532 = tpu.memref_squeeze %dma_wait3A_531 : memref<1x80x128xf32, #tpu.memory_space<vmem>> -> memref<80x128xf32, #tpu.memory_space<vmem>>
      %dma_wait3A_533 = arith.constant 0 : i32
      %dma_wait3A_534 = arith.constant 0 : i32
      %dma_wait3A_535 = tpu.memref_slice %arg3[%cond3A_84, %dma_wait3A_533, %dma_wait3A_534] : memref<1x100000x128xf32, #tpu.memory_space<hbm>> -> memref<1x100000x128xf32, #tpu.memory_space<hbm>>
      %dma_wait3A_536 = tpu.memref_squeeze %dma_wait3A_535 : memref<1x100000x128xf32, #tpu.memory_space<hbm>> -> memref<100000x128xf32, #tpu.memory_space<hbm>>
      %dma_wait3A_537 = arith.constant 0 : i32
      %dma_wait3A_538 = arith.constant 0 : i32
      %dma_wait3A_539 = tpu.memref_slice %dma_wait3A_536[%dma_wait3A_537, %dma_wait3A_538] : memref<100000x128xf32, #tpu.memory_space<hbm>> -> memref<80x128xf32, #tpu.memory_space<hbm>>
      tpu.wait_dma2 semaphore(%arg14 : memref<!tpu.dma_semaphore, #tpu.memory_space<semaphore_mem>>) src(%dma_wait3A_539 : memref<80x128xf32, #tpu.memory_space<hbm>>) dst(%dma_wait3A_532 : memref<80x128xf32, #tpu.memory_space<vmem>>)
      %dma_wait3A_540 = arith.constant 4 : i32
      %dma_wait3A_541 = arith.constant 0 : i32
      %dma_wait3A_542 = arith.constant 0 : i32
      %dma_wait3A_543 = tpu.memref_slice %arg9[%dma_wait3A_540, %dma_wait3A_541, %dma_wait3A_542] : memref<6x80x128xf32, #tpu.memory_space<vmem>> -> memref<1x80x128xf32, #tpu.memory_space<vmem>>
      %dma_wait3A_544 = tpu.memref_squeeze %dma_wait3A_543 : memref<1x80x128xf32, #tpu.memory_space<vmem>> -> memref<80x128xf32, #tpu.memory_space<vmem>>
      %dma_wait3A_545 = arith.constant 0 : i32
      %dma_wait3A_546 = arith.constant 0 : i32
      %dma_wait3A_547 = tpu.memref_slice %arg4[%dma_wait3A_545, %dma_wait3A_546] : memref<100000x128xf32, #tpu.memory_space<hbm>> -> memref<80x128xf32, #tpu.memory_space<hbm>>
      %dma_wait3A_548 = arith.constant 0 : i32
      %dma_wait3A_549 = arith.constant 0 : i32
      %dma_wait3A_550 = tpu.memref_slice %arg9[%dma_wait3A_540, %dma_wait3A_548, %dma_wait3A_549] : memref<6x80x128xf32, #tpu.memory_space<vmem>> -> memref<1x80x128xf32, #tpu.memory_space<vmem>>
      %dma_wait3A_551 = tpu.memref_squeeze %dma_wait3A_550 : memref<1x80x128xf32, #tpu.memory_space<vmem>> -> memref<80x128xf32, #tpu.memory_space<vmem>>
      %dma_wait3A_552 = arith.constant 0 : i32
      %dma_wait3A_553 = arith.constant 0 : i32
      %dma_wait3A_554 = tpu.memref_slice %arg4[%dma_wait3A_552, %dma_wait3A_553] : memref<100000x128xf32, #tpu.memory_space<hbm>> -> memref<80x128xf32, #tpu.memory_space<hbm>>
      tpu.wait_dma2 semaphore(%arg20 : memref<!tpu.dma_semaphore, #tpu.memory_space<semaphore_mem>>) src(%dma_wait3A_554 : memref<80x128xf32, #tpu.memory_space<hbm>>) dst(%dma_wait3A_551 : memref<80x128xf32, #tpu.memory_space<vmem>>)
      %add3A_555 = arith.constant 320 : i32
      %add3A_556 = arith.addi %mul3A_8, %add3A_555 : i32
      %dma_start3A = arith.constant 4 : i32
      %dma_start3A_557 = arith.constant 0 : i32
      %dma_start3A_558 = arith.constant 0 : i32
      %dma_start3A_559 = tpu.memref_slice %arg8[%dma_start3A, %dma_start3A_557, %dma_start3A_558] : memref<6x80x128xf32, #tpu.memory_space<vmem>> -> memref<1x80x128xf32, #tpu.memory_space<vmem>>
      %dma_start3A_560 = tpu.memref_squeeze %dma_start3A_559 : memref<1x80x128xf32, #tpu.memory_space<vmem>> -> memref<80x128xf32, #tpu.memory_space<vmem>>
      %dma_start3A_561 = arith.constant 0 : i32
      %dma_start3A_562 = arith.constant 0 : i32
      %dma_start3A_563 = tpu.memref_slice %arg5[%cond3A_85, %dma_start3A_561, %dma_start3A_562] : memref<1x50000x128xf32, #tpu.memory_space<hbm>> -> memref<1x50000x128xf32, #tpu.memory_space<hbm>>
      %dma_start3A_564 = tpu.memref_squeeze %dma_start3A_563 : memref<1x50000x128xf32, #tpu.memory_space<hbm>> -> memref<50000x128xf32, #tpu.memory_space<hbm>>
      %dma_start3A_565 = arith.constant 0 : i32
      %dma_start3A_566 = tpu.memref_slice %dma_start3A_564[%add3A_556, %dma_start3A_565] : memref<50000x128xf32, #tpu.memory_space<hbm>> -> memref<80x128xf32, #tpu.memory_space<hbm>>
      %dma_start3A_567 = arith.constant 0 : i32
      %dma_start3A_568 = arith.constant 0 : i32
      %dma_start3A_569 = tpu.memref_slice %arg5[%cond3A_85, %dma_start3A_567, %dma_start3A_568] : memref<1x50000x128xf32, #tpu.memory_space<hbm>> -> memref<1x50000x128xf32, #tpu.memory_space<hbm>>
      %dma_start3A_570 = tpu.memref_squeeze %dma_start3A_569 : memref<1x50000x128xf32, #tpu.memory_space<hbm>> -> memref<50000x128xf32, #tpu.memory_space<hbm>>
      %dma_start3A_571 = arith.constant 0 : i32
      %dma_start3A_572 = tpu.memref_slice %dma_start3A_570[%add3A_556, %dma_start3A_571] : memref<50000x128xf32, #tpu.memory_space<hbm>> -> memref<80x128xf32, #tpu.memory_space<hbm>>
      %dma_start3A_573 = arith.constant 0 : i32
      %dma_start3A_574 = arith.constant 0 : i32
      %dma_start3A_575 = tpu.memref_slice %arg8[%dma_start3A, %dma_start3A_573, %dma_start3A_574] : memref<6x80x128xf32, #tpu.memory_space<vmem>> -> memref<1x80x128xf32, #tpu.memory_space<vmem>>
      %dma_start3A_576 = tpu.memref_squeeze %dma_start3A_575 : memref<1x80x128xf32, #tpu.memory_space<vmem>> -> memref<80x128xf32, #tpu.memory_space<vmem>>
      tpu.enqueue_dma source(%dma_start3A_576 : memref<80x128xf32, #tpu.memory_space<vmem>>) target(%dma_start3A_572 : memref<80x128xf32, #tpu.memory_space<hbm>>) target_semaphore(%arg26 : memref<!tpu.dma_semaphore, #tpu.memory_space<semaphore_mem>>)
      %dma_start3A_577 = arith.constant 4 : i32
      %dma_start3A_578 = arith.constant 0 : i32
      %dma_start3A_579 = arith.constant 0 : i32
      %dma_start3A_580 = tpu.memref_slice %arg9[%dma_start3A_577, %dma_start3A_578, %dma_start3A_579] : memref<6x80x128xf32, #tpu.memory_space<vmem>> -> memref<1x80x128xf32, #tpu.memory_space<vmem>>
      %dma_start3A_581 = tpu.memref_squeeze %dma_start3A_580 : memref<1x80x128xf32, #tpu.memory_space<vmem>> -> memref<80x128xf32, #tpu.memory_space<vmem>>
      %dma_start3A_582 = arith.constant 0 : i32
      %dma_start3A_583 = tpu.memref_slice %arg6[%add3A_556, %dma_start3A_582] : memref<50000x128xf32, #tpu.memory_space<hbm>> -> memref<80x128xf32, #tpu.memory_space<hbm>>
      %dma_start3A_584 = arith.constant 0 : i32
      %dma_start3A_585 = tpu.memref_slice %arg6[%add3A_556, %dma_start3A_584] : memref<50000x128xf32, #tpu.memory_space<hbm>> -> memref<80x128xf32, #tpu.memory_space<hbm>>
      %dma_start3A_586 = arith.constant 0 : i32
      %dma_start3A_587 = arith.constant 0 : i32
      %dma_start3A_588 = tpu.memref_slice %arg9[%dma_start3A_577, %dma_start3A_586, %dma_start3A_587] : memref<6x80x128xf32, #tpu.memory_space<vmem>> -> memref<1x80x128xf32, #tpu.memory_space<vmem>>
      %dma_start3A_589 = tpu.memref_squeeze %dma_start3A_588 : memref<1x80x128xf32, #tpu.memory_space<vmem>> -> memref<80x128xf32, #tpu.memory_space<vmem>>
      tpu.enqueue_dma source(%dma_start3A_589 : memref<80x128xf32, #tpu.memory_space<vmem>>) target(%dma_start3A_585 : memref<80x128xf32, #tpu.memory_space<hbm>>) target_semaphore(%arg32 : memref<!tpu.dma_semaphore, #tpu.memory_space<semaphore_mem>>)
    } else {
    }
    %gt3A_88 = arith.constant 7 : i32
    %gt3A_89 = arith.cmpi sgt, %select_n3A, %gt3A_88 : i32
    %convert_element_type3A_90 = arith.extui %gt3A_89 : i1 to i32
    %cond3A_91 = arith.constant 0 : i32
    %cond3A_92 = arith.constant 0 : i32
    %cond3A_93 = arith.constant 0 : i32
    %cond3A_94 = arith.cmpi ne, %convert_element_type3A_90, %cond3A_93 : i32
    scf.if %cond3A_94 {
      %dma_wait3A_517 = arith.constant 1 : i32
      %dma_wait3A_518 = arith.constant 0 : i32
      %dma_wait3A_519 = arith.constant 0 : i32
      %dma_wait3A_520 = tpu.memref_slice %arg8[%dma_wait3A_517, %dma_wait3A_518, %dma_wait3A_519] : memref<6x80x128xf32, #tpu.memory_space<vmem>> -> memref<1x80x128xf32, #tpu.memory_space<vmem>>
      %dma_wait3A_521 = tpu.memref_squeeze %dma_wait3A_520 : memref<1x80x128xf32, #tpu.memory_space<vmem>> -> memref<80x128xf32, #tpu.memory_space<vmem>>
      %dma_wait3A_522 = arith.constant 0 : i32
      %dma_wait3A_523 = arith.constant 0 : i32
      %dma_wait3A_524 = tpu.memref_slice %arg5[%cond3A_91, %dma_wait3A_522, %dma_wait3A_523] : memref<1x50000x128xf32, #tpu.memory_space<hbm>> -> memref<1x50000x128xf32, #tpu.memory_space<hbm>>
      %dma_wait3A_525 = tpu.memref_squeeze %dma_wait3A_524 : memref<1x50000x128xf32, #tpu.memory_space<hbm>> -> memref<50000x128xf32, #tpu.memory_space<hbm>>
      %dma_wait3A_526 = arith.constant 0 : i32
      %dma_wait3A_527 = arith.constant 0 : i32
      %dma_wait3A_528 = tpu.memref_slice %dma_wait3A_525[%dma_wait3A_526, %dma_wait3A_527] : memref<50000x128xf32, #tpu.memory_space<hbm>> -> memref<80x128xf32, #tpu.memory_space<hbm>>
      %dma_wait3A_529 = arith.constant 0 : i32
      %dma_wait3A_530 = arith.constant 0 : i32
      %dma_wait3A_531 = tpu.memref_slice %arg5[%cond3A_91, %dma_wait3A_529, %dma_wait3A_530] : memref<1x50000x128xf32, #tpu.memory_space<hbm>> -> memref<1x50000x128xf32, #tpu.memory_space<hbm>>
      %dma_wait3A_532 = tpu.memref_squeeze %dma_wait3A_531 : memref<1x50000x128xf32, #tpu.memory_space<hbm>> -> memref<50000x128xf32, #tpu.memory_space<hbm>>
      %dma_wait3A_533 = arith.constant 0 : i32
      %dma_wait3A_534 = arith.constant 0 : i32
      %dma_wait3A_535 = tpu.memref_slice %dma_wait3A_532[%dma_wait3A_533, %dma_wait3A_534] : memref<50000x128xf32, #tpu.memory_space<hbm>> -> memref<80x128xf32, #tpu.memory_space<hbm>>
      %dma_wait3A_536 = arith.constant 0 : i32
      %dma_wait3A_537 = arith.constant 0 : i32
      %dma_wait3A_538 = tpu.memref_slice %arg8[%dma_wait3A_517, %dma_wait3A_536, %dma_wait3A_537] : memref<6x80x128xf32, #tpu.memory_space<vmem>> -> memref<1x80x128xf32, #tpu.memory_space<vmem>>
      %dma_wait3A_539 = tpu.memref_squeeze %dma_wait3A_538 : memref<1x80x128xf32, #tpu.memory_space<vmem>> -> memref<80x128xf32, #tpu.memory_space<vmem>>
      tpu.wait_dma2 semaphore(%arg23 : memref<!tpu.dma_semaphore, #tpu.memory_space<semaphore_mem>>) src(%dma_wait3A_539 : memref<80x128xf32, #tpu.memory_space<vmem>>) dst(%dma_wait3A_535 : memref<80x128xf32, #tpu.memory_space<hbm>>)
      %dma_wait3A_540 = arith.constant 1 : i32
      %dma_wait3A_541 = arith.constant 0 : i32
      %dma_wait3A_542 = arith.constant 0 : i32
      %dma_wait3A_543 = tpu.memref_slice %arg9[%dma_wait3A_540, %dma_wait3A_541, %dma_wait3A_542] : memref<6x80x128xf32, #tpu.memory_space<vmem>> -> memref<1x80x128xf32, #tpu.memory_space<vmem>>
      %dma_wait3A_544 = tpu.memref_squeeze %dma_wait3A_543 : memref<1x80x128xf32, #tpu.memory_space<vmem>> -> memref<80x128xf32, #tpu.memory_space<vmem>>
      %dma_wait3A_545 = arith.constant 0 : i32
      %dma_wait3A_546 = arith.constant 0 : i32
      %dma_wait3A_547 = tpu.memref_slice %arg6[%dma_wait3A_545, %dma_wait3A_546] : memref<50000x128xf32, #tpu.memory_space<hbm>> -> memref<80x128xf32, #tpu.memory_space<hbm>>
      %dma_wait3A_548 = arith.constant 0 : i32
      %dma_wait3A_549 = arith.constant 0 : i32
      %dma_wait3A_550 = tpu.memref_slice %arg6[%dma_wait3A_548, %dma_wait3A_549] : memref<50000x128xf32, #tpu.memory_space<hbm>> -> memref<80x128xf32, #tpu.memory_space<hbm>>
      %dma_wait3A_551 = arith.constant 0 : i32
      %dma_wait3A_552 = arith.constant 0 : i32
      %dma_wait3A_553 = tpu.memref_slice %arg9[%dma_wait3A_540, %dma_wait3A_551, %dma_wait3A_552] : memref<6x80x128xf32, #tpu.memory_space<vmem>> -> memref<1x80x128xf32, #tpu.memory_space<vmem>>
      %dma_wait3A_554 = tpu.memref_squeeze %dma_wait3A_553 : memref<1x80x128xf32, #tpu.memory_space<vmem>> -> memref<80x128xf32, #tpu.memory_space<vmem>>
      tpu.wait_dma2 semaphore(%arg29 : memref<!tpu.dma_semaphore, #tpu.memory_space<semaphore_mem>>) src(%dma_wait3A_554 : memref<80x128xf32, #tpu.memory_space<vmem>>) dst(%dma_wait3A_550 : memref<80x128xf32, #tpu.memory_space<hbm>>)
      %dma_start3A = arith.constant 1 : i32
      %dma_start3A_555 = arith.constant 0 : i32
      %dma_start3A_556 = arith.constant 0 : i32
      %dma_start3A_557 = tpu.memref_slice %arg8[%dma_start3A, %dma_start3A_555, %dma_start3A_556] : memref<6x80x128xf32, #tpu.memory_space<vmem>> -> memref<1x80x128xf32, #tpu.memory_space<vmem>>
      %dma_start3A_558 = tpu.memref_squeeze %dma_start3A_557 : memref<1x80x128xf32, #tpu.memory_space<vmem>> -> memref<80x128xf32, #tpu.memory_space<vmem>>
      %dma_start3A_559 = arith.constant 560 : i32
      %dma_start3A_560 = tpu.memref_slice %arg7[%dma_start3A_559] : memref<1600xi32, #tpu.memory_space<vmem>> -> memref<80xi32, #tpu.memory_space<vmem>>
      %dma_start3A_561 = arith.constant 0 : i32
      %dma_start3A_562 = arith.constant 0 : i32
      %dma_start3A_563 = tpu.memref_slice %arg3[%cond3A_92, %dma_start3A_561, %dma_start3A_562] : memref<1x100000x128xf32, #tpu.memory_space<hbm>> -> memref<1x100000x128xf32, #tpu.memory_space<hbm>>
      %dma_start3A_564 = tpu.memref_squeeze %dma_start3A_563 : memref<1x100000x128xf32, #tpu.memory_space<hbm>> -> memref<100000x128xf32, #tpu.memory_space<hbm>>
      %dma_start3A_565 = arith.constant 0 : i32
      %dma_start3A_566 = arith.constant 0 : i32
      %dma_start3A_567 = tpu.memref_slice %dma_start3A_564[%dma_start3A_565, %dma_start3A_566] : memref<100000x128xf32, #tpu.memory_space<hbm>> -> memref<100000x128xf32, #tpu.memory_space<hbm>>
      tpu.enqueue_indirect_dma source(%dma_start3A_567 : memref<100000x128xf32, #tpu.memory_space<hbm>>) target(%dma_start3A_558 : memref<80x128xf32, #tpu.memory_space<vmem>>) offsets(%dma_start3A_560 : memref<80xi32, #tpu.memory_space<vmem>>) semaphore(%arg11 : memref<!tpu.dma_semaphore, #tpu.memory_space<semaphore_mem>>)
      %dma_start3A_568 = arith.constant 1 : i32
      %dma_start3A_569 = arith.constant 0 : i32
      %dma_start3A_570 = arith.constant 0 : i32
      %dma_start3A_571 = tpu.memref_slice %arg9[%dma_start3A_568, %dma_start3A_569, %dma_start3A_570] : memref<6x80x128xf32, #tpu.memory_space<vmem>> -> memref<1x80x128xf32, #tpu.memory_space<vmem>>
      %dma_start3A_572 = tpu.memref_squeeze %dma_start3A_571 : memref<1x80x128xf32, #tpu.memory_space<vmem>> -> memref<80x128xf32, #tpu.memory_space<vmem>>
      %dma_start3A_573 = arith.constant 560 : i32
      %dma_start3A_574 = tpu.memref_slice %arg7[%dma_start3A_573] : memref<1600xi32, #tpu.memory_space<vmem>> -> memref<80xi32, #tpu.memory_space<vmem>>
      %dma_start3A_575 = arith.constant 0 : i32
      %dma_start3A_576 = arith.constant 0 : i32
      %dma_start3A_577 = tpu.memref_slice %arg4[%dma_start3A_575, %dma_start3A_576] : memref<100000x128xf32, #tpu.memory_space<hbm>> -> memref<100000x128xf32, #tpu.memory_space<hbm>>
      tpu.enqueue_indirect_dma source(%dma_start3A_577 : memref<100000x128xf32, #tpu.memory_space<hbm>>) target(%dma_start3A_572 : memref<80x128xf32, #tpu.memory_space<vmem>>) offsets(%dma_start3A_574 : memref<80xi32, #tpu.memory_space<vmem>>) semaphore(%arg17 : memref<!tpu.dma_semaphore, #tpu.memory_space<semaphore_mem>>)
    } else {
    }
    %gt3A_95 = arith.constant 5 : i32
    %gt3A_96 = arith.cmpi sgt, %select_n3A, %gt3A_95 : i32
    %convert_element_type3A_97 = arith.extui %gt3A_96 : i1 to i32
    %cond3A_98 = arith.constant 0 : i32
    %cond3A_99 = arith.constant 0 : i32
    %cond3A_100 = arith.constant 0 : i32
    %cond3A_101 = arith.cmpi ne, %convert_element_type3A_97, %cond3A_100 : i32
    scf.if %cond3A_101 {
      %dma_wait3A_517 = arith.constant 5 : i32
      %dma_wait3A_518 = arith.constant 0 : i32
      %dma_wait3A_519 = arith.constant 0 : i32
      %dma_wait3A_520 = tpu.memref_slice %arg8[%dma_wait3A_517, %dma_wait3A_518, %dma_wait3A_519] : memref<6x80x128xf32, #tpu.memory_space<vmem>> -> memref<1x80x128xf32, #tpu.memory_space<vmem>>
      %dma_wait3A_521 = tpu.memref_squeeze %dma_wait3A_520 : memref<1x80x128xf32, #tpu.memory_space<vmem>> -> memref<80x128xf32, #tpu.memory_space<vmem>>
      %dma_wait3A_522 = arith.constant 0 : i32
      %dma_wait3A_523 = arith.constant 0 : i32
      %dma_wait3A_524 = tpu.memref_slice %arg3[%cond3A_98, %dma_wait3A_522, %dma_wait3A_523] : memref<1x100000x128xf32, #tpu.memory_space<hbm>> -> memref<1x100000x128xf32, #tpu.memory_space<hbm>>
      %dma_wait3A_525 = tpu.memref_squeeze %dma_wait3A_524 : memref<1x100000x128xf32, #tpu.memory_space<hbm>> -> memref<100000x128xf32, #tpu.memory_space<hbm>>
      %dma_wait3A_526 = arith.constant 0 : i32
      %dma_wait3A_527 = arith.constant 0 : i32
      %dma_wait3A_528 = tpu.memref_slice %dma_wait3A_525[%dma_wait3A_526, %dma_wait3A_527] : memref<100000x128xf32, #tpu.memory_space<hbm>> -> memref<80x128xf32, #tpu.memory_space<hbm>>
      %dma_wait3A_529 = arith.constant 0 : i32
      %dma_wait3A_530 = arith.constant 0 : i32
      %dma_wait3A_531 = tpu.memref_slice %arg8[%dma_wait3A_517, %dma_wait3A_529, %dma_wait3A_530] : memref<6x80x128xf32, #tpu.memory_space<vmem>> -> memref<1x80x128xf32, #tpu.memory_space<vmem>>
      %dma_wait3A_532 = tpu.memref_squeeze %dma_wait3A_531 : memref<1x80x128xf32, #tpu.memory_space<vmem>> -> memref<80x128xf32, #tpu.memory_space<vmem>>
      %dma_wait3A_533 = arith.constant 0 : i32
      %dma_wait3A_534 = arith.constant 0 : i32
      %dma_wait3A_535 = tpu.memref_slice %arg3[%cond3A_98, %dma_wait3A_533, %dma_wait3A_534] : memref<1x100000x128xf32, #tpu.memory_space<hbm>> -> memref<1x100000x128xf32, #tpu.memory_space<hbm>>
      %dma_wait3A_536 = tpu.memref_squeeze %dma_wait3A_535 : memref<1x100000x128xf32, #tpu.memory_space<hbm>> -> memref<100000x128xf32, #tpu.memory_space<hbm>>
      %dma_wait3A_537 = arith.constant 0 : i32
      %dma_wait3A_538 = arith.constant 0 : i32
      %dma_wait3A_539 = tpu.memref_slice %dma_wait3A_536[%dma_wait3A_537, %dma_wait3A_538] : memref<100000x128xf32, #tpu.memory_space<hbm>> -> memref<80x128xf32, #tpu.memory_space<hbm>>
      tpu.wait_dma2 semaphore(%arg15 : memref<!tpu.dma_semaphore, #tpu.memory_space<semaphore_mem>>) src(%dma_wait3A_539 : memref<80x128xf32, #tpu.memory_space<hbm>>) dst(%dma_wait3A_532 : memref<80x128xf32, #tpu.memory_space<vmem>>)
      %dma_wait3A_540 = arith.constant 5 : i32
      %dma_wait3A_541 = arith.constant 0 : i32
      %dma_wait3A_542 = arith.constant 0 : i32
      %dma_wait3A_543 = tpu.memref_slice %arg9[%dma_wait3A_540, %dma_wait3A_541, %dma_wait3A_542] : memref<6x80x128xf32, #tpu.memory_space<vmem>> -> memref<1x80x128xf32, #tpu.memory_space<vmem>>
      %dma_wait3A_544 = tpu.memref_squeeze %dma_wait3A_543 : memref<1x80x128xf32, #tpu.memory_space<vmem>> -> memref<80x128xf32, #tpu.memory_space<vmem>>
      %dma_wait3A_545 = arith.constant 0 : i32
      %dma_wait3A_546 = arith.constant 0 : i32
      %dma_wait3A_547 = tpu.memref_slice %arg4[%dma_wait3A_545, %dma_wait3A_546] : memref<100000x128xf32, #tpu.memory_space<hbm>> -> memref<80x128xf32, #tpu.memory_space<hbm>>
      %dma_wait3A_548 = arith.constant 0 : i32
      %dma_wait3A_549 = arith.constant 0 : i32
      %dma_wait3A_550 = tpu.memref_slice %arg9[%dma_wait3A_540, %dma_wait3A_548, %dma_wait3A_549] : memref<6x80x128xf32, #tpu.memory_space<vmem>> -> memref<1x80x128xf32, #tpu.memory_space<vmem>>
      %dma_wait3A_551 = tpu.memref_squeeze %dma_wait3A_550 : memref<1x80x128xf32, #tpu.memory_space<vmem>> -> memref<80x128xf32, #tpu.memory_space<vmem>>
      %dma_wait3A_552 = arith.constant 0 : i32
      %dma_wait3A_553 = arith.constant 0 : i32
      %dma_wait3A_554 = tpu.memref_slice %arg4[%dma_wait3A_552, %dma_wait3A_553] : memref<100000x128xf32, #tpu.memory_space<hbm>> -> memref<80x128xf32, #tpu.memory_space<hbm>>
      tpu.wait_dma2 semaphore(%arg21 : memref<!tpu.dma_semaphore, #tpu.memory_space<semaphore_mem>>) src(%dma_wait3A_554 : memref<80x128xf32, #tpu.memory_space<hbm>>) dst(%dma_wait3A_551 : memref<80x128xf32, #tpu.memory_space<vmem>>)
      %add3A_555 = arith.constant 400 : i32
      %add3A_556 = arith.addi %mul3A_8, %add3A_555 : i32
      %dma_start3A = arith.constant 5 : i32
      %dma_start3A_557 = arith.constant 0 : i32
      %dma_start3A_558 = arith.constant 0 : i32
      %dma_start3A_559 = tpu.memref_slice %arg8[%dma_start3A, %dma_start3A_557, %dma_start3A_558] : memref<6x80x128xf32, #tpu.memory_space<vmem>> -> memref<1x80x128xf32, #tpu.memory_space<vmem>>
      %dma_start3A_560 = tpu.memref_squeeze %dma_start3A_559 : memref<1x80x128xf32, #tpu.memory_space<vmem>> -> memref<80x128xf32, #tpu.memory_space<vmem>>
      %dma_start3A_561 = arith.constant 0 : i32
      %dma_start3A_562 = arith.constant 0 : i32
      %dma_start3A_563 = tpu.memref_slice %arg5[%cond3A_99, %dma_start3A_561, %dma_start3A_562] : memref<1x50000x128xf32, #tpu.memory_space<hbm>> -> memref<1x50000x128xf32, #tpu.memory_space<hbm>>
      %dma_start3A_564 = tpu.memref_squeeze %dma_start3A_563 : memref<1x50000x128xf32, #tpu.memory_space<hbm>> -> memref<50000x128xf32, #tpu.memory_space<hbm>>
      %dma_start3A_565 = arith.constant 0 : i32
      %dma_start3A_566 = tpu.memref_slice %dma_start3A_564[%add3A_556, %dma_start3A_565] : memref<50000x128xf32, #tpu.memory_space<hbm>> -> memref<80x128xf32, #tpu.memory_space<hbm>>
      %dma_start3A_567 = arith.constant 0 : i32
      %dma_start3A_568 = arith.constant 0 : i32
      %dma_start3A_569 = tpu.memref_slice %arg5[%cond3A_99, %dma_start3A_567, %dma_start3A_568] : memref<1x50000x128xf32, #tpu.memory_space<hbm>> -> memref<1x50000x128xf32, #tpu.memory_space<hbm>>
      %dma_start3A_570 = tpu.memref_squeeze %dma_start3A_569 : memref<1x50000x128xf32, #tpu.memory_space<hbm>> -> memref<50000x128xf32, #tpu.memory_space<hbm>>
      %dma_start3A_571 = arith.constant 0 : i32
      %dma_start3A_572 = tpu.memref_slice %dma_start3A_570[%add3A_556, %dma_start3A_571] : memref<50000x128xf32, #tpu.memory_space<hbm>> -> memref<80x128xf32, #tpu.memory_space<hbm>>
      %dma_start3A_573 = arith.constant 0 : i32
      %dma_start3A_574 = arith.constant 0 : i32
      %dma_start3A_575 = tpu.memref_slice %arg8[%dma_start3A, %dma_start3A_573, %dma_start3A_574] : memref<6x80x128xf32, #tpu.memory_space<vmem>> -> memref<1x80x128xf32, #tpu.memory_space<vmem>>
      %dma_start3A_576 = tpu.memref_squeeze %dma_start3A_575 : memref<1x80x128xf32, #tpu.memory_space<vmem>> -> memref<80x128xf32, #tpu.memory_space<vmem>>
      tpu.enqueue_dma source(%dma_start3A_576 : memref<80x128xf32, #tpu.memory_space<vmem>>) target(%dma_start3A_572 : memref<80x128xf32, #tpu.memory_space<hbm>>) target_semaphore(%arg27 : memref<!tpu.dma_semaphore, #tpu.memory_space<semaphore_mem>>)
      %dma_start3A_577 = arith.constant 5 : i32
      %dma_start3A_578 = arith.constant 0 : i32
      %dma_start3A_579 = arith.constant 0 : i32
      %dma_start3A_580 = tpu.memref_slice %arg9[%dma_start3A_577, %dma_start3A_578, %dma_start3A_579] : memref<6x80x128xf32, #tpu.memory_space<vmem>> -> memref<1x80x128xf32, #tpu.memory_space<vmem>>
      %dma_start3A_581 = tpu.memref_squeeze %dma_start3A_580 : memref<1x80x128xf32, #tpu.memory_space<vmem>> -> memref<80x128xf32, #tpu.memory_space<vmem>>
      %dma_start3A_582 = arith.constant 0 : i32
      %dma_start3A_583 = tpu.memref_slice %arg6[%add3A_556, %dma_start3A_582] : memref<50000x128xf32, #tpu.memory_space<hbm>> -> memref<80x128xf32, #tpu.memory_space<hbm>>
      %dma_start3A_584 = arith.constant 0 : i32
      %dma_start3A_585 = tpu.memref_slice %arg6[%add3A_556, %dma_start3A_584] : memref<50000x128xf32, #tpu.memory_space<hbm>> -> memref<80x128xf32, #tpu.memory_space<hbm>>
      %dma_start3A_586 = arith.constant 0 : i32
      %dma_start3A_587 = arith.constant 0 : i32
      %dma_start3A_588 = tpu.memref_slice %arg9[%dma_start3A_577, %dma_start3A_586, %dma_start3A_587] : memref<6x80x128xf32, #tpu.memory_space<vmem>> -> memref<1x80x128xf32, #tpu.memory_space<vmem>>
      %dma_start3A_589 = tpu.memref_squeeze %dma_start3A_588 : memref<1x80x128xf32, #tpu.memory_space<vmem>> -> memref<80x128xf32, #tpu.memory_space<vmem>>
      tpu.enqueue_dma source(%dma_start3A_589 : memref<80x128xf32, #tpu.memory_space<vmem>>) target(%dma_start3A_585 : memref<80x128xf32, #tpu.memory_space<hbm>>) target_semaphore(%arg33 : memref<!tpu.dma_semaphore, #tpu.memory_space<semaphore_mem>>)
    } else {
    }
    %gt3A_102 = arith.constant 8 : i32
    %gt3A_103 = arith.cmpi sgt, %select_n3A, %gt3A_102 : i32
    %convert_element_type3A_104 = arith.extui %gt3A_103 : i1 to i32
    %cond3A_105 = arith.constant 0 : i32
    %cond3A_106 = arith.constant 0 : i32
    %cond3A_107 = arith.constant 0 : i32
    %cond3A_108 = arith.cmpi ne, %convert_element_type3A_104, %cond3A_107 : i32
    scf.if %cond3A_108 {
      %dma_wait3A_517 = arith.constant 2 : i32
      %dma_wait3A_518 = arith.constant 0 : i32
      %dma_wait3A_519 = arith.constant 0 : i32
      %dma_wait3A_520 = tpu.memref_slice %arg8[%dma_wait3A_517, %dma_wait3A_518, %dma_wait3A_519] : memref<6x80x128xf32, #tpu.memory_space<vmem>> -> memref<1x80x128xf32, #tpu.memory_space<vmem>>
      %dma_wait3A_521 = tpu.memref_squeeze %dma_wait3A_520 : memref<1x80x128xf32, #tpu.memory_space<vmem>> -> memref<80x128xf32, #tpu.memory_space<vmem>>
      %dma_wait3A_522 = arith.constant 0 : i32
      %dma_wait3A_523 = arith.constant 0 : i32
      %dma_wait3A_524 = tpu.memref_slice %arg5[%cond3A_105, %dma_wait3A_522, %dma_wait3A_523] : memref<1x50000x128xf32, #tpu.memory_space<hbm>> -> memref<1x50000x128xf32, #tpu.memory_space<hbm>>
      %dma_wait3A_525 = tpu.memref_squeeze %dma_wait3A_524 : memref<1x50000x128xf32, #tpu.memory_space<hbm>> -> memref<50000x128xf32, #tpu.memory_space<hbm>>
      %dma_wait3A_526 = arith.constant 0 : i32
      %dma_wait3A_527 = arith.constant 0 : i32
      %dma_wait3A_528 = tpu.memref_slice %dma_wait3A_525[%dma_wait3A_526, %dma_wait3A_527] : memref<50000x128xf32, #tpu.memory_space<hbm>> -> memref<80x128xf32, #tpu.memory_space<hbm>>
      %dma_wait3A_529 = arith.constant 0 : i32
      %dma_wait3A_530 = arith.constant 0 : i32
      %dma_wait3A_531 = tpu.memref_slice %arg5[%cond3A_105, %dma_wait3A_529, %dma_wait3A_530] : memref<1x50000x128xf32, #tpu.memory_space<hbm>> -> memref<1x50000x128xf32, #tpu.memory_space<hbm>>
      %dma_wait3A_532 = tpu.memref_squeeze %dma_wait3A_531 : memref<1x50000x128xf32, #tpu.memory_space<hbm>> -> memref<50000x128xf32, #tpu.memory_space<hbm>>
      %dma_wait3A_533 = arith.constant 0 : i32
      %dma_wait3A_534 = arith.constant 0 : i32
      %dma_wait3A_535 = tpu.memref_slice %dma_wait3A_532[%dma_wait3A_533, %dma_wait3A_534] : memref<50000x128xf32, #tpu.memory_space<hbm>> -> memref<80x128xf32, #tpu.memory_space<hbm>>
      %dma_wait3A_536 = arith.constant 0 : i32
      %dma_wait3A_537 = arith.constant 0 : i32
      %dma_wait3A_538 = tpu.memref_slice %arg8[%dma_wait3A_517, %dma_wait3A_536, %dma_wait3A_537] : memref<6x80x128xf32, #tpu.memory_space<vmem>> -> memref<1x80x128xf32, #tpu.memory_space<vmem>>
      %dma_wait3A_539 = tpu.memref_squeeze %dma_wait3A_538 : memref<1x80x128xf32, #tpu.memory_space<vmem>> -> memref<80x128xf32, #tpu.memory_space<vmem>>
      tpu.wait_dma2 semaphore(%arg24 : memref<!tpu.dma_semaphore, #tpu.memory_space<semaphore_mem>>) src(%dma_wait3A_539 : memref<80x128xf32, #tpu.memory_space<vmem>>) dst(%dma_wait3A_535 : memref<80x128xf32, #tpu.memory_space<hbm>>)
      %dma_wait3A_540 = arith.constant 2 : i32
      %dma_wait3A_541 = arith.constant 0 : i32
      %dma_wait3A_542 = arith.constant 0 : i32
      %dma_wait3A_543 = tpu.memref_slice %arg9[%dma_wait3A_540, %dma_wait3A_541, %dma_wait3A_542] : memref<6x80x128xf32, #tpu.memory_space<vmem>> -> memref<1x80x128xf32, #tpu.memory_space<vmem>>
      %dma_wait3A_544 = tpu.memref_squeeze %dma_wait3A_543 : memref<1x80x128xf32, #tpu.memory_space<vmem>> -> memref<80x128xf32, #tpu.memory_space<vmem>>
      %dma_wait3A_545 = arith.constant 0 : i32
      %dma_wait3A_546 = arith.constant 0 : i32
      %dma_wait3A_547 = tpu.memref_slice %arg6[%dma_wait3A_545, %dma_wait3A_546] : memref<50000x128xf32, #tpu.memory_space<hbm>> -> memref<80x128xf32, #tpu.memory_space<hbm>>
      %dma_wait3A_548 = arith.constant 0 : i32
      %dma_wait3A_549 = arith.constant 0 : i32
      %dma_wait3A_550 = tpu.memref_slice %arg6[%dma_wait3A_548, %dma_wait3A_549] : memref<50000x128xf32, #tpu.memory_space<hbm>> -> memref<80x128xf32, #tpu.memory_space<hbm>>
      %dma_wait3A_551 = arith.constant 0 : i32
      %dma_wait3A_552 = arith.constant 0 : i32
      %dma_wait3A_553 = tpu.memref_slice %arg9[%dma_wait3A_540, %dma_wait3A_551, %dma_wait3A_552] : memref<6x80x128xf32, #tpu.memory_space<vmem>> -> memref<1x80x128xf32, #tpu.memory_space<vmem>>
      %dma_wait3A_554 = tpu.memref_squeeze %dma_wait3A_553 : memref<1x80x128xf32, #tpu.memory_space<vmem>> -> memref<80x128xf32, #tpu.memory_space<vmem>>
      tpu.wait_dma2 semaphore(%arg30 : memref<!tpu.dma_semaphore, #tpu.memory_space<semaphore_mem>>) src(%dma_wait3A_554 : memref<80x128xf32, #tpu.memory_space<vmem>>) dst(%dma_wait3A_550 : memref<80x128xf32, #tpu.memory_space<hbm>>)
      %dma_start3A = arith.constant 2 : i32
      %dma_start3A_555 = arith.constant 0 : i32
      %dma_start3A_556 = arith.constant 0 : i32
      %dma_start3A_557 = tpu.memref_slice %arg8[%dma_start3A, %dma_start3A_555, %dma_start3A_556] : memref<6x80x128xf32, #tpu.memory_space<vmem>> -> memref<1x80x128xf32, #tpu.memory_space<vmem>>
      %dma_start3A_558 = tpu.memref_squeeze %dma_start3A_557 : memref<1x80x128xf32, #tpu.memory_space<vmem>> -> memref<80x128xf32, #tpu.memory_space<vmem>>
      %dma_start3A_559 = arith.constant 640 : i32
      %dma_start3A_560 = tpu.memref_slice %arg7[%dma_start3A_559] : memref<1600xi32, #tpu.memory_space<vmem>> -> memref<80xi32, #tpu.memory_space<vmem>>
      %dma_start3A_561 = arith.constant 0 : i32
      %dma_start3A_562 = arith.constant 0 : i32
      %dma_start3A_563 = tpu.memref_slice %arg3[%cond3A_106, %dma_start3A_561, %dma_start3A_562] : memref<1x100000x128xf32, #tpu.memory_space<hbm>> -> memref<1x100000x128xf32, #tpu.memory_space<hbm>>
      %dma_start3A_564 = tpu.memref_squeeze %dma_start3A_563 : memref<1x100000x128xf32, #tpu.memory_space<hbm>> -> memref<100000x128xf32, #tpu.memory_space<hbm>>
      %dma_start3A_565 = arith.constant 0 : i32
      %dma_start3A_566 = arith.constant 0 : i32
      %dma_start3A_567 = tpu.memref_slice %dma_start3A_564[%dma_start3A_565, %dma_start3A_566] : memref<100000x128xf32, #tpu.memory_space<hbm>> -> memref<100000x128xf32, #tpu.memory_space<hbm>>
      tpu.enqueue_indirect_dma source(%dma_start3A_567 : memref<100000x128xf32, #tpu.memory_space<hbm>>) target(%dma_start3A_558 : memref<80x128xf32, #tpu.memory_space<vmem>>) offsets(%dma_start3A_560 : memref<80xi32, #tpu.memory_space<vmem>>) semaphore(%arg12 : memref<!tpu.dma_semaphore, #tpu.memory_space<semaphore_mem>>)
      %dma_start3A_568 = arith.constant 2 : i32
      %dma_start3A_569 = arith.constant 0 : i32
      %dma_start3A_570 = arith.constant 0 : i32
      %dma_start3A_571 = tpu.memref_slice %arg9[%dma_start3A_568, %dma_start3A_569, %dma_start3A_570] : memref<6x80x128xf32, #tpu.memory_space<vmem>> -> memref<1x80x128xf32, #tpu.memory_space<vmem>>
      %dma_start3A_572 = tpu.memref_squeeze %dma_start3A_571 : memref<1x80x128xf32, #tpu.memory_space<vmem>> -> memref<80x128xf32, #tpu.memory_space<vmem>>
      %dma_start3A_573 = arith.constant 640 : i32
      %dma_start3A_574 = tpu.memref_slice %arg7[%dma_start3A_573] : memref<1600xi32, #tpu.memory_space<vmem>> -> memref<80xi32, #tpu.memory_space<vmem>>
      %dma_start3A_575 = arith.constant 0 : i32
      %dma_start3A_576 = arith.constant 0 : i32
      %dma_start3A_577 = tpu.memref_slice %arg4[%dma_start3A_575, %dma_start3A_576] : memref<100000x128xf32, #tpu.memory_space<hbm>> -> memref<100000x128xf32, #tpu.memory_space<hbm>>
      tpu.enqueue_indirect_dma source(%dma_start3A_577 : memref<100000x128xf32, #tpu.memory_space<hbm>>) target(%dma_start3A_572 : memref<80x128xf32, #tpu.memory_space<vmem>>) offsets(%dma_start3A_574 : memref<80xi32, #tpu.memory_space<vmem>>) semaphore(%arg18 : memref<!tpu.dma_semaphore, #tpu.memory_space<semaphore_mem>>)
    } else {
    }
    %gt3A_109 = arith.constant 6 : i32
    %gt3A_110 = arith.cmpi sgt, %select_n3A, %gt3A_109 : i32
    %convert_element_type3A_111 = arith.extui %gt3A_110 : i1 to i32
    %cond3A_112 = arith.constant 0 : i32
    %cond3A_113 = arith.constant 0 : i32
    %cond3A_114 = arith.constant 0 : i32
    %cond3A_115 = arith.cmpi ne, %convert_element_type3A_111, %cond3A_114 : i32
    scf.if %cond3A_115 {
      %dma_wait3A_517 = arith.constant 0 : i32
      %dma_wait3A_518 = arith.constant 0 : i32
      %dma_wait3A_519 = arith.constant 0 : i32
      %dma_wait3A_520 = tpu.memref_slice %arg8[%dma_wait3A_517, %dma_wait3A_518, %dma_wait3A_519] : memref<6x80x128xf32, #tpu.memory_space<vmem>> -> memref<1x80x128xf32, #tpu.memory_space<vmem>>
      %dma_wait3A_521 = tpu.memref_squeeze %dma_wait3A_520 : memref<1x80x128xf32, #tpu.memory_space<vmem>> -> memref<80x128xf32, #tpu.memory_space<vmem>>
      %dma_wait3A_522 = arith.constant 0 : i32
      %dma_wait3A_523 = arith.constant 0 : i32
      %dma_wait3A_524 = tpu.memref_slice %arg3[%cond3A_112, %dma_wait3A_522, %dma_wait3A_523] : memref<1x100000x128xf32, #tpu.memory_space<hbm>> -> memref<1x100000x128xf32, #tpu.memory_space<hbm>>
      %dma_wait3A_525 = tpu.memref_squeeze %dma_wait3A_524 : memref<1x100000x128xf32, #tpu.memory_space<hbm>> -> memref<100000x128xf32, #tpu.memory_space<hbm>>
      %dma_wait3A_526 = arith.constant 0 : i32
      %dma_wait3A_527 = arith.constant 0 : i32
      %dma_wait3A_528 = tpu.memref_slice %dma_wait3A_525[%dma_wait3A_526, %dma_wait3A_527] : memref<100000x128xf32, #tpu.memory_space<hbm>> -> memref<80x128xf32, #tpu.memory_space<hbm>>
      %dma_wait3A_529 = arith.constant 0 : i32
      %dma_wait3A_530 = arith.constant 0 : i32
      %dma_wait3A_531 = tpu.memref_slice %arg8[%dma_wait3A_517, %dma_wait3A_529, %dma_wait3A_530] : memref<6x80x128xf32, #tpu.memory_space<vmem>> -> memref<1x80x128xf32, #tpu.memory_space<vmem>>
      %dma_wait3A_532 = tpu.memref_squeeze %dma_wait3A_531 : memref<1x80x128xf32, #tpu.memory_space<vmem>> -> memref<80x128xf32, #tpu.memory_space<vmem>>
      %dma_wait3A_533 = arith.constant 0 : i32
      %dma_wait3A_534 = arith.constant 0 : i32
      %dma_wait3A_535 = tpu.memref_slice %arg3[%cond3A_112, %dma_wait3A_533, %dma_wait3A_534] : memref<1x100000x128xf32, #tpu.memory_space<hbm>> -> memref<1x100000x128xf32, #tpu.memory_space<hbm>>
      %dma_wait3A_536 = tpu.memref_squeeze %dma_wait3A_535 : memref<1x100000x128xf32, #tpu.memory_space<hbm>> -> memref<100000x128xf32, #tpu.memory_space<hbm>>
      %dma_wait3A_537 = arith.constant 0 : i32
      %dma_wait3A_538 = arith.constant 0 : i32
      %dma_wait3A_539 = tpu.memref_slice %dma_wait3A_536[%dma_wait3A_537, %dma_wait3A_538] : memref<100000x128xf32, #tpu.memory_space<hbm>> -> memref<80x128xf32, #tpu.memory_space<hbm>>
      tpu.wait_dma2 semaphore(%arg10 : memref<!tpu.dma_semaphore, #tpu.memory_space<semaphore_mem>>) src(%dma_wait3A_539 : memref<80x128xf32, #tpu.memory_space<hbm>>) dst(%dma_wait3A_532 : memref<80x128xf32, #tpu.memory_space<vmem>>)
      %dma_wait3A_540 = arith.constant 0 : i32
      %dma_wait3A_541 = arith.constant 0 : i32
      %dma_wait3A_542 = arith.constant 0 : i32
      %dma_wait3A_543 = tpu.memref_slice %arg9[%dma_wait3A_540, %dma_wait3A_541, %dma_wait3A_542] : memref<6x80x128xf32, #tpu.memory_space<vmem>> -> memref<1x80x128xf32, #tpu.memory_space<vmem>>
      %dma_wait3A_544 = tpu.memref_squeeze %dma_wait3A_543 : memref<1x80x128xf32, #tpu.memory_space<vmem>> -> memref<80x128xf32, #tpu.memory_space<vmem>>
      %dma_wait3A_545 = arith.constant 0 : i32
      %dma_wait3A_546 = arith.constant 0 : i32
      %dma_wait3A_547 = tpu.memref_slice %arg4[%dma_wait3A_545, %dma_wait3A_546] : memref<100000x128xf32, #tpu.memory_space<hbm>> -> memref<80x128xf32, #tpu.memory_space<hbm>>
      %dma_wait3A_548 = arith.constant 0 : i32
      %dma_wait3A_549 = arith.constant 0 : i32
      %dma_wait3A_550 = tpu.memref_slice %arg9[%dma_wait3A_540, %dma_wait3A_548, %dma_wait3A_549] : memref<6x80x128xf32, #tpu.memory_space<vmem>> -> memref<1x80x128xf32, #tpu.memory_space<vmem>>
      %dma_wait3A_551 = tpu.memref_squeeze %dma_wait3A_550 : memref<1x80x128xf32, #tpu.memory_space<vmem>> -> memref<80x128xf32, #tpu.memory_space<vmem>>
      %dma_wait3A_552 = arith.constant 0 : i32
      %dma_wait3A_553 = arith.constant 0 : i32
      %dma_wait3A_554 = tpu.memref_slice %arg4[%dma_wait3A_552, %dma_wait3A_553] : memref<100000x128xf32, #tpu.memory_space<hbm>> -> memref<80x128xf32, #tpu.memory_space<hbm>>
      tpu.wait_dma2 semaphore(%arg16 : memref<!tpu.dma_semaphore, #tpu.memory_space<semaphore_mem>>) src(%dma_wait3A_554 : memref<80x128xf32, #tpu.memory_space<hbm>>) dst(%dma_wait3A_551 : memref<80x128xf32, #tpu.memory_space<vmem>>)
      %add3A_555 = arith.constant 480 : i32
      %add3A_556 = arith.addi %mul3A_8, %add3A_555 : i32
      %dma_start3A = arith.constant 0 : i32
      %dma_start3A_557 = arith.constant 0 : i32
      %dma_start3A_558 = arith.constant 0 : i32
      %dma_start3A_559 = tpu.memref_slice %arg8[%dma_start3A, %dma_start3A_557, %dma_start3A_558] : memref<6x80x128xf32, #tpu.memory_space<vmem>> -> memref<1x80x128xf32, #tpu.memory_space<vmem>>
      %dma_start3A_560 = tpu.memref_squeeze %dma_start3A_559 : memref<1x80x128xf32, #tpu.memory_space<vmem>> -> memref<80x128xf32, #tpu.memory_space<vmem>>
      %dma_start3A_561 = arith.constant 0 : i32
      %dma_start3A_562 = arith.constant 0 : i32
      %dma_start3A_563 = tpu.memref_slice %arg5[%cond3A_113, %dma_start3A_561, %dma_start3A_562] : memref<1x50000x128xf32, #tpu.memory_space<hbm>> -> memref<1x50000x128xf32, #tpu.memory_space<hbm>>
      %dma_start3A_564 = tpu.memref_squeeze %dma_start3A_563 : memref<1x50000x128xf32, #tpu.memory_space<hbm>> -> memref<50000x128xf32, #tpu.memory_space<hbm>>
      %dma_start3A_565 = arith.constant 0 : i32
      %dma_start3A_566 = tpu.memref_slice %dma_start3A_564[%add3A_556, %dma_start3A_565] : memref<50000x128xf32, #tpu.memory_space<hbm>> -> memref<80x128xf32, #tpu.memory_space<hbm>>
      %dma_start3A_567 = arith.constant 0 : i32
      %dma_start3A_568 = arith.constant 0 : i32
      %dma_start3A_569 = tpu.memref_slice %arg5[%cond3A_113, %dma_start3A_567, %dma_start3A_568] : memref<1x50000x128xf32, #tpu.memory_space<hbm>> -> memref<1x50000x128xf32, #tpu.memory_space<hbm>>
      %dma_start3A_570 = tpu.memref_squeeze %dma_start3A_569 : memref<1x50000x128xf32, #tpu.memory_space<hbm>> -> memref<50000x128xf32, #tpu.memory_space<hbm>>
      %dma_start3A_571 = arith.constant 0 : i32
      %dma_start3A_572 = tpu.memref_slice %dma_start3A_570[%add3A_556, %dma_start3A_571] : memref<50000x128xf32, #tpu.memory_space<hbm>> -> memref<80x128xf32, #tpu.memory_space<hbm>>
      %dma_start3A_573 = arith.constant 0 : i32
      %dma_start3A_574 = arith.constant 0 : i32
      %dma_start3A_575 = tpu.memref_slice %arg8[%dma_start3A, %dma_start3A_573, %dma_start3A_574] : memref<6x80x128xf32, #tpu.memory_space<vmem>> -> memref<1x80x128xf32, #tpu.memory_space<vmem>>
      %dma_start3A_576 = tpu.memref_squeeze %dma_start3A_575 : memref<1x80x128xf32, #tpu.memory_space<vmem>> -> memref<80x128xf32, #tpu.memory_space<vmem>>
      tpu.enqueue_dma source(%dma_start3A_576 : memref<80x128xf32, #tpu.memory_space<vmem>>) target(%dma_start3A_572 : memref<80x128xf32, #tpu.memory_space<hbm>>) target_semaphore(%arg22 : memref<!tpu.dma_semaphore, #tpu.memory_space<semaphore_mem>>)
      %dma_start3A_577 = arith.constant 0 : i32
      %dma_start3A_578 = arith.constant 0 : i32
      %dma_start3A_579 = arith.constant 0 : i32
      %dma_start3A_580 = tpu.memref_slice %arg9[%dma_start3A_577, %dma_start3A_578, %dma_start3A_579] : memref<6x80x128xf32, #tpu.memory_space<vmem>> -> memref<1x80x128xf32, #tpu.memory_space<vmem>>
      %dma_start3A_581 = tpu.memref_squeeze %dma_start3A_580 : memref<1x80x128xf32, #tpu.memory_space<vmem>> -> memref<80x128xf32, #tpu.memory_space<vmem>>
      %dma_start3A_582 = arith.constant 0 : i32
      %dma_start3A_583 = tpu.memref_slice %arg6[%add3A_556, %dma_start3A_582] : memref<50000x128xf32, #tpu.memory_space<hbm>> -> memref<80x128xf32, #tpu.memory_space<hbm>>
      %dma_start3A_584 = arith.constant 0 : i32
      %dma_start3A_585 = tpu.memref_slice %arg6[%add3A_556, %dma_start3A_584] : memref<50000x128xf32, #tpu.memory_space<hbm>> -> memref<80x128xf32, #tpu.memory_space<hbm>>
      %dma_start3A_586 = arith.constant 0 : i32
      %dma_start3A_587 = arith.constant 0 : i32
      %dma_start3A_588 = tpu.memref_slice %arg9[%dma_start3A_577, %dma_start3A_586, %dma_start3A_587] : memref<6x80x128xf32, #tpu.memory_space<vmem>> -> memref<1x80x128xf32, #tpu.memory_space<vmem>>
      %dma_start3A_589 = tpu.memref_squeeze %dma_start3A_588 : memref<1x80x128xf32, #tpu.memory_space<vmem>> -> memref<80x128xf32, #tpu.memory_space<vmem>>
      tpu.enqueue_dma source(%dma_start3A_589 : memref<80x128xf32, #tpu.memory_space<vmem>>) target(%dma_start3A_585 : memref<80x128xf32, #tpu.memory_space<hbm>>) target_semaphore(%arg28 : memref<!tpu.dma_semaphore, #tpu.memory_space<semaphore_mem>>)
    } else {
    }
    %gt3A_116 = arith.constant 9 : i32
    %gt3A_117 = arith.cmpi sgt, %select_n3A, %gt3A_116 : i32
    %convert_element_type3A_118 = arith.extui %gt3A_117 : i1 to i32
    %cond3A_119 = arith.constant 0 : i32
    %cond3A_120 = arith.constant 0 : i32
    %cond3A_121 = arith.constant 0 : i32
    %cond3A_122 = arith.cmpi ne, %convert_element_type3A_118, %cond3A_121 : i32
    scf.if %cond3A_122 {
      %dma_wait3A_517 = arith.constant 3 : i32
      %dma_wait3A_518 = arith.constant 0 : i32
      %dma_wait3A_519 = arith.constant 0 : i32
      %dma_wait3A_520 = tpu.memref_slice %arg8[%dma_wait3A_517, %dma_wait3A_518, %dma_wait3A_519] : memref<6x80x128xf32, #tpu.memory_space<vmem>> -> memref<1x80x128xf32, #tpu.memory_space<vmem>>
      %dma_wait3A_521 = tpu.memref_squeeze %dma_wait3A_520 : memref<1x80x128xf32, #tpu.memory_space<vmem>> -> memref<80x128xf32, #tpu.memory_space<vmem>>
      %dma_wait3A_522 = arith.constant 0 : i32
      %dma_wait3A_523 = arith.constant 0 : i32
      %dma_wait3A_524 = tpu.memref_slice %arg5[%cond3A_119, %dma_wait3A_522, %dma_wait3A_523] : memref<1x50000x128xf32, #tpu.memory_space<hbm>> -> memref<1x50000x128xf32, #tpu.memory_space<hbm>>
      %dma_wait3A_525 = tpu.memref_squeeze %dma_wait3A_524 : memref<1x50000x128xf32, #tpu.memory_space<hbm>> -> memref<50000x128xf32, #tpu.memory_space<hbm>>
      %dma_wait3A_526 = arith.constant 0 : i32
      %dma_wait3A_527 = arith.constant 0 : i32
      %dma_wait3A_528 = tpu.memref_slice %dma_wait3A_525[%dma_wait3A_526, %dma_wait3A_527] : memref<50000x128xf32, #tpu.memory_space<hbm>> -> memref<80x128xf32, #tpu.memory_space<hbm>>
      %dma_wait3A_529 = arith.constant 0 : i32
      %dma_wait3A_530 = arith.constant 0 : i32
      %dma_wait3A_531 = tpu.memref_slice %arg5[%cond3A_119, %dma_wait3A_529, %dma_wait3A_530] : memref<1x50000x128xf32, #tpu.memory_space<hbm>> -> memref<1x50000x128xf32, #tpu.memory_space<hbm>>
      %dma_wait3A_532 = tpu.memref_squeeze %dma_wait3A_531 : memref<1x50000x128xf32, #tpu.memory_space<hbm>> -> memref<50000x128xf32, #tpu.memory_space<hbm>>
      %dma_wait3A_533 = arith.constant 0 : i32
      %dma_wait3A_534 = arith.constant 0 : i32
      %dma_wait3A_535 = tpu.memref_slice %dma_wait3A_532[%dma_wait3A_533, %dma_wait3A_534] : memref<50000x128xf32, #tpu.memory_space<hbm>> -> memref<80x128xf32, #tpu.memory_space<hbm>>
      %dma_wait3A_536 = arith.constant 0 : i32
      %dma_wait3A_537 = arith.constant 0 : i32
      %dma_wait3A_538 = tpu.memref_slice %arg8[%dma_wait3A_517, %dma_wait3A_536, %dma_wait3A_537] : memref<6x80x128xf32, #tpu.memory_space<vmem>> -> memref<1x80x128xf32, #tpu.memory_space<vmem>>
      %dma_wait3A_539 = tpu.memref_squeeze %dma_wait3A_538 : memref<1x80x128xf32, #tpu.memory_space<vmem>> -> memref<80x128xf32, #tpu.memory_space<vmem>>
      tpu.wait_dma2 semaphore(%arg25 : memref<!tpu.dma_semaphore, #tpu.memory_space<semaphore_mem>>) src(%dma_wait3A_539 : memref<80x128xf32, #tpu.memory_space<vmem>>) dst(%dma_wait3A_535 : memref<80x128xf32, #tpu.memory_space<hbm>>)
      %dma_wait3A_540 = arith.constant 3 : i32
      %dma_wait3A_541 = arith.constant 0 : i32
      %dma_wait3A_542 = arith.constant 0 : i32
      %dma_wait3A_543 = tpu.memref_slice %arg9[%dma_wait3A_540, %dma_wait3A_541, %dma_wait3A_542] : memref<6x80x128xf32, #tpu.memory_space<vmem>> -> memref<1x80x128xf32, #tpu.memory_space<vmem>>
      %dma_wait3A_544 = tpu.memref_squeeze %dma_wait3A_543 : memref<1x80x128xf32, #tpu.memory_space<vmem>> -> memref<80x128xf32, #tpu.memory_space<vmem>>
      %dma_wait3A_545 = arith.constant 0 : i32
      %dma_wait3A_546 = arith.constant 0 : i32
      %dma_wait3A_547 = tpu.memref_slice %arg6[%dma_wait3A_545, %dma_wait3A_546] : memref<50000x128xf32, #tpu.memory_space<hbm>> -> memref<80x128xf32, #tpu.memory_space<hbm>>
      %dma_wait3A_548 = arith.constant 0 : i32
      %dma_wait3A_549 = arith.constant 0 : i32
      %dma_wait3A_550 = tpu.memref_slice %arg6[%dma_wait3A_548, %dma_wait3A_549] : memref<50000x128xf32, #tpu.memory_space<hbm>> -> memref<80x128xf32, #tpu.memory_space<hbm>>
      %dma_wait3A_551 = arith.constant 0 : i32
      %dma_wait3A_552 = arith.constant 0 : i32
      %dma_wait3A_553 = tpu.memref_slice %arg9[%dma_wait3A_540, %dma_wait3A_551, %dma_wait3A_552] : memref<6x80x128xf32, #tpu.memory_space<vmem>> -> memref<1x80x128xf32, #tpu.memory_space<vmem>>
      %dma_wait3A_554 = tpu.memref_squeeze %dma_wait3A_553 : memref<1x80x128xf32, #tpu.memory_space<vmem>> -> memref<80x128xf32, #tpu.memory_space<vmem>>
      tpu.wait_dma2 semaphore(%arg31 : memref<!tpu.dma_semaphore, #tpu.memory_space<semaphore_mem>>) src(%dma_wait3A_554 : memref<80x128xf32, #tpu.memory_space<vmem>>) dst(%dma_wait3A_550 : memref<80x128xf32, #tpu.memory_space<hbm>>)
      %dma_start3A = arith.constant 3 : i32
      %dma_start3A_555 = arith.constant 0 : i32
      %dma_start3A_556 = arith.constant 0 : i32
      %dma_start3A_557 = tpu.memref_slice %arg8[%dma_start3A, %dma_start3A_555, %dma_start3A_556] : memref<6x80x128xf32, #tpu.memory_space<vmem>> -> memref<1x80x128xf32, #tpu.memory_space<vmem>>
      %dma_start3A_558 = tpu.memref_squeeze %dma_start3A_557 : memref<1x80x128xf32, #tpu.memory_space<vmem>> -> memref<80x128xf32, #tpu.memory_space<vmem>>
      %dma_start3A_559 = arith.constant 720 : i32
      %dma_start3A_560 = tpu.memref_slice %arg7[%dma_start3A_559] : memref<1600xi32, #tpu.memory_space<vmem>> -> memref<80xi32, #tpu.memory_space<vmem>>
      %dma_start3A_561 = arith.constant 0 : i32
      %dma_start3A_562 = arith.constant 0 : i32
      %dma_start3A_563 = tpu.memref_slice %arg3[%cond3A_120, %dma_start3A_561, %dma_start3A_562] : memref<1x100000x128xf32, #tpu.memory_space<hbm>> -> memref<1x100000x128xf32, #tpu.memory_space<hbm>>
      %dma_start3A_564 = tpu.memref_squeeze %dma_start3A_563 : memref<1x100000x128xf32, #tpu.memory_space<hbm>> -> memref<100000x128xf32, #tpu.memory_space<hbm>>
      %dma_start3A_565 = arith.constant 0 : i32
      %dma_start3A_566 = arith.constant 0 : i32
      %dma_start3A_567 = tpu.memref_slice %dma_start3A_564[%dma_start3A_565, %dma_start3A_566] : memref<100000x128xf32, #tpu.memory_space<hbm>> -> memref<100000x128xf32, #tpu.memory_space<hbm>>
      tpu.enqueue_indirect_dma source(%dma_start3A_567 : memref<100000x128xf32, #tpu.memory_space<hbm>>) target(%dma_start3A_558 : memref<80x128xf32, #tpu.memory_space<vmem>>) offsets(%dma_start3A_560 : memref<80xi32, #tpu.memory_space<vmem>>) semaphore(%arg13 : memref<!tpu.dma_semaphore, #tpu.memory_space<semaphore_mem>>)
      %dma_start3A_568 = arith.constant 3 : i32
      %dma_start3A_569 = arith.constant 0 : i32
      %dma_start3A_570 = arith.constant 0 : i32
      %dma_start3A_571 = tpu.memref_slice %arg9[%dma_start3A_568, %dma_start3A_569, %dma_start3A_570] : memref<6x80x128xf32, #tpu.memory_space<vmem>> -> memref<1x80x128xf32, #tpu.memory_space<vmem>>
      %dma_start3A_572 = tpu.memref_squeeze %dma_start3A_571 : memref<1x80x128xf32, #tpu.memory_space<vmem>> -> memref<80x128xf32, #tpu.memory_space<vmem>>
      %dma_start3A_573 = arith.constant 720 : i32
      %dma_start3A_574 = tpu.memref_slice %arg7[%dma_start3A_573] : memref<1600xi32, #tpu.memory_space<vmem>> -> memref<80xi32, #tpu.memory_space<vmem>>
      %dma_start3A_575 = arith.constant 0 : i32
      %dma_start3A_576 = arith.constant 0 : i32
      %dma_start3A_577 = tpu.memref_slice %arg4[%dma_start3A_575, %dma_start3A_576] : memref<100000x128xf32, #tpu.memory_space<hbm>> -> memref<100000x128xf32, #tpu.memory_space<hbm>>
      tpu.enqueue_indirect_dma source(%dma_start3A_577 : memref<100000x128xf32, #tpu.memory_space<hbm>>) target(%dma_start3A_572 : memref<80x128xf32, #tpu.memory_space<vmem>>) offsets(%dma_start3A_574 : memref<80xi32, #tpu.memory_space<vmem>>) semaphore(%arg19 : memref<!tpu.dma_semaphore, #tpu.memory_space<semaphore_mem>>)
    } else {
    }
    %gt3A_123 = arith.constant 7 : i32
    %gt3A_124 = arith.cmpi sgt, %select_n3A, %gt3A_123 : i32
    %convert_element_type3A_125 = arith.extui %gt3A_124 : i1 to i32
    %cond3A_126 = arith.constant 0 : i32
    %cond3A_127 = arith.constant 0 : i32
    %cond3A_128 = arith.constant 0 : i32
    %cond3A_129 = arith.cmpi ne, %convert_element_type3A_125, %cond3A_128 : i32
    scf.if %cond3A_129 {
      %dma_wait3A_517 = arith.constant 1 : i32
      %dma_wait3A_518 = arith.constant 0 : i32
      %dma_wait3A_519 = arith.constant 0 : i32
      %dma_wait3A_520 = tpu.memref_slice %arg8[%dma_wait3A_517, %dma_wait3A_518, %dma_wait3A_519] : memref<6x80x128xf32, #tpu.memory_space<vmem>> -> memref<1x80x128xf32, #tpu.memory_space<vmem>>
      %dma_wait3A_521 = tpu.memref_squeeze %dma_wait3A_520 : memref<1x80x128xf32, #tpu.memory_space<vmem>> -> memref<80x128xf32, #tpu.memory_space<vmem>>
      %dma_wait3A_522 = arith.constant 0 : i32
      %dma_wait3A_523 = arith.constant 0 : i32
      %dma_wait3A_524 = tpu.memref_slice %arg3[%cond3A_126, %dma_wait3A_522, %dma_wait3A_523] : memref<1x100000x128xf32, #tpu.memory_space<hbm>> -> memref<1x100000x128xf32, #tpu.memory_space<hbm>>
      %dma_wait3A_525 = tpu.memref_squeeze %dma_wait3A_524 : memref<1x100000x128xf32, #tpu.memory_space<hbm>> -> memref<100000x128xf32, #tpu.memory_space<hbm>>
      %dma_wait3A_526 = arith.constant 0 : i32
      %dma_wait3A_527 = arith.constant 0 : i32
      %dma_wait3A_528 = tpu.memref_slice %dma_wait3A_525[%dma_wait3A_526, %dma_wait3A_527] : memref<100000x128xf32, #tpu.memory_space<hbm>> -> memref<80x128xf32, #tpu.memory_space<hbm>>
      %dma_wait3A_529 = arith.constant 0 : i32
      %dma_wait3A_530 = arith.constant 0 : i32
      %dma_wait3A_531 = tpu.memref_slice %arg8[%dma_wait3A_517, %dma_wait3A_529, %dma_wait3A_530] : memref<6x80x128xf32, #tpu.memory_space<vmem>> -> memref<1x80x128xf32, #tpu.memory_space<vmem>>
      %dma_wait3A_532 = tpu.memref_squeeze %dma_wait3A_531 : memref<1x80x128xf32, #tpu.memory_space<vmem>> -> memref<80x128xf32, #tpu.memory_space<vmem>>
      %dma_wait3A_533 = arith.constant 0 : i32
      %dma_wait3A_534 = arith.constant 0 : i32
      %dma_wait3A_535 = tpu.memref_slice %arg3[%cond3A_126, %dma_wait3A_533, %dma_wait3A_534] : memref<1x100000x128xf32, #tpu.memory_space<hbm>> -> memref<1x100000x128xf32, #tpu.memory_space<hbm>>
      %dma_wait3A_536 = tpu.memref_squeeze %dma_wait3A_535 : memref<1x100000x128xf32, #tpu.memory_space<hbm>> -> memref<100000x128xf32, #tpu.memory_space<hbm>>
      %dma_wait3A_537 = arith.constant 0 : i32
      %dma_wait3A_538 = arith.constant 0 : i32
      %dma_wait3A_539 = tpu.memref_slice %dma_wait3A_536[%dma_wait3A_537, %dma_wait3A_538] : memref<100000x128xf32, #tpu.memory_space<hbm>> -> memref<80x128xf32, #tpu.memory_space<hbm>>
      tpu.wait_dma2 semaphore(%arg11 : memref<!tpu.dma_semaphore, #tpu.memory_space<semaphore_mem>>) src(%dma_wait3A_539 : memref<80x128xf32, #tpu.memory_space<hbm>>) dst(%dma_wait3A_532 : memref<80x128xf32, #tpu.memory_space<vmem>>)
      %dma_wait3A_540 = arith.constant 1 : i32
      %dma_wait3A_541 = arith.constant 0 : i32
      %dma_wait3A_542 = arith.constant 0 : i32
      %dma_wait3A_543 = tpu.memref_slice %arg9[%dma_wait3A_540, %dma_wait3A_541, %dma_wait3A_542] : memref<6x80x128xf32, #tpu.memory_space<vmem>> -> memref<1x80x128xf32, #tpu.memory_space<vmem>>
      %dma_wait3A_544 = tpu.memref_squeeze %dma_wait3A_543 : memref<1x80x128xf32, #tpu.memory_space<vmem>> -> memref<80x128xf32, #tpu.memory_space<vmem>>
      %dma_wait3A_545 = arith.constant 0 : i32
      %dma_wait3A_546 = arith.constant 0 : i32
      %dma_wait3A_547 = tpu.memref_slice %arg4[%dma_wait3A_545, %dma_wait3A_546] : memref<100000x128xf32, #tpu.memory_space<hbm>> -> memref<80x128xf32, #tpu.memory_space<hbm>>
      %dma_wait3A_548 = arith.constant 0 : i32
      %dma_wait3A_549 = arith.constant 0 : i32
      %dma_wait3A_550 = tpu.memref_slice %arg9[%dma_wait3A_540, %dma_wait3A_548, %dma_wait3A_549] : memref<6x80x128xf32, #tpu.memory_space<vmem>> -> memref<1x80x128xf32, #tpu.memory_space<vmem>>
      %dma_wait3A_551 = tpu.memref_squeeze %dma_wait3A_550 : memref<1x80x128xf32, #tpu.memory_space<vmem>> -> memref<80x128xf32, #tpu.memory_space<vmem>>
      %dma_wait3A_552 = arith.constant 0 : i32
      %dma_wait3A_553 = arith.constant 0 : i32
      %dma_wait3A_554 = tpu.memref_slice %arg4[%dma_wait3A_552, %dma_wait3A_553] : memref<100000x128xf32, #tpu.memory_space<hbm>> -> memref<80x128xf32, #tpu.memory_space<hbm>>
      tpu.wait_dma2 semaphore(%arg17 : memref<!tpu.dma_semaphore, #tpu.memory_space<semaphore_mem>>) src(%dma_wait3A_554 : memref<80x128xf32, #tpu.memory_space<hbm>>) dst(%dma_wait3A_551 : memref<80x128xf32, #tpu.memory_space<vmem>>)
      %add3A_555 = arith.constant 560 : i32
      %add3A_556 = arith.addi %mul3A_8, %add3A_555 : i32
      %dma_start3A = arith.constant 1 : i32
      %dma_start3A_557 = arith.constant 0 : i32
      %dma_start3A_558 = arith.constant 0 : i32
      %dma_start3A_559 = tpu.memref_slice %arg8[%dma_start3A, %dma_start3A_557, %dma_start3A_558] : memref<6x80x128xf32, #tpu.memory_space<vmem>> -> memref<1x80x128xf32, #tpu.memory_space<vmem>>
      %dma_start3A_560 = tpu.memref_squeeze %dma_start3A_559 : memref<1x80x128xf32, #tpu.memory_space<vmem>> -> memref<80x128xf32, #tpu.memory_space<vmem>>
      %dma_start3A_561 = arith.constant 0 : i32
      %dma_start3A_562 = arith.constant 0 : i32
      %dma_start3A_563 = tpu.memref_slice %arg5[%cond3A_127, %dma_start3A_561, %dma_start3A_562] : memref<1x50000x128xf32, #tpu.memory_space<hbm>> -> memref<1x50000x128xf32, #tpu.memory_space<hbm>>
      %dma_start3A_564 = tpu.memref_squeeze %dma_start3A_563 : memref<1x50000x128xf32, #tpu.memory_space<hbm>> -> memref<50000x128xf32, #tpu.memory_space<hbm>>
      %dma_start3A_565 = arith.constant 0 : i32
      %dma_start3A_566 = tpu.memref_slice %dma_start3A_564[%add3A_556, %dma_start3A_565] : memref<50000x128xf32, #tpu.memory_space<hbm>> -> memref<80x128xf32, #tpu.memory_space<hbm>>
      %dma_start3A_567 = arith.constant 0 : i32
      %dma_start3A_568 = arith.constant 0 : i32
      %dma_start3A_569 = tpu.memref_slice %arg5[%cond3A_127, %dma_start3A_567, %dma_start3A_568] : memref<1x50000x128xf32, #tpu.memory_space<hbm>> -> memref<1x50000x128xf32, #tpu.memory_space<hbm>>
      %dma_start3A_570 = tpu.memref_squeeze %dma_start3A_569 : memref<1x50000x128xf32, #tpu.memory_space<hbm>> -> memref<50000x128xf32, #tpu.memory_space<hbm>>
      %dma_start3A_571 = arith.constant 0 : i32
      %dma_start3A_572 = tpu.memref_slice %dma_start3A_570[%add3A_556, %dma_start3A_571] : memref<50000x128xf32, #tpu.memory_space<hbm>> -> memref<80x128xf32, #tpu.memory_space<hbm>>
      %dma_start3A_573 = arith.constant 0 : i32
      %dma_start3A_574 = arith.constant 0 : i32
      %dma_start3A_575 = tpu.memref_slice %arg8[%dma_start3A, %dma_start3A_573, %dma_start3A_574] : memref<6x80x128xf32, #tpu.memory_space<vmem>> -> memref<1x80x128xf32, #tpu.memory_space<vmem>>
      %dma_start3A_576 = tpu.memref_squeeze %dma_start3A_575 : memref<1x80x128xf32, #tpu.memory_space<vmem>> -> memref<80x128xf32, #tpu.memory_space<vmem>>
      tpu.enqueue_dma source(%dma_start3A_576 : memref<80x128xf32, #tpu.memory_space<vmem>>) target(%dma_start3A_572 : memref<80x128xf32, #tpu.memory_space<hbm>>) target_semaphore(%arg23 : memref<!tpu.dma_semaphore, #tpu.memory_space<semaphore_mem>>)
      %dma_start3A_577 = arith.constant 1 : i32
      %dma_start3A_578 = arith.constant 0 : i32
      %dma_start3A_579 = arith.constant 0 : i32
      %dma_start3A_580 = tpu.memref_slice %arg9[%dma_start3A_577, %dma_start3A_578, %dma_start3A_579] : memref<6x80x128xf32, #tpu.memory_space<vmem>> -> memref<1x80x128xf32, #tpu.memory_space<vmem>>
      %dma_start3A_581 = tpu.memref_squeeze %dma_start3A_580 : memref<1x80x128xf32, #tpu.memory_space<vmem>> -> memref<80x128xf32, #tpu.memory_space<vmem>>
      %dma_start3A_582 = arith.constant 0 : i32
      %dma_start3A_583 = tpu.memref_slice %arg6[%add3A_556, %dma_start3A_582] : memref<50000x128xf32, #tpu.memory_space<hbm>> -> memref<80x128xf32, #tpu.memory_space<hbm>>
      %dma_start3A_584 = arith.constant 0 : i32
      %dma_start3A_585 = tpu.memref_slice %arg6[%add3A_556, %dma_start3A_584] : memref<50000x128xf32, #tpu.memory_space<hbm>> -> memref<80x128xf32, #tpu.memory_space<hbm>>
      %dma_start3A_586 = arith.constant 0 : i32
      %dma_start3A_587 = arith.constant 0 : i32
      %dma_start3A_588 = tpu.memref_slice %arg9[%dma_start3A_577, %dma_start3A_586, %dma_start3A_587] : memref<6x80x128xf32, #tpu.memory_space<vmem>> -> memref<1x80x128xf32, #tpu.memory_space<vmem>>
      %dma_start3A_589 = tpu.memref_squeeze %dma_start3A_588 : memref<1x80x128xf32, #tpu.memory_space<vmem>> -> memref<80x128xf32, #tpu.memory_space<vmem>>
      tpu.enqueue_dma source(%dma_start3A_589 : memref<80x128xf32, #tpu.memory_space<vmem>>) target(%dma_start3A_585 : memref<80x128xf32, #tpu.memory_space<hbm>>) target_semaphore(%arg29 : memref<!tpu.dma_semaphore, #tpu.memory_space<semaphore_mem>>)
    } else {
    }
    %gt3A_130 = arith.constant 10 : i32
    %gt3A_131 = arith.cmpi sgt, %select_n3A, %gt3A_130 : i32
    %convert_element_type3A_132 = arith.extui %gt3A_131 : i1 to i32
    %cond3A_133 = arith.constant 0 : i32
    %cond3A_134 = arith.constant 0 : i32
    %cond3A_135 = arith.constant 0 : i32
    %cond3A_136 = arith.cmpi ne, %convert_element_type3A_132, %cond3A_135 : i32
    scf.if %cond3A_136 {
      %dma_wait3A_517 = arith.constant 4 : i32
      %dma_wait3A_518 = arith.constant 0 : i32
      %dma_wait3A_519 = arith.constant 0 : i32
      %dma_wait3A_520 = tpu.memref_slice %arg8[%dma_wait3A_517, %dma_wait3A_518, %dma_wait3A_519] : memref<6x80x128xf32, #tpu.memory_space<vmem>> -> memref<1x80x128xf32, #tpu.memory_space<vmem>>
      %dma_wait3A_521 = tpu.memref_squeeze %dma_wait3A_520 : memref<1x80x128xf32, #tpu.memory_space<vmem>> -> memref<80x128xf32, #tpu.memory_space<vmem>>
      %dma_wait3A_522 = arith.constant 0 : i32
      %dma_wait3A_523 = arith.constant 0 : i32
      %dma_wait3A_524 = tpu.memref_slice %arg5[%cond3A_133, %dma_wait3A_522, %dma_wait3A_523] : memref<1x50000x128xf32, #tpu.memory_space<hbm>> -> memref<1x50000x128xf32, #tpu.memory_space<hbm>>
      %dma_wait3A_525 = tpu.memref_squeeze %dma_wait3A_524 : memref<1x50000x128xf32, #tpu.memory_space<hbm>> -> memref<50000x128xf32, #tpu.memory_space<hbm>>
      %dma_wait3A_526 = arith.constant 0 : i32
      %dma_wait3A_527 = arith.constant 0 : i32
      %dma_wait3A_528 = tpu.memref_slice %dma_wait3A_525[%dma_wait3A_526, %dma_wait3A_527] : memref<50000x128xf32, #tpu.memory_space<hbm>> -> memref<80x128xf32, #tpu.memory_space<hbm>>
      %dma_wait3A_529 = arith.constant 0 : i32
      %dma_wait3A_530 = arith.constant 0 : i32
      %dma_wait3A_531 = tpu.memref_slice %arg5[%cond3A_133, %dma_wait3A_529, %dma_wait3A_530] : memref<1x50000x128xf32, #tpu.memory_space<hbm>> -> memref<1x50000x128xf32, #tpu.memory_space<hbm>>
      %dma_wait3A_532 = tpu.memref_squeeze %dma_wait3A_531 : memref<1x50000x128xf32, #tpu.memory_space<hbm>> -> memref<50000x128xf32, #tpu.memory_space<hbm>>
      %dma_wait3A_533 = arith.constant 0 : i32
      %dma_wait3A_534 = arith.constant 0 : i32
      %dma_wait3A_535 = tpu.memref_slice %dma_wait3A_532[%dma_wait3A_533, %dma_wait3A_534] : memref<50000x128xf32, #tpu.memory_space<hbm>> -> memref<80x128xf32, #tpu.memory_space<hbm>>
      %dma_wait3A_536 = arith.constant 0 : i32
      %dma_wait3A_537 = arith.constant 0 : i32
      %dma_wait3A_538 = tpu.memref_slice %arg8[%dma_wait3A_517, %dma_wait3A_536, %dma_wait3A_537] : memref<6x80x128xf32, #tpu.memory_space<vmem>> -> memref<1x80x128xf32, #tpu.memory_space<vmem>>
      %dma_wait3A_539 = tpu.memref_squeeze %dma_wait3A_538 : memref<1x80x128xf32, #tpu.memory_space<vmem>> -> memref<80x128xf32, #tpu.memory_space<vmem>>
      tpu.wait_dma2 semaphore(%arg26 : memref<!tpu.dma_semaphore, #tpu.memory_space<semaphore_mem>>) src(%dma_wait3A_539 : memref<80x128xf32, #tpu.memory_space<vmem>>) dst(%dma_wait3A_535 : memref<80x128xf32, #tpu.memory_space<hbm>>)
      %dma_wait3A_540 = arith.constant 4 : i32
      %dma_wait3A_541 = arith.constant 0 : i32
      %dma_wait3A_542 = arith.constant 0 : i32
      %dma_wait3A_543 = tpu.memref_slice %arg9[%dma_wait3A_540, %dma_wait3A_541, %dma_wait3A_542] : memref<6x80x128xf32, #tpu.memory_space<vmem>> -> memref<1x80x128xf32, #tpu.memory_space<vmem>>
      %dma_wait3A_544 = tpu.memref_squeeze %dma_wait3A_543 : memref<1x80x128xf32, #tpu.memory_space<vmem>> -> memref<80x128xf32, #tpu.memory_space<vmem>>
      %dma_wait3A_545 = arith.constant 0 : i32
      %dma_wait3A_546 = arith.constant 0 : i32
      %dma_wait3A_547 = tpu.memref_slice %arg6[%dma_wait3A_545, %dma_wait3A_546] : memref<50000x128xf32, #tpu.memory_space<hbm>> -> memref<80x128xf32, #tpu.memory_space<hbm>>
      %dma_wait3A_548 = arith.constant 0 : i32
      %dma_wait3A_549 = arith.constant 0 : i32
      %dma_wait3A_550 = tpu.memref_slice %arg6[%dma_wait3A_548, %dma_wait3A_549] : memref<50000x128xf32, #tpu.memory_space<hbm>> -> memref<80x128xf32, #tpu.memory_space<hbm>>
      %dma_wait3A_551 = arith.constant 0 : i32
      %dma_wait3A_552 = arith.constant 0 : i32
      %dma_wait3A_553 = tpu.memref_slice %arg9[%dma_wait3A_540, %dma_wait3A_551, %dma_wait3A_552] : memref<6x80x128xf32, #tpu.memory_space<vmem>> -> memref<1x80x128xf32, #tpu.memory_space<vmem>>
      %dma_wait3A_554 = tpu.memref_squeeze %dma_wait3A_553 : memref<1x80x128xf32, #tpu.memory_space<vmem>> -> memref<80x128xf32, #tpu.memory_space<vmem>>
      tpu.wait_dma2 semaphore(%arg32 : memref<!tpu.dma_semaphore, #tpu.memory_space<semaphore_mem>>) src(%dma_wait3A_554 : memref<80x128xf32, #tpu.memory_space<vmem>>) dst(%dma_wait3A_550 : memref<80x128xf32, #tpu.memory_space<hbm>>)
      %dma_start3A = arith.constant 4 : i32
      %dma_start3A_555 = arith.constant 0 : i32
      %dma_start3A_556 = arith.constant 0 : i32
      %dma_start3A_557 = tpu.memref_slice %arg8[%dma_start3A, %dma_start3A_555, %dma_start3A_556] : memref<6x80x128xf32, #tpu.memory_space<vmem>> -> memref<1x80x128xf32, #tpu.memory_space<vmem>>
      %dma_start3A_558 = tpu.memref_squeeze %dma_start3A_557 : memref<1x80x128xf32, #tpu.memory_space<vmem>> -> memref<80x128xf32, #tpu.memory_space<vmem>>
      %dma_start3A_559 = arith.constant 800 : i32
      %dma_start3A_560 = tpu.memref_slice %arg7[%dma_start3A_559] : memref<1600xi32, #tpu.memory_space<vmem>> -> memref<80xi32, #tpu.memory_space<vmem>>
      %dma_start3A_561 = arith.constant 0 : i32
      %dma_start3A_562 = arith.constant 0 : i32
      %dma_start3A_563 = tpu.memref_slice %arg3[%cond3A_134, %dma_start3A_561, %dma_start3A_562] : memref<1x100000x128xf32, #tpu.memory_space<hbm>> -> memref<1x100000x128xf32, #tpu.memory_space<hbm>>
      %dma_start3A_564 = tpu.memref_squeeze %dma_start3A_563 : memref<1x100000x128xf32, #tpu.memory_space<hbm>> -> memref<100000x128xf32, #tpu.memory_space<hbm>>
      %dma_start3A_565 = arith.constant 0 : i32
      %dma_start3A_566 = arith.constant 0 : i32
      %dma_start3A_567 = tpu.memref_slice %dma_start3A_564[%dma_start3A_565, %dma_start3A_566] : memref<100000x128xf32, #tpu.memory_space<hbm>> -> memref<100000x128xf32, #tpu.memory_space<hbm>>
      tpu.enqueue_indirect_dma source(%dma_start3A_567 : memref<100000x128xf32, #tpu.memory_space<hbm>>) target(%dma_start3A_558 : memref<80x128xf32, #tpu.memory_space<vmem>>) offsets(%dma_start3A_560 : memref<80xi32, #tpu.memory_space<vmem>>) semaphore(%arg14 : memref<!tpu.dma_semaphore, #tpu.memory_space<semaphore_mem>>)
      %dma_start3A_568 = arith.constant 4 : i32
      %dma_start3A_569 = arith.constant 0 : i32
      %dma_start3A_570 = arith.constant 0 : i32
      %dma_start3A_571 = tpu.memref_slice %arg9[%dma_start3A_568, %dma_start3A_569, %dma_start3A_570] : memref<6x80x128xf32, #tpu.memory_space<vmem>> -> memref<1x80x128xf32, #tpu.memory_space<vmem>>
      %dma_start3A_572 = tpu.memref_squeeze %dma_start3A_571 : memref<1x80x128xf32, #tpu.memory_space<vmem>> -> memref<80x128xf32, #tpu.memory_space<vmem>>
      %dma_start3A_573 = arith.constant 800 : i32
      %dma_start3A_574 = tpu.memref_slice %arg7[%dma_start3A_573] : memref<1600xi32, #tpu.memory_space<vmem>> -> memref<80xi32, #tpu.memory_space<vmem>>
      %dma_start3A_575 = arith.constant 0 : i32
      %dma_start3A_576 = arith.constant 0 : i32
      %dma_start3A_577 = tpu.memref_slice %arg4[%dma_start3A_575, %dma_start3A_576] : memref<100000x128xf32, #tpu.memory_space<hbm>> -> memref<100000x128xf32, #tpu.memory_space<hbm>>
      tpu.enqueue_indirect_dma source(%dma_start3A_577 : memref<100000x128xf32, #tpu.memory_space<hbm>>) target(%dma_start3A_572 : memref<80x128xf32, #tpu.memory_space<vmem>>) offsets(%dma_start3A_574 : memref<80xi32, #tpu.memory_space<vmem>>) semaphore(%arg20 : memref<!tpu.dma_semaphore, #tpu.memory_space<semaphore_mem>>)
    } else {
    }
    %gt3A_137 = arith.constant 8 : i32
    %gt3A_138 = arith.cmpi sgt, %select_n3A, %gt3A_137 : i32
    %convert_element_type3A_139 = arith.extui %gt3A_138 : i1 to i32
    %cond3A_140 = arith.constant 0 : i32
    %cond3A_141 = arith.constant 0 : i32
    %cond3A_142 = arith.constant 0 : i32
    %cond3A_143 = arith.cmpi ne, %convert_element_type3A_139, %cond3A_142 : i32
    scf.if %cond3A_143 {
      %dma_wait3A_517 = arith.constant 2 : i32
      %dma_wait3A_518 = arith.constant 0 : i32
      %dma_wait3A_519 = arith.constant 0 : i32
      %dma_wait3A_520 = tpu.memref_slice %arg8[%dma_wait3A_517, %dma_wait3A_518, %dma_wait3A_519] : memref<6x80x128xf32, #tpu.memory_space<vmem>> -> memref<1x80x128xf32, #tpu.memory_space<vmem>>
      %dma_wait3A_521 = tpu.memref_squeeze %dma_wait3A_520 : memref<1x80x128xf32, #tpu.memory_space<vmem>> -> memref<80x128xf32, #tpu.memory_space<vmem>>
      %dma_wait3A_522 = arith.constant 0 : i32
      %dma_wait3A_523 = arith.constant 0 : i32
      %dma_wait3A_524 = tpu.memref_slice %arg3[%cond3A_140, %dma_wait3A_522, %dma_wait3A_523] : memref<1x100000x128xf32, #tpu.memory_space<hbm>> -> memref<1x100000x128xf32, #tpu.memory_space<hbm>>
      %dma_wait3A_525 = tpu.memref_squeeze %dma_wait3A_524 : memref<1x100000x128xf32, #tpu.memory_space<hbm>> -> memref<100000x128xf32, #tpu.memory_space<hbm>>
      %dma_wait3A_526 = arith.constant 0 : i32
      %dma_wait3A_527 = arith.constant 0 : i32
      %dma_wait3A_528 = tpu.memref_slice %dma_wait3A_525[%dma_wait3A_526, %dma_wait3A_527] : memref<100000x128xf32, #tpu.memory_space<hbm>> -> memref<80x128xf32, #tpu.memory_space<hbm>>
      %dma_wait3A_529 = arith.constant 0 : i32
      %dma_wait3A_530 = arith.constant 0 : i32
      %dma_wait3A_531 = tpu.memref_slice %arg8[%dma_wait3A_517, %dma_wait3A_529, %dma_wait3A_530] : memref<6x80x128xf32, #tpu.memory_space<vmem>> -> memref<1x80x128xf32, #tpu.memory_space<vmem>>
      %dma_wait3A_532 = tpu.memref_squeeze %dma_wait3A_531 : memref<1x80x128xf32, #tpu.memory_space<vmem>> -> memref<80x128xf32, #tpu.memory_space<vmem>>
      %dma_wait3A_533 = arith.constant 0 : i32
      %dma_wait3A_534 = arith.constant 0 : i32
      %dma_wait3A_535 = tpu.memref_slice %arg3[%cond3A_140, %dma_wait3A_533, %dma_wait3A_534] : memref<1x100000x128xf32, #tpu.memory_space<hbm>> -> memref<1x100000x128xf32, #tpu.memory_space<hbm>>
      %dma_wait3A_536 = tpu.memref_squeeze %dma_wait3A_535 : memref<1x100000x128xf32, #tpu.memory_space<hbm>> -> memref<100000x128xf32, #tpu.memory_space<hbm>>
      %dma_wait3A_537 = arith.constant 0 : i32
      %dma_wait3A_538 = arith.constant 0 : i32
      %dma_wait3A_539 = tpu.memref_slice %dma_wait3A_536[%dma_wait3A_537, %dma_wait3A_538] : memref<100000x128xf32, #tpu.memory_space<hbm>> -> memref<80x128xf32, #tpu.memory_space<hbm>>
      tpu.wait_dma2 semaphore(%arg12 : memref<!tpu.dma_semaphore, #tpu.memory_space<semaphore_mem>>) src(%dma_wait3A_539 : memref<80x128xf32, #tpu.memory_space<hbm>>) dst(%dma_wait3A_532 : memref<80x128xf32, #tpu.memory_space<vmem>>)
      %dma_wait3A_540 = arith.constant 2 : i32
      %dma_wait3A_541 = arith.constant 0 : i32
      %dma_wait3A_542 = arith.constant 0 : i32
      %dma_wait3A_543 = tpu.memref_slice %arg9[%dma_wait3A_540, %dma_wait3A_541, %dma_wait3A_542] : memref<6x80x128xf32, #tpu.memory_space<vmem>> -> memref<1x80x128xf32, #tpu.memory_space<vmem>>
      %dma_wait3A_544 = tpu.memref_squeeze %dma_wait3A_543 : memref<1x80x128xf32, #tpu.memory_space<vmem>> -> memref<80x128xf32, #tpu.memory_space<vmem>>
      %dma_wait3A_545 = arith.constant 0 : i32
      %dma_wait3A_546 = arith.constant 0 : i32
      %dma_wait3A_547 = tpu.memref_slice %arg4[%dma_wait3A_545, %dma_wait3A_546] : memref<100000x128xf32, #tpu.memory_space<hbm>> -> memref<80x128xf32, #tpu.memory_space<hbm>>
      %dma_wait3A_548 = arith.constant 0 : i32
      %dma_wait3A_549 = arith.constant 0 : i32
      %dma_wait3A_550 = tpu.memref_slice %arg9[%dma_wait3A_540, %dma_wait3A_548, %dma_wait3A_549] : memref<6x80x128xf32, #tpu.memory_space<vmem>> -> memref<1x80x128xf32, #tpu.memory_space<vmem>>
      %dma_wait3A_551 = tpu.memref_squeeze %dma_wait3A_550 : memref<1x80x128xf32, #tpu.memory_space<vmem>> -> memref<80x128xf32, #tpu.memory_space<vmem>>
      %dma_wait3A_552 = arith.constant 0 : i32
      %dma_wait3A_553 = arith.constant 0 : i32
      %dma_wait3A_554 = tpu.memref_slice %arg4[%dma_wait3A_552, %dma_wait3A_553] : memref<100000x128xf32, #tpu.memory_space<hbm>> -> memref<80x128xf32, #tpu.memory_space<hbm>>
      tpu.wait_dma2 semaphore(%arg18 : memref<!tpu.dma_semaphore, #tpu.memory_space<semaphore_mem>>) src(%dma_wait3A_554 : memref<80x128xf32, #tpu.memory_space<hbm>>) dst(%dma_wait3A_551 : memref<80x128xf32, #tpu.memory_space<vmem>>)
      %add3A_555 = arith.constant 640 : i32
      %add3A_556 = arith.addi %mul3A_8, %add3A_555 : i32
      %dma_start3A = arith.constant 2 : i32
      %dma_start3A_557 = arith.constant 0 : i32
      %dma_start3A_558 = arith.constant 0 : i32
      %dma_start3A_559 = tpu.memref_slice %arg8[%dma_start3A, %dma_start3A_557, %dma_start3A_558] : memref<6x80x128xf32, #tpu.memory_space<vmem>> -> memref<1x80x128xf32, #tpu.memory_space<vmem>>
      %dma_start3A_560 = tpu.memref_squeeze %dma_start3A_559 : memref<1x80x128xf32, #tpu.memory_space<vmem>> -> memref<80x128xf32, #tpu.memory_space<vmem>>
      %dma_start3A_561 = arith.constant 0 : i32
      %dma_start3A_562 = arith.constant 0 : i32
      %dma_start3A_563 = tpu.memref_slice %arg5[%cond3A_141, %dma_start3A_561, %dma_start3A_562] : memref<1x50000x128xf32, #tpu.memory_space<hbm>> -> memref<1x50000x128xf32, #tpu.memory_space<hbm>>
      %dma_start3A_564 = tpu.memref_squeeze %dma_start3A_563 : memref<1x50000x128xf32, #tpu.memory_space<hbm>> -> memref<50000x128xf32, #tpu.memory_space<hbm>>
      %dma_start3A_565 = arith.constant 0 : i32
      %dma_start3A_566 = tpu.memref_slice %dma_start3A_564[%add3A_556, %dma_start3A_565] : memref<50000x128xf32, #tpu.memory_space<hbm>> -> memref<80x128xf32, #tpu.memory_space<hbm>>
      %dma_start3A_567 = arith.constant 0 : i32
      %dma_start3A_568 = arith.constant 0 : i32
      %dma_start3A_569 = tpu.memref_slice %arg5[%cond3A_141, %dma_start3A_567, %dma_start3A_568] : memref<1x50000x128xf32, #tpu.memory_space<hbm>> -> memref<1x50000x128xf32, #tpu.memory_space<hbm>>
      %dma_start3A_570 = tpu.memref_squeeze %dma_start3A_569 : memref<1x50000x128xf32, #tpu.memory_space<hbm>> -> memref<50000x128xf32, #tpu.memory_space<hbm>>
      %dma_start3A_571 = arith.constant 0 : i32
      %dma_start3A_572 = tpu.memref_slice %dma_start3A_570[%add3A_556, %dma_start3A_571] : memref<50000x128xf32, #tpu.memory_space<hbm>> -> memref<80x128xf32, #tpu.memory_space<hbm>>
      %dma_start3A_573 = arith.constant 0 : i32
      %dma_start3A_574 = arith.constant 0 : i32
      %dma_start3A_575 = tpu.memref_slice %arg8[%dma_start3A, %dma_start3A_573, %dma_start3A_574] : memref<6x80x128xf32, #tpu.memory_space<vmem>> -> memref<1x80x128xf32, #tpu.memory_space<vmem>>
      %dma_start3A_576 = tpu.memref_squeeze %dma_start3A_575 : memref<1x80x128xf32, #tpu.memory_space<vmem>> -> memref<80x128xf32, #tpu.memory_space<vmem>>
      tpu.enqueue_dma source(%dma_start3A_576 : memref<80x128xf32, #tpu.memory_space<vmem>>) target(%dma_start3A_572 : memref<80x128xf32, #tpu.memory_space<hbm>>) target_semaphore(%arg24 : memref<!tpu.dma_semaphore, #tpu.memory_space<semaphore_mem>>)
      %dma_start3A_577 = arith.constant 2 : i32
      %dma_start3A_578 = arith.constant 0 : i32
      %dma_start3A_579 = arith.constant 0 : i32
      %dma_start3A_580 = tpu.memref_slice %arg9[%dma_start3A_577, %dma_start3A_578, %dma_start3A_579] : memref<6x80x128xf32, #tpu.memory_space<vmem>> -> memref<1x80x128xf32, #tpu.memory_space<vmem>>
      %dma_start3A_581 = tpu.memref_squeeze %dma_start3A_580 : memref<1x80x128xf32, #tpu.memory_space<vmem>> -> memref<80x128xf32, #tpu.memory_space<vmem>>
      %dma_start3A_582 = arith.constant 0 : i32
      %dma_start3A_583 = tpu.memref_slice %arg6[%add3A_556, %dma_start3A_582] : memref<50000x128xf32, #tpu.memory_space<hbm>> -> memref<80x128xf32, #tpu.memory_space<hbm>>
      %dma_start3A_584 = arith.constant 0 : i32
      %dma_start3A_585 = tpu.memref_slice %arg6[%add3A_556, %dma_start3A_584] : memref<50000x128xf32, #tpu.memory_space<hbm>> -> memref<80x128xf32, #tpu.memory_space<hbm>>
      %dma_start3A_586 = arith.constant 0 : i32
      %dma_start3A_587 = arith.constant 0 : i32
      %dma_start3A_588 = tpu.memref_slice %arg9[%dma_start3A_577, %dma_start3A_586, %dma_start3A_587] : memref<6x80x128xf32, #tpu.memory_space<vmem>> -> memref<1x80x128xf32, #tpu.memory_space<vmem>>
      %dma_start3A_589 = tpu.memref_squeeze %dma_start3A_588 : memref<1x80x128xf32, #tpu.memory_space<vmem>> -> memref<80x128xf32, #tpu.memory_space<vmem>>
      tpu.enqueue_dma source(%dma_start3A_589 : memref<80x128xf32, #tpu.memory_space<vmem>>) target(%dma_start3A_585 : memref<80x128xf32, #tpu.memory_space<hbm>>) target_semaphore(%arg30 : memref<!tpu.dma_semaphore, #tpu.memory_space<semaphore_mem>>)
    } else {
    }
    %gt3A_144 = arith.constant 11 : i32
    %gt3A_145 = arith.cmpi sgt, %select_n3A, %gt3A_144 : i32
    %convert_element_type3A_146 = arith.extui %gt3A_145 : i1 to i32
    %cond3A_147 = arith.constant 0 : i32
    %cond3A_148 = arith.constant 0 : i32
    %cond3A_149 = arith.constant 0 : i32
    %cond3A_150 = arith.cmpi ne, %convert_element_type3A_146, %cond3A_149 : i32
    scf.if %cond3A_150 {
      %dma_wait3A_517 = arith.constant 5 : i32
      %dma_wait3A_518 = arith.constant 0 : i32
      %dma_wait3A_519 = arith.constant 0 : i32
      %dma_wait3A_520 = tpu.memref_slice %arg8[%dma_wait3A_517, %dma_wait3A_518, %dma_wait3A_519] : memref<6x80x128xf32, #tpu.memory_space<vmem>> -> memref<1x80x128xf32, #tpu.memory_space<vmem>>
      %dma_wait3A_521 = tpu.memref_squeeze %dma_wait3A_520 : memref<1x80x128xf32, #tpu.memory_space<vmem>> -> memref<80x128xf32, #tpu.memory_space<vmem>>
      %dma_wait3A_522 = arith.constant 0 : i32
      %dma_wait3A_523 = arith.constant 0 : i32
      %dma_wait3A_524 = tpu.memref_slice %arg5[%cond3A_147, %dma_wait3A_522, %dma_wait3A_523] : memref<1x50000x128xf32, #tpu.memory_space<hbm>> -> memref<1x50000x128xf32, #tpu.memory_space<hbm>>
      %dma_wait3A_525 = tpu.memref_squeeze %dma_wait3A_524 : memref<1x50000x128xf32, #tpu.memory_space<hbm>> -> memref<50000x128xf32, #tpu.memory_space<hbm>>
      %dma_wait3A_526 = arith.constant 0 : i32
      %dma_wait3A_527 = arith.constant 0 : i32
      %dma_wait3A_528 = tpu.memref_slice %dma_wait3A_525[%dma_wait3A_526, %dma_wait3A_527] : memref<50000x128xf32, #tpu.memory_space<hbm>> -> memref<80x128xf32, #tpu.memory_space<hbm>>
      %dma_wait3A_529 = arith.constant 0 : i32
      %dma_wait3A_530 = arith.constant 0 : i32
      %dma_wait3A_531 = tpu.memref_slice %arg5[%cond3A_147, %dma_wait3A_529, %dma_wait3A_530] : memref<1x50000x128xf32, #tpu.memory_space<hbm>> -> memref<1x50000x128xf32, #tpu.memory_space<hbm>>
      %dma_wait3A_532 = tpu.memref_squeeze %dma_wait3A_531 : memref<1x50000x128xf32, #tpu.memory_space<hbm>> -> memref<50000x128xf32, #tpu.memory_space<hbm>>
      %dma_wait3A_533 = arith.constant 0 : i32
      %dma_wait3A_534 = arith.constant 0 : i32
      %dma_wait3A_535 = tpu.memref_slice %dma_wait3A_532[%dma_wait3A_533, %dma_wait3A_534] : memref<50000x128xf32, #tpu.memory_space<hbm>> -> memref<80x128xf32, #tpu.memory_space<hbm>>
      %dma_wait3A_536 = arith.constant 0 : i32
      %dma_wait3A_537 = arith.constant 0 : i32
      %dma_wait3A_538 = tpu.memref_slice %arg8[%dma_wait3A_517, %dma_wait3A_536, %dma_wait3A_537] : memref<6x80x128xf32, #tpu.memory_space<vmem>> -> memref<1x80x128xf32, #tpu.memory_space<vmem>>
      %dma_wait3A_539 = tpu.memref_squeeze %dma_wait3A_538 : memref<1x80x128xf32, #tpu.memory_space<vmem>> -> memref<80x128xf32, #tpu.memory_space<vmem>>
      tpu.wait_dma2 semaphore(%arg27 : memref<!tpu.dma_semaphore, #tpu.memory_space<semaphore_mem>>) src(%dma_wait3A_539 : memref<80x128xf32, #tpu.memory_space<vmem>>) dst(%dma_wait3A_535 : memref<80x128xf32, #tpu.memory_space<hbm>>)
      %dma_wait3A_540 = arith.constant 5 : i32
      %dma_wait3A_541 = arith.constant 0 : i32
      %dma_wait3A_542 = arith.constant 0 : i32
      %dma_wait3A_543 = tpu.memref_slice %arg9[%dma_wait3A_540, %dma_wait3A_541, %dma_wait3A_542] : memref<6x80x128xf32, #tpu.memory_space<vmem>> -> memref<1x80x128xf32, #tpu.memory_space<vmem>>
      %dma_wait3A_544 = tpu.memref_squeeze %dma_wait3A_543 : memref<1x80x128xf32, #tpu.memory_space<vmem>> -> memref<80x128xf32, #tpu.memory_space<vmem>>
      %dma_wait3A_545 = arith.constant 0 : i32
      %dma_wait3A_546 = arith.constant 0 : i32
      %dma_wait3A_547 = tpu.memref_slice %arg6[%dma_wait3A_545, %dma_wait3A_546] : memref<50000x128xf32, #tpu.memory_space<hbm>> -> memref<80x128xf32, #tpu.memory_space<hbm>>
      %dma_wait3A_548 = arith.constant 0 : i32
      %dma_wait3A_549 = arith.constant 0 : i32
      %dma_wait3A_550 = tpu.memref_slice %arg6[%dma_wait3A_548, %dma_wait3A_549] : memref<50000x128xf32, #tpu.memory_space<hbm>> -> memref<80x128xf32, #tpu.memory_space<hbm>>
      %dma_wait3A_551 = arith.constant 0 : i32
      %dma_wait3A_552 = arith.constant 0 : i32
      %dma_wait3A_553 = tpu.memref_slice %arg9[%dma_wait3A_540, %dma_wait3A_551, %dma_wait3A_552] : memref<6x80x128xf32, #tpu.memory_space<vmem>> -> memref<1x80x128xf32, #tpu.memory_space<vmem>>
      %dma_wait3A_554 = tpu.memref_squeeze %dma_wait3A_553 : memref<1x80x128xf32, #tpu.memory_space<vmem>> -> memref<80x128xf32, #tpu.memory_space<vmem>>
      tpu.wait_dma2 semaphore(%arg33 : memref<!tpu.dma_semaphore, #tpu.memory_space<semaphore_mem>>) src(%dma_wait3A_554 : memref<80x128xf32, #tpu.memory_space<vmem>>) dst(%dma_wait3A_550 : memref<80x128xf32, #tpu.memory_space<hbm>>)
      %dma_start3A = arith.constant 5 : i32
      %dma_start3A_555 = arith.constant 0 : i32
      %dma_start3A_556 = arith.constant 0 : i32
      %dma_start3A_557 = tpu.memref_slice %arg8[%dma_start3A, %dma_start3A_555, %dma_start3A_556] : memref<6x80x128xf32, #tpu.memory_space<vmem>> -> memref<1x80x128xf32, #tpu.memory_space<vmem>>
      %dma_start3A_558 = tpu.memref_squeeze %dma_start3A_557 : memref<1x80x128xf32, #tpu.memory_space<vmem>> -> memref<80x128xf32, #tpu.memory_space<vmem>>
      %dma_start3A_559 = arith.constant 880 : i32
      %dma_start3A_560 = tpu.memref_slice %arg7[%dma_start3A_559] : memref<1600xi32, #tpu.memory_space<vmem>> -> memref<80xi32, #tpu.memory_space<vmem>>
      %dma_start3A_561 = arith.constant 0 : i32
      %dma_start3A_562 = arith.constant 0 : i32
      %dma_start3A_563 = tpu.memref_slice %arg3[%cond3A_148, %dma_start3A_561, %dma_start3A_562] : memref<1x100000x128xf32, #tpu.memory_space<hbm>> -> memref<1x100000x128xf32, #tpu.memory_space<hbm>>
      %dma_start3A_564 = tpu.memref_squeeze %dma_start3A_563 : memref<1x100000x128xf32, #tpu.memory_space<hbm>> -> memref<100000x128xf32, #tpu.memory_space<hbm>>
      %dma_start3A_565 = arith.constant 0 : i32
      %dma_start3A_566 = arith.constant 0 : i32
      %dma_start3A_567 = tpu.memref_slice %dma_start3A_564[%dma_start3A_565, %dma_start3A_566] : memref<100000x128xf32, #tpu.memory_space<hbm>> -> memref<100000x128xf32, #tpu.memory_space<hbm>>
      tpu.enqueue_indirect_dma source(%dma_start3A_567 : memref<100000x128xf32, #tpu.memory_space<hbm>>) target(%dma_start3A_558 : memref<80x128xf32, #tpu.memory_space<vmem>>) offsets(%dma_start3A_560 : memref<80xi32, #tpu.memory_space<vmem>>) semaphore(%arg15 : memref<!tpu.dma_semaphore, #tpu.memory_space<semaphore_mem>>)
      %dma_start3A_568 = arith.constant 5 : i32
      %dma_start3A_569 = arith.constant 0 : i32
      %dma_start3A_570 = arith.constant 0 : i32
      %dma_start3A_571 = tpu.memref_slice %arg9[%dma_start3A_568, %dma_start3A_569, %dma_start3A_570] : memref<6x80x128xf32, #tpu.memory_space<vmem>> -> memref<1x80x128xf32, #tpu.memory_space<vmem>>
      %dma_start3A_572 = tpu.memref_squeeze %dma_start3A_571 : memref<1x80x128xf32, #tpu.memory_space<vmem>> -> memref<80x128xf32, #tpu.memory_space<vmem>>
      %dma_start3A_573 = arith.constant 880 : i32
      %dma_start3A_574 = tpu.memref_slice %arg7[%dma_start3A_573] : memref<1600xi32, #tpu.memory_space<vmem>> -> memref<80xi32, #tpu.memory_space<vmem>>
      %dma_start3A_575 = arith.constant 0 : i32
      %dma_start3A_576 = arith.constant 0 : i32
      %dma_start3A_577 = tpu.memref_slice %arg4[%dma_start3A_575, %dma_start3A_576] : memref<100000x128xf32, #tpu.memory_space<hbm>> -> memref<100000x128xf32, #tpu.memory_space<hbm>>
      tpu.enqueue_indirect_dma source(%dma_start3A_577 : memref<100000x128xf32, #tpu.memory_space<hbm>>) target(%dma_start3A_572 : memref<80x128xf32, #tpu.memory_space<vmem>>) offsets(%dma_start3A_574 : memref<80xi32, #tpu.memory_space<vmem>>) semaphore(%arg21 : memref<!tpu.dma_semaphore, #tpu.memory_space<semaphore_mem>>)
    } else {
    }
    %gt3A_151 = arith.constant 9 : i32
    %gt3A_152 = arith.cmpi sgt, %select_n3A, %gt3A_151 : i32
    %convert_element_type3A_153 = arith.extui %gt3A_152 : i1 to i32
    %cond3A_154 = arith.constant 0 : i32
    %cond3A_155 = arith.constant 0 : i32
    %cond3A_156 = arith.constant 0 : i32
    %cond3A_157 = arith.cmpi ne, %convert_element_type3A_153, %cond3A_156 : i32
    scf.if %cond3A_157 {
      %dma_wait3A_517 = arith.constant 3 : i32
      %dma_wait3A_518 = arith.constant 0 : i32
      %dma_wait3A_519 = arith.constant 0 : i32
      %dma_wait3A_520 = tpu.memref_slice %arg8[%dma_wait3A_517, %dma_wait3A_518, %dma_wait3A_519] : memref<6x80x128xf32, #tpu.memory_space<vmem>> -> memref<1x80x128xf32, #tpu.memory_space<vmem>>
      %dma_wait3A_521 = tpu.memref_squeeze %dma_wait3A_520 : memref<1x80x128xf32, #tpu.memory_space<vmem>> -> memref<80x128xf32, #tpu.memory_space<vmem>>
      %dma_wait3A_522 = arith.constant 0 : i32
      %dma_wait3A_523 = arith.constant 0 : i32
      %dma_wait3A_524 = tpu.memref_slice %arg3[%cond3A_154, %dma_wait3A_522, %dma_wait3A_523] : memref<1x100000x128xf32, #tpu.memory_space<hbm>> -> memref<1x100000x128xf32, #tpu.memory_space<hbm>>
      %dma_wait3A_525 = tpu.memref_squeeze %dma_wait3A_524 : memref<1x100000x128xf32, #tpu.memory_space<hbm>> -> memref<100000x128xf32, #tpu.memory_space<hbm>>
      %dma_wait3A_526 = arith.constant 0 : i32
      %dma_wait3A_527 = arith.constant 0 : i32
      %dma_wait3A_528 = tpu.memref_slice %dma_wait3A_525[%dma_wait3A_526, %dma_wait3A_527] : memref<100000x128xf32, #tpu.memory_space<hbm>> -> memref<80x128xf32, #tpu.memory_space<hbm>>
      %dma_wait3A_529 = arith.constant 0 : i32
      %dma_wait3A_530 = arith.constant 0 : i32
      %dma_wait3A_531 = tpu.memref_slice %arg8[%dma_wait3A_517, %dma_wait3A_529, %dma_wait3A_530] : memref<6x80x128xf32, #tpu.memory_space<vmem>> -> memref<1x80x128xf32, #tpu.memory_space<vmem>>
      %dma_wait3A_532 = tpu.memref_squeeze %dma_wait3A_531 : memref<1x80x128xf32, #tpu.memory_space<vmem>> -> memref<80x128xf32, #tpu.memory_space<vmem>>
      %dma_wait3A_533 = arith.constant 0 : i32
      %dma_wait3A_534 = arith.constant 0 : i32
      %dma_wait3A_535 = tpu.memref_slice %arg3[%cond3A_154, %dma_wait3A_533, %dma_wait3A_534] : memref<1x100000x128xf32, #tpu.memory_space<hbm>> -> memref<1x100000x128xf32, #tpu.memory_space<hbm>>
      %dma_wait3A_536 = tpu.memref_squeeze %dma_wait3A_535 : memref<1x100000x128xf32, #tpu.memory_space<hbm>> -> memref<100000x128xf32, #tpu.memory_space<hbm>>
      %dma_wait3A_537 = arith.constant 0 : i32
      %dma_wait3A_538 = arith.constant 0 : i32
      %dma_wait3A_539 = tpu.memref_slice %dma_wait3A_536[%dma_wait3A_537, %dma_wait3A_538] : memref<100000x128xf32, #tpu.memory_space<hbm>> -> memref<80x128xf32, #tpu.memory_space<hbm>>
      tpu.wait_dma2 semaphore(%arg13 : memref<!tpu.dma_semaphore, #tpu.memory_space<semaphore_mem>>) src(%dma_wait3A_539 : memref<80x128xf32, #tpu.memory_space<hbm>>) dst(%dma_wait3A_532 : memref<80x128xf32, #tpu.memory_space<vmem>>)
      %dma_wait3A_540 = arith.constant 3 : i32
      %dma_wait3A_541 = arith.constant 0 : i32
      %dma_wait3A_542 = arith.constant 0 : i32
      %dma_wait3A_543 = tpu.memref_slice %arg9[%dma_wait3A_540, %dma_wait3A_541, %dma_wait3A_542] : memref<6x80x128xf32, #tpu.memory_space<vmem>> -> memref<1x80x128xf32, #tpu.memory_space<vmem>>
      %dma_wait3A_544 = tpu.memref_squeeze %dma_wait3A_543 : memref<1x80x128xf32, #tpu.memory_space<vmem>> -> memref<80x128xf32, #tpu.memory_space<vmem>>
      %dma_wait3A_545 = arith.constant 0 : i32
      %dma_wait3A_546 = arith.constant 0 : i32
      %dma_wait3A_547 = tpu.memref_slice %arg4[%dma_wait3A_545, %dma_wait3A_546] : memref<100000x128xf32, #tpu.memory_space<hbm>> -> memref<80x128xf32, #tpu.memory_space<hbm>>
      %dma_wait3A_548 = arith.constant 0 : i32
      %dma_wait3A_549 = arith.constant 0 : i32
      %dma_wait3A_550 = tpu.memref_slice %arg9[%dma_wait3A_540, %dma_wait3A_548, %dma_wait3A_549] : memref<6x80x128xf32, #tpu.memory_space<vmem>> -> memref<1x80x128xf32, #tpu.memory_space<vmem>>
      %dma_wait3A_551 = tpu.memref_squeeze %dma_wait3A_550 : memref<1x80x128xf32, #tpu.memory_space<vmem>> -> memref<80x128xf32, #tpu.memory_space<vmem>>
      %dma_wait3A_552 = arith.constant 0 : i32
      %dma_wait3A_553 = arith.constant 0 : i32
      %dma_wait3A_554 = tpu.memref_slice %arg4[%dma_wait3A_552, %dma_wait3A_553] : memref<100000x128xf32, #tpu.memory_space<hbm>> -> memref<80x128xf32, #tpu.memory_space<hbm>>
      tpu.wait_dma2 semaphore(%arg19 : memref<!tpu.dma_semaphore, #tpu.memory_space<semaphore_mem>>) src(%dma_wait3A_554 : memref<80x128xf32, #tpu.memory_space<hbm>>) dst(%dma_wait3A_551 : memref<80x128xf32, #tpu.memory_space<vmem>>)
      %add3A_555 = arith.constant 720 : i32
      %add3A_556 = arith.addi %mul3A_8, %add3A_555 : i32
      %dma_start3A = arith.constant 3 : i32
      %dma_start3A_557 = arith.constant 0 : i32
      %dma_start3A_558 = arith.constant 0 : i32
      %dma_start3A_559 = tpu.memref_slice %arg8[%dma_start3A, %dma_start3A_557, %dma_start3A_558] : memref<6x80x128xf32, #tpu.memory_space<vmem>> -> memref<1x80x128xf32, #tpu.memory_space<vmem>>
      %dma_start3A_560 = tpu.memref_squeeze %dma_start3A_559 : memref<1x80x128xf32, #tpu.memory_space<vmem>> -> memref<80x128xf32, #tpu.memory_space<vmem>>
      %dma_start3A_561 = arith.constant 0 : i32
      %dma_start3A_562 = arith.constant 0 : i32
      %dma_start3A_563 = tpu.memref_slice %arg5[%cond3A_155, %dma_start3A_561, %dma_start3A_562] : memref<1x50000x128xf32, #tpu.memory_space<hbm>> -> memref<1x50000x128xf32, #tpu.memory_space<hbm>>
      %dma_start3A_564 = tpu.memref_squeeze %dma_start3A_563 : memref<1x50000x128xf32, #tpu.memory_space<hbm>> -> memref<50000x128xf32, #tpu.memory_space<hbm>>
      %dma_start3A_565 = arith.constant 0 : i32
      %dma_start3A_566 = tpu.memref_slice %dma_start3A_564[%add3A_556, %dma_start3A_565] : memref<50000x128xf32, #tpu.memory_space<hbm>> -> memref<80x128xf32, #tpu.memory_space<hbm>>
      %dma_start3A_567 = arith.constant 0 : i32
      %dma_start3A_568 = arith.constant 0 : i32
      %dma_start3A_569 = tpu.memref_slice %arg5[%cond3A_155, %dma_start3A_567, %dma_start3A_568] : memref<1x50000x128xf32, #tpu.memory_space<hbm>> -> memref<1x50000x128xf32, #tpu.memory_space<hbm>>
      %dma_start3A_570 = tpu.memref_squeeze %dma_start3A_569 : memref<1x50000x128xf32, #tpu.memory_space<hbm>> -> memref<50000x128xf32, #tpu.memory_space<hbm>>
      %dma_start3A_571 = arith.constant 0 : i32
      %dma_start3A_572 = tpu.memref_slice %dma_start3A_570[%add3A_556, %dma_start3A_571] : memref<50000x128xf32, #tpu.memory_space<hbm>> -> memref<80x128xf32, #tpu.memory_space<hbm>>
      %dma_start3A_573 = arith.constant 0 : i32
      %dma_start3A_574 = arith.constant 0 : i32
      %dma_start3A_575 = tpu.memref_slice %arg8[%dma_start3A, %dma_start3A_573, %dma_start3A_574] : memref<6x80x128xf32, #tpu.memory_space<vmem>> -> memref<1x80x128xf32, #tpu.memory_space<vmem>>
      %dma_start3A_576 = tpu.memref_squeeze %dma_start3A_575 : memref<1x80x128xf32, #tpu.memory_space<vmem>> -> memref<80x128xf32, #tpu.memory_space<vmem>>
      tpu.enqueue_dma source(%dma_start3A_576 : memref<80x128xf32, #tpu.memory_space<vmem>>) target(%dma_start3A_572 : memref<80x128xf32, #tpu.memory_space<hbm>>) target_semaphore(%arg25 : memref<!tpu.dma_semaphore, #tpu.memory_space<semaphore_mem>>)
      %dma_start3A_577 = arith.constant 3 : i32
      %dma_start3A_578 = arith.constant 0 : i32
      %dma_start3A_579 = arith.constant 0 : i32
      %dma_start3A_580 = tpu.memref_slice %arg9[%dma_start3A_577, %dma_start3A_578, %dma_start3A_579] : memref<6x80x128xf32, #tpu.memory_space<vmem>> -> memref<1x80x128xf32, #tpu.memory_space<vmem>>
      %dma_start3A_581 = tpu.memref_squeeze %dma_start3A_580 : memref<1x80x128xf32, #tpu.memory_space<vmem>> -> memref<80x128xf32, #tpu.memory_space<vmem>>
      %dma_start3A_582 = arith.constant 0 : i32
      %dma_start3A_583 = tpu.memref_slice %arg6[%add3A_556, %dma_start3A_582] : memref<50000x128xf32, #tpu.memory_space<hbm>> -> memref<80x128xf32, #tpu.memory_space<hbm>>
      %dma_start3A_584 = arith.constant 0 : i32
      %dma_start3A_585 = tpu.memref_slice %arg6[%add3A_556, %dma_start3A_584] : memref<50000x128xf32, #tpu.memory_space<hbm>> -> memref<80x128xf32, #tpu.memory_space<hbm>>
      %dma_start3A_586 = arith.constant 0 : i32
      %dma_start3A_587 = arith.constant 0 : i32
      %dma_start3A_588 = tpu.memref_slice %arg9[%dma_start3A_577, %dma_start3A_586, %dma_start3A_587] : memref<6x80x128xf32, #tpu.memory_space<vmem>> -> memref<1x80x128xf32, #tpu.memory_space<vmem>>
      %dma_start3A_589 = tpu.memref_squeeze %dma_start3A_588 : memref<1x80x128xf32, #tpu.memory_space<vmem>> -> memref<80x128xf32, #tpu.memory_space<vmem>>
      tpu.enqueue_dma source(%dma_start3A_589 : memref<80x128xf32, #tpu.memory_space<vmem>>) target(%dma_start3A_585 : memref<80x128xf32, #tpu.memory_space<hbm>>) target_semaphore(%arg31 : memref<!tpu.dma_semaphore, #tpu.memory_space<semaphore_mem>>)
    } else {
    }
    %gt3A_158 = arith.constant 12 : i32
    %gt3A_159 = arith.cmpi sgt, %select_n3A, %gt3A_158 : i32
    %convert_element_type3A_160 = arith.extui %gt3A_159 : i1 to i32
    %cond3A_161 = arith.constant 0 : i32
    %cond3A_162 = arith.constant 0 : i32
    %cond3A_163 = arith.constant 0 : i32
    %cond3A_164 = arith.cmpi ne, %convert_element_type3A_160, %cond3A_163 : i32
    scf.if %cond3A_164 {
      %dma_wait3A_517 = arith.constant 0 : i32
      %dma_wait3A_518 = arith.constant 0 : i32
      %dma_wait3A_519 = arith.constant 0 : i32
      %dma_wait3A_520 = tpu.memref_slice %arg8[%dma_wait3A_517, %dma_wait3A_518, %dma_wait3A_519] : memref<6x80x128xf32, #tpu.memory_space<vmem>> -> memref<1x80x128xf32, #tpu.memory_space<vmem>>
      %dma_wait3A_521 = tpu.memref_squeeze %dma_wait3A_520 : memref<1x80x128xf32, #tpu.memory_space<vmem>> -> memref<80x128xf32, #tpu.memory_space<vmem>>
      %dma_wait3A_522 = arith.constant 0 : i32
      %dma_wait3A_523 = arith.constant 0 : i32
      %dma_wait3A_524 = tpu.memref_slice %arg5[%cond3A_161, %dma_wait3A_522, %dma_wait3A_523] : memref<1x50000x128xf32, #tpu.memory_space<hbm>> -> memref<1x50000x128xf32, #tpu.memory_space<hbm>>
      %dma_wait3A_525 = tpu.memref_squeeze %dma_wait3A_524 : memref<1x50000x128xf32, #tpu.memory_space<hbm>> -> memref<50000x128xf32, #tpu.memory_space<hbm>>
      %dma_wait3A_526 = arith.constant 0 : i32
      %dma_wait3A_527 = arith.constant 0 : i32
      %dma_wait3A_528 = tpu.memref_slice %dma_wait3A_525[%dma_wait3A_526, %dma_wait3A_527] : memref<50000x128xf32, #tpu.memory_space<hbm>> -> memref<80x128xf32, #tpu.memory_space<hbm>>
      %dma_wait3A_529 = arith.constant 0 : i32
      %dma_wait3A_530 = arith.constant 0 : i32
      %dma_wait3A_531 = tpu.memref_slice %arg5[%cond3A_161, %dma_wait3A_529, %dma_wait3A_530] : memref<1x50000x128xf32, #tpu.memory_space<hbm>> -> memref<1x50000x128xf32, #tpu.memory_space<hbm>>
      %dma_wait3A_532 = tpu.memref_squeeze %dma_wait3A_531 : memref<1x50000x128xf32, #tpu.memory_space<hbm>> -> memref<50000x128xf32, #tpu.memory_space<hbm>>
      %dma_wait3A_533 = arith.constant 0 : i32
      %dma_wait3A_534 = arith.constant 0 : i32
      %dma_wait3A_535 = tpu.memref_slice %dma_wait3A_532[%dma_wait3A_533, %dma_wait3A_534] : memref<50000x128xf32, #tpu.memory_space<hbm>> -> memref<80x128xf32, #tpu.memory_space<hbm>>
      %dma_wait3A_536 = arith.constant 0 : i32
      %dma_wait3A_537 = arith.constant 0 : i32
      %dma_wait3A_538 = tpu.memref_slice %arg8[%dma_wait3A_517, %dma_wait3A_536, %dma_wait3A_537] : memref<6x80x128xf32, #tpu.memory_space<vmem>> -> memref<1x80x128xf32, #tpu.memory_space<vmem>>
      %dma_wait3A_539 = tpu.memref_squeeze %dma_wait3A_538 : memref<1x80x128xf32, #tpu.memory_space<vmem>> -> memref<80x128xf32, #tpu.memory_space<vmem>>
      tpu.wait_dma2 semaphore(%arg22 : memref<!tpu.dma_semaphore, #tpu.memory_space<semaphore_mem>>) src(%dma_wait3A_539 : memref<80x128xf32, #tpu.memory_space<vmem>>) dst(%dma_wait3A_535 : memref<80x128xf32, #tpu.memory_space<hbm>>)
      %dma_wait3A_540 = arith.constant 0 : i32
      %dma_wait3A_541 = arith.constant 0 : i32
      %dma_wait3A_542 = arith.constant 0 : i32
      %dma_wait3A_543 = tpu.memref_slice %arg9[%dma_wait3A_540, %dma_wait3A_541, %dma_wait3A_542] : memref<6x80x128xf32, #tpu.memory_space<vmem>> -> memref<1x80x128xf32, #tpu.memory_space<vmem>>
      %dma_wait3A_544 = tpu.memref_squeeze %dma_wait3A_543 : memref<1x80x128xf32, #tpu.memory_space<vmem>> -> memref<80x128xf32, #tpu.memory_space<vmem>>
      %dma_wait3A_545 = arith.constant 0 : i32
      %dma_wait3A_546 = arith.constant 0 : i32
      %dma_wait3A_547 = tpu.memref_slice %arg6[%dma_wait3A_545, %dma_wait3A_546] : memref<50000x128xf32, #tpu.memory_space<hbm>> -> memref<80x128xf32, #tpu.memory_space<hbm>>
      %dma_wait3A_548 = arith.constant 0 : i32
      %dma_wait3A_549 = arith.constant 0 : i32
      %dma_wait3A_550 = tpu.memref_slice %arg6[%dma_wait3A_548, %dma_wait3A_549] : memref<50000x128xf32, #tpu.memory_space<hbm>> -> memref<80x128xf32, #tpu.memory_space<hbm>>
      %dma_wait3A_551 = arith.constant 0 : i32
      %dma_wait3A_552 = arith.constant 0 : i32
      %dma_wait3A_553 = tpu.memref_slice %arg9[%dma_wait3A_540, %dma_wait3A_551, %dma_wait3A_552] : memref<6x80x128xf32, #tpu.memory_space<vmem>> -> memref<1x80x128xf32, #tpu.memory_space<vmem>>
      %dma_wait3A_554 = tpu.memref_squeeze %dma_wait3A_553 : memref<1x80x128xf32, #tpu.memory_space<vmem>> -> memref<80x128xf32, #tpu.memory_space<vmem>>
      tpu.wait_dma2 semaphore(%arg28 : memref<!tpu.dma_semaphore, #tpu.memory_space<semaphore_mem>>) src(%dma_wait3A_554 : memref<80x128xf32, #tpu.memory_space<vmem>>) dst(%dma_wait3A_550 : memref<80x128xf32, #tpu.memory_space<hbm>>)
      %dma_start3A = arith.constant 0 : i32
      %dma_start3A_555 = arith.constant 0 : i32
      %dma_start3A_556 = arith.constant 0 : i32
      %dma_start3A_557 = tpu.memref_slice %arg8[%dma_start3A, %dma_start3A_555, %dma_start3A_556] : memref<6x80x128xf32, #tpu.memory_space<vmem>> -> memref<1x80x128xf32, #tpu.memory_space<vmem>>
      %dma_start3A_558 = tpu.memref_squeeze %dma_start3A_557 : memref<1x80x128xf32, #tpu.memory_space<vmem>> -> memref<80x128xf32, #tpu.memory_space<vmem>>
      %dma_start3A_559 = arith.constant 960 : i32
      %dma_start3A_560 = tpu.memref_slice %arg7[%dma_start3A_559] : memref<1600xi32, #tpu.memory_space<vmem>> -> memref<80xi32, #tpu.memory_space<vmem>>
      %dma_start3A_561 = arith.constant 0 : i32
      %dma_start3A_562 = arith.constant 0 : i32
      %dma_start3A_563 = tpu.memref_slice %arg3[%cond3A_162, %dma_start3A_561, %dma_start3A_562] : memref<1x100000x128xf32, #tpu.memory_space<hbm>> -> memref<1x100000x128xf32, #tpu.memory_space<hbm>>
      %dma_start3A_564 = tpu.memref_squeeze %dma_start3A_563 : memref<1x100000x128xf32, #tpu.memory_space<hbm>> -> memref<100000x128xf32, #tpu.memory_space<hbm>>
      %dma_start3A_565 = arith.constant 0 : i32
      %dma_start3A_566 = arith.constant 0 : i32
      %dma_start3A_567 = tpu.memref_slice %dma_start3A_564[%dma_start3A_565, %dma_start3A_566] : memref<100000x128xf32, #tpu.memory_space<hbm>> -> memref<100000x128xf32, #tpu.memory_space<hbm>>
      tpu.enqueue_indirect_dma source(%dma_start3A_567 : memref<100000x128xf32, #tpu.memory_space<hbm>>) target(%dma_start3A_558 : memref<80x128xf32, #tpu.memory_space<vmem>>) offsets(%dma_start3A_560 : memref<80xi32, #tpu.memory_space<vmem>>) semaphore(%arg10 : memref<!tpu.dma_semaphore, #tpu.memory_space<semaphore_mem>>)
      %dma_start3A_568 = arith.constant 0 : i32
      %dma_start3A_569 = arith.constant 0 : i32
      %dma_start3A_570 = arith.constant 0 : i32
      %dma_start3A_571 = tpu.memref_slice %arg9[%dma_start3A_568, %dma_start3A_569, %dma_start3A_570] : memref<6x80x128xf32, #tpu.memory_space<vmem>> -> memref<1x80x128xf32, #tpu.memory_space<vmem>>
      %dma_start3A_572 = tpu.memref_squeeze %dma_start3A_571 : memref<1x80x128xf32, #tpu.memory_space<vmem>> -> memref<80x128xf32, #tpu.memory_space<vmem>>
      %dma_start3A_573 = arith.constant 960 : i32
      %dma_start3A_574 = tpu.memref_slice %arg7[%dma_start3A_573] : memref<1600xi32, #tpu.memory_space<vmem>> -> memref<80xi32, #tpu.memory_space<vmem>>
      %dma_start3A_575 = arith.constant 0 : i32
      %dma_start3A_576 = arith.constant 0 : i32
      %dma_start3A_577 = tpu.memref_slice %arg4[%dma_start3A_575, %dma_start3A_576] : memref<100000x128xf32, #tpu.memory_space<hbm>> -> memref<100000x128xf32, #tpu.memory_space<hbm>>
      tpu.enqueue_indirect_dma source(%dma_start3A_577 : memref<100000x128xf32, #tpu.memory_space<hbm>>) target(%dma_start3A_572 : memref<80x128xf32, #tpu.memory_space<vmem>>) offsets(%dma_start3A_574 : memref<80xi32, #tpu.memory_space<vmem>>) semaphore(%arg16 : memref<!tpu.dma_semaphore, #tpu.memory_space<semaphore_mem>>)
    } else {
    }
    %gt3A_165 = arith.constant 10 : i32
    %gt3A_166 = arith.cmpi sgt, %select_n3A, %gt3A_165 : i32
    %convert_element_type3A_167 = arith.extui %gt3A_166 : i1 to i32
    %cond3A_168 = arith.constant 0 : i32
    %cond3A_169 = arith.constant 0 : i32
    %cond3A_170 = arith.constant 0 : i32
    %cond3A_171 = arith.cmpi ne, %convert_element_type3A_167, %cond3A_170 : i32
    scf.if %cond3A_171 {
      %dma_wait3A_517 = arith.constant 4 : i32
      %dma_wait3A_518 = arith.constant 0 : i32
      %dma_wait3A_519 = arith.constant 0 : i32
      %dma_wait3A_520 = tpu.memref_slice %arg8[%dma_wait3A_517, %dma_wait3A_518, %dma_wait3A_519] : memref<6x80x128xf32, #tpu.memory_space<vmem>> -> memref<1x80x128xf32, #tpu.memory_space<vmem>>
      %dma_wait3A_521 = tpu.memref_squeeze %dma_wait3A_520 : memref<1x80x128xf32, #tpu.memory_space<vmem>> -> memref<80x128xf32, #tpu.memory_space<vmem>>
      %dma_wait3A_522 = arith.constant 0 : i32
      %dma_wait3A_523 = arith.constant 0 : i32
      %dma_wait3A_524 = tpu.memref_slice %arg3[%cond3A_168, %dma_wait3A_522, %dma_wait3A_523] : memref<1x100000x128xf32, #tpu.memory_space<hbm>> -> memref<1x100000x128xf32, #tpu.memory_space<hbm>>
      %dma_wait3A_525 = tpu.memref_squeeze %dma_wait3A_524 : memref<1x100000x128xf32, #tpu.memory_space<hbm>> -> memref<100000x128xf32, #tpu.memory_space<hbm>>
      %dma_wait3A_526 = arith.constant 0 : i32
      %dma_wait3A_527 = arith.constant 0 : i32
      %dma_wait3A_528 = tpu.memref_slice %dma_wait3A_525[%dma_wait3A_526, %dma_wait3A_527] : memref<100000x128xf32, #tpu.memory_space<hbm>> -> memref<80x128xf32, #tpu.memory_space<hbm>>
      %dma_wait3A_529 = arith.constant 0 : i32
      %dma_wait3A_530 = arith.constant 0 : i32
      %dma_wait3A_531 = tpu.memref_slice %arg8[%dma_wait3A_517, %dma_wait3A_529, %dma_wait3A_530] : memref<6x80x128xf32, #tpu.memory_space<vmem>> -> memref<1x80x128xf32, #tpu.memory_space<vmem>>
      %dma_wait3A_532 = tpu.memref_squeeze %dma_wait3A_531 : memref<1x80x128xf32, #tpu.memory_space<vmem>> -> memref<80x128xf32, #tpu.memory_space<vmem>>
      %dma_wait3A_533 = arith.constant 0 : i32
      %dma_wait3A_534 = arith.constant 0 : i32
      %dma_wait3A_535 = tpu.memref_slice %arg3[%cond3A_168, %dma_wait3A_533, %dma_wait3A_534] : memref<1x100000x128xf32, #tpu.memory_space<hbm>> -> memref<1x100000x128xf32, #tpu.memory_space<hbm>>
      %dma_wait3A_536 = tpu.memref_squeeze %dma_wait3A_535 : memref<1x100000x128xf32, #tpu.memory_space<hbm>> -> memref<100000x128xf32, #tpu.memory_space<hbm>>
      %dma_wait3A_537 = arith.constant 0 : i32
      %dma_wait3A_538 = arith.constant 0 : i32
      %dma_wait3A_539 = tpu.memref_slice %dma_wait3A_536[%dma_wait3A_537, %dma_wait3A_538] : memref<100000x128xf32, #tpu.memory_space<hbm>> -> memref<80x128xf32, #tpu.memory_space<hbm>>
      tpu.wait_dma2 semaphore(%arg14 : memref<!tpu.dma_semaphore, #tpu.memory_space<semaphore_mem>>) src(%dma_wait3A_539 : memref<80x128xf32, #tpu.memory_space<hbm>>) dst(%dma_wait3A_532 : memref<80x128xf32, #tpu.memory_space<vmem>>)
      %dma_wait3A_540 = arith.constant 4 : i32
      %dma_wait3A_541 = arith.constant 0 : i32
      %dma_wait3A_542 = arith.constant 0 : i32
      %dma_wait3A_543 = tpu.memref_slice %arg9[%dma_wait3A_540, %dma_wait3A_541, %dma_wait3A_542] : memref<6x80x128xf32, #tpu.memory_space<vmem>> -> memref<1x80x128xf32, #tpu.memory_space<vmem>>
      %dma_wait3A_544 = tpu.memref_squeeze %dma_wait3A_543 : memref<1x80x128xf32, #tpu.memory_space<vmem>> -> memref<80x128xf32, #tpu.memory_space<vmem>>
      %dma_wait3A_545 = arith.constant 0 : i32
      %dma_wait3A_546 = arith.constant 0 : i32
      %dma_wait3A_547 = tpu.memref_slice %arg4[%dma_wait3A_545, %dma_wait3A_546] : memref<100000x128xf32, #tpu.memory_space<hbm>> -> memref<80x128xf32, #tpu.memory_space<hbm>>
      %dma_wait3A_548 = arith.constant 0 : i32
      %dma_wait3A_549 = arith.constant 0 : i32
      %dma_wait3A_550 = tpu.memref_slice %arg9[%dma_wait3A_540, %dma_wait3A_548, %dma_wait3A_549] : memref<6x80x128xf32, #tpu.memory_space<vmem>> -> memref<1x80x128xf32, #tpu.memory_space<vmem>>
      %dma_wait3A_551 = tpu.memref_squeeze %dma_wait3A_550 : memref<1x80x128xf32, #tpu.memory_space<vmem>> -> memref<80x128xf32, #tpu.memory_space<vmem>>
      %dma_wait3A_552 = arith.constant 0 : i32
      %dma_wait3A_553 = arith.constant 0 : i32
      %dma_wait3A_554 = tpu.memref_slice %arg4[%dma_wait3A_552, %dma_wait3A_553] : memref<100000x128xf32, #tpu.memory_space<hbm>> -> memref<80x128xf32, #tpu.memory_space<hbm>>
      tpu.wait_dma2 semaphore(%arg20 : memref<!tpu.dma_semaphore, #tpu.memory_space<semaphore_mem>>) src(%dma_wait3A_554 : memref<80x128xf32, #tpu.memory_space<hbm>>) dst(%dma_wait3A_551 : memref<80x128xf32, #tpu.memory_space<vmem>>)
      %add3A_555 = arith.constant 800 : i32
      %add3A_556 = arith.addi %mul3A_8, %add3A_555 : i32
      %dma_start3A = arith.constant 4 : i32
      %dma_start3A_557 = arith.constant 0 : i32
      %dma_start3A_558 = arith.constant 0 : i32
      %dma_start3A_559 = tpu.memref_slice %arg8[%dma_start3A, %dma_start3A_557, %dma_start3A_558] : memref<6x80x128xf32, #tpu.memory_space<vmem>> -> memref<1x80x128xf32, #tpu.memory_space<vmem>>
      %dma_start3A_560 = tpu.memref_squeeze %dma_start3A_559 : memref<1x80x128xf32, #tpu.memory_space<vmem>> -> memref<80x128xf32, #tpu.memory_space<vmem>>
      %dma_start3A_561 = arith.constant 0 : i32
      %dma_start3A_562 = arith.constant 0 : i32
      %dma_start3A_563 = tpu.memref_slice %arg5[%cond3A_169, %dma_start3A_561, %dma_start3A_562] : memref<1x50000x128xf32, #tpu.memory_space<hbm>> -> memref<1x50000x128xf32, #tpu.memory_space<hbm>>
      %dma_start3A_564 = tpu.memref_squeeze %dma_start3A_563 : memref<1x50000x128xf32, #tpu.memory_space<hbm>> -> memref<50000x128xf32, #tpu.memory_space<hbm>>
      %dma_start3A_565 = arith.constant 0 : i32
      %dma_start3A_566 = tpu.memref_slice %dma_start3A_564[%add3A_556, %dma_start3A_565] : memref<50000x128xf32, #tpu.memory_space<hbm>> -> memref<80x128xf32, #tpu.memory_space<hbm>>
      %dma_start3A_567 = arith.constant 0 : i32
      %dma_start3A_568 = arith.constant 0 : i32
      %dma_start3A_569 = tpu.memref_slice %arg5[%cond3A_169, %dma_start3A_567, %dma_start3A_568] : memref<1x50000x128xf32, #tpu.memory_space<hbm>> -> memref<1x50000x128xf32, #tpu.memory_space<hbm>>
      %dma_start3A_570 = tpu.memref_squeeze %dma_start3A_569 : memref<1x50000x128xf32, #tpu.memory_space<hbm>> -> memref<50000x128xf32, #tpu.memory_space<hbm>>
      %dma_start3A_571 = arith.constant 0 : i32
      %dma_start3A_572 = tpu.memref_slice %dma_start3A_570[%add3A_556, %dma_start3A_571] : memref<50000x128xf32, #tpu.memory_space<hbm>> -> memref<80x128xf32, #tpu.memory_space<hbm>>
      %dma_start3A_573 = arith.constant 0 : i32
      %dma_start3A_574 = arith.constant 0 : i32
      %dma_start3A_575 = tpu.memref_slice %arg8[%dma_start3A, %dma_start3A_573, %dma_start3A_574] : memref<6x80x128xf32, #tpu.memory_space<vmem>> -> memref<1x80x128xf32, #tpu.memory_space<vmem>>
      %dma_start3A_576 = tpu.memref_squeeze %dma_start3A_575 : memref<1x80x128xf32, #tpu.memory_space<vmem>> -> memref<80x128xf32, #tpu.memory_space<vmem>>
      tpu.enqueue_dma source(%dma_start3A_576 : memref<80x128xf32, #tpu.memory_space<vmem>>) target(%dma_start3A_572 : memref<80x128xf32, #tpu.memory_space<hbm>>) target_semaphore(%arg26 : memref<!tpu.dma_semaphore, #tpu.memory_space<semaphore_mem>>)
      %dma_start3A_577 = arith.constant 4 : i32
      %dma_start3A_578 = arith.constant 0 : i32
      %dma_start3A_579 = arith.constant 0 : i32
      %dma_start3A_580 = tpu.memref_slice %arg9[%dma_start3A_577, %dma_start3A_578, %dma_start3A_579] : memref<6x80x128xf32, #tpu.memory_space<vmem>> -> memref<1x80x128xf32, #tpu.memory_space<vmem>>
      %dma_start3A_581 = tpu.memref_squeeze %dma_start3A_580 : memref<1x80x128xf32, #tpu.memory_space<vmem>> -> memref<80x128xf32, #tpu.memory_space<vmem>>
      %dma_start3A_582 = arith.constant 0 : i32
      %dma_start3A_583 = tpu.memref_slice %arg6[%add3A_556, %dma_start3A_582] : memref<50000x128xf32, #tpu.memory_space<hbm>> -> memref<80x128xf32, #tpu.memory_space<hbm>>
      %dma_start3A_584 = arith.constant 0 : i32
      %dma_start3A_585 = tpu.memref_slice %arg6[%add3A_556, %dma_start3A_584] : memref<50000x128xf32, #tpu.memory_space<hbm>> -> memref<80x128xf32, #tpu.memory_space<hbm>>
      %dma_start3A_586 = arith.constant 0 : i32
      %dma_start3A_587 = arith.constant 0 : i32
      %dma_start3A_588 = tpu.memref_slice %arg9[%dma_start3A_577, %dma_start3A_586, %dma_start3A_587] : memref<6x80x128xf32, #tpu.memory_space<vmem>> -> memref<1x80x128xf32, #tpu.memory_space<vmem>>
      %dma_start3A_589 = tpu.memref_squeeze %dma_start3A_588 : memref<1x80x128xf32, #tpu.memory_space<vmem>> -> memref<80x128xf32, #tpu.memory_space<vmem>>
      tpu.enqueue_dma source(%dma_start3A_589 : memref<80x128xf32, #tpu.memory_space<vmem>>) target(%dma_start3A_585 : memref<80x128xf32, #tpu.memory_space<hbm>>) target_semaphore(%arg32 : memref<!tpu.dma_semaphore, #tpu.memory_space<semaphore_mem>>)
    } else {
    }
    %gt3A_172 = arith.constant 13 : i32
    %gt3A_173 = arith.cmpi sgt, %select_n3A, %gt3A_172 : i32
    %convert_element_type3A_174 = arith.extui %gt3A_173 : i1 to i32
    %cond3A_175 = arith.constant 0 : i32
    %cond3A_176 = arith.constant 0 : i32
    %cond3A_177 = arith.constant 0 : i32
    %cond3A_178 = arith.cmpi ne, %convert_element_type3A_174, %cond3A_177 : i32
    scf.if %cond3A_178 {
      %dma_wait3A_517 = arith.constant 1 : i32
      %dma_wait3A_518 = arith.constant 0 : i32
      %dma_wait3A_519 = arith.constant 0 : i32
      %dma_wait3A_520 = tpu.memref_slice %arg8[%dma_wait3A_517, %dma_wait3A_518, %dma_wait3A_519] : memref<6x80x128xf32, #tpu.memory_space<vmem>> -> memref<1x80x128xf32, #tpu.memory_space<vmem>>
      %dma_wait3A_521 = tpu.memref_squeeze %dma_wait3A_520 : memref<1x80x128xf32, #tpu.memory_space<vmem>> -> memref<80x128xf32, #tpu.memory_space<vmem>>
      %dma_wait3A_522 = arith.constant 0 : i32
      %dma_wait3A_523 = arith.constant 0 : i32
      %dma_wait3A_524 = tpu.memref_slice %arg5[%cond3A_175, %dma_wait3A_522, %dma_wait3A_523] : memref<1x50000x128xf32, #tpu.memory_space<hbm>> -> memref<1x50000x128xf32, #tpu.memory_space<hbm>>
      %dma_wait3A_525 = tpu.memref_squeeze %dma_wait3A_524 : memref<1x50000x128xf32, #tpu.memory_space<hbm>> -> memref<50000x128xf32, #tpu.memory_space<hbm>>
      %dma_wait3A_526 = arith.constant 0 : i32
      %dma_wait3A_527 = arith.constant 0 : i32
      %dma_wait3A_528 = tpu.memref_slice %dma_wait3A_525[%dma_wait3A_526, %dma_wait3A_527] : memref<50000x128xf32, #tpu.memory_space<hbm>> -> memref<80x128xf32, #tpu.memory_space<hbm>>
      %dma_wait3A_529 = arith.constant 0 : i32
      %dma_wait3A_530 = arith.constant 0 : i32
      %dma_wait3A_531 = tpu.memref_slice %arg5[%cond3A_175, %dma_wait3A_529, %dma_wait3A_530] : memref<1x50000x128xf32, #tpu.memory_space<hbm>> -> memref<1x50000x128xf32, #tpu.memory_space<hbm>>
      %dma_wait3A_532 = tpu.memref_squeeze %dma_wait3A_531 : memref<1x50000x128xf32, #tpu.memory_space<hbm>> -> memref<50000x128xf32, #tpu.memory_space<hbm>>
      %dma_wait3A_533 = arith.constant 0 : i32
      %dma_wait3A_534 = arith.constant 0 : i32
      %dma_wait3A_535 = tpu.memref_slice %dma_wait3A_532[%dma_wait3A_533, %dma_wait3A_534] : memref<50000x128xf32, #tpu.memory_space<hbm>> -> memref<80x128xf32, #tpu.memory_space<hbm>>
      %dma_wait3A_536 = arith.constant 0 : i32
      %dma_wait3A_537 = arith.constant 0 : i32
      %dma_wait3A_538 = tpu.memref_slice %arg8[%dma_wait3A_517, %dma_wait3A_536, %dma_wait3A_537] : memref<6x80x128xf32, #tpu.memory_space<vmem>> -> memref<1x80x128xf32, #tpu.memory_space<vmem>>
      %dma_wait3A_539 = tpu.memref_squeeze %dma_wait3A_538 : memref<1x80x128xf32, #tpu.memory_space<vmem>> -> memref<80x128xf32, #tpu.memory_space<vmem>>
      tpu.wait_dma2 semaphore(%arg23 : memref<!tpu.dma_semaphore, #tpu.memory_space<semaphore_mem>>) src(%dma_wait3A_539 : memref<80x128xf32, #tpu.memory_space<vmem>>) dst(%dma_wait3A_535 : memref<80x128xf32, #tpu.memory_space<hbm>>)
      %dma_wait3A_540 = arith.constant 1 : i32
      %dma_wait3A_541 = arith.constant 0 : i32
      %dma_wait3A_542 = arith.constant 0 : i32
      %dma_wait3A_543 = tpu.memref_slice %arg9[%dma_wait3A_540, %dma_wait3A_541, %dma_wait3A_542] : memref<6x80x128xf32, #tpu.memory_space<vmem>> -> memref<1x80x128xf32, #tpu.memory_space<vmem>>
      %dma_wait3A_544 = tpu.memref_squeeze %dma_wait3A_543 : memref<1x80x128xf32, #tpu.memory_space<vmem>> -> memref<80x128xf32, #tpu.memory_space<vmem>>
      %dma_wait3A_545 = arith.constant 0 : i32
      %dma_wait3A_546 = arith.constant 0 : i32
      %dma_wait3A_547 = tpu.memref_slice %arg6[%dma_wait3A_545, %dma_wait3A_546] : memref<50000x128xf32, #tpu.memory_space<hbm>> -> memref<80x128xf32, #tpu.memory_space<hbm>>
      %dma_wait3A_548 = arith.constant 0 : i32
      %dma_wait3A_549 = arith.constant 0 : i32
      %dma_wait3A_550 = tpu.memref_slice %arg6[%dma_wait3A_548, %dma_wait3A_549] : memref<50000x128xf32, #tpu.memory_space<hbm>> -> memref<80x128xf32, #tpu.memory_space<hbm>>
      %dma_wait3A_551 = arith.constant 0 : i32
      %dma_wait3A_552 = arith.constant 0 : i32
      %dma_wait3A_553 = tpu.memref_slice %arg9[%dma_wait3A_540, %dma_wait3A_551, %dma_wait3A_552] : memref<6x80x128xf32, #tpu.memory_space<vmem>> -> memref<1x80x128xf32, #tpu.memory_space<vmem>>
      %dma_wait3A_554 = tpu.memref_squeeze %dma_wait3A_553 : memref<1x80x128xf32, #tpu.memory_space<vmem>> -> memref<80x128xf32, #tpu.memory_space<vmem>>
      tpu.wait_dma2 semaphore(%arg29 : memref<!tpu.dma_semaphore, #tpu.memory_space<semaphore_mem>>) src(%dma_wait3A_554 : memref<80x128xf32, #tpu.memory_space<vmem>>) dst(%dma_wait3A_550 : memref<80x128xf32, #tpu.memory_space<hbm>>)
      %dma_start3A = arith.constant 1 : i32
      %dma_start3A_555 = arith.constant 0 : i32
      %dma_start3A_556 = arith.constant 0 : i32
      %dma_start3A_557 = tpu.memref_slice %arg8[%dma_start3A, %dma_start3A_555, %dma_start3A_556] : memref<6x80x128xf32, #tpu.memory_space<vmem>> -> memref<1x80x128xf32, #tpu.memory_space<vmem>>
      %dma_start3A_558 = tpu.memref_squeeze %dma_start3A_557 : memref<1x80x128xf32, #tpu.memory_space<vmem>> -> memref<80x128xf32, #tpu.memory_space<vmem>>
      %dma_start3A_559 = arith.constant 1040 : i32
      %dma_start3A_560 = tpu.memref_slice %arg7[%dma_start3A_559] : memref<1600xi32, #tpu.memory_space<vmem>> -> memref<80xi32, #tpu.memory_space<vmem>>
      %dma_start3A_561 = arith.constant 0 : i32
      %dma_start3A_562 = arith.constant 0 : i32
      %dma_start3A_563 = tpu.memref_slice %arg3[%cond3A_176, %dma_start3A_561, %dma_start3A_562] : memref<1x100000x128xf32, #tpu.memory_space<hbm>> -> memref<1x100000x128xf32, #tpu.memory_space<hbm>>
      %dma_start3A_564 = tpu.memref_squeeze %dma_start3A_563 : memref<1x100000x128xf32, #tpu.memory_space<hbm>> -> memref<100000x128xf32, #tpu.memory_space<hbm>>
      %dma_start3A_565 = arith.constant 0 : i32
      %dma_start3A_566 = arith.constant 0 : i32
      %dma_start3A_567 = tpu.memref_slice %dma_start3A_564[%dma_start3A_565, %dma_start3A_566] : memref<100000x128xf32, #tpu.memory_space<hbm>> -> memref<100000x128xf32, #tpu.memory_space<hbm>>
      tpu.enqueue_indirect_dma source(%dma_start3A_567 : memref<100000x128xf32, #tpu.memory_space<hbm>>) target(%dma_start3A_558 : memref<80x128xf32, #tpu.memory_space<vmem>>) offsets(%dma_start3A_560 : memref<80xi32, #tpu.memory_space<vmem>>) semaphore(%arg11 : memref<!tpu.dma_semaphore, #tpu.memory_space<semaphore_mem>>)
      %dma_start3A_568 = arith.constant 1 : i32
      %dma_start3A_569 = arith.constant 0 : i32
      %dma_start3A_570 = arith.constant 0 : i32
      %dma_start3A_571 = tpu.memref_slice %arg9[%dma_start3A_568, %dma_start3A_569, %dma_start3A_570] : memref<6x80x128xf32, #tpu.memory_space<vmem>> -> memref<1x80x128xf32, #tpu.memory_space<vmem>>
      %dma_start3A_572 = tpu.memref_squeeze %dma_start3A_571 : memref<1x80x128xf32, #tpu.memory_space<vmem>> -> memref<80x128xf32, #tpu.memory_space<vmem>>
      %dma_start3A_573 = arith.constant 1040 : i32
      %dma_start3A_574 = tpu.memref_slice %arg7[%dma_start3A_573] : memref<1600xi32, #tpu.memory_space<vmem>> -> memref<80xi32, #tpu.memory_space<vmem>>
      %dma_start3A_575 = arith.constant 0 : i32
      %dma_start3A_576 = arith.constant 0 : i32
      %dma_start3A_577 = tpu.memref_slice %arg4[%dma_start3A_575, %dma_start3A_576] : memref<100000x128xf32, #tpu.memory_space<hbm>> -> memref<100000x128xf32, #tpu.memory_space<hbm>>
      tpu.enqueue_indirect_dma source(%dma_start3A_577 : memref<100000x128xf32, #tpu.memory_space<hbm>>) target(%dma_start3A_572 : memref<80x128xf32, #tpu.memory_space<vmem>>) offsets(%dma_start3A_574 : memref<80xi32, #tpu.memory_space<vmem>>) semaphore(%arg17 : memref<!tpu.dma_semaphore, #tpu.memory_space<semaphore_mem>>)
    } else {
    }
    %gt3A_179 = arith.constant 11 : i32
    %gt3A_180 = arith.cmpi sgt, %select_n3A, %gt3A_179 : i32
    %convert_element_type3A_181 = arith.extui %gt3A_180 : i1 to i32
    %cond3A_182 = arith.constant 0 : i32
    %cond3A_183 = arith.constant 0 : i32
    %cond3A_184 = arith.constant 0 : i32
    %cond3A_185 = arith.cmpi ne, %convert_element_type3A_181, %cond3A_184 : i32
    scf.if %cond3A_185 {
      %dma_wait3A_517 = arith.constant 5 : i32
      %dma_wait3A_518 = arith.constant 0 : i32
      %dma_wait3A_519 = arith.constant 0 : i32
      %dma_wait3A_520 = tpu.memref_slice %arg8[%dma_wait3A_517, %dma_wait3A_518, %dma_wait3A_519] : memref<6x80x128xf32, #tpu.memory_space<vmem>> -> memref<1x80x128xf32, #tpu.memory_space<vmem>>
      %dma_wait3A_521 = tpu.memref_squeeze %dma_wait3A_520 : memref<1x80x128xf32, #tpu.memory_space<vmem>> -> memref<80x128xf32, #tpu.memory_space<vmem>>
      %dma_wait3A_522 = arith.constant 0 : i32
      %dma_wait3A_523 = arith.constant 0 : i32
      %dma_wait3A_524 = tpu.memref_slice %arg3[%cond3A_182, %dma_wait3A_522, %dma_wait3A_523] : memref<1x100000x128xf32, #tpu.memory_space<hbm>> -> memref<1x100000x128xf32, #tpu.memory_space<hbm>>
      %dma_wait3A_525 = tpu.memref_squeeze %dma_wait3A_524 : memref<1x100000x128xf32, #tpu.memory_space<hbm>> -> memref<100000x128xf32, #tpu.memory_space<hbm>>
      %dma_wait3A_526 = arith.constant 0 : i32
      %dma_wait3A_527 = arith.constant 0 : i32
      %dma_wait3A_528 = tpu.memref_slice %dma_wait3A_525[%dma_wait3A_526, %dma_wait3A_527] : memref<100000x128xf32, #tpu.memory_space<hbm>> -> memref<80x128xf32, #tpu.memory_space<hbm>>
      %dma_wait3A_529 = arith.constant 0 : i32
      %dma_wait3A_530 = arith.constant 0 : i32
      %dma_wait3A_531 = tpu.memref_slice %arg8[%dma_wait3A_517, %dma_wait3A_529, %dma_wait3A_530] : memref<6x80x128xf32, #tpu.memory_space<vmem>> -> memref<1x80x128xf32, #tpu.memory_space<vmem>>
      %dma_wait3A_532 = tpu.memref_squeeze %dma_wait3A_531 : memref<1x80x128xf32, #tpu.memory_space<vmem>> -> memref<80x128xf32, #tpu.memory_space<vmem>>
      %dma_wait3A_533 = arith.constant 0 : i32
      %dma_wait3A_534 = arith.constant 0 : i32
      %dma_wait3A_535 = tpu.memref_slice %arg3[%cond3A_182, %dma_wait3A_533, %dma_wait3A_534] : memref<1x100000x128xf32, #tpu.memory_space<hbm>> -> memref<1x100000x128xf32, #tpu.memory_space<hbm>>
      %dma_wait3A_536 = tpu.memref_squeeze %dma_wait3A_535 : memref<1x100000x128xf32, #tpu.memory_space<hbm>> -> memref<100000x128xf32, #tpu.memory_space<hbm>>
      %dma_wait3A_537 = arith.constant 0 : i32
      %dma_wait3A_538 = arith.constant 0 : i32
      %dma_wait3A_539 = tpu.memref_slice %dma_wait3A_536[%dma_wait3A_537, %dma_wait3A_538] : memref<100000x128xf32, #tpu.memory_space<hbm>> -> memref<80x128xf32, #tpu.memory_space<hbm>>
      tpu.wait_dma2 semaphore(%arg15 : memref<!tpu.dma_semaphore, #tpu.memory_space<semaphore_mem>>) src(%dma_wait3A_539 : memref<80x128xf32, #tpu.memory_space<hbm>>) dst(%dma_wait3A_532 : memref<80x128xf32, #tpu.memory_space<vmem>>)
      %dma_wait3A_540 = arith.constant 5 : i32
      %dma_wait3A_541 = arith.constant 0 : i32
      %dma_wait3A_542 = arith.constant 0 : i32
      %dma_wait3A_543 = tpu.memref_slice %arg9[%dma_wait3A_540, %dma_wait3A_541, %dma_wait3A_542] : memref<6x80x128xf32, #tpu.memory_space<vmem>> -> memref<1x80x128xf32, #tpu.memory_space<vmem>>
      %dma_wait3A_544 = tpu.memref_squeeze %dma_wait3A_543 : memref<1x80x128xf32, #tpu.memory_space<vmem>> -> memref<80x128xf32, #tpu.memory_space<vmem>>
      %dma_wait3A_545 = arith.constant 0 : i32
      %dma_wait3A_546 = arith.constant 0 : i32
      %dma_wait3A_547 = tpu.memref_slice %arg4[%dma_wait3A_545, %dma_wait3A_546] : memref<100000x128xf32, #tpu.memory_space<hbm>> -> memref<80x128xf32, #tpu.memory_space<hbm>>
      %dma_wait3A_548 = arith.constant 0 : i32
      %dma_wait3A_549 = arith.constant 0 : i32
      %dma_wait3A_550 = tpu.memref_slice %arg9[%dma_wait3A_540, %dma_wait3A_548, %dma_wait3A_549] : memref<6x80x128xf32, #tpu.memory_space<vmem>> -> memref<1x80x128xf32, #tpu.memory_space<vmem>>
      %dma_wait3A_551 = tpu.memref_squeeze %dma_wait3A_550 : memref<1x80x128xf32, #tpu.memory_space<vmem>> -> memref<80x128xf32, #tpu.memory_space<vmem>>
      %dma_wait3A_552 = arith.constant 0 : i32
      %dma_wait3A_553 = arith.constant 0 : i32
      %dma_wait3A_554 = tpu.memref_slice %arg4[%dma_wait3A_552, %dma_wait3A_553] : memref<100000x128xf32, #tpu.memory_space<hbm>> -> memref<80x128xf32, #tpu.memory_space<hbm>>
      tpu.wait_dma2 semaphore(%arg21 : memref<!tpu.dma_semaphore, #tpu.memory_space<semaphore_mem>>) src(%dma_wait3A_554 : memref<80x128xf32, #tpu.memory_space<hbm>>) dst(%dma_wait3A_551 : memref<80x128xf32, #tpu.memory_space<vmem>>)
      %add3A_555 = arith.constant 880 : i32
      %add3A_556 = arith.addi %mul3A_8, %add3A_555 : i32
      %dma_start3A = arith.constant 5 : i32
      %dma_start3A_557 = arith.constant 0 : i32
      %dma_start3A_558 = arith.constant 0 : i32
      %dma_start3A_559 = tpu.memref_slice %arg8[%dma_start3A, %dma_start3A_557, %dma_start3A_558] : memref<6x80x128xf32, #tpu.memory_space<vmem>> -> memref<1x80x128xf32, #tpu.memory_space<vmem>>
      %dma_start3A_560 = tpu.memref_squeeze %dma_start3A_559 : memref<1x80x128xf32, #tpu.memory_space<vmem>> -> memref<80x128xf32, #tpu.memory_space<vmem>>
      %dma_start3A_561 = arith.constant 0 : i32
      %dma_start3A_562 = arith.constant 0 : i32
      %dma_start3A_563 = tpu.memref_slice %arg5[%cond3A_183, %dma_start3A_561, %dma_start3A_562] : memref<1x50000x128xf32, #tpu.memory_space<hbm>> -> memref<1x50000x128xf32, #tpu.memory_space<hbm>>
      %dma_start3A_564 = tpu.memref_squeeze %dma_start3A_563 : memref<1x50000x128xf32, #tpu.memory_space<hbm>> -> memref<50000x128xf32, #tpu.memory_space<hbm>>
      %dma_start3A_565 = arith.constant 0 : i32
      %dma_start3A_566 = tpu.memref_slice %dma_start3A_564[%add3A_556, %dma_start3A_565] : memref<50000x128xf32, #tpu.memory_space<hbm>> -> memref<80x128xf32, #tpu.memory_space<hbm>>
      %dma_start3A_567 = arith.constant 0 : i32
      %dma_start3A_568 = arith.constant 0 : i32
      %dma_start3A_569 = tpu.memref_slice %arg5[%cond3A_183, %dma_start3A_567, %dma_start3A_568] : memref<1x50000x128xf32, #tpu.memory_space<hbm>> -> memref<1x50000x128xf32, #tpu.memory_space<hbm>>
      %dma_start3A_570 = tpu.memref_squeeze %dma_start3A_569 : memref<1x50000x128xf32, #tpu.memory_space<hbm>> -> memref<50000x128xf32, #tpu.memory_space<hbm>>
      %dma_start3A_571 = arith.constant 0 : i32
      %dma_start3A_572 = tpu.memref_slice %dma_start3A_570[%add3A_556, %dma_start3A_571] : memref<50000x128xf32, #tpu.memory_space<hbm>> -> memref<80x128xf32, #tpu.memory_space<hbm>>
      %dma_start3A_573 = arith.constant 0 : i32
      %dma_start3A_574 = arith.constant 0 : i32
      %dma_start3A_575 = tpu.memref_slice %arg8[%dma_start3A, %dma_start3A_573, %dma_start3A_574] : memref<6x80x128xf32, #tpu.memory_space<vmem>> -> memref<1x80x128xf32, #tpu.memory_space<vmem>>
      %dma_start3A_576 = tpu.memref_squeeze %dma_start3A_575 : memref<1x80x128xf32, #tpu.memory_space<vmem>> -> memref<80x128xf32, #tpu.memory_space<vmem>>
      tpu.enqueue_dma source(%dma_start3A_576 : memref<80x128xf32, #tpu.memory_space<vmem>>) target(%dma_start3A_572 : memref<80x128xf32, #tpu.memory_space<hbm>>) target_semaphore(%arg27 : memref<!tpu.dma_semaphore, #tpu.memory_space<semaphore_mem>>)
      %dma_start3A_577 = arith.constant 5 : i32
      %dma_start3A_578 = arith.constant 0 : i32
      %dma_start3A_579 = arith.constant 0 : i32
      %dma_start3A_580 = tpu.memref_slice %arg9[%dma_start3A_577, %dma_start3A_578, %dma_start3A_579] : memref<6x80x128xf32, #tpu.memory_space<vmem>> -> memref<1x80x128xf32, #tpu.memory_space<vmem>>
      %dma_start3A_581 = tpu.memref_squeeze %dma_start3A_580 : memref<1x80x128xf32, #tpu.memory_space<vmem>> -> memref<80x128xf32, #tpu.memory_space<vmem>>
      %dma_start3A_582 = arith.constant 0 : i32
      %dma_start3A_583 = tpu.memref_slice %arg6[%add3A_556, %dma_start3A_582] : memref<50000x128xf32, #tpu.memory_space<hbm>> -> memref<80x128xf32, #tpu.memory_space<hbm>>
      %dma_start3A_584 = arith.constant 0 : i32
      %dma_start3A_585 = tpu.memref_slice %arg6[%add3A_556, %dma_start3A_584] : memref<50000x128xf32, #tpu.memory_space<hbm>> -> memref<80x128xf32, #tpu.memory_space<hbm>>
      %dma_start3A_586 = arith.constant 0 : i32
      %dma_start3A_587 = arith.constant 0 : i32
      %dma_start3A_588 = tpu.memref_slice %arg9[%dma_start3A_577, %dma_start3A_586, %dma_start3A_587] : memref<6x80x128xf32, #tpu.memory_space<vmem>> -> memref<1x80x128xf32, #tpu.memory_space<vmem>>
      %dma_start3A_589 = tpu.memref_squeeze %dma_start3A_588 : memref<1x80x128xf32, #tpu.memory_space<vmem>> -> memref<80x128xf32, #tpu.memory_space<vmem>>
      tpu.enqueue_dma source(%dma_start3A_589 : memref<80x128xf32, #tpu.memory_space<vmem>>) target(%dma_start3A_585 : memref<80x128xf32, #tpu.memory_space<hbm>>) target_semaphore(%arg33 : memref<!tpu.dma_semaphore, #tpu.memory_space<semaphore_mem>>)
    } else {
    }
    %gt3A_186 = arith.constant 14 : i32
    %gt3A_187 = arith.cmpi sgt, %select_n3A, %gt3A_186 : i32
    %convert_element_type3A_188 = arith.extui %gt3A_187 : i1 to i32
    %cond3A_189 = arith.constant 0 : i32
    %cond3A_190 = arith.constant 0 : i32
    %cond3A_191 = arith.constant 0 : i32
    %cond3A_192 = arith.cmpi ne, %convert_element_type3A_188, %cond3A_191 : i32
    scf.if %cond3A_192 {
      %dma_wait3A_517 = arith.constant 2 : i32
      %dma_wait3A_518 = arith.constant 0 : i32
      %dma_wait3A_519 = arith.constant 0 : i32
      %dma_wait3A_520 = tpu.memref_slice %arg8[%dma_wait3A_517, %dma_wait3A_518, %dma_wait3A_519] : memref<6x80x128xf32, #tpu.memory_space<vmem>> -> memref<1x80x128xf32, #tpu.memory_space<vmem>>
      %dma_wait3A_521 = tpu.memref_squeeze %dma_wait3A_520 : memref<1x80x128xf32, #tpu.memory_space<vmem>> -> memref<80x128xf32, #tpu.memory_space<vmem>>
      %dma_wait3A_522 = arith.constant 0 : i32
      %dma_wait3A_523 = arith.constant 0 : i32
      %dma_wait3A_524 = tpu.memref_slice %arg5[%cond3A_189, %dma_wait3A_522, %dma_wait3A_523] : memref<1x50000x128xf32, #tpu.memory_space<hbm>> -> memref<1x50000x128xf32, #tpu.memory_space<hbm>>
      %dma_wait3A_525 = tpu.memref_squeeze %dma_wait3A_524 : memref<1x50000x128xf32, #tpu.memory_space<hbm>> -> memref<50000x128xf32, #tpu.memory_space<hbm>>
      %dma_wait3A_526 = arith.constant 0 : i32
      %dma_wait3A_527 = arith.constant 0 : i32
      %dma_wait3A_528 = tpu.memref_slice %dma_wait3A_525[%dma_wait3A_526, %dma_wait3A_527] : memref<50000x128xf32, #tpu.memory_space<hbm>> -> memref<80x128xf32, #tpu.memory_space<hbm>>
      %dma_wait3A_529 = arith.constant 0 : i32
      %dma_wait3A_530 = arith.constant 0 : i32
      %dma_wait3A_531 = tpu.memref_slice %arg5[%cond3A_189, %dma_wait3A_529, %dma_wait3A_530] : memref<1x50000x128xf32, #tpu.memory_space<hbm>> -> memref<1x50000x128xf32, #tpu.memory_space<hbm>>
      %dma_wait3A_532 = tpu.memref_squeeze %dma_wait3A_531 : memref<1x50000x128xf32, #tpu.memory_space<hbm>> -> memref<50000x128xf32, #tpu.memory_space<hbm>>
      %dma_wait3A_533 = arith.constant 0 : i32
      %dma_wait3A_534 = arith.constant 0 : i32
      %dma_wait3A_535 = tpu.memref_slice %dma_wait3A_532[%dma_wait3A_533, %dma_wait3A_534] : memref<50000x128xf32, #tpu.memory_space<hbm>> -> memref<80x128xf32, #tpu.memory_space<hbm>>
      %dma_wait3A_536 = arith.constant 0 : i32
      %dma_wait3A_537 = arith.constant 0 : i32
      %dma_wait3A_538 = tpu.memref_slice %arg8[%dma_wait3A_517, %dma_wait3A_536, %dma_wait3A_537] : memref<6x80x128xf32, #tpu.memory_space<vmem>> -> memref<1x80x128xf32, #tpu.memory_space<vmem>>
      %dma_wait3A_539 = tpu.memref_squeeze %dma_wait3A_538 : memref<1x80x128xf32, #tpu.memory_space<vmem>> -> memref<80x128xf32, #tpu.memory_space<vmem>>
      tpu.wait_dma2 semaphore(%arg24 : memref<!tpu.dma_semaphore, #tpu.memory_space<semaphore_mem>>) src(%dma_wait3A_539 : memref<80x128xf32, #tpu.memory_space<vmem>>) dst(%dma_wait3A_535 : memref<80x128xf32, #tpu.memory_space<hbm>>)
      %dma_wait3A_540 = arith.constant 2 : i32
      %dma_wait3A_541 = arith.constant 0 : i32
      %dma_wait3A_542 = arith.constant 0 : i32
      %dma_wait3A_543 = tpu.memref_slice %arg9[%dma_wait3A_540, %dma_wait3A_541, %dma_wait3A_542] : memref<6x80x128xf32, #tpu.memory_space<vmem>> -> memref<1x80x128xf32, #tpu.memory_space<vmem>>
      %dma_wait3A_544 = tpu.memref_squeeze %dma_wait3A_543 : memref<1x80x128xf32, #tpu.memory_space<vmem>> -> memref<80x128xf32, #tpu.memory_space<vmem>>
      %dma_wait3A_545 = arith.constant 0 : i32
      %dma_wait3A_546 = arith.constant 0 : i32
      %dma_wait3A_547 = tpu.memref_slice %arg6[%dma_wait3A_545, %dma_wait3A_546] : memref<50000x128xf32, #tpu.memory_space<hbm>> -> memref<80x128xf32, #tpu.memory_space<hbm>>
      %dma_wait3A_548 = arith.constant 0 : i32
      %dma_wait3A_549 = arith.constant 0 : i32
      %dma_wait3A_550 = tpu.memref_slice %arg6[%dma_wait3A_548, %dma_wait3A_549] : memref<50000x128xf32, #tpu.memory_space<hbm>> -> memref<80x128xf32, #tpu.memory_space<hbm>>
      %dma_wait3A_551 = arith.constant 0 : i32
      %dma_wait3A_552 = arith.constant 0 : i32
      %dma_wait3A_553 = tpu.memref_slice %arg9[%dma_wait3A_540, %dma_wait3A_551, %dma_wait3A_552] : memref<6x80x128xf32, #tpu.memory_space<vmem>> -> memref<1x80x128xf32, #tpu.memory_space<vmem>>
      %dma_wait3A_554 = tpu.memref_squeeze %dma_wait3A_553 : memref<1x80x128xf32, #tpu.memory_space<vmem>> -> memref<80x128xf32, #tpu.memory_space<vmem>>
      tpu.wait_dma2 semaphore(%arg30 : memref<!tpu.dma_semaphore, #tpu.memory_space<semaphore_mem>>) src(%dma_wait3A_554 : memref<80x128xf32, #tpu.memory_space<vmem>>) dst(%dma_wait3A_550 : memref<80x128xf32, #tpu.memory_space<hbm>>)
      %dma_start3A = arith.constant 2 : i32
      %dma_start3A_555 = arith.constant 0 : i32
      %dma_start3A_556 = arith.constant 0 : i32
      %dma_start3A_557 = tpu.memref_slice %arg8[%dma_start3A, %dma_start3A_555, %dma_start3A_556] : memref<6x80x128xf32, #tpu.memory_space<vmem>> -> memref<1x80x128xf32, #tpu.memory_space<vmem>>
      %dma_start3A_558 = tpu.memref_squeeze %dma_start3A_557 : memref<1x80x128xf32, #tpu.memory_space<vmem>> -> memref<80x128xf32, #tpu.memory_space<vmem>>
      %dma_start3A_559 = arith.constant 1120 : i32
      %dma_start3A_560 = tpu.memref_slice %arg7[%dma_start3A_559] : memref<1600xi32, #tpu.memory_space<vmem>> -> memref<80xi32, #tpu.memory_space<vmem>>
      %dma_start3A_561 = arith.constant 0 : i32
      %dma_start3A_562 = arith.constant 0 : i32
      %dma_start3A_563 = tpu.memref_slice %arg3[%cond3A_190, %dma_start3A_561, %dma_start3A_562] : memref<1x100000x128xf32, #tpu.memory_space<hbm>> -> memref<1x100000x128xf32, #tpu.memory_space<hbm>>
      %dma_start3A_564 = tpu.memref_squeeze %dma_start3A_563 : memref<1x100000x128xf32, #tpu.memory_space<hbm>> -> memref<100000x128xf32, #tpu.memory_space<hbm>>
      %dma_start3A_565 = arith.constant 0 : i32
      %dma_start3A_566 = arith.constant 0 : i32
      %dma_start3A_567 = tpu.memref_slice %dma_start3A_564[%dma_start3A_565, %dma_start3A_566] : memref<100000x128xf32, #tpu.memory_space<hbm>> -> memref<100000x128xf32, #tpu.memory_space<hbm>>
      tpu.enqueue_indirect_dma source(%dma_start3A_567 : memref<100000x128xf32, #tpu.memory_space<hbm>>) target(%dma_start3A_558 : memref<80x128xf32, #tpu.memory_space<vmem>>) offsets(%dma_start3A_560 : memref<80xi32, #tpu.memory_space<vmem>>) semaphore(%arg12 : memref<!tpu.dma_semaphore, #tpu.memory_space<semaphore_mem>>)
      %dma_start3A_568 = arith.constant 2 : i32
      %dma_start3A_569 = arith.constant 0 : i32
      %dma_start3A_570 = arith.constant 0 : i32
      %dma_start3A_571 = tpu.memref_slice %arg9[%dma_start3A_568, %dma_start3A_569, %dma_start3A_570] : memref<6x80x128xf32, #tpu.memory_space<vmem>> -> memref<1x80x128xf32, #tpu.memory_space<vmem>>
      %dma_start3A_572 = tpu.memref_squeeze %dma_start3A_571 : memref<1x80x128xf32, #tpu.memory_space<vmem>> -> memref<80x128xf32, #tpu.memory_space<vmem>>
      %dma_start3A_573 = arith.constant 1120 : i32
      %dma_start3A_574 = tpu.memref_slice %arg7[%dma_start3A_573] : memref<1600xi32, #tpu.memory_space<vmem>> -> memref<80xi32, #tpu.memory_space<vmem>>
      %dma_start3A_575 = arith.constant 0 : i32
      %dma_start3A_576 = arith.constant 0 : i32
      %dma_start3A_577 = tpu.memref_slice %arg4[%dma_start3A_575, %dma_start3A_576] : memref<100000x128xf32, #tpu.memory_space<hbm>> -> memref<100000x128xf32, #tpu.memory_space<hbm>>
      tpu.enqueue_indirect_dma source(%dma_start3A_577 : memref<100000x128xf32, #tpu.memory_space<hbm>>) target(%dma_start3A_572 : memref<80x128xf32, #tpu.memory_space<vmem>>) offsets(%dma_start3A_574 : memref<80xi32, #tpu.memory_space<vmem>>) semaphore(%arg18 : memref<!tpu.dma_semaphore, #tpu.memory_space<semaphore_mem>>)
    } else {
    }
    %gt3A_193 = arith.constant 12 : i32
    %gt3A_194 = arith.cmpi sgt, %select_n3A, %gt3A_193 : i32
    %convert_element_type3A_195 = arith.extui %gt3A_194 : i1 to i32
    %cond3A_196 = arith.constant 0 : i32
    %cond3A_197 = arith.constant 0 : i32
    %cond3A_198 = arith.constant 0 : i32
    %cond3A_199 = arith.cmpi ne, %convert_element_type3A_195, %cond3A_198 : i32
    scf.if %cond3A_199 {
      %dma_wait3A_517 = arith.constant 0 : i32
      %dma_wait3A_518 = arith.constant 0 : i32
      %dma_wait3A_519 = arith.constant 0 : i32
      %dma_wait3A_520 = tpu.memref_slice %arg8[%dma_wait3A_517, %dma_wait3A_518, %dma_wait3A_519] : memref<6x80x128xf32, #tpu.memory_space<vmem>> -> memref<1x80x128xf32, #tpu.memory_space<vmem>>
      %dma_wait3A_521 = tpu.memref_squeeze %dma_wait3A_520 : memref<1x80x128xf32, #tpu.memory_space<vmem>> -> memref<80x128xf32, #tpu.memory_space<vmem>>
      %dma_wait3A_522 = arith.constant 0 : i32
      %dma_wait3A_523 = arith.constant 0 : i32
      %dma_wait3A_524 = tpu.memref_slice %arg3[%cond3A_196, %dma_wait3A_522, %dma_wait3A_523] : memref<1x100000x128xf32, #tpu.memory_space<hbm>> -> memref<1x100000x128xf32, #tpu.memory_space<hbm>>
      %dma_wait3A_525 = tpu.memref_squeeze %dma_wait3A_524 : memref<1x100000x128xf32, #tpu.memory_space<hbm>> -> memref<100000x128xf32, #tpu.memory_space<hbm>>
      %dma_wait3A_526 = arith.constant 0 : i32
      %dma_wait3A_527 = arith.constant 0 : i32
      %dma_wait3A_528 = tpu.memref_slice %dma_wait3A_525[%dma_wait3A_526, %dma_wait3A_527] : memref<100000x128xf32, #tpu.memory_space<hbm>> -> memref<80x128xf32, #tpu.memory_space<hbm>>
      %dma_wait3A_529 = arith.constant 0 : i32
      %dma_wait3A_530 = arith.constant 0 : i32
      %dma_wait3A_531 = tpu.memref_slice %arg8[%dma_wait3A_517, %dma_wait3A_529, %dma_wait3A_530] : memref<6x80x128xf32, #tpu.memory_space<vmem>> -> memref<1x80x128xf32, #tpu.memory_space<vmem>>
      %dma_wait3A_532 = tpu.memref_squeeze %dma_wait3A_531 : memref<1x80x128xf32, #tpu.memory_space<vmem>> -> memref<80x128xf32, #tpu.memory_space<vmem>>
      %dma_wait3A_533 = arith.constant 0 : i32
      %dma_wait3A_534 = arith.constant 0 : i32
      %dma_wait3A_535 = tpu.memref_slice %arg3[%cond3A_196, %dma_wait3A_533, %dma_wait3A_534] : memref<1x100000x128xf32, #tpu.memory_space<hbm>> -> memref<1x100000x128xf32, #tpu.memory_space<hbm>>
      %dma_wait3A_536 = tpu.memref_squeeze %dma_wait3A_535 : memref<1x100000x128xf32, #tpu.memory_space<hbm>> -> memref<100000x128xf32, #tpu.memory_space<hbm>>
      %dma_wait3A_537 = arith.constant 0 : i32
      %dma_wait3A_538 = arith.constant 0 : i32
      %dma_wait3A_539 = tpu.memref_slice %dma_wait3A_536[%dma_wait3A_537, %dma_wait3A_538] : memref<100000x128xf32, #tpu.memory_space<hbm>> -> memref<80x128xf32, #tpu.memory_space<hbm>>
      tpu.wait_dma2 semaphore(%arg10 : memref<!tpu.dma_semaphore, #tpu.memory_space<semaphore_mem>>) src(%dma_wait3A_539 : memref<80x128xf32, #tpu.memory_space<hbm>>) dst(%dma_wait3A_532 : memref<80x128xf32, #tpu.memory_space<vmem>>)
      %dma_wait3A_540 = arith.constant 0 : i32
      %dma_wait3A_541 = arith.constant 0 : i32
      %dma_wait3A_542 = arith.constant 0 : i32
      %dma_wait3A_543 = tpu.memref_slice %arg9[%dma_wait3A_540, %dma_wait3A_541, %dma_wait3A_542] : memref<6x80x128xf32, #tpu.memory_space<vmem>> -> memref<1x80x128xf32, #tpu.memory_space<vmem>>
      %dma_wait3A_544 = tpu.memref_squeeze %dma_wait3A_543 : memref<1x80x128xf32, #tpu.memory_space<vmem>> -> memref<80x128xf32, #tpu.memory_space<vmem>>
      %dma_wait3A_545 = arith.constant 0 : i32
      %dma_wait3A_546 = arith.constant 0 : i32
      %dma_wait3A_547 = tpu.memref_slice %arg4[%dma_wait3A_545, %dma_wait3A_546] : memref<100000x128xf32, #tpu.memory_space<hbm>> -> memref<80x128xf32, #tpu.memory_space<hbm>>
      %dma_wait3A_548 = arith.constant 0 : i32
      %dma_wait3A_549 = arith.constant 0 : i32
      %dma_wait3A_550 = tpu.memref_slice %arg9[%dma_wait3A_540, %dma_wait3A_548, %dma_wait3A_549] : memref<6x80x128xf32, #tpu.memory_space<vmem>> -> memref<1x80x128xf32, #tpu.memory_space<vmem>>
      %dma_wait3A_551 = tpu.memref_squeeze %dma_wait3A_550 : memref<1x80x128xf32, #tpu.memory_space<vmem>> -> memref<80x128xf32, #tpu.memory_space<vmem>>
      %dma_wait3A_552 = arith.constant 0 : i32
      %dma_wait3A_553 = arith.constant 0 : i32
      %dma_wait3A_554 = tpu.memref_slice %arg4[%dma_wait3A_552, %dma_wait3A_553] : memref<100000x128xf32, #tpu.memory_space<hbm>> -> memref<80x128xf32, #tpu.memory_space<hbm>>
      tpu.wait_dma2 semaphore(%arg16 : memref<!tpu.dma_semaphore, #tpu.memory_space<semaphore_mem>>) src(%dma_wait3A_554 : memref<80x128xf32, #tpu.memory_space<hbm>>) dst(%dma_wait3A_551 : memref<80x128xf32, #tpu.memory_space<vmem>>)
      %add3A_555 = arith.constant 960 : i32
      %add3A_556 = arith.addi %mul3A_8, %add3A_555 : i32
      %dma_start3A = arith.constant 0 : i32
      %dma_start3A_557 = arith.constant 0 : i32
      %dma_start3A_558 = arith.constant 0 : i32
      %dma_start3A_559 = tpu.memref_slice %arg8[%dma_start3A, %dma_start3A_557, %dma_start3A_558] : memref<6x80x128xf32, #tpu.memory_space<vmem>> -> memref<1x80x128xf32, #tpu.memory_space<vmem>>
      %dma_start3A_560 = tpu.memref_squeeze %dma_start3A_559 : memref<1x80x128xf32, #tpu.memory_space<vmem>> -> memref<80x128xf32, #tpu.memory_space<vmem>>
      %dma_start3A_561 = arith.constant 0 : i32
      %dma_start3A_562 = arith.constant 0 : i32
      %dma_start3A_563 = tpu.memref_slice %arg5[%cond3A_197, %dma_start3A_561, %dma_start3A_562] : memref<1x50000x128xf32, #tpu.memory_space<hbm>> -> memref<1x50000x128xf32, #tpu.memory_space<hbm>>
      %dma_start3A_564 = tpu.memref_squeeze %dma_start3A_563 : memref<1x50000x128xf32, #tpu.memory_space<hbm>> -> memref<50000x128xf32, #tpu.memory_space<hbm>>
      %dma_start3A_565 = arith.constant 0 : i32
      %dma_start3A_566 = tpu.memref_slice %dma_start3A_564[%add3A_556, %dma_start3A_565] : memref<50000x128xf32, #tpu.memory_space<hbm>> -> memref<80x128xf32, #tpu.memory_space<hbm>>
      %dma_start3A_567 = arith.constant 0 : i32
      %dma_start3A_568 = arith.constant 0 : i32
      %dma_start3A_569 = tpu.memref_slice %arg5[%cond3A_197, %dma_start3A_567, %dma_start3A_568] : memref<1x50000x128xf32, #tpu.memory_space<hbm>> -> memref<1x50000x128xf32, #tpu.memory_space<hbm>>
      %dma_start3A_570 = tpu.memref_squeeze %dma_start3A_569 : memref<1x50000x128xf32, #tpu.memory_space<hbm>> -> memref<50000x128xf32, #tpu.memory_space<hbm>>
      %dma_start3A_571 = arith.constant 0 : i32
      %dma_start3A_572 = tpu.memref_slice %dma_start3A_570[%add3A_556, %dma_start3A_571] : memref<50000x128xf32, #tpu.memory_space<hbm>> -> memref<80x128xf32, #tpu.memory_space<hbm>>
      %dma_start3A_573 = arith.constant 0 : i32
      %dma_start3A_574 = arith.constant 0 : i32
      %dma_start3A_575 = tpu.memref_slice %arg8[%dma_start3A, %dma_start3A_573, %dma_start3A_574] : memref<6x80x128xf32, #tpu.memory_space<vmem>> -> memref<1x80x128xf32, #tpu.memory_space<vmem>>
      %dma_start3A_576 = tpu.memref_squeeze %dma_start3A_575 : memref<1x80x128xf32, #tpu.memory_space<vmem>> -> memref<80x128xf32, #tpu.memory_space<vmem>>
      tpu.enqueue_dma source(%dma_start3A_576 : memref<80x128xf32, #tpu.memory_space<vmem>>) target(%dma_start3A_572 : memref<80x128xf32, #tpu.memory_space<hbm>>) target_semaphore(%arg22 : memref<!tpu.dma_semaphore, #tpu.memory_space<semaphore_mem>>)
      %dma_start3A_577 = arith.constant 0 : i32
      %dma_start3A_578 = arith.constant 0 : i32
      %dma_start3A_579 = arith.constant 0 : i32
      %dma_start3A_580 = tpu.memref_slice %arg9[%dma_start3A_577, %dma_start3A_578, %dma_start3A_579] : memref<6x80x128xf32, #tpu.memory_space<vmem>> -> memref<1x80x128xf32, #tpu.memory_space<vmem>>
      %dma_start3A_581 = tpu.memref_squeeze %dma_start3A_580 : memref<1x80x128xf32, #tpu.memory_space<vmem>> -> memref<80x128xf32, #tpu.memory_space<vmem>>
      %dma_start3A_582 = arith.constant 0 : i32
      %dma_start3A_583 = tpu.memref_slice %arg6[%add3A_556, %dma_start3A_582] : memref<50000x128xf32, #tpu.memory_space<hbm>> -> memref<80x128xf32, #tpu.memory_space<hbm>>
      %dma_start3A_584 = arith.constant 0 : i32
      %dma_start3A_585 = tpu.memref_slice %arg6[%add3A_556, %dma_start3A_584] : memref<50000x128xf32, #tpu.memory_space<hbm>> -> memref<80x128xf32, #tpu.memory_space<hbm>>
      %dma_start3A_586 = arith.constant 0 : i32
      %dma_start3A_587 = arith.constant 0 : i32
      %dma_start3A_588 = tpu.memref_slice %arg9[%dma_start3A_577, %dma_start3A_586, %dma_start3A_587] : memref<6x80x128xf32, #tpu.memory_space<vmem>> -> memref<1x80x128xf32, #tpu.memory_space<vmem>>
      %dma_start3A_589 = tpu.memref_squeeze %dma_start3A_588 : memref<1x80x128xf32, #tpu.memory_space<vmem>> -> memref<80x128xf32, #tpu.memory_space<vmem>>
      tpu.enqueue_dma source(%dma_start3A_589 : memref<80x128xf32, #tpu.memory_space<vmem>>) target(%dma_start3A_585 : memref<80x128xf32, #tpu.memory_space<hbm>>) target_semaphore(%arg28 : memref<!tpu.dma_semaphore, #tpu.memory_space<semaphore_mem>>)
    } else {
    }
    %gt3A_200 = arith.constant 15 : i32
    %gt3A_201 = arith.cmpi sgt, %select_n3A, %gt3A_200 : i32
    %convert_element_type3A_202 = arith.extui %gt3A_201 : i1 to i32
    %cond3A_203 = arith.constant 0 : i32
    %cond3A_204 = arith.constant 0 : i32
    %cond3A_205 = arith.constant 0 : i32
    %cond3A_206 = arith.cmpi ne, %convert_element_type3A_202, %cond3A_205 : i32
    scf.if %cond3A_206 {
      %dma_wait3A_517 = arith.constant 3 : i32
      %dma_wait3A_518 = arith.constant 0 : i32
      %dma_wait3A_519 = arith.constant 0 : i32
      %dma_wait3A_520 = tpu.memref_slice %arg8[%dma_wait3A_517, %dma_wait3A_518, %dma_wait3A_519] : memref<6x80x128xf32, #tpu.memory_space<vmem>> -> memref<1x80x128xf32, #tpu.memory_space<vmem>>
      %dma_wait3A_521 = tpu.memref_squeeze %dma_wait3A_520 : memref<1x80x128xf32, #tpu.memory_space<vmem>> -> memref<80x128xf32, #tpu.memory_space<vmem>>
      %dma_wait3A_522 = arith.constant 0 : i32
      %dma_wait3A_523 = arith.constant 0 : i32
      %dma_wait3A_524 = tpu.memref_slice %arg5[%cond3A_203, %dma_wait3A_522, %dma_wait3A_523] : memref<1x50000x128xf32, #tpu.memory_space<hbm>> -> memref<1x50000x128xf32, #tpu.memory_space<hbm>>
      %dma_wait3A_525 = tpu.memref_squeeze %dma_wait3A_524 : memref<1x50000x128xf32, #tpu.memory_space<hbm>> -> memref<50000x128xf32, #tpu.memory_space<hbm>>
      %dma_wait3A_526 = arith.constant 0 : i32
      %dma_wait3A_527 = arith.constant 0 : i32
      %dma_wait3A_528 = tpu.memref_slice %dma_wait3A_525[%dma_wait3A_526, %dma_wait3A_527] : memref<50000x128xf32, #tpu.memory_space<hbm>> -> memref<80x128xf32, #tpu.memory_space<hbm>>
      %dma_wait3A_529 = arith.constant 0 : i32
      %dma_wait3A_530 = arith.constant 0 : i32
      %dma_wait3A_531 = tpu.memref_slice %arg5[%cond3A_203, %dma_wait3A_529, %dma_wait3A_530] : memref<1x50000x128xf32, #tpu.memory_space<hbm>> -> memref<1x50000x128xf32, #tpu.memory_space<hbm>>
      %dma_wait3A_532 = tpu.memref_squeeze %dma_wait3A_531 : memref<1x50000x128xf32, #tpu.memory_space<hbm>> -> memref<50000x128xf32, #tpu.memory_space<hbm>>
      %dma_wait3A_533 = arith.constant 0 : i32
      %dma_wait3A_534 = arith.constant 0 : i32
      %dma_wait3A_535 = tpu.memref_slice %dma_wait3A_532[%dma_wait3A_533, %dma_wait3A_534] : memref<50000x128xf32, #tpu.memory_space<hbm>> -> memref<80x128xf32, #tpu.memory_space<hbm>>
      %dma_wait3A_536 = arith.constant 0 : i32
      %dma_wait3A_537 = arith.constant 0 : i32
      %dma_wait3A_538 = tpu.memref_slice %arg8[%dma_wait3A_517, %dma_wait3A_536, %dma_wait3A_537] : memref<6x80x128xf32, #tpu.memory_space<vmem>> -> memref<1x80x128xf32, #tpu.memory_space<vmem>>
      %dma_wait3A_539 = tpu.memref_squeeze %dma_wait3A_538 : memref<1x80x128xf32, #tpu.memory_space<vmem>> -> memref<80x128xf32, #tpu.memory_space<vmem>>
      tpu.wait_dma2 semaphore(%arg25 : memref<!tpu.dma_semaphore, #tpu.memory_space<semaphore_mem>>) src(%dma_wait3A_539 : memref<80x128xf32, #tpu.memory_space<vmem>>) dst(%dma_wait3A_535 : memref<80x128xf32, #tpu.memory_space<hbm>>)
      %dma_wait3A_540 = arith.constant 3 : i32
      %dma_wait3A_541 = arith.constant 0 : i32
      %dma_wait3A_542 = arith.constant 0 : i32
      %dma_wait3A_543 = tpu.memref_slice %arg9[%dma_wait3A_540, %dma_wait3A_541, %dma_wait3A_542] : memref<6x80x128xf32, #tpu.memory_space<vmem>> -> memref<1x80x128xf32, #tpu.memory_space<vmem>>
      %dma_wait3A_544 = tpu.memref_squeeze %dma_wait3A_543 : memref<1x80x128xf32, #tpu.memory_space<vmem>> -> memref<80x128xf32, #tpu.memory_space<vmem>>
      %dma_wait3A_545 = arith.constant 0 : i32
      %dma_wait3A_546 = arith.constant 0 : i32
      %dma_wait3A_547 = tpu.memref_slice %arg6[%dma_wait3A_545, %dma_wait3A_546] : memref<50000x128xf32, #tpu.memory_space<hbm>> -> memref<80x128xf32, #tpu.memory_space<hbm>>
      %dma_wait3A_548 = arith.constant 0 : i32
      %dma_wait3A_549 = arith.constant 0 : i32
      %dma_wait3A_550 = tpu.memref_slice %arg6[%dma_wait3A_548, %dma_wait3A_549] : memref<50000x128xf32, #tpu.memory_space<hbm>> -> memref<80x128xf32, #tpu.memory_space<hbm>>
      %dma_wait3A_551 = arith.constant 0 : i32
      %dma_wait3A_552 = arith.constant 0 : i32
      %dma_wait3A_553 = tpu.memref_slice %arg9[%dma_wait3A_540, %dma_wait3A_551, %dma_wait3A_552] : memref<6x80x128xf32, #tpu.memory_space<vmem>> -> memref<1x80x128xf32, #tpu.memory_space<vmem>>
      %dma_wait3A_554 = tpu.memref_squeeze %dma_wait3A_553 : memref<1x80x128xf32, #tpu.memory_space<vmem>> -> memref<80x128xf32, #tpu.memory_space<vmem>>
      tpu.wait_dma2 semaphore(%arg31 : memref<!tpu.dma_semaphore, #tpu.memory_space<semaphore_mem>>) src(%dma_wait3A_554 : memref<80x128xf32, #tpu.memory_space<vmem>>) dst(%dma_wait3A_550 : memref<80x128xf32, #tpu.memory_space<hbm>>)
      %dma_start3A = arith.constant 3 : i32
      %dma_start3A_555 = arith.constant 0 : i32
      %dma_start3A_556 = arith.constant 0 : i32
      %dma_start3A_557 = tpu.memref_slice %arg8[%dma_start3A, %dma_start3A_555, %dma_start3A_556] : memref<6x80x128xf32, #tpu.memory_space<vmem>> -> memref<1x80x128xf32, #tpu.memory_space<vmem>>
      %dma_start3A_558 = tpu.memref_squeeze %dma_start3A_557 : memref<1x80x128xf32, #tpu.memory_space<vmem>> -> memref<80x128xf32, #tpu.memory_space<vmem>>
      %dma_start3A_559 = arith.constant 1200 : i32
      %dma_start3A_560 = tpu.memref_slice %arg7[%dma_start3A_559] : memref<1600xi32, #tpu.memory_space<vmem>> -> memref<80xi32, #tpu.memory_space<vmem>>
      %dma_start3A_561 = arith.constant 0 : i32
      %dma_start3A_562 = arith.constant 0 : i32
      %dma_start3A_563 = tpu.memref_slice %arg3[%cond3A_204, %dma_start3A_561, %dma_start3A_562] : memref<1x100000x128xf32, #tpu.memory_space<hbm>> -> memref<1x100000x128xf32, #tpu.memory_space<hbm>>
      %dma_start3A_564 = tpu.memref_squeeze %dma_start3A_563 : memref<1x100000x128xf32, #tpu.memory_space<hbm>> -> memref<100000x128xf32, #tpu.memory_space<hbm>>
      %dma_start3A_565 = arith.constant 0 : i32
      %dma_start3A_566 = arith.constant 0 : i32
      %dma_start3A_567 = tpu.memref_slice %dma_start3A_564[%dma_start3A_565, %dma_start3A_566] : memref<100000x128xf32, #tpu.memory_space<hbm>> -> memref<100000x128xf32, #tpu.memory_space<hbm>>
      tpu.enqueue_indirect_dma source(%dma_start3A_567 : memref<100000x128xf32, #tpu.memory_space<hbm>>) target(%dma_start3A_558 : memref<80x128xf32, #tpu.memory_space<vmem>>) offsets(%dma_start3A_560 : memref<80xi32, #tpu.memory_space<vmem>>) semaphore(%arg13 : memref<!tpu.dma_semaphore, #tpu.memory_space<semaphore_mem>>)
      %dma_start3A_568 = arith.constant 3 : i32
      %dma_start3A_569 = arith.constant 0 : i32
      %dma_start3A_570 = arith.constant 0 : i32
      %dma_start3A_571 = tpu.memref_slice %arg9[%dma_start3A_568, %dma_start3A_569, %dma_start3A_570] : memref<6x80x128xf32, #tpu.memory_space<vmem>> -> memref<1x80x128xf32, #tpu.memory_space<vmem>>
      %dma_start3A_572 = tpu.memref_squeeze %dma_start3A_571 : memref<1x80x128xf32, #tpu.memory_space<vmem>> -> memref<80x128xf32, #tpu.memory_space<vmem>>
      %dma_start3A_573 = arith.constant 1200 : i32
      %dma_start3A_574 = tpu.memref_slice %arg7[%dma_start3A_573] : memref<1600xi32, #tpu.memory_space<vmem>> -> memref<80xi32, #tpu.memory_space<vmem>>
      %dma_start3A_575 = arith.constant 0 : i32
      %dma_start3A_576 = arith.constant 0 : i32
      %dma_start3A_577 = tpu.memref_slice %arg4[%dma_start3A_575, %dma_start3A_576] : memref<100000x128xf32, #tpu.memory_space<hbm>> -> memref<100000x128xf32, #tpu.memory_space<hbm>>
      tpu.enqueue_indirect_dma source(%dma_start3A_577 : memref<100000x128xf32, #tpu.memory_space<hbm>>) target(%dma_start3A_572 : memref<80x128xf32, #tpu.memory_space<vmem>>) offsets(%dma_start3A_574 : memref<80xi32, #tpu.memory_space<vmem>>) semaphore(%arg19 : memref<!tpu.dma_semaphore, #tpu.memory_space<semaphore_mem>>)
    } else {
    }
    %gt3A_207 = arith.constant 13 : i32
    %gt3A_208 = arith.cmpi sgt, %select_n3A, %gt3A_207 : i32
    %convert_element_type3A_209 = arith.extui %gt3A_208 : i1 to i32
    %cond3A_210 = arith.constant 0 : i32
    %cond3A_211 = arith.constant 0 : i32
    %cond3A_212 = arith.constant 0 : i32
    %cond3A_213 = arith.cmpi ne, %convert_element_type3A_209, %cond3A_212 : i32
    scf.if %cond3A_213 {
      %dma_wait3A_517 = arith.constant 1 : i32
      %dma_wait3A_518 = arith.constant 0 : i32
      %dma_wait3A_519 = arith.constant 0 : i32
      %dma_wait3A_520 = tpu.memref_slice %arg8[%dma_wait3A_517, %dma_wait3A_518, %dma_wait3A_519] : memref<6x80x128xf32, #tpu.memory_space<vmem>> -> memref<1x80x128xf32, #tpu.memory_space<vmem>>
      %dma_wait3A_521 = tpu.memref_squeeze %dma_wait3A_520 : memref<1x80x128xf32, #tpu.memory_space<vmem>> -> memref<80x128xf32, #tpu.memory_space<vmem>>
      %dma_wait3A_522 = arith.constant 0 : i32
      %dma_wait3A_523 = arith.constant 0 : i32
      %dma_wait3A_524 = tpu.memref_slice %arg3[%cond3A_210, %dma_wait3A_522, %dma_wait3A_523] : memref<1x100000x128xf32, #tpu.memory_space<hbm>> -> memref<1x100000x128xf32, #tpu.memory_space<hbm>>
      %dma_wait3A_525 = tpu.memref_squeeze %dma_wait3A_524 : memref<1x100000x128xf32, #tpu.memory_space<hbm>> -> memref<100000x128xf32, #tpu.memory_space<hbm>>
      %dma_wait3A_526 = arith.constant 0 : i32
      %dma_wait3A_527 = arith.constant 0 : i32
      %dma_wait3A_528 = tpu.memref_slice %dma_wait3A_525[%dma_wait3A_526, %dma_wait3A_527] : memref<100000x128xf32, #tpu.memory_space<hbm>> -> memref<80x128xf32, #tpu.memory_space<hbm>>
      %dma_wait3A_529 = arith.constant 0 : i32
      %dma_wait3A_530 = arith.constant 0 : i32
      %dma_wait3A_531 = tpu.memref_slice %arg8[%dma_wait3A_517, %dma_wait3A_529, %dma_wait3A_530] : memref<6x80x128xf32, #tpu.memory_space<vmem>> -> memref<1x80x128xf32, #tpu.memory_space<vmem>>
      %dma_wait3A_532 = tpu.memref_squeeze %dma_wait3A_531 : memref<1x80x128xf32, #tpu.memory_space<vmem>> -> memref<80x128xf32, #tpu.memory_space<vmem>>
      %dma_wait3A_533 = arith.constant 0 : i32
      %dma_wait3A_534 = arith.constant 0 : i32
      %dma_wait3A_535 = tpu.memref_slice %arg3[%cond3A_210, %dma_wait3A_533, %dma_wait3A_534] : memref<1x100000x128xf32, #tpu.memory_space<hbm>> -> memref<1x100000x128xf32, #tpu.memory_space<hbm>>
      %dma_wait3A_536 = tpu.memref_squeeze %dma_wait3A_535 : memref<1x100000x128xf32, #tpu.memory_space<hbm>> -> memref<100000x128xf32, #tpu.memory_space<hbm>>
      %dma_wait3A_537 = arith.constant 0 : i32
      %dma_wait3A_538 = arith.constant 0 : i32
      %dma_wait3A_539 = tpu.memref_slice %dma_wait3A_536[%dma_wait3A_537, %dma_wait3A_538] : memref<100000x128xf32, #tpu.memory_space<hbm>> -> memref<80x128xf32, #tpu.memory_space<hbm>>
      tpu.wait_dma2 semaphore(%arg11 : memref<!tpu.dma_semaphore, #tpu.memory_space<semaphore_mem>>) src(%dma_wait3A_539 : memref<80x128xf32, #tpu.memory_space<hbm>>) dst(%dma_wait3A_532 : memref<80x128xf32, #tpu.memory_space<vmem>>)
      %dma_wait3A_540 = arith.constant 1 : i32
      %dma_wait3A_541 = arith.constant 0 : i32
      %dma_wait3A_542 = arith.constant 0 : i32
      %dma_wait3A_543 = tpu.memref_slice %arg9[%dma_wait3A_540, %dma_wait3A_541, %dma_wait3A_542] : memref<6x80x128xf32, #tpu.memory_space<vmem>> -> memref<1x80x128xf32, #tpu.memory_space<vmem>>
      %dma_wait3A_544 = tpu.memref_squeeze %dma_wait3A_543 : memref<1x80x128xf32, #tpu.memory_space<vmem>> -> memref<80x128xf32, #tpu.memory_space<vmem>>
      %dma_wait3A_545 = arith.constant 0 : i32
      %dma_wait3A_546 = arith.constant 0 : i32
      %dma_wait3A_547 = tpu.memref_slice %arg4[%dma_wait3A_545, %dma_wait3A_546] : memref<100000x128xf32, #tpu.memory_space<hbm>> -> memref<80x128xf32, #tpu.memory_space<hbm>>
      %dma_wait3A_548 = arith.constant 0 : i32
      %dma_wait3A_549 = arith.constant 0 : i32
      %dma_wait3A_550 = tpu.memref_slice %arg9[%dma_wait3A_540, %dma_wait3A_548, %dma_wait3A_549] : memref<6x80x128xf32, #tpu.memory_space<vmem>> -> memref<1x80x128xf32, #tpu.memory_space<vmem>>
      %dma_wait3A_551 = tpu.memref_squeeze %dma_wait3A_550 : memref<1x80x128xf32, #tpu.memory_space<vmem>> -> memref<80x128xf32, #tpu.memory_space<vmem>>
      %dma_wait3A_552 = arith.constant 0 : i32
      %dma_wait3A_553 = arith.constant 0 : i32
      %dma_wait3A_554 = tpu.memref_slice %arg4[%dma_wait3A_552, %dma_wait3A_553] : memref<100000x128xf32, #tpu.memory_space<hbm>> -> memref<80x128xf32, #tpu.memory_space<hbm>>
      tpu.wait_dma2 semaphore(%arg17 : memref<!tpu.dma_semaphore, #tpu.memory_space<semaphore_mem>>) src(%dma_wait3A_554 : memref<80x128xf32, #tpu.memory_space<hbm>>) dst(%dma_wait3A_551 : memref<80x128xf32, #tpu.memory_space<vmem>>)
      %add3A_555 = arith.constant 1040 : i32
      %add3A_556 = arith.addi %mul3A_8, %add3A_555 : i32
      %dma_start3A = arith.constant 1 : i32
      %dma_start3A_557 = arith.constant 0 : i32
      %dma_start3A_558 = arith.constant 0 : i32
      %dma_start3A_559 = tpu.memref_slice %arg8[%dma_start3A, %dma_start3A_557, %dma_start3A_558] : memref<6x80x128xf32, #tpu.memory_space<vmem>> -> memref<1x80x128xf32, #tpu.memory_space<vmem>>
      %dma_start3A_560 = tpu.memref_squeeze %dma_start3A_559 : memref<1x80x128xf32, #tpu.memory_space<vmem>> -> memref<80x128xf32, #tpu.memory_space<vmem>>
      %dma_start3A_561 = arith.constant 0 : i32
      %dma_start3A_562 = arith.constant 0 : i32
      %dma_start3A_563 = tpu.memref_slice %arg5[%cond3A_211, %dma_start3A_561, %dma_start3A_562] : memref<1x50000x128xf32, #tpu.memory_space<hbm>> -> memref<1x50000x128xf32, #tpu.memory_space<hbm>>
      %dma_start3A_564 = tpu.memref_squeeze %dma_start3A_563 : memref<1x50000x128xf32, #tpu.memory_space<hbm>> -> memref<50000x128xf32, #tpu.memory_space<hbm>>
      %dma_start3A_565 = arith.constant 0 : i32
      %dma_start3A_566 = tpu.memref_slice %dma_start3A_564[%add3A_556, %dma_start3A_565] : memref<50000x128xf32, #tpu.memory_space<hbm>> -> memref<80x128xf32, #tpu.memory_space<hbm>>
      %dma_start3A_567 = arith.constant 0 : i32
      %dma_start3A_568 = arith.constant 0 : i32
      %dma_start3A_569 = tpu.memref_slice %arg5[%cond3A_211, %dma_start3A_567, %dma_start3A_568] : memref<1x50000x128xf32, #tpu.memory_space<hbm>> -> memref<1x50000x128xf32, #tpu.memory_space<hbm>>
      %dma_start3A_570 = tpu.memref_squeeze %dma_start3A_569 : memref<1x50000x128xf32, #tpu.memory_space<hbm>> -> memref<50000x128xf32, #tpu.memory_space<hbm>>
      %dma_start3A_571 = arith.constant 0 : i32
      %dma_start3A_572 = tpu.memref_slice %dma_start3A_570[%add3A_556, %dma_start3A_571] : memref<50000x128xf32, #tpu.memory_space<hbm>> -> memref<80x128xf32, #tpu.memory_space<hbm>>
      %dma_start3A_573 = arith.constant 0 : i32
      %dma_start3A_574 = arith.constant 0 : i32
      %dma_start3A_575 = tpu.memref_slice %arg8[%dma_start3A, %dma_start3A_573, %dma_start3A_574] : memref<6x80x128xf32, #tpu.memory_space<vmem>> -> memref<1x80x128xf32, #tpu.memory_space<vmem>>
      %dma_start3A_576 = tpu.memref_squeeze %dma_start3A_575 : memref<1x80x128xf32, #tpu.memory_space<vmem>> -> memref<80x128xf32, #tpu.memory_space<vmem>>
      tpu.enqueue_dma source(%dma_start3A_576 : memref<80x128xf32, #tpu.memory_space<vmem>>) target(%dma_start3A_572 : memref<80x128xf32, #tpu.memory_space<hbm>>) target_semaphore(%arg23 : memref<!tpu.dma_semaphore, #tpu.memory_space<semaphore_mem>>)
      %dma_start3A_577 = arith.constant 1 : i32
      %dma_start3A_578 = arith.constant 0 : i32
      %dma_start3A_579 = arith.constant 0 : i32
      %dma_start3A_580 = tpu.memref_slice %arg9[%dma_start3A_577, %dma_start3A_578, %dma_start3A_579] : memref<6x80x128xf32, #tpu.memory_space<vmem>> -> memref<1x80x128xf32, #tpu.memory_space<vmem>>
      %dma_start3A_581 = tpu.memref_squeeze %dma_start3A_580 : memref<1x80x128xf32, #tpu.memory_space<vmem>> -> memref<80x128xf32, #tpu.memory_space<vmem>>
      %dma_start3A_582 = arith.constant 0 : i32
      %dma_start3A_583 = tpu.memref_slice %arg6[%add3A_556, %dma_start3A_582] : memref<50000x128xf32, #tpu.memory_space<hbm>> -> memref<80x128xf32, #tpu.memory_space<hbm>>
      %dma_start3A_584 = arith.constant 0 : i32
      %dma_start3A_585 = tpu.memref_slice %arg6[%add3A_556, %dma_start3A_584] : memref<50000x128xf32, #tpu.memory_space<hbm>> -> memref<80x128xf32, #tpu.memory_space<hbm>>
      %dma_start3A_586 = arith.constant 0 : i32
      %dma_start3A_587 = arith.constant 0 : i32
      %dma_start3A_588 = tpu.memref_slice %arg9[%dma_start3A_577, %dma_start3A_586, %dma_start3A_587] : memref<6x80x128xf32, #tpu.memory_space<vmem>> -> memref<1x80x128xf32, #tpu.memory_space<vmem>>
      %dma_start3A_589 = tpu.memref_squeeze %dma_start3A_588 : memref<1x80x128xf32, #tpu.memory_space<vmem>> -> memref<80x128xf32, #tpu.memory_space<vmem>>
      tpu.enqueue_dma source(%dma_start3A_589 : memref<80x128xf32, #tpu.memory_space<vmem>>) target(%dma_start3A_585 : memref<80x128xf32, #tpu.memory_space<hbm>>) target_semaphore(%arg29 : memref<!tpu.dma_semaphore, #tpu.memory_space<semaphore_mem>>)
    } else {
    }
    %gt3A_214 = arith.constant 16 : i32
    %gt3A_215 = arith.cmpi sgt, %select_n3A, %gt3A_214 : i32
    %convert_element_type3A_216 = arith.extui %gt3A_215 : i1 to i32
    %cond3A_217 = arith.constant 0 : i32
    %cond3A_218 = arith.constant 0 : i32
    %cond3A_219 = arith.constant 0 : i32
    %cond3A_220 = arith.cmpi ne, %convert_element_type3A_216, %cond3A_219 : i32
    scf.if %cond3A_220 {
      %dma_wait3A_517 = arith.constant 4 : i32
      %dma_wait3A_518 = arith.constant 0 : i32
      %dma_wait3A_519 = arith.constant 0 : i32
      %dma_wait3A_520 = tpu.memref_slice %arg8[%dma_wait3A_517, %dma_wait3A_518, %dma_wait3A_519] : memref<6x80x128xf32, #tpu.memory_space<vmem>> -> memref<1x80x128xf32, #tpu.memory_space<vmem>>
      %dma_wait3A_521 = tpu.memref_squeeze %dma_wait3A_520 : memref<1x80x128xf32, #tpu.memory_space<vmem>> -> memref<80x128xf32, #tpu.memory_space<vmem>>
      %dma_wait3A_522 = arith.constant 0 : i32
      %dma_wait3A_523 = arith.constant 0 : i32
      %dma_wait3A_524 = tpu.memref_slice %arg5[%cond3A_217, %dma_wait3A_522, %dma_wait3A_523] : memref<1x50000x128xf32, #tpu.memory_space<hbm>> -> memref<1x50000x128xf32, #tpu.memory_space<hbm>>
      %dma_wait3A_525 = tpu.memref_squeeze %dma_wait3A_524 : memref<1x50000x128xf32, #tpu.memory_space<hbm>> -> memref<50000x128xf32, #tpu.memory_space<hbm>>
      %dma_wait3A_526 = arith.constant 0 : i32
      %dma_wait3A_527 = arith.constant 0 : i32
      %dma_wait3A_528 = tpu.memref_slice %dma_wait3A_525[%dma_wait3A_526, %dma_wait3A_527] : memref<50000x128xf32, #tpu.memory_space<hbm>> -> memref<80x128xf32, #tpu.memory_space<hbm>>
      %dma_wait3A_529 = arith.constant 0 : i32
      %dma_wait3A_530 = arith.constant 0 : i32
      %dma_wait3A_531 = tpu.memref_slice %arg5[%cond3A_217, %dma_wait3A_529, %dma_wait3A_530] : memref<1x50000x128xf32, #tpu.memory_space<hbm>> -> memref<1x50000x128xf32, #tpu.memory_space<hbm>>
      %dma_wait3A_532 = tpu.memref_squeeze %dma_wait3A_531 : memref<1x50000x128xf32, #tpu.memory_space<hbm>> -> memref<50000x128xf32, #tpu.memory_space<hbm>>
      %dma_wait3A_533 = arith.constant 0 : i32
      %dma_wait3A_534 = arith.constant 0 : i32
      %dma_wait3A_535 = tpu.memref_slice %dma_wait3A_532[%dma_wait3A_533, %dma_wait3A_534] : memref<50000x128xf32, #tpu.memory_space<hbm>> -> memref<80x128xf32, #tpu.memory_space<hbm>>
      %dma_wait3A_536 = arith.constant 0 : i32
      %dma_wait3A_537 = arith.constant 0 : i32
      %dma_wait3A_538 = tpu.memref_slice %arg8[%dma_wait3A_517, %dma_wait3A_536, %dma_wait3A_537] : memref<6x80x128xf32, #tpu.memory_space<vmem>> -> memref<1x80x128xf32, #tpu.memory_space<vmem>>
      %dma_wait3A_539 = tpu.memref_squeeze %dma_wait3A_538 : memref<1x80x128xf32, #tpu.memory_space<vmem>> -> memref<80x128xf32, #tpu.memory_space<vmem>>
      tpu.wait_dma2 semaphore(%arg26 : memref<!tpu.dma_semaphore, #tpu.memory_space<semaphore_mem>>) src(%dma_wait3A_539 : memref<80x128xf32, #tpu.memory_space<vmem>>) dst(%dma_wait3A_535 : memref<80x128xf32, #tpu.memory_space<hbm>>)
      %dma_wait3A_540 = arith.constant 4 : i32
      %dma_wait3A_541 = arith.constant 0 : i32
      %dma_wait3A_542 = arith.constant 0 : i32
      %dma_wait3A_543 = tpu.memref_slice %arg9[%dma_wait3A_540, %dma_wait3A_541, %dma_wait3A_542] : memref<6x80x128xf32, #tpu.memory_space<vmem>> -> memref<1x80x128xf32, #tpu.memory_space<vmem>>
      %dma_wait3A_544 = tpu.memref_squeeze %dma_wait3A_543 : memref<1x80x128xf32, #tpu.memory_space<vmem>> -> memref<80x128xf32, #tpu.memory_space<vmem>>
      %dma_wait3A_545 = arith.constant 0 : i32
      %dma_wait3A_546 = arith.constant 0 : i32
      %dma_wait3A_547 = tpu.memref_slice %arg6[%dma_wait3A_545, %dma_wait3A_546] : memref<50000x128xf32, #tpu.memory_space<hbm>> -> memref<80x128xf32, #tpu.memory_space<hbm>>
      %dma_wait3A_548 = arith.constant 0 : i32
      %dma_wait3A_549 = arith.constant 0 : i32
      %dma_wait3A_550 = tpu.memref_slice %arg6[%dma_wait3A_548, %dma_wait3A_549] : memref<50000x128xf32, #tpu.memory_space<hbm>> -> memref<80x128xf32, #tpu.memory_space<hbm>>
      %dma_wait3A_551 = arith.constant 0 : i32
      %dma_wait3A_552 = arith.constant 0 : i32
      %dma_wait3A_553 = tpu.memref_slice %arg9[%dma_wait3A_540, %dma_wait3A_551, %dma_wait3A_552] : memref<6x80x128xf32, #tpu.memory_space<vmem>> -> memref<1x80x128xf32, #tpu.memory_space<vmem>>
      %dma_wait3A_554 = tpu.memref_squeeze %dma_wait3A_553 : memref<1x80x128xf32, #tpu.memory_space<vmem>> -> memref<80x128xf32, #tpu.memory_space<vmem>>
      tpu.wait_dma2 semaphore(%arg32 : memref<!tpu.dma_semaphore, #tpu.memory_space<semaphore_mem>>) src(%dma_wait3A_554 : memref<80x128xf32, #tpu.memory_space<vmem>>) dst(%dma_wait3A_550 : memref<80x128xf32, #tpu.memory_space<hbm>>)
      %dma_start3A = arith.constant 4 : i32
      %dma_start3A_555 = arith.constant 0 : i32
      %dma_start3A_556 = arith.constant 0 : i32
      %dma_start3A_557 = tpu.memref_slice %arg8[%dma_start3A, %dma_start3A_555, %dma_start3A_556] : memref<6x80x128xf32, #tpu.memory_space<vmem>> -> memref<1x80x128xf32, #tpu.memory_space<vmem>>
      %dma_start3A_558 = tpu.memref_squeeze %dma_start3A_557 : memref<1x80x128xf32, #tpu.memory_space<vmem>> -> memref<80x128xf32, #tpu.memory_space<vmem>>
      %dma_start3A_559 = arith.constant 1280 : i32
      %dma_start3A_560 = tpu.memref_slice %arg7[%dma_start3A_559] : memref<1600xi32, #tpu.memory_space<vmem>> -> memref<80xi32, #tpu.memory_space<vmem>>
      %dma_start3A_561 = arith.constant 0 : i32
      %dma_start3A_562 = arith.constant 0 : i32
      %dma_start3A_563 = tpu.memref_slice %arg3[%cond3A_218, %dma_start3A_561, %dma_start3A_562] : memref<1x100000x128xf32, #tpu.memory_space<hbm>> -> memref<1x100000x128xf32, #tpu.memory_space<hbm>>
      %dma_start3A_564 = tpu.memref_squeeze %dma_start3A_563 : memref<1x100000x128xf32, #tpu.memory_space<hbm>> -> memref<100000x128xf32, #tpu.memory_space<hbm>>
      %dma_start3A_565 = arith.constant 0 : i32
      %dma_start3A_566 = arith.constant 0 : i32
      %dma_start3A_567 = tpu.memref_slice %dma_start3A_564[%dma_start3A_565, %dma_start3A_566] : memref<100000x128xf32, #tpu.memory_space<hbm>> -> memref<100000x128xf32, #tpu.memory_space<hbm>>
      tpu.enqueue_indirect_dma source(%dma_start3A_567 : memref<100000x128xf32, #tpu.memory_space<hbm>>) target(%dma_start3A_558 : memref<80x128xf32, #tpu.memory_space<vmem>>) offsets(%dma_start3A_560 : memref<80xi32, #tpu.memory_space<vmem>>) semaphore(%arg14 : memref<!tpu.dma_semaphore, #tpu.memory_space<semaphore_mem>>)
      %dma_start3A_568 = arith.constant 4 : i32
      %dma_start3A_569 = arith.constant 0 : i32
      %dma_start3A_570 = arith.constant 0 : i32
      %dma_start3A_571 = tpu.memref_slice %arg9[%dma_start3A_568, %dma_start3A_569, %dma_start3A_570] : memref<6x80x128xf32, #tpu.memory_space<vmem>> -> memref<1x80x128xf32, #tpu.memory_space<vmem>>
      %dma_start3A_572 = tpu.memref_squeeze %dma_start3A_571 : memref<1x80x128xf32, #tpu.memory_space<vmem>> -> memref<80x128xf32, #tpu.memory_space<vmem>>
      %dma_start3A_573 = arith.constant 1280 : i32
      %dma_start3A_574 = tpu.memref_slice %arg7[%dma_start3A_573] : memref<1600xi32, #tpu.memory_space<vmem>> -> memref<80xi32, #tpu.memory_space<vmem>>
      %dma_start3A_575 = arith.constant 0 : i32
      %dma_start3A_576 = arith.constant 0 : i32
      %dma_start3A_577 = tpu.memref_slice %arg4[%dma_start3A_575, %dma_start3A_576] : memref<100000x128xf32, #tpu.memory_space<hbm>> -> memref<100000x128xf32, #tpu.memory_space<hbm>>
      tpu.enqueue_indirect_dma source(%dma_start3A_577 : memref<100000x128xf32, #tpu.memory_space<hbm>>) target(%dma_start3A_572 : memref<80x128xf32, #tpu.memory_space<vmem>>) offsets(%dma_start3A_574 : memref<80xi32, #tpu.memory_space<vmem>>) semaphore(%arg20 : memref<!tpu.dma_semaphore, #tpu.memory_space<semaphore_mem>>)
    } else {
    }
    %gt3A_221 = arith.constant 14 : i32
    %gt3A_222 = arith.cmpi sgt, %select_n3A, %gt3A_221 : i32
    %convert_element_type3A_223 = arith.extui %gt3A_222 : i1 to i32
    %cond3A_224 = arith.constant 0 : i32
    %cond3A_225 = arith.constant 0 : i32
    %cond3A_226 = arith.constant 0 : i32
    %cond3A_227 = arith.cmpi ne, %convert_element_type3A_223, %cond3A_226 : i32
    scf.if %cond3A_227 {
      %dma_wait3A_517 = arith.constant 2 : i32
      %dma_wait3A_518 = arith.constant 0 : i32
      %dma_wait3A_519 = arith.constant 0 : i32
      %dma_wait3A_520 = tpu.memref_slice %arg8[%dma_wait3A_517, %dma_wait3A_518, %dma_wait3A_519] : memref<6x80x128xf32, #tpu.memory_space<vmem>> -> memref<1x80x128xf32, #tpu.memory_space<vmem>>
      %dma_wait3A_521 = tpu.memref_squeeze %dma_wait3A_520 : memref<1x80x128xf32, #tpu.memory_space<vmem>> -> memref<80x128xf32, #tpu.memory_space<vmem>>
      %dma_wait3A_522 = arith.constant 0 : i32
      %dma_wait3A_523 = arith.constant 0 : i32
      %dma_wait3A_524 = tpu.memref_slice %arg3[%cond3A_224, %dma_wait3A_522, %dma_wait3A_523] : memref<1x100000x128xf32, #tpu.memory_space<hbm>> -> memref<1x100000x128xf32, #tpu.memory_space<hbm>>
      %dma_wait3A_525 = tpu.memref_squeeze %dma_wait3A_524 : memref<1x100000x128xf32, #tpu.memory_space<hbm>> -> memref<100000x128xf32, #tpu.memory_space<hbm>>
      %dma_wait3A_526 = arith.constant 0 : i32
      %dma_wait3A_527 = arith.constant 0 : i32
      %dma_wait3A_528 = tpu.memref_slice %dma_wait3A_525[%dma_wait3A_526, %dma_wait3A_527] : memref<100000x128xf32, #tpu.memory_space<hbm>> -> memref<80x128xf32, #tpu.memory_space<hbm>>
      %dma_wait3A_529 = arith.constant 0 : i32
      %dma_wait3A_530 = arith.constant 0 : i32
      %dma_wait3A_531 = tpu.memref_slice %arg8[%dma_wait3A_517, %dma_wait3A_529, %dma_wait3A_530] : memref<6x80x128xf32, #tpu.memory_space<vmem>> -> memref<1x80x128xf32, #tpu.memory_space<vmem>>
      %dma_wait3A_532 = tpu.memref_squeeze %dma_wait3A_531 : memref<1x80x128xf32, #tpu.memory_space<vmem>> -> memref<80x128xf32, #tpu.memory_space<vmem>>
      %dma_wait3A_533 = arith.constant 0 : i32
      %dma_wait3A_534 = arith.constant 0 : i32
      %dma_wait3A_535 = tpu.memref_slice %arg3[%cond3A_224, %dma_wait3A_533, %dma_wait3A_534] : memref<1x100000x128xf32, #tpu.memory_space<hbm>> -> memref<1x100000x128xf32, #tpu.memory_space<hbm>>
      %dma_wait3A_536 = tpu.memref_squeeze %dma_wait3A_535 : memref<1x100000x128xf32, #tpu.memory_space<hbm>> -> memref<100000x128xf32, #tpu.memory_space<hbm>>
      %dma_wait3A_537 = arith.constant 0 : i32
      %dma_wait3A_538 = arith.constant 0 : i32
      %dma_wait3A_539 = tpu.memref_slice %dma_wait3A_536[%dma_wait3A_537, %dma_wait3A_538] : memref<100000x128xf32, #tpu.memory_space<hbm>> -> memref<80x128xf32, #tpu.memory_space<hbm>>
      tpu.wait_dma2 semaphore(%arg12 : memref<!tpu.dma_semaphore, #tpu.memory_space<semaphore_mem>>) src(%dma_wait3A_539 : memref<80x128xf32, #tpu.memory_space<hbm>>) dst(%dma_wait3A_532 : memref<80x128xf32, #tpu.memory_space<vmem>>)
      %dma_wait3A_540 = arith.constant 2 : i32
      %dma_wait3A_541 = arith.constant 0 : i32
      %dma_wait3A_542 = arith.constant 0 : i32
      %dma_wait3A_543 = tpu.memref_slice %arg9[%dma_wait3A_540, %dma_wait3A_541, %dma_wait3A_542] : memref<6x80x128xf32, #tpu.memory_space<vmem>> -> memref<1x80x128xf32, #tpu.memory_space<vmem>>
      %dma_wait3A_544 = tpu.memref_squeeze %dma_wait3A_543 : memref<1x80x128xf32, #tpu.memory_space<vmem>> -> memref<80x128xf32, #tpu.memory_space<vmem>>
      %dma_wait3A_545 = arith.constant 0 : i32
      %dma_wait3A_546 = arith.constant 0 : i32
      %dma_wait3A_547 = tpu.memref_slice %arg4[%dma_wait3A_545, %dma_wait3A_546] : memref<100000x128xf32, #tpu.memory_space<hbm>> -> memref<80x128xf32, #tpu.memory_space<hbm>>
      %dma_wait3A_548 = arith.constant 0 : i32
      %dma_wait3A_549 = arith.constant 0 : i32
      %dma_wait3A_550 = tpu.memref_slice %arg9[%dma_wait3A_540, %dma_wait3A_548, %dma_wait3A_549] : memref<6x80x128xf32, #tpu.memory_space<vmem>> -> memref<1x80x128xf32, #tpu.memory_space<vmem>>
      %dma_wait3A_551 = tpu.memref_squeeze %dma_wait3A_550 : memref<1x80x128xf32, #tpu.memory_space<vmem>> -> memref<80x128xf32, #tpu.memory_space<vmem>>
      %dma_wait3A_552 = arith.constant 0 : i32
      %dma_wait3A_553 = arith.constant 0 : i32
      %dma_wait3A_554 = tpu.memref_slice %arg4[%dma_wait3A_552, %dma_wait3A_553] : memref<100000x128xf32, #tpu.memory_space<hbm>> -> memref<80x128xf32, #tpu.memory_space<hbm>>
      tpu.wait_dma2 semaphore(%arg18 : memref<!tpu.dma_semaphore, #tpu.memory_space<semaphore_mem>>) src(%dma_wait3A_554 : memref<80x128xf32, #tpu.memory_space<hbm>>) dst(%dma_wait3A_551 : memref<80x128xf32, #tpu.memory_space<vmem>>)
      %add3A_555 = arith.constant 1120 : i32
      %add3A_556 = arith.addi %mul3A_8, %add3A_555 : i32
      %dma_start3A = arith.constant 2 : i32
      %dma_start3A_557 = arith.constant 0 : i32
      %dma_start3A_558 = arith.constant 0 : i32
      %dma_start3A_559 = tpu.memref_slice %arg8[%dma_start3A, %dma_start3A_557, %dma_start3A_558] : memref<6x80x128xf32, #tpu.memory_space<vmem>> -> memref<1x80x128xf32, #tpu.memory_space<vmem>>
      %dma_start3A_560 = tpu.memref_squeeze %dma_start3A_559 : memref<1x80x128xf32, #tpu.memory_space<vmem>> -> memref<80x128xf32, #tpu.memory_space<vmem>>
      %dma_start3A_561 = arith.constant 0 : i32
      %dma_start3A_562 = arith.constant 0 : i32
      %dma_start3A_563 = tpu.memref_slice %arg5[%cond3A_225, %dma_start3A_561, %dma_start3A_562] : memref<1x50000x128xf32, #tpu.memory_space<hbm>> -> memref<1x50000x128xf32, #tpu.memory_space<hbm>>
      %dma_start3A_564 = tpu.memref_squeeze %dma_start3A_563 : memref<1x50000x128xf32, #tpu.memory_space<hbm>> -> memref<50000x128xf32, #tpu.memory_space<hbm>>
      %dma_start3A_565 = arith.constant 0 : i32
      %dma_start3A_566 = tpu.memref_slice %dma_start3A_564[%add3A_556, %dma_start3A_565] : memref<50000x128xf32, #tpu.memory_space<hbm>> -> memref<80x128xf32, #tpu.memory_space<hbm>>
      %dma_start3A_567 = arith.constant 0 : i32
      %dma_start3A_568 = arith.constant 0 : i32
      %dma_start3A_569 = tpu.memref_slice %arg5[%cond3A_225, %dma_start3A_567, %dma_start3A_568] : memref<1x50000x128xf32, #tpu.memory_space<hbm>> -> memref<1x50000x128xf32, #tpu.memory_space<hbm>>
      %dma_start3A_570 = tpu.memref_squeeze %dma_start3A_569 : memref<1x50000x128xf32, #tpu.memory_space<hbm>> -> memref<50000x128xf32, #tpu.memory_space<hbm>>
      %dma_start3A_571 = arith.constant 0 : i32
      %dma_start3A_572 = tpu.memref_slice %dma_start3A_570[%add3A_556, %dma_start3A_571] : memref<50000x128xf32, #tpu.memory_space<hbm>> -> memref<80x128xf32, #tpu.memory_space<hbm>>
      %dma_start3A_573 = arith.constant 0 : i32
      %dma_start3A_574 = arith.constant 0 : i32
      %dma_start3A_575 = tpu.memref_slice %arg8[%dma_start3A, %dma_start3A_573, %dma_start3A_574] : memref<6x80x128xf32, #tpu.memory_space<vmem>> -> memref<1x80x128xf32, #tpu.memory_space<vmem>>
      %dma_start3A_576 = tpu.memref_squeeze %dma_start3A_575 : memref<1x80x128xf32, #tpu.memory_space<vmem>> -> memref<80x128xf32, #tpu.memory_space<vmem>>
      tpu.enqueue_dma source(%dma_start3A_576 : memref<80x128xf32, #tpu.memory_space<vmem>>) target(%dma_start3A_572 : memref<80x128xf32, #tpu.memory_space<hbm>>) target_semaphore(%arg24 : memref<!tpu.dma_semaphore, #tpu.memory_space<semaphore_mem>>)
      %dma_start3A_577 = arith.constant 2 : i32
      %dma_start3A_578 = arith.constant 0 : i32
      %dma_start3A_579 = arith.constant 0 : i32
      %dma_start3A_580 = tpu.memref_slice %arg9[%dma_start3A_577, %dma_start3A_578, %dma_start3A_579] : memref<6x80x128xf32, #tpu.memory_space<vmem>> -> memref<1x80x128xf32, #tpu.memory_space<vmem>>
      %dma_start3A_581 = tpu.memref_squeeze %dma_start3A_580 : memref<1x80x128xf32, #tpu.memory_space<vmem>> -> memref<80x128xf32, #tpu.memory_space<vmem>>
      %dma_start3A_582 = arith.constant 0 : i32
      %dma_start3A_583 = tpu.memref_slice %arg6[%add3A_556, %dma_start3A_582] : memref<50000x128xf32, #tpu.memory_space<hbm>> -> memref<80x128xf32, #tpu.memory_space<hbm>>
      %dma_start3A_584 = arith.constant 0 : i32
      %dma_start3A_585 = tpu.memref_slice %arg6[%add3A_556, %dma_start3A_584] : memref<50000x128xf32, #tpu.memory_space<hbm>> -> memref<80x128xf32, #tpu.memory_space<hbm>>
      %dma_start3A_586 = arith.constant 0 : i32
      %dma_start3A_587 = arith.constant 0 : i32
      %dma_start3A_588 = tpu.memref_slice %arg9[%dma_start3A_577, %dma_start3A_586, %dma_start3A_587] : memref<6x80x128xf32, #tpu.memory_space<vmem>> -> memref<1x80x128xf32, #tpu.memory_space<vmem>>
      %dma_start3A_589 = tpu.memref_squeeze %dma_start3A_588 : memref<1x80x128xf32, #tpu.memory_space<vmem>> -> memref<80x128xf32, #tpu.memory_space<vmem>>
      tpu.enqueue_dma source(%dma_start3A_589 : memref<80x128xf32, #tpu.memory_space<vmem>>) target(%dma_start3A_585 : memref<80x128xf32, #tpu.memory_space<hbm>>) target_semaphore(%arg30 : memref<!tpu.dma_semaphore, #tpu.memory_space<semaphore_mem>>)
    } else {
    }
    %gt3A_228 = arith.constant 17 : i32
    %gt3A_229 = arith.cmpi sgt, %select_n3A, %gt3A_228 : i32
    %convert_element_type3A_230 = arith.extui %gt3A_229 : i1 to i32
    %cond3A_231 = arith.constant 0 : i32
    %cond3A_232 = arith.constant 0 : i32
    %cond3A_233 = arith.constant 0 : i32
    %cond3A_234 = arith.cmpi ne, %convert_element_type3A_230, %cond3A_233 : i32
    scf.if %cond3A_234 {
      %dma_wait3A_517 = arith.constant 5 : i32
      %dma_wait3A_518 = arith.constant 0 : i32
      %dma_wait3A_519 = arith.constant 0 : i32
      %dma_wait3A_520 = tpu.memref_slice %arg8[%dma_wait3A_517, %dma_wait3A_518, %dma_wait3A_519] : memref<6x80x128xf32, #tpu.memory_space<vmem>> -> memref<1x80x128xf32, #tpu.memory_space<vmem>>
      %dma_wait3A_521 = tpu.memref_squeeze %dma_wait3A_520 : memref<1x80x128xf32, #tpu.memory_space<vmem>> -> memref<80x128xf32, #tpu.memory_space<vmem>>
      %dma_wait3A_522 = arith.constant 0 : i32
      %dma_wait3A_523 = arith.constant 0 : i32
      %dma_wait3A_524 = tpu.memref_slice %arg5[%cond3A_231, %dma_wait3A_522, %dma_wait3A_523] : memref<1x50000x128xf32, #tpu.memory_space<hbm>> -> memref<1x50000x128xf32, #tpu.memory_space<hbm>>
      %dma_wait3A_525 = tpu.memref_squeeze %dma_wait3A_524 : memref<1x50000x128xf32, #tpu.memory_space<hbm>> -> memref<50000x128xf32, #tpu.memory_space<hbm>>
      %dma_wait3A_526 = arith.constant 0 : i32
      %dma_wait3A_527 = arith.constant 0 : i32
      %dma_wait3A_528 = tpu.memref_slice %dma_wait3A_525[%dma_wait3A_526, %dma_wait3A_527] : memref<50000x128xf32, #tpu.memory_space<hbm>> -> memref<80x128xf32, #tpu.memory_space<hbm>>
      %dma_wait3A_529 = arith.constant 0 : i32
      %dma_wait3A_530 = arith.constant 0 : i32
      %dma_wait3A_531 = tpu.memref_slice %arg5[%cond3A_231, %dma_wait3A_529, %dma_wait3A_530] : memref<1x50000x128xf32, #tpu.memory_space<hbm>> -> memref<1x50000x128xf32, #tpu.memory_space<hbm>>
      %dma_wait3A_532 = tpu.memref_squeeze %dma_wait3A_531 : memref<1x50000x128xf32, #tpu.memory_space<hbm>> -> memref<50000x128xf32, #tpu.memory_space<hbm>>
      %dma_wait3A_533 = arith.constant 0 : i32
      %dma_wait3A_534 = arith.constant 0 : i32
      %dma_wait3A_535 = tpu.memref_slice %dma_wait3A_532[%dma_wait3A_533, %dma_wait3A_534] : memref<50000x128xf32, #tpu.memory_space<hbm>> -> memref<80x128xf32, #tpu.memory_space<hbm>>
      %dma_wait3A_536 = arith.constant 0 : i32
      %dma_wait3A_537 = arith.constant 0 : i32
      %dma_wait3A_538 = tpu.memref_slice %arg8[%dma_wait3A_517, %dma_wait3A_536, %dma_wait3A_537] : memref<6x80x128xf32, #tpu.memory_space<vmem>> -> memref<1x80x128xf32, #tpu.memory_space<vmem>>
      %dma_wait3A_539 = tpu.memref_squeeze %dma_wait3A_538 : memref<1x80x128xf32, #tpu.memory_space<vmem>> -> memref<80x128xf32, #tpu.memory_space<vmem>>
      tpu.wait_dma2 semaphore(%arg27 : memref<!tpu.dma_semaphore, #tpu.memory_space<semaphore_mem>>) src(%dma_wait3A_539 : memref<80x128xf32, #tpu.memory_space<vmem>>) dst(%dma_wait3A_535 : memref<80x128xf32, #tpu.memory_space<hbm>>)
      %dma_wait3A_540 = arith.constant 5 : i32
      %dma_wait3A_541 = arith.constant 0 : i32
      %dma_wait3A_542 = arith.constant 0 : i32
      %dma_wait3A_543 = tpu.memref_slice %arg9[%dma_wait3A_540, %dma_wait3A_541, %dma_wait3A_542] : memref<6x80x128xf32, #tpu.memory_space<vmem>> -> memref<1x80x128xf32, #tpu.memory_space<vmem>>
      %dma_wait3A_544 = tpu.memref_squeeze %dma_wait3A_543 : memref<1x80x128xf32, #tpu.memory_space<vmem>> -> memref<80x128xf32, #tpu.memory_space<vmem>>
      %dma_wait3A_545 = arith.constant 0 : i32
      %dma_wait3A_546 = arith.constant 0 : i32
      %dma_wait3A_547 = tpu.memref_slice %arg6[%dma_wait3A_545, %dma_wait3A_546] : memref<50000x128xf32, #tpu.memory_space<hbm>> -> memref<80x128xf32, #tpu.memory_space<hbm>>
      %dma_wait3A_548 = arith.constant 0 : i32
      %dma_wait3A_549 = arith.constant 0 : i32
      %dma_wait3A_550 = tpu.memref_slice %arg6[%dma_wait3A_548, %dma_wait3A_549] : memref<50000x128xf32, #tpu.memory_space<hbm>> -> memref<80x128xf32, #tpu.memory_space<hbm>>
      %dma_wait3A_551 = arith.constant 0 : i32
      %dma_wait3A_552 = arith.constant 0 : i32
      %dma_wait3A_553 = tpu.memref_slice %arg9[%dma_wait3A_540, %dma_wait3A_551, %dma_wait3A_552] : memref<6x80x128xf32, #tpu.memory_space<vmem>> -> memref<1x80x128xf32, #tpu.memory_space<vmem>>
      %dma_wait3A_554 = tpu.memref_squeeze %dma_wait3A_553 : memref<1x80x128xf32, #tpu.memory_space<vmem>> -> memref<80x128xf32, #tpu.memory_space<vmem>>
      tpu.wait_dma2 semaphore(%arg33 : memref<!tpu.dma_semaphore, #tpu.memory_space<semaphore_mem>>) src(%dma_wait3A_554 : memref<80x128xf32, #tpu.memory_space<vmem>>) dst(%dma_wait3A_550 : memref<80x128xf32, #tpu.memory_space<hbm>>)
      %dma_start3A = arith.constant 5 : i32
      %dma_start3A_555 = arith.constant 0 : i32
      %dma_start3A_556 = arith.constant 0 : i32
      %dma_start3A_557 = tpu.memref_slice %arg8[%dma_start3A, %dma_start3A_555, %dma_start3A_556] : memref<6x80x128xf32, #tpu.memory_space<vmem>> -> memref<1x80x128xf32, #tpu.memory_space<vmem>>
      %dma_start3A_558 = tpu.memref_squeeze %dma_start3A_557 : memref<1x80x128xf32, #tpu.memory_space<vmem>> -> memref<80x128xf32, #tpu.memory_space<vmem>>
      %dma_start3A_559 = arith.constant 1360 : i32
      %dma_start3A_560 = tpu.memref_slice %arg7[%dma_start3A_559] : memref<1600xi32, #tpu.memory_space<vmem>> -> memref<80xi32, #tpu.memory_space<vmem>>
      %dma_start3A_561 = arith.constant 0 : i32
      %dma_start3A_562 = arith.constant 0 : i32
      %dma_start3A_563 = tpu.memref_slice %arg3[%cond3A_232, %dma_start3A_561, %dma_start3A_562] : memref<1x100000x128xf32, #tpu.memory_space<hbm>> -> memref<1x100000x128xf32, #tpu.memory_space<hbm>>
      %dma_start3A_564 = tpu.memref_squeeze %dma_start3A_563 : memref<1x100000x128xf32, #tpu.memory_space<hbm>> -> memref<100000x128xf32, #tpu.memory_space<hbm>>
      %dma_start3A_565 = arith.constant 0 : i32
      %dma_start3A_566 = arith.constant 0 : i32
      %dma_start3A_567 = tpu.memref_slice %dma_start3A_564[%dma_start3A_565, %dma_start3A_566] : memref<100000x128xf32, #tpu.memory_space<hbm>> -> memref<100000x128xf32, #tpu.memory_space<hbm>>
      tpu.enqueue_indirect_dma source(%dma_start3A_567 : memref<100000x128xf32, #tpu.memory_space<hbm>>) target(%dma_start3A_558 : memref<80x128xf32, #tpu.memory_space<vmem>>) offsets(%dma_start3A_560 : memref<80xi32, #tpu.memory_space<vmem>>) semaphore(%arg15 : memref<!tpu.dma_semaphore, #tpu.memory_space<semaphore_mem>>)
      %dma_start3A_568 = arith.constant 5 : i32
      %dma_start3A_569 = arith.constant 0 : i32
      %dma_start3A_570 = arith.constant 0 : i32
      %dma_start3A_571 = tpu.memref_slice %arg9[%dma_start3A_568, %dma_start3A_569, %dma_start3A_570] : memref<6x80x128xf32, #tpu.memory_space<vmem>> -> memref<1x80x128xf32, #tpu.memory_space<vmem>>
      %dma_start3A_572 = tpu.memref_squeeze %dma_start3A_571 : memref<1x80x128xf32, #tpu.memory_space<vmem>> -> memref<80x128xf32, #tpu.memory_space<vmem>>
      %dma_start3A_573 = arith.constant 1360 : i32
      %dma_start3A_574 = tpu.memref_slice %arg7[%dma_start3A_573] : memref<1600xi32, #tpu.memory_space<vmem>> -> memref<80xi32, #tpu.memory_space<vmem>>
      %dma_start3A_575 = arith.constant 0 : i32
      %dma_start3A_576 = arith.constant 0 : i32
      %dma_start3A_577 = tpu.memref_slice %arg4[%dma_start3A_575, %dma_start3A_576] : memref<100000x128xf32, #tpu.memory_space<hbm>> -> memref<100000x128xf32, #tpu.memory_space<hbm>>
      tpu.enqueue_indirect_dma source(%dma_start3A_577 : memref<100000x128xf32, #tpu.memory_space<hbm>>) target(%dma_start3A_572 : memref<80x128xf32, #tpu.memory_space<vmem>>) offsets(%dma_start3A_574 : memref<80xi32, #tpu.memory_space<vmem>>) semaphore(%arg21 : memref<!tpu.dma_semaphore, #tpu.memory_space<semaphore_mem>>)
    } else {
    }
    %gt3A_235 = arith.constant 15 : i32
    %gt3A_236 = arith.cmpi sgt, %select_n3A, %gt3A_235 : i32
    %convert_element_type3A_237 = arith.extui %gt3A_236 : i1 to i32
    %cond3A_238 = arith.constant 0 : i32
    %cond3A_239 = arith.constant 0 : i32
    %cond3A_240 = arith.constant 0 : i32
    %cond3A_241 = arith.cmpi ne, %convert_element_type3A_237, %cond3A_240 : i32
    scf.if %cond3A_241 {
      %dma_wait3A_517 = arith.constant 3 : i32
      %dma_wait3A_518 = arith.constant 0 : i32
      %dma_wait3A_519 = arith.constant 0 : i32
      %dma_wait3A_520 = tpu.memref_slice %arg8[%dma_wait3A_517, %dma_wait3A_518, %dma_wait3A_519] : memref<6x80x128xf32, #tpu.memory_space<vmem>> -> memref<1x80x128xf32, #tpu.memory_space<vmem>>
      %dma_wait3A_521 = tpu.memref_squeeze %dma_wait3A_520 : memref<1x80x128xf32, #tpu.memory_space<vmem>> -> memref<80x128xf32, #tpu.memory_space<vmem>>
      %dma_wait3A_522 = arith.constant 0 : i32
      %dma_wait3A_523 = arith.constant 0 : i32
      %dma_wait3A_524 = tpu.memref_slice %arg3[%cond3A_238, %dma_wait3A_522, %dma_wait3A_523] : memref<1x100000x128xf32, #tpu.memory_space<hbm>> -> memref<1x100000x128xf32, #tpu.memory_space<hbm>>
      %dma_wait3A_525 = tpu.memref_squeeze %dma_wait3A_524 : memref<1x100000x128xf32, #tpu.memory_space<hbm>> -> memref<100000x128xf32, #tpu.memory_space<hbm>>
      %dma_wait3A_526 = arith.constant 0 : i32
      %dma_wait3A_527 = arith.constant 0 : i32
      %dma_wait3A_528 = tpu.memref_slice %dma_wait3A_525[%dma_wait3A_526, %dma_wait3A_527] : memref<100000x128xf32, #tpu.memory_space<hbm>> -> memref<80x128xf32, #tpu.memory_space<hbm>>
      %dma_wait3A_529 = arith.constant 0 : i32
      %dma_wait3A_530 = arith.constant 0 : i32
      %dma_wait3A_531 = tpu.memref_slice %arg8[%dma_wait3A_517, %dma_wait3A_529, %dma_wait3A_530] : memref<6x80x128xf32, #tpu.memory_space<vmem>> -> memref<1x80x128xf32, #tpu.memory_space<vmem>>
      %dma_wait3A_532 = tpu.memref_squeeze %dma_wait3A_531 : memref<1x80x128xf32, #tpu.memory_space<vmem>> -> memref<80x128xf32, #tpu.memory_space<vmem>>
      %dma_wait3A_533 = arith.constant 0 : i32
      %dma_wait3A_534 = arith.constant 0 : i32
      %dma_wait3A_535 = tpu.memref_slice %arg3[%cond3A_238, %dma_wait3A_533, %dma_wait3A_534] : memref<1x100000x128xf32, #tpu.memory_space<hbm>> -> memref<1x100000x128xf32, #tpu.memory_space<hbm>>
      %dma_wait3A_536 = tpu.memref_squeeze %dma_wait3A_535 : memref<1x100000x128xf32, #tpu.memory_space<hbm>> -> memref<100000x128xf32, #tpu.memory_space<hbm>>
      %dma_wait3A_537 = arith.constant 0 : i32
      %dma_wait3A_538 = arith.constant 0 : i32
      %dma_wait3A_539 = tpu.memref_slice %dma_wait3A_536[%dma_wait3A_537, %dma_wait3A_538] : memref<100000x128xf32, #tpu.memory_space<hbm>> -> memref<80x128xf32, #tpu.memory_space<hbm>>
      tpu.wait_dma2 semaphore(%arg13 : memref<!tpu.dma_semaphore, #tpu.memory_space<semaphore_mem>>) src(%dma_wait3A_539 : memref<80x128xf32, #tpu.memory_space<hbm>>) dst(%dma_wait3A_532 : memref<80x128xf32, #tpu.memory_space<vmem>>)
      %dma_wait3A_540 = arith.constant 3 : i32
      %dma_wait3A_541 = arith.constant 0 : i32
      %dma_wait3A_542 = arith.constant 0 : i32
      %dma_wait3A_543 = tpu.memref_slice %arg9[%dma_wait3A_540, %dma_wait3A_541, %dma_wait3A_542] : memref<6x80x128xf32, #tpu.memory_space<vmem>> -> memref<1x80x128xf32, #tpu.memory_space<vmem>>
      %dma_wait3A_544 = tpu.memref_squeeze %dma_wait3A_543 : memref<1x80x128xf32, #tpu.memory_space<vmem>> -> memref<80x128xf32, #tpu.memory_space<vmem>>
      %dma_wait3A_545 = arith.constant 0 : i32
      %dma_wait3A_546 = arith.constant 0 : i32
      %dma_wait3A_547 = tpu.memref_slice %arg4[%dma_wait3A_545, %dma_wait3A_546] : memref<100000x128xf32, #tpu.memory_space<hbm>> -> memref<80x128xf32, #tpu.memory_space<hbm>>
      %dma_wait3A_548 = arith.constant 0 : i32
      %dma_wait3A_549 = arith.constant 0 : i32
      %dma_wait3A_550 = tpu.memref_slice %arg9[%dma_wait3A_540, %dma_wait3A_548, %dma_wait3A_549] : memref<6x80x128xf32, #tpu.memory_space<vmem>> -> memref<1x80x128xf32, #tpu.memory_space<vmem>>
      %dma_wait3A_551 = tpu.memref_squeeze %dma_wait3A_550 : memref<1x80x128xf32, #tpu.memory_space<vmem>> -> memref<80x128xf32, #tpu.memory_space<vmem>>
      %dma_wait3A_552 = arith.constant 0 : i32
      %dma_wait3A_553 = arith.constant 0 : i32
      %dma_wait3A_554 = tpu.memref_slice %arg4[%dma_wait3A_552, %dma_wait3A_553] : memref<100000x128xf32, #tpu.memory_space<hbm>> -> memref<80x128xf32, #tpu.memory_space<hbm>>
      tpu.wait_dma2 semaphore(%arg19 : memref<!tpu.dma_semaphore, #tpu.memory_space<semaphore_mem>>) src(%dma_wait3A_554 : memref<80x128xf32, #tpu.memory_space<hbm>>) dst(%dma_wait3A_551 : memref<80x128xf32, #tpu.memory_space<vmem>>)
      %add3A_555 = arith.constant 1200 : i32
      %add3A_556 = arith.addi %mul3A_8, %add3A_555 : i32
      %dma_start3A = arith.constant 3 : i32
      %dma_start3A_557 = arith.constant 0 : i32
      %dma_start3A_558 = arith.constant 0 : i32
      %dma_start3A_559 = tpu.memref_slice %arg8[%dma_start3A, %dma_start3A_557, %dma_start3A_558] : memref<6x80x128xf32, #tpu.memory_space<vmem>> -> memref<1x80x128xf32, #tpu.memory_space<vmem>>
      %dma_start3A_560 = tpu.memref_squeeze %dma_start3A_559 : memref<1x80x128xf32, #tpu.memory_space<vmem>> -> memref<80x128xf32, #tpu.memory_space<vmem>>
      %dma_start3A_561 = arith.constant 0 : i32
      %dma_start3A_562 = arith.constant 0 : i32
      %dma_start3A_563 = tpu.memref_slice %arg5[%cond3A_239, %dma_start3A_561, %dma_start3A_562] : memref<1x50000x128xf32, #tpu.memory_space<hbm>> -> memref<1x50000x128xf32, #tpu.memory_space<hbm>>
      %dma_start3A_564 = tpu.memref_squeeze %dma_start3A_563 : memref<1x50000x128xf32, #tpu.memory_space<hbm>> -> memref<50000x128xf32, #tpu.memory_space<hbm>>
      %dma_start3A_565 = arith.constant 0 : i32
      %dma_start3A_566 = tpu.memref_slice %dma_start3A_564[%add3A_556, %dma_start3A_565] : memref<50000x128xf32, #tpu.memory_space<hbm>> -> memref<80x128xf32, #tpu.memory_space<hbm>>
      %dma_start3A_567 = arith.constant 0 : i32
      %dma_start3A_568 = arith.constant 0 : i32
      %dma_start3A_569 = tpu.memref_slice %arg5[%cond3A_239, %dma_start3A_567, %dma_start3A_568] : memref<1x50000x128xf32, #tpu.memory_space<hbm>> -> memref<1x50000x128xf32, #tpu.memory_space<hbm>>
      %dma_start3A_570 = tpu.memref_squeeze %dma_start3A_569 : memref<1x50000x128xf32, #tpu.memory_space<hbm>> -> memref<50000x128xf32, #tpu.memory_space<hbm>>
      %dma_start3A_571 = arith.constant 0 : i32
      %dma_start3A_572 = tpu.memref_slice %dma_start3A_570[%add3A_556, %dma_start3A_571] : memref<50000x128xf32, #tpu.memory_space<hbm>> -> memref<80x128xf32, #tpu.memory_space<hbm>>
      %dma_start3A_573 = arith.constant 0 : i32
      %dma_start3A_574 = arith.constant 0 : i32
      %dma_start3A_575 = tpu.memref_slice %arg8[%dma_start3A, %dma_start3A_573, %dma_start3A_574] : memref<6x80x128xf32, #tpu.memory_space<vmem>> -> memref<1x80x128xf32, #tpu.memory_space<vmem>>
      %dma_start3A_576 = tpu.memref_squeeze %dma_start3A_575 : memref<1x80x128xf32, #tpu.memory_space<vmem>> -> memref<80x128xf32, #tpu.memory_space<vmem>>
      tpu.enqueue_dma source(%dma_start3A_576 : memref<80x128xf32, #tpu.memory_space<vmem>>) target(%dma_start3A_572 : memref<80x128xf32, #tpu.memory_space<hbm>>) target_semaphore(%arg25 : memref<!tpu.dma_semaphore, #tpu.memory_space<semaphore_mem>>)
      %dma_start3A_577 = arith.constant 3 : i32
      %dma_start3A_578 = arith.constant 0 : i32
      %dma_start3A_579 = arith.constant 0 : i32
      %dma_start3A_580 = tpu.memref_slice %arg9[%dma_start3A_577, %dma_start3A_578, %dma_start3A_579] : memref<6x80x128xf32, #tpu.memory_space<vmem>> -> memref<1x80x128xf32, #tpu.memory_space<vmem>>
      %dma_start3A_581 = tpu.memref_squeeze %dma_start3A_580 : memref<1x80x128xf32, #tpu.memory_space<vmem>> -> memref<80x128xf32, #tpu.memory_space<vmem>>
      %dma_start3A_582 = arith.constant 0 : i32
      %dma_start3A_583 = tpu.memref_slice %arg6[%add3A_556, %dma_start3A_582] : memref<50000x128xf32, #tpu.memory_space<hbm>> -> memref<80x128xf32, #tpu.memory_space<hbm>>
      %dma_start3A_584 = arith.constant 0 : i32
      %dma_start3A_585 = tpu.memref_slice %arg6[%add3A_556, %dma_start3A_584] : memref<50000x128xf32, #tpu.memory_space<hbm>> -> memref<80x128xf32, #tpu.memory_space<hbm>>
      %dma_start3A_586 = arith.constant 0 : i32
      %dma_start3A_587 = arith.constant 0 : i32
      %dma_start3A_588 = tpu.memref_slice %arg9[%dma_start3A_577, %dma_start3A_586, %dma_start3A_587] : memref<6x80x128xf32, #tpu.memory_space<vmem>> -> memref<1x80x128xf32, #tpu.memory_space<vmem>>
      %dma_start3A_589 = tpu.memref_squeeze %dma_start3A_588 : memref<1x80x128xf32, #tpu.memory_space<vmem>> -> memref<80x128xf32, #tpu.memory_space<vmem>>
      tpu.enqueue_dma source(%dma_start3A_589 : memref<80x128xf32, #tpu.memory_space<vmem>>) target(%dma_start3A_585 : memref<80x128xf32, #tpu.memory_space<hbm>>) target_semaphore(%arg31 : memref<!tpu.dma_semaphore, #tpu.memory_space<semaphore_mem>>)
    } else {
    }
    %gt3A_242 = arith.constant 18 : i32
    %gt3A_243 = arith.cmpi sgt, %select_n3A, %gt3A_242 : i32
    %convert_element_type3A_244 = arith.extui %gt3A_243 : i1 to i32
    %cond3A_245 = arith.constant 0 : i32
    %cond3A_246 = arith.constant 0 : i32
    %cond3A_247 = arith.constant 0 : i32
    %cond3A_248 = arith.cmpi ne, %convert_element_type3A_244, %cond3A_247 : i32
    scf.if %cond3A_248 {
      %dma_wait3A_517 = arith.constant 0 : i32
      %dma_wait3A_518 = arith.constant 0 : i32
      %dma_wait3A_519 = arith.constant 0 : i32
      %dma_wait3A_520 = tpu.memref_slice %arg8[%dma_wait3A_517, %dma_wait3A_518, %dma_wait3A_519] : memref<6x80x128xf32, #tpu.memory_space<vmem>> -> memref<1x80x128xf32, #tpu.memory_space<vmem>>
      %dma_wait3A_521 = tpu.memref_squeeze %dma_wait3A_520 : memref<1x80x128xf32, #tpu.memory_space<vmem>> -> memref<80x128xf32, #tpu.memory_space<vmem>>
      %dma_wait3A_522 = arith.constant 0 : i32
      %dma_wait3A_523 = arith.constant 0 : i32
      %dma_wait3A_524 = tpu.memref_slice %arg5[%cond3A_245, %dma_wait3A_522, %dma_wait3A_523] : memref<1x50000x128xf32, #tpu.memory_space<hbm>> -> memref<1x50000x128xf32, #tpu.memory_space<hbm>>
      %dma_wait3A_525 = tpu.memref_squeeze %dma_wait3A_524 : memref<1x50000x128xf32, #tpu.memory_space<hbm>> -> memref<50000x128xf32, #tpu.memory_space<hbm>>
      %dma_wait3A_526 = arith.constant 0 : i32
      %dma_wait3A_527 = arith.constant 0 : i32
      %dma_wait3A_528 = tpu.memref_slice %dma_wait3A_525[%dma_wait3A_526, %dma_wait3A_527] : memref<50000x128xf32, #tpu.memory_space<hbm>> -> memref<80x128xf32, #tpu.memory_space<hbm>>
      %dma_wait3A_529 = arith.constant 0 : i32
      %dma_wait3A_530 = arith.constant 0 : i32
      %dma_wait3A_531 = tpu.memref_slice %arg5[%cond3A_245, %dma_wait3A_529, %dma_wait3A_530] : memref<1x50000x128xf32, #tpu.memory_space<hbm>> -> memref<1x50000x128xf32, #tpu.memory_space<hbm>>
      %dma_wait3A_532 = tpu.memref_squeeze %dma_wait3A_531 : memref<1x50000x128xf32, #tpu.memory_space<hbm>> -> memref<50000x128xf32, #tpu.memory_space<hbm>>
      %dma_wait3A_533 = arith.constant 0 : i32
      %dma_wait3A_534 = arith.constant 0 : i32
      %dma_wait3A_535 = tpu.memref_slice %dma_wait3A_532[%dma_wait3A_533, %dma_wait3A_534] : memref<50000x128xf32, #tpu.memory_space<hbm>> -> memref<80x128xf32, #tpu.memory_space<hbm>>
      %dma_wait3A_536 = arith.constant 0 : i32
      %dma_wait3A_537 = arith.constant 0 : i32
      %dma_wait3A_538 = tpu.memref_slice %arg8[%dma_wait3A_517, %dma_wait3A_536, %dma_wait3A_537] : memref<6x80x128xf32, #tpu.memory_space<vmem>> -> memref<1x80x128xf32, #tpu.memory_space<vmem>>
      %dma_wait3A_539 = tpu.memref_squeeze %dma_wait3A_538 : memref<1x80x128xf32, #tpu.memory_space<vmem>> -> memref<80x128xf32, #tpu.memory_space<vmem>>
      tpu.wait_dma2 semaphore(%arg22 : memref<!tpu.dma_semaphore, #tpu.memory_space<semaphore_mem>>) src(%dma_wait3A_539 : memref<80x128xf32, #tpu.memory_space<vmem>>) dst(%dma_wait3A_535 : memref<80x128xf32, #tpu.memory_space<hbm>>)
      %dma_wait3A_540 = arith.constant 0 : i32
      %dma_wait3A_541 = arith.constant 0 : i32
      %dma_wait3A_542 = arith.constant 0 : i32
      %dma_wait3A_543 = tpu.memref_slice %arg9[%dma_wait3A_540, %dma_wait3A_541, %dma_wait3A_542] : memref<6x80x128xf32, #tpu.memory_space<vmem>> -> memref<1x80x128xf32, #tpu.memory_space<vmem>>
      %dma_wait3A_544 = tpu.memref_squeeze %dma_wait3A_543 : memref<1x80x128xf32, #tpu.memory_space<vmem>> -> memref<80x128xf32, #tpu.memory_space<vmem>>
      %dma_wait3A_545 = arith.constant 0 : i32
      %dma_wait3A_546 = arith.constant 0 : i32
      %dma_wait3A_547 = tpu.memref_slice %arg6[%dma_wait3A_545, %dma_wait3A_546] : memref<50000x128xf32, #tpu.memory_space<hbm>> -> memref<80x128xf32, #tpu.memory_space<hbm>>
      %dma_wait3A_548 = arith.constant 0 : i32
      %dma_wait3A_549 = arith.constant 0 : i32
      %dma_wait3A_550 = tpu.memref_slice %arg6[%dma_wait3A_548, %dma_wait3A_549] : memref<50000x128xf32, #tpu.memory_space<hbm>> -> memref<80x128xf32, #tpu.memory_space<hbm>>
      %dma_wait3A_551 = arith.constant 0 : i32
      %dma_wait3A_552 = arith.constant 0 : i32
      %dma_wait3A_553 = tpu.memref_slice %arg9[%dma_wait3A_540, %dma_wait3A_551, %dma_wait3A_552] : memref<6x80x128xf32, #tpu.memory_space<vmem>> -> memref<1x80x128xf32, #tpu.memory_space<vmem>>
      %dma_wait3A_554 = tpu.memref_squeeze %dma_wait3A_553 : memref<1x80x128xf32, #tpu.memory_space<vmem>> -> memref<80x128xf32, #tpu.memory_space<vmem>>
      tpu.wait_dma2 semaphore(%arg28 : memref<!tpu.dma_semaphore, #tpu.memory_space<semaphore_mem>>) src(%dma_wait3A_554 : memref<80x128xf32, #tpu.memory_space<vmem>>) dst(%dma_wait3A_550 : memref<80x128xf32, #tpu.memory_space<hbm>>)
      %dma_start3A = arith.constant 0 : i32
      %dma_start3A_555 = arith.constant 0 : i32
      %dma_start3A_556 = arith.constant 0 : i32
      %dma_start3A_557 = tpu.memref_slice %arg8[%dma_start3A, %dma_start3A_555, %dma_start3A_556] : memref<6x80x128xf32, #tpu.memory_space<vmem>> -> memref<1x80x128xf32, #tpu.memory_space<vmem>>
      %dma_start3A_558 = tpu.memref_squeeze %dma_start3A_557 : memref<1x80x128xf32, #tpu.memory_space<vmem>> -> memref<80x128xf32, #tpu.memory_space<vmem>>
      %dma_start3A_559 = arith.constant 1440 : i32
      %dma_start3A_560 = tpu.memref_slice %arg7[%dma_start3A_559] : memref<1600xi32, #tpu.memory_space<vmem>> -> memref<80xi32, #tpu.memory_space<vmem>>
      %dma_start3A_561 = arith.constant 0 : i32
      %dma_start3A_562 = arith.constant 0 : i32
      %dma_start3A_563 = tpu.memref_slice %arg3[%cond3A_246, %dma_start3A_561, %dma_start3A_562] : memref<1x100000x128xf32, #tpu.memory_space<hbm>> -> memref<1x100000x128xf32, #tpu.memory_space<hbm>>
      %dma_start3A_564 = tpu.memref_squeeze %dma_start3A_563 : memref<1x100000x128xf32, #tpu.memory_space<hbm>> -> memref<100000x128xf32, #tpu.memory_space<hbm>>
      %dma_start3A_565 = arith.constant 0 : i32
      %dma_start3A_566 = arith.constant 0 : i32
      %dma_start3A_567 = tpu.memref_slice %dma_start3A_564[%dma_start3A_565, %dma_start3A_566] : memref<100000x128xf32, #tpu.memory_space<hbm>> -> memref<100000x128xf32, #tpu.memory_space<hbm>>
      tpu.enqueue_indirect_dma source(%dma_start3A_567 : memref<100000x128xf32, #tpu.memory_space<hbm>>) target(%dma_start3A_558 : memref<80x128xf32, #tpu.memory_space<vmem>>) offsets(%dma_start3A_560 : memref<80xi32, #tpu.memory_space<vmem>>) semaphore(%arg10 : memref<!tpu.dma_semaphore, #tpu.memory_space<semaphore_mem>>)
      %dma_start3A_568 = arith.constant 0 : i32
      %dma_start3A_569 = arith.constant 0 : i32
      %dma_start3A_570 = arith.constant 0 : i32
      %dma_start3A_571 = tpu.memref_slice %arg9[%dma_start3A_568, %dma_start3A_569, %dma_start3A_570] : memref<6x80x128xf32, #tpu.memory_space<vmem>> -> memref<1x80x128xf32, #tpu.memory_space<vmem>>
      %dma_start3A_572 = tpu.memref_squeeze %dma_start3A_571 : memref<1x80x128xf32, #tpu.memory_space<vmem>> -> memref<80x128xf32, #tpu.memory_space<vmem>>
      %dma_start3A_573 = arith.constant 1440 : i32
      %dma_start3A_574 = tpu.memref_slice %arg7[%dma_start3A_573] : memref<1600xi32, #tpu.memory_space<vmem>> -> memref<80xi32, #tpu.memory_space<vmem>>
      %dma_start3A_575 = arith.constant 0 : i32
      %dma_start3A_576 = arith.constant 0 : i32
      %dma_start3A_577 = tpu.memref_slice %arg4[%dma_start3A_575, %dma_start3A_576] : memref<100000x128xf32, #tpu.memory_space<hbm>> -> memref<100000x128xf32, #tpu.memory_space<hbm>>
      tpu.enqueue_indirect_dma source(%dma_start3A_577 : memref<100000x128xf32, #tpu.memory_space<hbm>>) target(%dma_start3A_572 : memref<80x128xf32, #tpu.memory_space<vmem>>) offsets(%dma_start3A_574 : memref<80xi32, #tpu.memory_space<vmem>>) semaphore(%arg16 : memref<!tpu.dma_semaphore, #tpu.memory_space<semaphore_mem>>)
    } else {
    }
    %gt3A_249 = arith.constant 16 : i32
    %gt3A_250 = arith.cmpi sgt, %select_n3A, %gt3A_249 : i32
    %convert_element_type3A_251 = arith.extui %gt3A_250 : i1 to i32
    %cond3A_252 = arith.constant 0 : i32
    %cond3A_253 = arith.constant 0 : i32
    %cond3A_254 = arith.constant 0 : i32
    %cond3A_255 = arith.cmpi ne, %convert_element_type3A_251, %cond3A_254 : i32
    scf.if %cond3A_255 {
      %dma_wait3A_517 = arith.constant 4 : i32
      %dma_wait3A_518 = arith.constant 0 : i32
      %dma_wait3A_519 = arith.constant 0 : i32
      %dma_wait3A_520 = tpu.memref_slice %arg8[%dma_wait3A_517, %dma_wait3A_518, %dma_wait3A_519] : memref<6x80x128xf32, #tpu.memory_space<vmem>> -> memref<1x80x128xf32, #tpu.memory_space<vmem>>
      %dma_wait3A_521 = tpu.memref_squeeze %dma_wait3A_520 : memref<1x80x128xf32, #tpu.memory_space<vmem>> -> memref<80x128xf32, #tpu.memory_space<vmem>>
      %dma_wait3A_522 = arith.constant 0 : i32
      %dma_wait3A_523 = arith.constant 0 : i32
      %dma_wait3A_524 = tpu.memref_slice %arg3[%cond3A_252, %dma_wait3A_522, %dma_wait3A_523] : memref<1x100000x128xf32, #tpu.memory_space<hbm>> -> memref<1x100000x128xf32, #tpu.memory_space<hbm>>
      %dma_wait3A_525 = tpu.memref_squeeze %dma_wait3A_524 : memref<1x100000x128xf32, #tpu.memory_space<hbm>> -> memref<100000x128xf32, #tpu.memory_space<hbm>>
      %dma_wait3A_526 = arith.constant 0 : i32
      %dma_wait3A_527 = arith.constant 0 : i32
      %dma_wait3A_528 = tpu.memref_slice %dma_wait3A_525[%dma_wait3A_526, %dma_wait3A_527] : memref<100000x128xf32, #tpu.memory_space<hbm>> -> memref<80x128xf32, #tpu.memory_space<hbm>>
      %dma_wait3A_529 = arith.constant 0 : i32
      %dma_wait3A_530 = arith.constant 0 : i32
      %dma_wait3A_531 = tpu.memref_slice %arg8[%dma_wait3A_517, %dma_wait3A_529, %dma_wait3A_530] : memref<6x80x128xf32, #tpu.memory_space<vmem>> -> memref<1x80x128xf32, #tpu.memory_space<vmem>>
      %dma_wait3A_532 = tpu.memref_squeeze %dma_wait3A_531 : memref<1x80x128xf32, #tpu.memory_space<vmem>> -> memref<80x128xf32, #tpu.memory_space<vmem>>
      %dma_wait3A_533 = arith.constant 0 : i32
      %dma_wait3A_534 = arith.constant 0 : i32
      %dma_wait3A_535 = tpu.memref_slice %arg3[%cond3A_252, %dma_wait3A_533, %dma_wait3A_534] : memref<1x100000x128xf32, #tpu.memory_space<hbm>> -> memref<1x100000x128xf32, #tpu.memory_space<hbm>>
      %dma_wait3A_536 = tpu.memref_squeeze %dma_wait3A_535 : memref<1x100000x128xf32, #tpu.memory_space<hbm>> -> memref<100000x128xf32, #tpu.memory_space<hbm>>
      %dma_wait3A_537 = arith.constant 0 : i32
      %dma_wait3A_538 = arith.constant 0 : i32
      %dma_wait3A_539 = tpu.memref_slice %dma_wait3A_536[%dma_wait3A_537, %dma_wait3A_538] : memref<100000x128xf32, #tpu.memory_space<hbm>> -> memref<80x128xf32, #tpu.memory_space<hbm>>
      tpu.wait_dma2 semaphore(%arg14 : memref<!tpu.dma_semaphore, #tpu.memory_space<semaphore_mem>>) src(%dma_wait3A_539 : memref<80x128xf32, #tpu.memory_space<hbm>>) dst(%dma_wait3A_532 : memref<80x128xf32, #tpu.memory_space<vmem>>)
      %dma_wait3A_540 = arith.constant 4 : i32
      %dma_wait3A_541 = arith.constant 0 : i32
      %dma_wait3A_542 = arith.constant 0 : i32
      %dma_wait3A_543 = tpu.memref_slice %arg9[%dma_wait3A_540, %dma_wait3A_541, %dma_wait3A_542] : memref<6x80x128xf32, #tpu.memory_space<vmem>> -> memref<1x80x128xf32, #tpu.memory_space<vmem>>
      %dma_wait3A_544 = tpu.memref_squeeze %dma_wait3A_543 : memref<1x80x128xf32, #tpu.memory_space<vmem>> -> memref<80x128xf32, #tpu.memory_space<vmem>>
      %dma_wait3A_545 = arith.constant 0 : i32
      %dma_wait3A_546 = arith.constant 0 : i32
      %dma_wait3A_547 = tpu.memref_slice %arg4[%dma_wait3A_545, %dma_wait3A_546] : memref<100000x128xf32, #tpu.memory_space<hbm>> -> memref<80x128xf32, #tpu.memory_space<hbm>>
      %dma_wait3A_548 = arith.constant 0 : i32
      %dma_wait3A_549 = arith.constant 0 : i32
      %dma_wait3A_550 = tpu.memref_slice %arg9[%dma_wait3A_540, %dma_wait3A_548, %dma_wait3A_549] : memref<6x80x128xf32, #tpu.memory_space<vmem>> -> memref<1x80x128xf32, #tpu.memory_space<vmem>>
      %dma_wait3A_551 = tpu.memref_squeeze %dma_wait3A_550 : memref<1x80x128xf32, #tpu.memory_space<vmem>> -> memref<80x128xf32, #tpu.memory_space<vmem>>
      %dma_wait3A_552 = arith.constant 0 : i32
      %dma_wait3A_553 = arith.constant 0 : i32
      %dma_wait3A_554 = tpu.memref_slice %arg4[%dma_wait3A_552, %dma_wait3A_553] : memref<100000x128xf32, #tpu.memory_space<hbm>> -> memref<80x128xf32, #tpu.memory_space<hbm>>
      tpu.wait_dma2 semaphore(%arg20 : memref<!tpu.dma_semaphore, #tpu.memory_space<semaphore_mem>>) src(%dma_wait3A_554 : memref<80x128xf32, #tpu.memory_space<hbm>>) dst(%dma_wait3A_551 : memref<80x128xf32, #tpu.memory_space<vmem>>)
      %add3A_555 = arith.constant 1280 : i32
      %add3A_556 = arith.addi %mul3A_8, %add3A_555 : i32
      %dma_start3A = arith.constant 4 : i32
      %dma_start3A_557 = arith.constant 0 : i32
      %dma_start3A_558 = arith.constant 0 : i32
      %dma_start3A_559 = tpu.memref_slice %arg8[%dma_start3A, %dma_start3A_557, %dma_start3A_558] : memref<6x80x128xf32, #tpu.memory_space<vmem>> -> memref<1x80x128xf32, #tpu.memory_space<vmem>>
      %dma_start3A_560 = tpu.memref_squeeze %dma_start3A_559 : memref<1x80x128xf32, #tpu.memory_space<vmem>> -> memref<80x128xf32, #tpu.memory_space<vmem>>
      %dma_start3A_561 = arith.constant 0 : i32
      %dma_start3A_562 = arith.constant 0 : i32
      %dma_start3A_563 = tpu.memref_slice %arg5[%cond3A_253, %dma_start3A_561, %dma_start3A_562] : memref<1x50000x128xf32, #tpu.memory_space<hbm>> -> memref<1x50000x128xf32, #tpu.memory_space<hbm>>
      %dma_start3A_564 = tpu.memref_squeeze %dma_start3A_563 : memref<1x50000x128xf32, #tpu.memory_space<hbm>> -> memref<50000x128xf32, #tpu.memory_space<hbm>>
      %dma_start3A_565 = arith.constant 0 : i32
      %dma_start3A_566 = tpu.memref_slice %dma_start3A_564[%add3A_556, %dma_start3A_565] : memref<50000x128xf32, #tpu.memory_space<hbm>> -> memref<80x128xf32, #tpu.memory_space<hbm>>
      %dma_start3A_567 = arith.constant 0 : i32
      %dma_start3A_568 = arith.constant 0 : i32
      %dma_start3A_569 = tpu.memref_slice %arg5[%cond3A_253, %dma_start3A_567, %dma_start3A_568] : memref<1x50000x128xf32, #tpu.memory_space<hbm>> -> memref<1x50000x128xf32, #tpu.memory_space<hbm>>
      %dma_start3A_570 = tpu.memref_squeeze %dma_start3A_569 : memref<1x50000x128xf32, #tpu.memory_space<hbm>> -> memref<50000x128xf32, #tpu.memory_space<hbm>>
      %dma_start3A_571 = arith.constant 0 : i32
      %dma_start3A_572 = tpu.memref_slice %dma_start3A_570[%add3A_556, %dma_start3A_571] : memref<50000x128xf32, #tpu.memory_space<hbm>> -> memref<80x128xf32, #tpu.memory_space<hbm>>
      %dma_start3A_573 = arith.constant 0 : i32
      %dma_start3A_574 = arith.constant 0 : i32
      %dma_start3A_575 = tpu.memref_slice %arg8[%dma_start3A, %dma_start3A_573, %dma_start3A_574] : memref<6x80x128xf32, #tpu.memory_space<vmem>> -> memref<1x80x128xf32, #tpu.memory_space<vmem>>
      %dma_start3A_576 = tpu.memref_squeeze %dma_start3A_575 : memref<1x80x128xf32, #tpu.memory_space<vmem>> -> memref<80x128xf32, #tpu.memory_space<vmem>>
      tpu.enqueue_dma source(%dma_start3A_576 : memref<80x128xf32, #tpu.memory_space<vmem>>) target(%dma_start3A_572 : memref<80x128xf32, #tpu.memory_space<hbm>>) target_semaphore(%arg26 : memref<!tpu.dma_semaphore, #tpu.memory_space<semaphore_mem>>)
      %dma_start3A_577 = arith.constant 4 : i32
      %dma_start3A_578 = arith.constant 0 : i32
      %dma_start3A_579 = arith.constant 0 : i32
      %dma_start3A_580 = tpu.memref_slice %arg9[%dma_start3A_577, %dma_start3A_578, %dma_start3A_579] : memref<6x80x128xf32, #tpu.memory_space<vmem>> -> memref<1x80x128xf32, #tpu.memory_space<vmem>>
      %dma_start3A_581 = tpu.memref_squeeze %dma_start3A_580 : memref<1x80x128xf32, #tpu.memory_space<vmem>> -> memref<80x128xf32, #tpu.memory_space<vmem>>
      %dma_start3A_582 = arith.constant 0 : i32
      %dma_start3A_583 = tpu.memref_slice %arg6[%add3A_556, %dma_start3A_582] : memref<50000x128xf32, #tpu.memory_space<hbm>> -> memref<80x128xf32, #tpu.memory_space<hbm>>
      %dma_start3A_584 = arith.constant 0 : i32
      %dma_start3A_585 = tpu.memref_slice %arg6[%add3A_556, %dma_start3A_584] : memref<50000x128xf32, #tpu.memory_space<hbm>> -> memref<80x128xf32, #tpu.memory_space<hbm>>
      %dma_start3A_586 = arith.constant 0 : i32
      %dma_start3A_587 = arith.constant 0 : i32
      %dma_start3A_588 = tpu.memref_slice %arg9[%dma_start3A_577, %dma_start3A_586, %dma_start3A_587] : memref<6x80x128xf32, #tpu.memory_space<vmem>> -> memref<1x80x128xf32, #tpu.memory_space<vmem>>
      %dma_start3A_589 = tpu.memref_squeeze %dma_start3A_588 : memref<1x80x128xf32, #tpu.memory_space<vmem>> -> memref<80x128xf32, #tpu.memory_space<vmem>>
      tpu.enqueue_dma source(%dma_start3A_589 : memref<80x128xf32, #tpu.memory_space<vmem>>) target(%dma_start3A_585 : memref<80x128xf32, #tpu.memory_space<hbm>>) target_semaphore(%arg32 : memref<!tpu.dma_semaphore, #tpu.memory_space<semaphore_mem>>)
    } else {
    }
    %gt3A_256 = arith.constant 19 : i32
    %gt3A_257 = arith.cmpi sgt, %select_n3A, %gt3A_256 : i32
    %convert_element_type3A_258 = arith.extui %gt3A_257 : i1 to i32
    %cond3A_259 = arith.constant 0 : i32
    %cond3A_260 = arith.constant 0 : i32
    %cond3A_261 = arith.constant 0 : i32
    %cond3A_262 = arith.cmpi ne, %convert_element_type3A_258, %cond3A_261 : i32
    scf.if %cond3A_262 {
      %dma_wait3A_517 = arith.constant 1 : i32
      %dma_wait3A_518 = arith.constant 0 : i32
      %dma_wait3A_519 = arith.constant 0 : i32
      %dma_wait3A_520 = tpu.memref_slice %arg8[%dma_wait3A_517, %dma_wait3A_518, %dma_wait3A_519] : memref<6x80x128xf32, #tpu.memory_space<vmem>> -> memref<1x80x128xf32, #tpu.memory_space<vmem>>
      %dma_wait3A_521 = tpu.memref_squeeze %dma_wait3A_520 : memref<1x80x128xf32, #tpu.memory_space<vmem>> -> memref<80x128xf32, #tpu.memory_space<vmem>>
      %dma_wait3A_522 = arith.constant 0 : i32
      %dma_wait3A_523 = arith.constant 0 : i32
      %dma_wait3A_524 = tpu.memref_slice %arg5[%cond3A_259, %dma_wait3A_522, %dma_wait3A_523] : memref<1x50000x128xf32, #tpu.memory_space<hbm>> -> memref<1x50000x128xf32, #tpu.memory_space<hbm>>
      %dma_wait3A_525 = tpu.memref_squeeze %dma_wait3A_524 : memref<1x50000x128xf32, #tpu.memory_space<hbm>> -> memref<50000x128xf32, #tpu.memory_space<hbm>>
      %dma_wait3A_526 = arith.constant 0 : i32
      %dma_wait3A_527 = arith.constant 0 : i32
      %dma_wait3A_528 = tpu.memref_slice %dma_wait3A_525[%dma_wait3A_526, %dma_wait3A_527] : memref<50000x128xf32, #tpu.memory_space<hbm>> -> memref<80x128xf32, #tpu.memory_space<hbm>>
      %dma_wait3A_529 = arith.constant 0 : i32
      %dma_wait3A_530 = arith.constant 0 : i32
      %dma_wait3A_531 = tpu.memref_slice %arg5[%cond3A_259, %dma_wait3A_529, %dma_wait3A_530] : memref<1x50000x128xf32, #tpu.memory_space<hbm>> -> memref<1x50000x128xf32, #tpu.memory_space<hbm>>
      %dma_wait3A_532 = tpu.memref_squeeze %dma_wait3A_531 : memref<1x50000x128xf32, #tpu.memory_space<hbm>> -> memref<50000x128xf32, #tpu.memory_space<hbm>>
      %dma_wait3A_533 = arith.constant 0 : i32
      %dma_wait3A_534 = arith.constant 0 : i32
      %dma_wait3A_535 = tpu.memref_slice %dma_wait3A_532[%dma_wait3A_533, %dma_wait3A_534] : memref<50000x128xf32, #tpu.memory_space<hbm>> -> memref<80x128xf32, #tpu.memory_space<hbm>>
      %dma_wait3A_536 = arith.constant 0 : i32
      %dma_wait3A_537 = arith.constant 0 : i32
      %dma_wait3A_538 = tpu.memref_slice %arg8[%dma_wait3A_517, %dma_wait3A_536, %dma_wait3A_537] : memref<6x80x128xf32, #tpu.memory_space<vmem>> -> memref<1x80x128xf32, #tpu.memory_space<vmem>>
      %dma_wait3A_539 = tpu.memref_squeeze %dma_wait3A_538 : memref<1x80x128xf32, #tpu.memory_space<vmem>> -> memref<80x128xf32, #tpu.memory_space<vmem>>
      tpu.wait_dma2 semaphore(%arg23 : memref<!tpu.dma_semaphore, #tpu.memory_space<semaphore_mem>>) src(%dma_wait3A_539 : memref<80x128xf32, #tpu.memory_space<vmem>>) dst(%dma_wait3A_535 : memref<80x128xf32, #tpu.memory_space<hbm>>)
      %dma_wait3A_540 = arith.constant 1 : i32
      %dma_wait3A_541 = arith.constant 0 : i32
      %dma_wait3A_542 = arith.constant 0 : i32
      %dma_wait3A_543 = tpu.memref_slice %arg9[%dma_wait3A_540, %dma_wait3A_541, %dma_wait3A_542] : memref<6x80x128xf32, #tpu.memory_space<vmem>> -> memref<1x80x128xf32, #tpu.memory_space<vmem>>
      %dma_wait3A_544 = tpu.memref_squeeze %dma_wait3A_543 : memref<1x80x128xf32, #tpu.memory_space<vmem>> -> memref<80x128xf32, #tpu.memory_space<vmem>>
      %dma_wait3A_545 = arith.constant 0 : i32
      %dma_wait3A_546 = arith.constant 0 : i32
      %dma_wait3A_547 = tpu.memref_slice %arg6[%dma_wait3A_545, %dma_wait3A_546] : memref<50000x128xf32, #tpu.memory_space<hbm>> -> memref<80x128xf32, #tpu.memory_space<hbm>>
      %dma_wait3A_548 = arith.constant 0 : i32
      %dma_wait3A_549 = arith.constant 0 : i32
      %dma_wait3A_550 = tpu.memref_slice %arg6[%dma_wait3A_548, %dma_wait3A_549] : memref<50000x128xf32, #tpu.memory_space<hbm>> -> memref<80x128xf32, #tpu.memory_space<hbm>>
      %dma_wait3A_551 = arith.constant 0 : i32
      %dma_wait3A_552 = arith.constant 0 : i32
      %dma_wait3A_553 = tpu.memref_slice %arg9[%dma_wait3A_540, %dma_wait3A_551, %dma_wait3A_552] : memref<6x80x128xf32, #tpu.memory_space<vmem>> -> memref<1x80x128xf32, #tpu.memory_space<vmem>>
      %dma_wait3A_554 = tpu.memref_squeeze %dma_wait3A_553 : memref<1x80x128xf32, #tpu.memory_space<vmem>> -> memref<80x128xf32, #tpu.memory_space<vmem>>
      tpu.wait_dma2 semaphore(%arg29 : memref<!tpu.dma_semaphore, #tpu.memory_space<semaphore_mem>>) src(%dma_wait3A_554 : memref<80x128xf32, #tpu.memory_space<vmem>>) dst(%dma_wait3A_550 : memref<80x128xf32, #tpu.memory_space<hbm>>)
      %dma_start3A = arith.constant 1 : i32
      %dma_start3A_555 = arith.constant 0 : i32
      %dma_start3A_556 = arith.constant 0 : i32
      %dma_start3A_557 = tpu.memref_slice %arg8[%dma_start3A, %dma_start3A_555, %dma_start3A_556] : memref<6x80x128xf32, #tpu.memory_space<vmem>> -> memref<1x80x128xf32, #tpu.memory_space<vmem>>
      %dma_start3A_558 = tpu.memref_squeeze %dma_start3A_557 : memref<1x80x128xf32, #tpu.memory_space<vmem>> -> memref<80x128xf32, #tpu.memory_space<vmem>>
      %dma_start3A_559 = arith.constant 1520 : i32
      %dma_start3A_560 = tpu.memref_slice %arg7[%dma_start3A_559] : memref<1600xi32, #tpu.memory_space<vmem>> -> memref<80xi32, #tpu.memory_space<vmem>>
      %dma_start3A_561 = arith.constant 0 : i32
      %dma_start3A_562 = arith.constant 0 : i32
      %dma_start3A_563 = tpu.memref_slice %arg3[%cond3A_260, %dma_start3A_561, %dma_start3A_562] : memref<1x100000x128xf32, #tpu.memory_space<hbm>> -> memref<1x100000x128xf32, #tpu.memory_space<hbm>>
      %dma_start3A_564 = tpu.memref_squeeze %dma_start3A_563 : memref<1x100000x128xf32, #tpu.memory_space<hbm>> -> memref<100000x128xf32, #tpu.memory_space<hbm>>
      %dma_start3A_565 = arith.constant 0 : i32
      %dma_start3A_566 = arith.constant 0 : i32
      %dma_start3A_567 = tpu.memref_slice %dma_start3A_564[%dma_start3A_565, %dma_start3A_566] : memref<100000x128xf32, #tpu.memory_space<hbm>> -> memref<100000x128xf32, #tpu.memory_space<hbm>>
      tpu.enqueue_indirect_dma source(%dma_start3A_567 : memref<100000x128xf32, #tpu.memory_space<hbm>>) target(%dma_start3A_558 : memref<80x128xf32, #tpu.memory_space<vmem>>) offsets(%dma_start3A_560 : memref<80xi32, #tpu.memory_space<vmem>>) semaphore(%arg11 : memref<!tpu.dma_semaphore, #tpu.memory_space<semaphore_mem>>)
      %dma_start3A_568 = arith.constant 1 : i32
      %dma_start3A_569 = arith.constant 0 : i32
      %dma_start3A_570 = arith.constant 0 : i32
      %dma_start3A_571 = tpu.memref_slice %arg9[%dma_start3A_568, %dma_start3A_569, %dma_start3A_570] : memref<6x80x128xf32, #tpu.memory_space<vmem>> -> memref<1x80x128xf32, #tpu.memory_space<vmem>>
      %dma_start3A_572 = tpu.memref_squeeze %dma_start3A_571 : memref<1x80x128xf32, #tpu.memory_space<vmem>> -> memref<80x128xf32, #tpu.memory_space<vmem>>
      %dma_start3A_573 = arith.constant 1520 : i32
      %dma_start3A_574 = tpu.memref_slice %arg7[%dma_start3A_573] : memref<1600xi32, #tpu.memory_space<vmem>> -> memref<80xi32, #tpu.memory_space<vmem>>
      %dma_start3A_575 = arith.constant 0 : i32
      %dma_start3A_576 = arith.constant 0 : i32
      %dma_start3A_577 = tpu.memref_slice %arg4[%dma_start3A_575, %dma_start3A_576] : memref<100000x128xf32, #tpu.memory_space<hbm>> -> memref<100000x128xf32, #tpu.memory_space<hbm>>
      tpu.enqueue_indirect_dma source(%dma_start3A_577 : memref<100000x128xf32, #tpu.memory_space<hbm>>) target(%dma_start3A_572 : memref<80x128xf32, #tpu.memory_space<vmem>>) offsets(%dma_start3A_574 : memref<80xi32, #tpu.memory_space<vmem>>) semaphore(%arg17 : memref<!tpu.dma_semaphore, #tpu.memory_space<semaphore_mem>>)
    } else {
    }
    %gt3A_263 = arith.constant 17 : i32
    %gt3A_264 = arith.cmpi sgt, %select_n3A, %gt3A_263 : i32
    %convert_element_type3A_265 = arith.extui %gt3A_264 : i1 to i32
    %cond3A_266 = arith.constant 0 : i32
    %cond3A_267 = arith.constant 0 : i32
    %cond3A_268 = arith.constant 0 : i32
    %cond3A_269 = arith.cmpi ne, %convert_element_type3A_265, %cond3A_268 : i32
    scf.if %cond3A_269 {
      %dma_wait3A_517 = arith.constant 5 : i32
      %dma_wait3A_518 = arith.constant 0 : i32
      %dma_wait3A_519 = arith.constant 0 : i32
      %dma_wait3A_520 = tpu.memref_slice %arg8[%dma_wait3A_517, %dma_wait3A_518, %dma_wait3A_519] : memref<6x80x128xf32, #tpu.memory_space<vmem>> -> memref<1x80x128xf32, #tpu.memory_space<vmem>>
      %dma_wait3A_521 = tpu.memref_squeeze %dma_wait3A_520 : memref<1x80x128xf32, #tpu.memory_space<vmem>> -> memref<80x128xf32, #tpu.memory_space<vmem>>
      %dma_wait3A_522 = arith.constant 0 : i32
      %dma_wait3A_523 = arith.constant 0 : i32
      %dma_wait3A_524 = tpu.memref_slice %arg3[%cond3A_266, %dma_wait3A_522, %dma_wait3A_523] : memref<1x100000x128xf32, #tpu.memory_space<hbm>> -> memref<1x100000x128xf32, #tpu.memory_space<hbm>>
      %dma_wait3A_525 = tpu.memref_squeeze %dma_wait3A_524 : memref<1x100000x128xf32, #tpu.memory_space<hbm>> -> memref<100000x128xf32, #tpu.memory_space<hbm>>
      %dma_wait3A_526 = arith.constant 0 : i32
      %dma_wait3A_527 = arith.constant 0 : i32
      %dma_wait3A_528 = tpu.memref_slice %dma_wait3A_525[%dma_wait3A_526, %dma_wait3A_527] : memref<100000x128xf32, #tpu.memory_space<hbm>> -> memref<80x128xf32, #tpu.memory_space<hbm>>
      %dma_wait3A_529 = arith.constant 0 : i32
      %dma_wait3A_530 = arith.constant 0 : i32
      %dma_wait3A_531 = tpu.memref_slice %arg8[%dma_wait3A_517, %dma_wait3A_529, %dma_wait3A_530] : memref<6x80x128xf32, #tpu.memory_space<vmem>> -> memref<1x80x128xf32, #tpu.memory_space<vmem>>
      %dma_wait3A_532 = tpu.memref_squeeze %dma_wait3A_531 : memref<1x80x128xf32, #tpu.memory_space<vmem>> -> memref<80x128xf32, #tpu.memory_space<vmem>>
      %dma_wait3A_533 = arith.constant 0 : i32
      %dma_wait3A_534 = arith.constant 0 : i32
      %dma_wait3A_535 = tpu.memref_slice %arg3[%cond3A_266, %dma_wait3A_533, %dma_wait3A_534] : memref<1x100000x128xf32, #tpu.memory_space<hbm>> -> memref<1x100000x128xf32, #tpu.memory_space<hbm>>
      %dma_wait3A_536 = tpu.memref_squeeze %dma_wait3A_535 : memref<1x100000x128xf32, #tpu.memory_space<hbm>> -> memref<100000x128xf32, #tpu.memory_space<hbm>>
      %dma_wait3A_537 = arith.constant 0 : i32
      %dma_wait3A_538 = arith.constant 0 : i32
      %dma_wait3A_539 = tpu.memref_slice %dma_wait3A_536[%dma_wait3A_537, %dma_wait3A_538] : memref<100000x128xf32, #tpu.memory_space<hbm>> -> memref<80x128xf32, #tpu.memory_space<hbm>>
      tpu.wait_dma2 semaphore(%arg15 : memref<!tpu.dma_semaphore, #tpu.memory_space<semaphore_mem>>) src(%dma_wait3A_539 : memref<80x128xf32, #tpu.memory_space<hbm>>) dst(%dma_wait3A_532 : memref<80x128xf32, #tpu.memory_space<vmem>>)
      %dma_wait3A_540 = arith.constant 5 : i32
      %dma_wait3A_541 = arith.constant 0 : i32
      %dma_wait3A_542 = arith.constant 0 : i32
      %dma_wait3A_543 = tpu.memref_slice %arg9[%dma_wait3A_540, %dma_wait3A_541, %dma_wait3A_542] : memref<6x80x128xf32, #tpu.memory_space<vmem>> -> memref<1x80x128xf32, #tpu.memory_space<vmem>>
      %dma_wait3A_544 = tpu.memref_squeeze %dma_wait3A_543 : memref<1x80x128xf32, #tpu.memory_space<vmem>> -> memref<80x128xf32, #tpu.memory_space<vmem>>
      %dma_wait3A_545 = arith.constant 0 : i32
      %dma_wait3A_546 = arith.constant 0 : i32
      %dma_wait3A_547 = tpu.memref_slice %arg4[%dma_wait3A_545, %dma_wait3A_546] : memref<100000x128xf32, #tpu.memory_space<hbm>> -> memref<80x128xf32, #tpu.memory_space<hbm>>
      %dma_wait3A_548 = arith.constant 0 : i32
      %dma_wait3A_549 = arith.constant 0 : i32
      %dma_wait3A_550 = tpu.memref_slice %arg9[%dma_wait3A_540, %dma_wait3A_548, %dma_wait3A_549] : memref<6x80x128xf32, #tpu.memory_space<vmem>> -> memref<1x80x128xf32, #tpu.memory_space<vmem>>
      %dma_wait3A_551 = tpu.memref_squeeze %dma_wait3A_550 : memref<1x80x128xf32, #tpu.memory_space<vmem>> -> memref<80x128xf32, #tpu.memory_space<vmem>>
      %dma_wait3A_552 = arith.constant 0 : i32
      %dma_wait3A_553 = arith.constant 0 : i32
      %dma_wait3A_554 = tpu.memref_slice %arg4[%dma_wait3A_552, %dma_wait3A_553] : memref<100000x128xf32, #tpu.memory_space<hbm>> -> memref<80x128xf32, #tpu.memory_space<hbm>>
      tpu.wait_dma2 semaphore(%arg21 : memref<!tpu.dma_semaphore, #tpu.memory_space<semaphore_mem>>) src(%dma_wait3A_554 : memref<80x128xf32, #tpu.memory_space<hbm>>) dst(%dma_wait3A_551 : memref<80x128xf32, #tpu.memory_space<vmem>>)
      %add3A_555 = arith.constant 1360 : i32
      %add3A_556 = arith.addi %mul3A_8, %add3A_555 : i32
      %dma_start3A = arith.constant 5 : i32
      %dma_start3A_557 = arith.constant 0 : i32
      %dma_start3A_558 = arith.constant 0 : i32
      %dma_start3A_559 = tpu.memref_slice %arg8[%dma_start3A, %dma_start3A_557, %dma_start3A_558] : memref<6x80x128xf32, #tpu.memory_space<vmem>> -> memref<1x80x128xf32, #tpu.memory_space<vmem>>
      %dma_start3A_560 = tpu.memref_squeeze %dma_start3A_559 : memref<1x80x128xf32, #tpu.memory_space<vmem>> -> memref<80x128xf32, #tpu.memory_space<vmem>>
      %dma_start3A_561 = arith.constant 0 : i32
      %dma_start3A_562 = arith.constant 0 : i32
      %dma_start3A_563 = tpu.memref_slice %arg5[%cond3A_267, %dma_start3A_561, %dma_start3A_562] : memref<1x50000x128xf32, #tpu.memory_space<hbm>> -> memref<1x50000x128xf32, #tpu.memory_space<hbm>>
      %dma_start3A_564 = tpu.memref_squeeze %dma_start3A_563 : memref<1x50000x128xf32, #tpu.memory_space<hbm>> -> memref<50000x128xf32, #tpu.memory_space<hbm>>
      %dma_start3A_565 = arith.constant 0 : i32
      %dma_start3A_566 = tpu.memref_slice %dma_start3A_564[%add3A_556, %dma_start3A_565] : memref<50000x128xf32, #tpu.memory_space<hbm>> -> memref<80x128xf32, #tpu.memory_space<hbm>>
      %dma_start3A_567 = arith.constant 0 : i32
      %dma_start3A_568 = arith.constant 0 : i32
      %dma_start3A_569 = tpu.memref_slice %arg5[%cond3A_267, %dma_start3A_567, %dma_start3A_568] : memref<1x50000x128xf32, #tpu.memory_space<hbm>> -> memref<1x50000x128xf32, #tpu.memory_space<hbm>>
      %dma_start3A_570 = tpu.memref_squeeze %dma_start3A_569 : memref<1x50000x128xf32, #tpu.memory_space<hbm>> -> memref<50000x128xf32, #tpu.memory_space<hbm>>
      %dma_start3A_571 = arith.constant 0 : i32
      %dma_start3A_572 = tpu.memref_slice %dma_start3A_570[%add3A_556, %dma_start3A_571] : memref<50000x128xf32, #tpu.memory_space<hbm>> -> memref<80x128xf32, #tpu.memory_space<hbm>>
      %dma_start3A_573 = arith.constant 0 : i32
      %dma_start3A_574 = arith.constant 0 : i32
      %dma_start3A_575 = tpu.memref_slice %arg8[%dma_start3A, %dma_start3A_573, %dma_start3A_574] : memref<6x80x128xf32, #tpu.memory_space<vmem>> -> memref<1x80x128xf32, #tpu.memory_space<vmem>>
      %dma_start3A_576 = tpu.memref_squeeze %dma_start3A_575 : memref<1x80x128xf32, #tpu.memory_space<vmem>> -> memref<80x128xf32, #tpu.memory_space<vmem>>
      tpu.enqueue_dma source(%dma_start3A_576 : memref<80x128xf32, #tpu.memory_space<vmem>>) target(%dma_start3A_572 : memref<80x128xf32, #tpu.memory_space<hbm>>) target_semaphore(%arg27 : memref<!tpu.dma_semaphore, #tpu.memory_space<semaphore_mem>>)
      %dma_start3A_577 = arith.constant 5 : i32
      %dma_start3A_578 = arith.constant 0 : i32
      %dma_start3A_579 = arith.constant 0 : i32
      %dma_start3A_580 = tpu.memref_slice %arg9[%dma_start3A_577, %dma_start3A_578, %dma_start3A_579] : memref<6x80x128xf32, #tpu.memory_space<vmem>> -> memref<1x80x128xf32, #tpu.memory_space<vmem>>
      %dma_start3A_581 = tpu.memref_squeeze %dma_start3A_580 : memref<1x80x128xf32, #tpu.memory_space<vmem>> -> memref<80x128xf32, #tpu.memory_space<vmem>>
      %dma_start3A_582 = arith.constant 0 : i32
      %dma_start3A_583 = tpu.memref_slice %arg6[%add3A_556, %dma_start3A_582] : memref<50000x128xf32, #tpu.memory_space<hbm>> -> memref<80x128xf32, #tpu.memory_space<hbm>>
      %dma_start3A_584 = arith.constant 0 : i32
      %dma_start3A_585 = tpu.memref_slice %arg6[%add3A_556, %dma_start3A_584] : memref<50000x128xf32, #tpu.memory_space<hbm>> -> memref<80x128xf32, #tpu.memory_space<hbm>>
      %dma_start3A_586 = arith.constant 0 : i32
      %dma_start3A_587 = arith.constant 0 : i32
      %dma_start3A_588 = tpu.memref_slice %arg9[%dma_start3A_577, %dma_start3A_586, %dma_start3A_587] : memref<6x80x128xf32, #tpu.memory_space<vmem>> -> memref<1x80x128xf32, #tpu.memory_space<vmem>>
      %dma_start3A_589 = tpu.memref_squeeze %dma_start3A_588 : memref<1x80x128xf32, #tpu.memory_space<vmem>> -> memref<80x128xf32, #tpu.memory_space<vmem>>
      tpu.enqueue_dma source(%dma_start3A_589 : memref<80x128xf32, #tpu.memory_space<vmem>>) target(%dma_start3A_585 : memref<80x128xf32, #tpu.memory_space<hbm>>) target_semaphore(%arg33 : memref<!tpu.dma_semaphore, #tpu.memory_space<semaphore_mem>>)
    } else {
    }
    %gt3A_270 = arith.constant 18 : i32
    %gt3A_271 = arith.cmpi sgt, %select_n3A, %gt3A_270 : i32
    %convert_element_type3A_272 = arith.extui %gt3A_271 : i1 to i32
    %cond3A_273 = arith.constant 0 : i32
    %cond3A_274 = arith.constant 0 : i32
    %cond3A_275 = arith.constant 0 : i32
    %cond3A_276 = arith.cmpi ne, %convert_element_type3A_272, %cond3A_275 : i32
    scf.if %cond3A_276 {
      %dma_wait3A_517 = arith.constant 0 : i32
      %dma_wait3A_518 = arith.constant 0 : i32
      %dma_wait3A_519 = arith.constant 0 : i32
      %dma_wait3A_520 = tpu.memref_slice %arg8[%dma_wait3A_517, %dma_wait3A_518, %dma_wait3A_519] : memref<6x80x128xf32, #tpu.memory_space<vmem>> -> memref<1x80x128xf32, #tpu.memory_space<vmem>>
      %dma_wait3A_521 = tpu.memref_squeeze %dma_wait3A_520 : memref<1x80x128xf32, #tpu.memory_space<vmem>> -> memref<80x128xf32, #tpu.memory_space<vmem>>
      %dma_wait3A_522 = arith.constant 0 : i32
      %dma_wait3A_523 = arith.constant 0 : i32
      %dma_wait3A_524 = tpu.memref_slice %arg3[%cond3A_273, %dma_wait3A_522, %dma_wait3A_523] : memref<1x100000x128xf32, #tpu.memory_space<hbm>> -> memref<1x100000x128xf32, #tpu.memory_space<hbm>>
      %dma_wait3A_525 = tpu.memref_squeeze %dma_wait3A_524 : memref<1x100000x128xf32, #tpu.memory_space<hbm>> -> memref<100000x128xf32, #tpu.memory_space<hbm>>
      %dma_wait3A_526 = arith.constant 0 : i32
      %dma_wait3A_527 = arith.constant 0 : i32
      %dma_wait3A_528 = tpu.memref_slice %dma_wait3A_525[%dma_wait3A_526, %dma_wait3A_527] : memref<100000x128xf32, #tpu.memory_space<hbm>> -> memref<80x128xf32, #tpu.memory_space<hbm>>
      %dma_wait3A_529 = arith.constant 0 : i32
      %dma_wait3A_530 = arith.constant 0 : i32
      %dma_wait3A_531 = tpu.memref_slice %arg8[%dma_wait3A_517, %dma_wait3A_529, %dma_wait3A_530] : memref<6x80x128xf32, #tpu.memory_space<vmem>> -> memref<1x80x128xf32, #tpu.memory_space<vmem>>
      %dma_wait3A_532 = tpu.memref_squeeze %dma_wait3A_531 : memref<1x80x128xf32, #tpu.memory_space<vmem>> -> memref<80x128xf32, #tpu.memory_space<vmem>>
      %dma_wait3A_533 = arith.constant 0 : i32
      %dma_wait3A_534 = arith.constant 0 : i32
      %dma_wait3A_535 = tpu.memref_slice %arg3[%cond3A_273, %dma_wait3A_533, %dma_wait3A_534] : memref<1x100000x128xf32, #tpu.memory_space<hbm>> -> memref<1x100000x128xf32, #tpu.memory_space<hbm>>
      %dma_wait3A_536 = tpu.memref_squeeze %dma_wait3A_535 : memref<1x100000x128xf32, #tpu.memory_space<hbm>> -> memref<100000x128xf32, #tpu.memory_space<hbm>>
      %dma_wait3A_537 = arith.constant 0 : i32
      %dma_wait3A_538 = arith.constant 0 : i32
      %dma_wait3A_539 = tpu.memref_slice %dma_wait3A_536[%dma_wait3A_537, %dma_wait3A_538] : memref<100000x128xf32, #tpu.memory_space<hbm>> -> memref<80x128xf32, #tpu.memory_space<hbm>>
      tpu.wait_dma2 semaphore(%arg10 : memref<!tpu.dma_semaphore, #tpu.memory_space<semaphore_mem>>) src(%dma_wait3A_539 : memref<80x128xf32, #tpu.memory_space<hbm>>) dst(%dma_wait3A_532 : memref<80x128xf32, #tpu.memory_space<vmem>>)
      %dma_wait3A_540 = arith.constant 0 : i32
      %dma_wait3A_541 = arith.constant 0 : i32
      %dma_wait3A_542 = arith.constant 0 : i32
      %dma_wait3A_543 = tpu.memref_slice %arg9[%dma_wait3A_540, %dma_wait3A_541, %dma_wait3A_542] : memref<6x80x128xf32, #tpu.memory_space<vmem>> -> memref<1x80x128xf32, #tpu.memory_space<vmem>>
      %dma_wait3A_544 = tpu.memref_squeeze %dma_wait3A_543 : memref<1x80x128xf32, #tpu.memory_space<vmem>> -> memref<80x128xf32, #tpu.memory_space<vmem>>
      %dma_wait3A_545 = arith.constant 0 : i32
      %dma_wait3A_546 = arith.constant 0 : i32
      %dma_wait3A_547 = tpu.memref_slice %arg4[%dma_wait3A_545, %dma_wait3A_546] : memref<100000x128xf32, #tpu.memory_space<hbm>> -> memref<80x128xf32, #tpu.memory_space<hbm>>
      %dma_wait3A_548 = arith.constant 0 : i32
      %dma_wait3A_549 = arith.constant 0 : i32
      %dma_wait3A_550 = tpu.memref_slice %arg9[%dma_wait3A_540, %dma_wait3A_548, %dma_wait3A_549] : memref<6x80x128xf32, #tpu.memory_space<vmem>> -> memref<1x80x128xf32, #tpu.memory_space<vmem>>
      %dma_wait3A_551 = tpu.memref_squeeze %dma_wait3A_550 : memref<1x80x128xf32, #tpu.memory_space<vmem>> -> memref<80x128xf32, #tpu.memory_space<vmem>>
      %dma_wait3A_552 = arith.constant 0 : i32
      %dma_wait3A_553 = arith.constant 0 : i32
      %dma_wait3A_554 = tpu.memref_slice %arg4[%dma_wait3A_552, %dma_wait3A_553] : memref<100000x128xf32, #tpu.memory_space<hbm>> -> memref<80x128xf32, #tpu.memory_space<hbm>>
      tpu.wait_dma2 semaphore(%arg16 : memref<!tpu.dma_semaphore, #tpu.memory_space<semaphore_mem>>) src(%dma_wait3A_554 : memref<80x128xf32, #tpu.memory_space<hbm>>) dst(%dma_wait3A_551 : memref<80x128xf32, #tpu.memory_space<vmem>>)
      %add3A_555 = arith.constant 1440 : i32
      %add3A_556 = arith.addi %mul3A_8, %add3A_555 : i32
      %dma_start3A = arith.constant 0 : i32
      %dma_start3A_557 = arith.constant 0 : i32
      %dma_start3A_558 = arith.constant 0 : i32
      %dma_start3A_559 = tpu.memref_slice %arg8[%dma_start3A, %dma_start3A_557, %dma_start3A_558] : memref<6x80x128xf32, #tpu.memory_space<vmem>> -> memref<1x80x128xf32, #tpu.memory_space<vmem>>
      %dma_start3A_560 = tpu.memref_squeeze %dma_start3A_559 : memref<1x80x128xf32, #tpu.memory_space<vmem>> -> memref<80x128xf32, #tpu.memory_space<vmem>>
      %dma_start3A_561 = arith.constant 0 : i32
      %dma_start3A_562 = arith.constant 0 : i32
      %dma_start3A_563 = tpu.memref_slice %arg5[%cond3A_274, %dma_start3A_561, %dma_start3A_562] : memref<1x50000x128xf32, #tpu.memory_space<hbm>> -> memref<1x50000x128xf32, #tpu.memory_space<hbm>>
      %dma_start3A_564 = tpu.memref_squeeze %dma_start3A_563 : memref<1x50000x128xf32, #tpu.memory_space<hbm>> -> memref<50000x128xf32, #tpu.memory_space<hbm>>
      %dma_start3A_565 = arith.constant 0 : i32
      %dma_start3A_566 = tpu.memref_slice %dma_start3A_564[%add3A_556, %dma_start3A_565] : memref<50000x128xf32, #tpu.memory_space<hbm>> -> memref<80x128xf32, #tpu.memory_space<hbm>>
      %dma_start3A_567 = arith.constant 0 : i32
      %dma_start3A_568 = arith.constant 0 : i32
      %dma_start3A_569 = tpu.memref_slice %arg5[%cond3A_274, %dma_start3A_567, %dma_start3A_568] : memref<1x50000x128xf32, #tpu.memory_space<hbm>> -> memref<1x50000x128xf32, #tpu.memory_space<hbm>>
      %dma_start3A_570 = tpu.memref_squeeze %dma_start3A_569 : memref<1x50000x128xf32, #tpu.memory_space<hbm>> -> memref<50000x128xf32, #tpu.memory_space<hbm>>
      %dma_start3A_571 = arith.constant 0 : i32
      %dma_start3A_572 = tpu.memref_slice %dma_start3A_570[%add3A_556, %dma_start3A_571] : memref<50000x128xf32, #tpu.memory_space<hbm>> -> memref<80x128xf32, #tpu.memory_space<hbm>>
      %dma_start3A_573 = arith.constant 0 : i32
      %dma_start3A_574 = arith.constant 0 : i32
      %dma_start3A_575 = tpu.memref_slice %arg8[%dma_start3A, %dma_start3A_573, %dma_start3A_574] : memref<6x80x128xf32, #tpu.memory_space<vmem>> -> memref<1x80x128xf32, #tpu.memory_space<vmem>>
      %dma_start3A_576 = tpu.memref_squeeze %dma_start3A_575 : memref<1x80x128xf32, #tpu.memory_space<vmem>> -> memref<80x128xf32, #tpu.memory_space<vmem>>
      tpu.enqueue_dma source(%dma_start3A_576 : memref<80x128xf32, #tpu.memory_space<vmem>>) target(%dma_start3A_572 : memref<80x128xf32, #tpu.memory_space<hbm>>) target_semaphore(%arg22 : memref<!tpu.dma_semaphore, #tpu.memory_space<semaphore_mem>>)
      %dma_start3A_577 = arith.constant 0 : i32
      %dma_start3A_578 = arith.constant 0 : i32
      %dma_start3A_579 = arith.constant 0 : i32
      %dma_start3A_580 = tpu.memref_slice %arg9[%dma_start3A_577, %dma_start3A_578, %dma_start3A_579] : memref<6x80x128xf32, #tpu.memory_space<vmem>> -> memref<1x80x128xf32, #tpu.memory_space<vmem>>
      %dma_start3A_581 = tpu.memref_squeeze %dma_start3A_580 : memref<1x80x128xf32, #tpu.memory_space<vmem>> -> memref<80x128xf32, #tpu.memory_space<vmem>>
      %dma_start3A_582 = arith.constant 0 : i32
      %dma_start3A_583 = tpu.memref_slice %arg6[%add3A_556, %dma_start3A_582] : memref<50000x128xf32, #tpu.memory_space<hbm>> -> memref<80x128xf32, #tpu.memory_space<hbm>>
      %dma_start3A_584 = arith.constant 0 : i32
      %dma_start3A_585 = tpu.memref_slice %arg6[%add3A_556, %dma_start3A_584] : memref<50000x128xf32, #tpu.memory_space<hbm>> -> memref<80x128xf32, #tpu.memory_space<hbm>>
      %dma_start3A_586 = arith.constant 0 : i32
      %dma_start3A_587 = arith.constant 0 : i32
      %dma_start3A_588 = tpu.memref_slice %arg9[%dma_start3A_577, %dma_start3A_586, %dma_start3A_587] : memref<6x80x128xf32, #tpu.memory_space<vmem>> -> memref<1x80x128xf32, #tpu.memory_space<vmem>>
      %dma_start3A_589 = tpu.memref_squeeze %dma_start3A_588 : memref<1x80x128xf32, #tpu.memory_space<vmem>> -> memref<80x128xf32, #tpu.memory_space<vmem>>
      tpu.enqueue_dma source(%dma_start3A_589 : memref<80x128xf32, #tpu.memory_space<vmem>>) target(%dma_start3A_585 : memref<80x128xf32, #tpu.memory_space<hbm>>) target_semaphore(%arg28 : memref<!tpu.dma_semaphore, #tpu.memory_space<semaphore_mem>>)
    } else {
    }
    %gt3A_277 = arith.constant 19 : i32
    %gt3A_278 = arith.cmpi sgt, %select_n3A, %gt3A_277 : i32
    %convert_element_type3A_279 = arith.extui %gt3A_278 : i1 to i32
    %cond3A_280 = arith.constant 0 : i32
    %cond3A_281 = arith.constant 0 : i32
    %cond3A_282 = arith.constant 0 : i32
    %cond3A_283 = arith.cmpi ne, %convert_element_type3A_279, %cond3A_282 : i32
    scf.if %cond3A_283 {
      %dma_wait3A_517 = arith.constant 1 : i32
      %dma_wait3A_518 = arith.constant 0 : i32
      %dma_wait3A_519 = arith.constant 0 : i32
      %dma_wait3A_520 = tpu.memref_slice %arg8[%dma_wait3A_517, %dma_wait3A_518, %dma_wait3A_519] : memref<6x80x128xf32, #tpu.memory_space<vmem>> -> memref<1x80x128xf32, #tpu.memory_space<vmem>>
      %dma_wait3A_521 = tpu.memref_squeeze %dma_wait3A_520 : memref<1x80x128xf32, #tpu.memory_space<vmem>> -> memref<80x128xf32, #tpu.memory_space<vmem>>
      %dma_wait3A_522 = arith.constant 0 : i32
      %dma_wait3A_523 = arith.constant 0 : i32
      %dma_wait3A_524 = tpu.memref_slice %arg3[%cond3A_280, %dma_wait3A_522, %dma_wait3A_523] : memref<1x100000x128xf32, #tpu.memory_space<hbm>> -> memref<1x100000x128xf32, #tpu.memory_space<hbm>>
      %dma_wait3A_525 = tpu.memref_squeeze %dma_wait3A_524 : memref<1x100000x128xf32, #tpu.memory_space<hbm>> -> memref<100000x128xf32, #tpu.memory_space<hbm>>
      %dma_wait3A_526 = arith.constant 0 : i32
      %dma_wait3A_527 = arith.constant 0 : i32
      %dma_wait3A_528 = tpu.memref_slice %dma_wait3A_525[%dma_wait3A_526, %dma_wait3A_527] : memref<100000x128xf32, #tpu.memory_space<hbm>> -> memref<80x128xf32, #tpu.memory_space<hbm>>
      %dma_wait3A_529 = arith.constant 0 : i32
      %dma_wait3A_530 = arith.constant 0 : i32
      %dma_wait3A_531 = tpu.memref_slice %arg8[%dma_wait3A_517, %dma_wait3A_529, %dma_wait3A_530] : memref<6x80x128xf32, #tpu.memory_space<vmem>> -> memref<1x80x128xf32, #tpu.memory_space<vmem>>
      %dma_wait3A_532 = tpu.memref_squeeze %dma_wait3A_531 : memref<1x80x128xf32, #tpu.memory_space<vmem>> -> memref<80x128xf32, #tpu.memory_space<vmem>>
      %dma_wait3A_533 = arith.constant 0 : i32
      %dma_wait3A_534 = arith.constant 0 : i32
      %dma_wait3A_535 = tpu.memref_slice %arg3[%cond3A_280, %dma_wait3A_533, %dma_wait3A_534] : memref<1x100000x128xf32, #tpu.memory_space<hbm>> -> memref<1x100000x128xf32, #tpu.memory_space<hbm>>
      %dma_wait3A_536 = tpu.memref_squeeze %dma_wait3A_535 : memref<1x100000x128xf32, #tpu.memory_space<hbm>> -> memref<100000x128xf32, #tpu.memory_space<hbm>>
      %dma_wait3A_537 = arith.constant 0 : i32
      %dma_wait3A_538 = arith.constant 0 : i32
      %dma_wait3A_539 = tpu.memref_slice %dma_wait3A_536[%dma_wait3A_537, %dma_wait3A_538] : memref<100000x128xf32, #tpu.memory_space<hbm>> -> memref<80x128xf32, #tpu.memory_space<hbm>>
      tpu.wait_dma2 semaphore(%arg11 : memref<!tpu.dma_semaphore, #tpu.memory_space<semaphore_mem>>) src(%dma_wait3A_539 : memref<80x128xf32, #tpu.memory_space<hbm>>) dst(%dma_wait3A_532 : memref<80x128xf32, #tpu.memory_space<vmem>>)
      %dma_wait3A_540 = arith.constant 1 : i32
      %dma_wait3A_541 = arith.constant 0 : i32
      %dma_wait3A_542 = arith.constant 0 : i32
      %dma_wait3A_543 = tpu.memref_slice %arg9[%dma_wait3A_540, %dma_wait3A_541, %dma_wait3A_542] : memref<6x80x128xf32, #tpu.memory_space<vmem>> -> memref<1x80x128xf32, #tpu.memory_space<vmem>>
      %dma_wait3A_544 = tpu.memref_squeeze %dma_wait3A_543 : memref<1x80x128xf32, #tpu.memory_space<vmem>> -> memref<80x128xf32, #tpu.memory_space<vmem>>
      %dma_wait3A_545 = arith.constant 0 : i32
      %dma_wait3A_546 = arith.constant 0 : i32
      %dma_wait3A_547 = tpu.memref_slice %arg4[%dma_wait3A_545, %dma_wait3A_546] : memref<100000x128xf32, #tpu.memory_space<hbm>> -> memref<80x128xf32, #tpu.memory_space<hbm>>
      %dma_wait3A_548 = arith.constant 0 : i32
      %dma_wait3A_549 = arith.constant 0 : i32
      %dma_wait3A_550 = tpu.memref_slice %arg9[%dma_wait3A_540, %dma_wait3A_548, %dma_wait3A_549] : memref<6x80x128xf32, #tpu.memory_space<vmem>> -> memref<1x80x128xf32, #tpu.memory_space<vmem>>
      %dma_wait3A_551 = tpu.memref_squeeze %dma_wait3A_550 : memref<1x80x128xf32, #tpu.memory_space<vmem>> -> memref<80x128xf32, #tpu.memory_space<vmem>>
      %dma_wait3A_552 = arith.constant 0 : i32
      %dma_wait3A_553 = arith.constant 0 : i32
      %dma_wait3A_554 = tpu.memref_slice %arg4[%dma_wait3A_552, %dma_wait3A_553] : memref<100000x128xf32, #tpu.memory_space<hbm>> -> memref<80x128xf32, #tpu.memory_space<hbm>>
      tpu.wait_dma2 semaphore(%arg17 : memref<!tpu.dma_semaphore, #tpu.memory_space<semaphore_mem>>) src(%dma_wait3A_554 : memref<80x128xf32, #tpu.memory_space<hbm>>) dst(%dma_wait3A_551 : memref<80x128xf32, #tpu.memory_space<vmem>>)
      %add3A_555 = arith.constant 1520 : i32
      %add3A_556 = arith.addi %mul3A_8, %add3A_555 : i32
      %dma_start3A = arith.constant 1 : i32
      %dma_start3A_557 = arith.constant 0 : i32
      %dma_start3A_558 = arith.constant 0 : i32
      %dma_start3A_559 = tpu.memref_slice %arg8[%dma_start3A, %dma_start3A_557, %dma_start3A_558] : memref<6x80x128xf32, #tpu.memory_space<vmem>> -> memref<1x80x128xf32, #tpu.memory_space<vmem>>
      %dma_start3A_560 = tpu.memref_squeeze %dma_start3A_559 : memref<1x80x128xf32, #tpu.memory_space<vmem>> -> memref<80x128xf32, #tpu.memory_space<vmem>>
      %dma_start3A_561 = arith.constant 0 : i32
      %dma_start3A_562 = arith.constant 0 : i32
      %dma_start3A_563 = tpu.memref_slice %arg5[%cond3A_281, %dma_start3A_561, %dma_start3A_562] : memref<1x50000x128xf32, #tpu.memory_space<hbm>> -> memref<1x50000x128xf32, #tpu.memory_space<hbm>>
      %dma_start3A_564 = tpu.memref_squeeze %dma_start3A_563 : memref<1x50000x128xf32, #tpu.memory_space<hbm>> -> memref<50000x128xf32, #tpu.memory_space<hbm>>
      %dma_start3A_565 = arith.constant 0 : i32
      %dma_start3A_566 = tpu.memref_slice %dma_start3A_564[%add3A_556, %dma_start3A_565] : memref<50000x128xf32, #tpu.memory_space<hbm>> -> memref<80x128xf32, #tpu.memory_space<hbm>>
      %dma_start3A_567 = arith.constant 0 : i32
      %dma_start3A_568 = arith.constant 0 : i32
      %dma_start3A_569 = tpu.memref_slice %arg5[%cond3A_281, %dma_start3A_567, %dma_start3A_568] : memref<1x50000x128xf32, #tpu.memory_space<hbm>> -> memref<1x50000x128xf32, #tpu.memory_space<hbm>>
      %dma_start3A_570 = tpu.memref_squeeze %dma_start3A_569 : memref<1x50000x128xf32, #tpu.memory_space<hbm>> -> memref<50000x128xf32, #tpu.memory_space<hbm>>
      %dma_start3A_571 = arith.constant 0 : i32
      %dma_start3A_572 = tpu.memref_slice %dma_start3A_570[%add3A_556, %dma_start3A_571] : memref<50000x128xf32, #tpu.memory_space<hbm>> -> memref<80x128xf32, #tpu.memory_space<hbm>>
      %dma_start3A_573 = arith.constant 0 : i32
      %dma_start3A_574 = arith.constant 0 : i32
      %dma_start3A_575 = tpu.memref_slice %arg8[%dma_start3A, %dma_start3A_573, %dma_start3A_574] : memref<6x80x128xf32, #tpu.memory_space<vmem>> -> memref<1x80x128xf32, #tpu.memory_space<vmem>>
      %dma_start3A_576 = tpu.memref_squeeze %dma_start3A_575 : memref<1x80x128xf32, #tpu.memory_space<vmem>> -> memref<80x128xf32, #tpu.memory_space<vmem>>
      tpu.enqueue_dma source(%dma_start3A_576 : memref<80x128xf32, #tpu.memory_space<vmem>>) target(%dma_start3A_572 : memref<80x128xf32, #tpu.memory_space<hbm>>) target_semaphore(%arg23 : memref<!tpu.dma_semaphore, #tpu.memory_space<semaphore_mem>>)
      %dma_start3A_577 = arith.constant 1 : i32
      %dma_start3A_578 = arith.constant 0 : i32
      %dma_start3A_579 = arith.constant 0 : i32
      %dma_start3A_580 = tpu.memref_slice %arg9[%dma_start3A_577, %dma_start3A_578, %dma_start3A_579] : memref<6x80x128xf32, #tpu.memory_space<vmem>> -> memref<1x80x128xf32, #tpu.memory_space<vmem>>
      %dma_start3A_581 = tpu.memref_squeeze %dma_start3A_580 : memref<1x80x128xf32, #tpu.memory_space<vmem>> -> memref<80x128xf32, #tpu.memory_space<vmem>>
      %dma_start3A_582 = arith.constant 0 : i32
      %dma_start3A_583 = tpu.memref_slice %arg6[%add3A_556, %dma_start3A_582] : memref<50000x128xf32, #tpu.memory_space<hbm>> -> memref<80x128xf32, #tpu.memory_space<hbm>>
      %dma_start3A_584 = arith.constant 0 : i32
      %dma_start3A_585 = tpu.memref_slice %arg6[%add3A_556, %dma_start3A_584] : memref<50000x128xf32, #tpu.memory_space<hbm>> -> memref<80x128xf32, #tpu.memory_space<hbm>>
      %dma_start3A_586 = arith.constant 0 : i32
      %dma_start3A_587 = arith.constant 0 : i32
      %dma_start3A_588 = tpu.memref_slice %arg9[%dma_start3A_577, %dma_start3A_586, %dma_start3A_587] : memref<6x80x128xf32, #tpu.memory_space<vmem>> -> memref<1x80x128xf32, #tpu.memory_space<vmem>>
      %dma_start3A_589 = tpu.memref_squeeze %dma_start3A_588 : memref<1x80x128xf32, #tpu.memory_space<vmem>> -> memref<80x128xf32, #tpu.memory_space<vmem>>
      tpu.enqueue_dma source(%dma_start3A_589 : memref<80x128xf32, #tpu.memory_space<vmem>>) target(%dma_start3A_585 : memref<80x128xf32, #tpu.memory_space<hbm>>) target_semaphore(%arg29 : memref<!tpu.dma_semaphore, #tpu.memory_space<semaphore_mem>>)
    } else {
    }
    %dma_wait3A = arith.constant 0 : i32
    %dma_wait3A_284 = arith.constant 0 : i32
    %dma_wait3A_285 = arith.constant 0 : i32
    %dma_wait3A_286 = arith.constant 0 : i32
    %dma_wait3A_287 = tpu.memref_slice %arg8[%dma_wait3A, %dma_wait3A_285, %dma_wait3A_286] : memref<6x80x128xf32, #tpu.memory_space<vmem>> -> memref<1x80x128xf32, #tpu.memory_space<vmem>>
    %dma_wait3A_288 = tpu.memref_squeeze %dma_wait3A_287 : memref<1x80x128xf32, #tpu.memory_space<vmem>> -> memref<80x128xf32, #tpu.memory_space<vmem>>
    %dma_wait3A_289 = arith.constant 0 : i32
    %dma_wait3A_290 = arith.constant 0 : i32
    %dma_wait3A_291 = tpu.memref_slice %arg5[%dma_wait3A_284, %dma_wait3A_289, %dma_wait3A_290] : memref<1x50000x128xf32, #tpu.memory_space<hbm>> -> memref<1x50000x128xf32, #tpu.memory_space<hbm>>
    %dma_wait3A_292 = tpu.memref_squeeze %dma_wait3A_291 : memref<1x50000x128xf32, #tpu.memory_space<hbm>> -> memref<50000x128xf32, #tpu.memory_space<hbm>>
    %dma_wait3A_293 = arith.constant 0 : i32
    %dma_wait3A_294 = arith.constant 0 : i32
    %dma_wait3A_295 = tpu.memref_slice %dma_wait3A_292[%dma_wait3A_293, %dma_wait3A_294] : memref<50000x128xf32, #tpu.memory_space<hbm>> -> memref<80x128xf32, #tpu.memory_space<hbm>>
    %dma_wait3A_296 = arith.constant 0 : i32
    %dma_wait3A_297 = arith.constant 0 : i32
    %dma_wait3A_298 = tpu.memref_slice %arg5[%dma_wait3A_284, %dma_wait3A_296, %dma_wait3A_297] : memref<1x50000x128xf32, #tpu.memory_space<hbm>> -> memref<1x50000x128xf32, #tpu.memory_space<hbm>>
    %dma_wait3A_299 = tpu.memref_squeeze %dma_wait3A_298 : memref<1x50000x128xf32, #tpu.memory_space<hbm>> -> memref<50000x128xf32, #tpu.memory_space<hbm>>
    %dma_wait3A_300 = arith.constant 0 : i32
    %dma_wait3A_301 = arith.constant 0 : i32
    %dma_wait3A_302 = tpu.memref_slice %dma_wait3A_299[%dma_wait3A_300, %dma_wait3A_301] : memref<50000x128xf32, #tpu.memory_space<hbm>> -> memref<80x128xf32, #tpu.memory_space<hbm>>
    %dma_wait3A_303 = arith.constant 0 : i32
    %dma_wait3A_304 = arith.constant 0 : i32
    %dma_wait3A_305 = tpu.memref_slice %arg8[%dma_wait3A, %dma_wait3A_303, %dma_wait3A_304] : memref<6x80x128xf32, #tpu.memory_space<vmem>> -> memref<1x80x128xf32, #tpu.memory_space<vmem>>
    %dma_wait3A_306 = tpu.memref_squeeze %dma_wait3A_305 : memref<1x80x128xf32, #tpu.memory_space<vmem>> -> memref<80x128xf32, #tpu.memory_space<vmem>>
    tpu.wait_dma2 semaphore(%arg22 : memref<!tpu.dma_semaphore, #tpu.memory_space<semaphore_mem>>) src(%dma_wait3A_306 : memref<80x128xf32, #tpu.memory_space<vmem>>) dst(%dma_wait3A_302 : memref<80x128xf32, #tpu.memory_space<hbm>>)
    %dma_wait3A_307 = arith.constant 0 : i32
    %dma_wait3A_308 = arith.constant 0 : i32
    %dma_wait3A_309 = arith.constant 0 : i32
    %dma_wait3A_310 = tpu.memref_slice %arg9[%dma_wait3A_307, %dma_wait3A_308, %dma_wait3A_309] : memref<6x80x128xf32, #tpu.memory_space<vmem>> -> memref<1x80x128xf32, #tpu.memory_space<vmem>>
    %dma_wait3A_311 = tpu.memref_squeeze %dma_wait3A_310 : memref<1x80x128xf32, #tpu.memory_space<vmem>> -> memref<80x128xf32, #tpu.memory_space<vmem>>
    %dma_wait3A_312 = arith.constant 0 : i32
    %dma_wait3A_313 = arith.constant 0 : i32
    %dma_wait3A_314 = tpu.memref_slice %arg6[%dma_wait3A_312, %dma_wait3A_313] : memref<50000x128xf32, #tpu.memory_space<hbm>> -> memref<80x128xf32, #tpu.memory_space<hbm>>
    %dma_wait3A_315 = arith.constant 0 : i32
    %dma_wait3A_316 = arith.constant 0 : i32
    %dma_wait3A_317 = tpu.memref_slice %arg6[%dma_wait3A_315, %dma_wait3A_316] : memref<50000x128xf32, #tpu.memory_space<hbm>> -> memref<80x128xf32, #tpu.memory_space<hbm>>
    %dma_wait3A_318 = arith.constant 0 : i32
    %dma_wait3A_319 = arith.constant 0 : i32
    %dma_wait3A_320 = tpu.memref_slice %arg9[%dma_wait3A_307, %dma_wait3A_318, %dma_wait3A_319] : memref<6x80x128xf32, #tpu.memory_space<vmem>> -> memref<1x80x128xf32, #tpu.memory_space<vmem>>
    %dma_wait3A_321 = tpu.memref_squeeze %dma_wait3A_320 : memref<1x80x128xf32, #tpu.memory_space<vmem>> -> memref<80x128xf32, #tpu.memory_space<vmem>>
    tpu.wait_dma2 semaphore(%arg28 : memref<!tpu.dma_semaphore, #tpu.memory_space<semaphore_mem>>) src(%dma_wait3A_321 : memref<80x128xf32, #tpu.memory_space<vmem>>) dst(%dma_wait3A_317 : memref<80x128xf32, #tpu.memory_space<hbm>>)
    %dma_wait3A_322 = arith.constant 1 : i32
    %dma_wait3A_323 = arith.constant 0 : i32
    %dma_wait3A_324 = arith.constant 0 : i32
    %dma_wait3A_325 = arith.constant 0 : i32
    %dma_wait3A_326 = tpu.memref_slice %arg8[%dma_wait3A_322, %dma_wait3A_324, %dma_wait3A_325] : memref<6x80x128xf32, #tpu.memory_space<vmem>> -> memref<1x80x128xf32, #tpu.memory_space<vmem>>
    %dma_wait3A_327 = tpu.memref_squeeze %dma_wait3A_326 : memref<1x80x128xf32, #tpu.memory_space<vmem>> -> memref<80x128xf32, #tpu.memory_space<vmem>>
    %dma_wait3A_328 = arith.constant 0 : i32
    %dma_wait3A_329 = arith.constant 0 : i32
    %dma_wait3A_330 = tpu.memref_slice %arg5[%dma_wait3A_323, %dma_wait3A_328, %dma_wait3A_329] : memref<1x50000x128xf32, #tpu.memory_space<hbm>> -> memref<1x50000x128xf32, #tpu.memory_space<hbm>>
    %dma_wait3A_331 = tpu.memref_squeeze %dma_wait3A_330 : memref<1x50000x128xf32, #tpu.memory_space<hbm>> -> memref<50000x128xf32, #tpu.memory_space<hbm>>
    %dma_wait3A_332 = arith.constant 0 : i32
    %dma_wait3A_333 = arith.constant 0 : i32
    %dma_wait3A_334 = tpu.memref_slice %dma_wait3A_331[%dma_wait3A_332, %dma_wait3A_333] : memref<50000x128xf32, #tpu.memory_space<hbm>> -> memref<80x128xf32, #tpu.memory_space<hbm>>
    %dma_wait3A_335 = arith.constant 0 : i32
    %dma_wait3A_336 = arith.constant 0 : i32
    %dma_wait3A_337 = tpu.memref_slice %arg5[%dma_wait3A_323, %dma_wait3A_335, %dma_wait3A_336] : memref<1x50000x128xf32, #tpu.memory_space<hbm>> -> memref<1x50000x128xf32, #tpu.memory_space<hbm>>
    %dma_wait3A_338 = tpu.memref_squeeze %dma_wait3A_337 : memref<1x50000x128xf32, #tpu.memory_space<hbm>> -> memref<50000x128xf32, #tpu.memory_space<hbm>>
    %dma_wait3A_339 = arith.constant 0 : i32
    %dma_wait3A_340 = arith.constant 0 : i32
    %dma_wait3A_341 = tpu.memref_slice %dma_wait3A_338[%dma_wait3A_339, %dma_wait3A_340] : memref<50000x128xf32, #tpu.memory_space<hbm>> -> memref<80x128xf32, #tpu.memory_space<hbm>>
    %dma_wait3A_342 = arith.constant 0 : i32
    %dma_wait3A_343 = arith.constant 0 : i32
    %dma_wait3A_344 = tpu.memref_slice %arg8[%dma_wait3A_322, %dma_wait3A_342, %dma_wait3A_343] : memref<6x80x128xf32, #tpu.memory_space<vmem>> -> memref<1x80x128xf32, #tpu.memory_space<vmem>>
    %dma_wait3A_345 = tpu.memref_squeeze %dma_wait3A_344 : memref<1x80x128xf32, #tpu.memory_space<vmem>> -> memref<80x128xf32, #tpu.memory_space<vmem>>
    tpu.wait_dma2 semaphore(%arg23 : memref<!tpu.dma_semaphore, #tpu.memory_space<semaphore_mem>>) src(%dma_wait3A_345 : memref<80x128xf32, #tpu.memory_space<vmem>>) dst(%dma_wait3A_341 : memref<80x128xf32, #tpu.memory_space<hbm>>)
    %dma_wait3A_346 = arith.constant 1 : i32
    %dma_wait3A_347 = arith.constant 0 : i32
    %dma_wait3A_348 = arith.constant 0 : i32
    %dma_wait3A_349 = tpu.memref_slice %arg9[%dma_wait3A_346, %dma_wait3A_347, %dma_wait3A_348] : memref<6x80x128xf32, #tpu.memory_space<vmem>> -> memref<1x80x128xf32, #tpu.memory_space<vmem>>
    %dma_wait3A_350 = tpu.memref_squeeze %dma_wait3A_349 : memref<1x80x128xf32, #tpu.memory_space<vmem>> -> memref<80x128xf32, #tpu.memory_space<vmem>>
    %dma_wait3A_351 = arith.constant 0 : i32
    %dma_wait3A_352 = arith.constant 0 : i32
    %dma_wait3A_353 = tpu.memref_slice %arg6[%dma_wait3A_351, %dma_wait3A_352] : memref<50000x128xf32, #tpu.memory_space<hbm>> -> memref<80x128xf32, #tpu.memory_space<hbm>>
    %dma_wait3A_354 = arith.constant 0 : i32
    %dma_wait3A_355 = arith.constant 0 : i32
    %dma_wait3A_356 = tpu.memref_slice %arg6[%dma_wait3A_354, %dma_wait3A_355] : memref<50000x128xf32, #tpu.memory_space<hbm>> -> memref<80x128xf32, #tpu.memory_space<hbm>>
    %dma_wait3A_357 = arith.constant 0 : i32
    %dma_wait3A_358 = arith.constant 0 : i32
    %dma_wait3A_359 = tpu.memref_slice %arg9[%dma_wait3A_346, %dma_wait3A_357, %dma_wait3A_358] : memref<6x80x128xf32, #tpu.memory_space<vmem>> -> memref<1x80x128xf32, #tpu.memory_space<vmem>>
    %dma_wait3A_360 = tpu.memref_squeeze %dma_wait3A_359 : memref<1x80x128xf32, #tpu.memory_space<vmem>> -> memref<80x128xf32, #tpu.memory_space<vmem>>
    tpu.wait_dma2 semaphore(%arg29 : memref<!tpu.dma_semaphore, #tpu.memory_space<semaphore_mem>>) src(%dma_wait3A_360 : memref<80x128xf32, #tpu.memory_space<vmem>>) dst(%dma_wait3A_356 : memref<80x128xf32, #tpu.memory_space<hbm>>)
    %dma_wait3A_361 = arith.constant 2 : i32
    %dma_wait3A_362 = arith.constant 0 : i32
    %dma_wait3A_363 = arith.constant 0 : i32
    %dma_wait3A_364 = arith.constant 0 : i32
    %dma_wait3A_365 = tpu.memref_slice %arg8[%dma_wait3A_361, %dma_wait3A_363, %dma_wait3A_364] : memref<6x80x128xf32, #tpu.memory_space<vmem>> -> memref<1x80x128xf32, #tpu.memory_space<vmem>>
    %dma_wait3A_366 = tpu.memref_squeeze %dma_wait3A_365 : memref<1x80x128xf32, #tpu.memory_space<vmem>> -> memref<80x128xf32, #tpu.memory_space<vmem>>
    %dma_wait3A_367 = arith.constant 0 : i32
    %dma_wait3A_368 = arith.constant 0 : i32
    %dma_wait3A_369 = tpu.memref_slice %arg5[%dma_wait3A_362, %dma_wait3A_367, %dma_wait3A_368] : memref<1x50000x128xf32, #tpu.memory_space<hbm>> -> memref<1x50000x128xf32, #tpu.memory_space<hbm>>
    %dma_wait3A_370 = tpu.memref_squeeze %dma_wait3A_369 : memref<1x50000x128xf32, #tpu.memory_space<hbm>> -> memref<50000x128xf32, #tpu.memory_space<hbm>>
    %dma_wait3A_371 = arith.constant 0 : i32
    %dma_wait3A_372 = arith.constant 0 : i32
    %dma_wait3A_373 = tpu.memref_slice %dma_wait3A_370[%dma_wait3A_371, %dma_wait3A_372] : memref<50000x128xf32, #tpu.memory_space<hbm>> -> memref<80x128xf32, #tpu.memory_space<hbm>>
    %dma_wait3A_374 = arith.constant 0 : i32
    %dma_wait3A_375 = arith.constant 0 : i32
    %dma_wait3A_376 = tpu.memref_slice %arg5[%dma_wait3A_362, %dma_wait3A_374, %dma_wait3A_375] : memref<1x50000x128xf32, #tpu.memory_space<hbm>> -> memref<1x50000x128xf32, #tpu.memory_space<hbm>>
    %dma_wait3A_377 = tpu.memref_squeeze %dma_wait3A_376 : memref<1x50000x128xf32, #tpu.memory_space<hbm>> -> memref<50000x128xf32, #tpu.memory_space<hbm>>
    %dma_wait3A_378 = arith.constant 0 : i32
    %dma_wait3A_379 = arith.constant 0 : i32
    %dma_wait3A_380 = tpu.memref_slice %dma_wait3A_377[%dma_wait3A_378, %dma_wait3A_379] : memref<50000x128xf32, #tpu.memory_space<hbm>> -> memref<80x128xf32, #tpu.memory_space<hbm>>
    %dma_wait3A_381 = arith.constant 0 : i32
    %dma_wait3A_382 = arith.constant 0 : i32
    %dma_wait3A_383 = tpu.memref_slice %arg8[%dma_wait3A_361, %dma_wait3A_381, %dma_wait3A_382] : memref<6x80x128xf32, #tpu.memory_space<vmem>> -> memref<1x80x128xf32, #tpu.memory_space<vmem>>
    %dma_wait3A_384 = tpu.memref_squeeze %dma_wait3A_383 : memref<1x80x128xf32, #tpu.memory_space<vmem>> -> memref<80x128xf32, #tpu.memory_space<vmem>>
    tpu.wait_dma2 semaphore(%arg24 : memref<!tpu.dma_semaphore, #tpu.memory_space<semaphore_mem>>) src(%dma_wait3A_384 : memref<80x128xf32, #tpu.memory_space<vmem>>) dst(%dma_wait3A_380 : memref<80x128xf32, #tpu.memory_space<hbm>>)
    %dma_wait3A_385 = arith.constant 2 : i32
    %dma_wait3A_386 = arith.constant 0 : i32
    %dma_wait3A_387 = arith.constant 0 : i32
    %dma_wait3A_388 = tpu.memref_slice %arg9[%dma_wait3A_385, %dma_wait3A_386, %dma_wait3A_387] : memref<6x80x128xf32, #tpu.memory_space<vmem>> -> memref<1x80x128xf32, #tpu.memory_space<vmem>>
    %dma_wait3A_389 = tpu.memref_squeeze %dma_wait3A_388 : memref<1x80x128xf32, #tpu.memory_space<vmem>> -> memref<80x128xf32, #tpu.memory_space<vmem>>
    %dma_wait3A_390 = arith.constant 0 : i32
    %dma_wait3A_391 = arith.constant 0 : i32
    %dma_wait3A_392 = tpu.memref_slice %arg6[%dma_wait3A_390, %dma_wait3A_391] : memref<50000x128xf32, #tpu.memory_space<hbm>> -> memref<80x128xf32, #tpu.memory_space<hbm>>
    %dma_wait3A_393 = arith.constant 0 : i32
    %dma_wait3A_394 = arith.constant 0 : i32
    %dma_wait3A_395 = tpu.memref_slice %arg6[%dma_wait3A_393, %dma_wait3A_394] : memref<50000x128xf32, #tpu.memory_space<hbm>> -> memref<80x128xf32, #tpu.memory_space<hbm>>
    %dma_wait3A_396 = arith.constant 0 : i32
    %dma_wait3A_397 = arith.constant 0 : i32
    %dma_wait3A_398 = tpu.memref_slice %arg9[%dma_wait3A_385, %dma_wait3A_396, %dma_wait3A_397] : memref<6x80x128xf32, #tpu.memory_space<vmem>> -> memref<1x80x128xf32, #tpu.memory_space<vmem>>
    %dma_wait3A_399 = tpu.memref_squeeze %dma_wait3A_398 : memref<1x80x128xf32, #tpu.memory_space<vmem>> -> memref<80x128xf32, #tpu.memory_space<vmem>>
    tpu.wait_dma2 semaphore(%arg30 : memref<!tpu.dma_semaphore, #tpu.memory_space<semaphore_mem>>) src(%dma_wait3A_399 : memref<80x128xf32, #tpu.memory_space<vmem>>) dst(%dma_wait3A_395 : memref<80x128xf32, #tpu.memory_space<hbm>>)
    %dma_wait3A_400 = arith.constant 3 : i32
    %dma_wait3A_401 = arith.constant 0 : i32
    %dma_wait3A_402 = arith.constant 0 : i32
    %dma_wait3A_403 = arith.constant 0 : i32
    %dma_wait3A_404 = tpu.memref_slice %arg8[%dma_wait3A_400, %dma_wait3A_402, %dma_wait3A_403] : memref<6x80x128xf32, #tpu.memory_space<vmem>> -> memref<1x80x128xf32, #tpu.memory_space<vmem>>
    %dma_wait3A_405 = tpu.memref_squeeze %dma_wait3A_404 : memref<1x80x128xf32, #tpu.memory_space<vmem>> -> memref<80x128xf32, #tpu.memory_space<vmem>>
    %dma_wait3A_406 = arith.constant 0 : i32
    %dma_wait3A_407 = arith.constant 0 : i32
    %dma_wait3A_408 = tpu.memref_slice %arg5[%dma_wait3A_401, %dma_wait3A_406, %dma_wait3A_407] : memref<1x50000x128xf32, #tpu.memory_space<hbm>> -> memref<1x50000x128xf32, #tpu.memory_space<hbm>>
    %dma_wait3A_409 = tpu.memref_squeeze %dma_wait3A_408 : memref<1x50000x128xf32, #tpu.memory_space<hbm>> -> memref<50000x128xf32, #tpu.memory_space<hbm>>
    %dma_wait3A_410 = arith.constant 0 : i32
    %dma_wait3A_411 = arith.constant 0 : i32
    %dma_wait3A_412 = tpu.memref_slice %dma_wait3A_409[%dma_wait3A_410, %dma_wait3A_411] : memref<50000x128xf32, #tpu.memory_space<hbm>> -> memref<80x128xf32, #tpu.memory_space<hbm>>
    %dma_wait3A_413 = arith.constant 0 : i32
    %dma_wait3A_414 = arith.constant 0 : i32
    %dma_wait3A_415 = tpu.memref_slice %arg5[%dma_wait3A_401, %dma_wait3A_413, %dma_wait3A_414] : memref<1x50000x128xf32, #tpu.memory_space<hbm>> -> memref<1x50000x128xf32, #tpu.memory_space<hbm>>
    %dma_wait3A_416 = tpu.memref_squeeze %dma_wait3A_415 : memref<1x50000x128xf32, #tpu.memory_space<hbm>> -> memref<50000x128xf32, #tpu.memory_space<hbm>>
    %dma_wait3A_417 = arith.constant 0 : i32
    %dma_wait3A_418 = arith.constant 0 : i32
    %dma_wait3A_419 = tpu.memref_slice %dma_wait3A_416[%dma_wait3A_417, %dma_wait3A_418] : memref<50000x128xf32, #tpu.memory_space<hbm>> -> memref<80x128xf32, #tpu.memory_space<hbm>>
    %dma_wait3A_420 = arith.constant 0 : i32
    %dma_wait3A_421 = arith.constant 0 : i32
    %dma_wait3A_422 = tpu.memref_slice %arg8[%dma_wait3A_400, %dma_wait3A_420, %dma_wait3A_421] : memref<6x80x128xf32, #tpu.memory_space<vmem>> -> memref<1x80x128xf32, #tpu.memory_space<vmem>>
    %dma_wait3A_423 = tpu.memref_squeeze %dma_wait3A_422 : memref<1x80x128xf32, #tpu.memory_space<vmem>> -> memref<80x128xf32, #tpu.memory_space<vmem>>
    tpu.wait_dma2 semaphore(%arg25 : memref<!tpu.dma_semaphore, #tpu.memory_space<semaphore_mem>>) src(%dma_wait3A_423 : memref<80x128xf32, #tpu.memory_space<vmem>>) dst(%dma_wait3A_419 : memref<80x128xf32, #tpu.memory_space<hbm>>)
    %dma_wait3A_424 = arith.constant 3 : i32
    %dma_wait3A_425 = arith.constant 0 : i32
    %dma_wait3A_426 = arith.constant 0 : i32
    %dma_wait3A_427 = tpu.memref_slice %arg9[%dma_wait3A_424, %dma_wait3A_425, %dma_wait3A_426] : memref<6x80x128xf32, #tpu.memory_space<vmem>> -> memref<1x80x128xf32, #tpu.memory_space<vmem>>
    %dma_wait3A_428 = tpu.memref_squeeze %dma_wait3A_427 : memref<1x80x128xf32, #tpu.memory_space<vmem>> -> memref<80x128xf32, #tpu.memory_space<vmem>>
    %dma_wait3A_429 = arith.constant 0 : i32
    %dma_wait3A_430 = arith.constant 0 : i32
    %dma_wait3A_431 = tpu.memref_slice %arg6[%dma_wait3A_429, %dma_wait3A_430] : memref<50000x128xf32, #tpu.memory_space<hbm>> -> memref<80x128xf32, #tpu.memory_space<hbm>>
    %dma_wait3A_432 = arith.constant 0 : i32
    %dma_wait3A_433 = arith.constant 0 : i32
    %dma_wait3A_434 = tpu.memref_slice %arg6[%dma_wait3A_432, %dma_wait3A_433] : memref<50000x128xf32, #tpu.memory_space<hbm>> -> memref<80x128xf32, #tpu.memory_space<hbm>>
    %dma_wait3A_435 = arith.constant 0 : i32
    %dma_wait3A_436 = arith.constant 0 : i32
    %dma_wait3A_437 = tpu.memref_slice %arg9[%dma_wait3A_424, %dma_wait3A_435, %dma_wait3A_436] : memref<6x80x128xf32, #tpu.memory_space<vmem>> -> memref<1x80x128xf32, #tpu.memory_space<vmem>>
    %dma_wait3A_438 = tpu.memref_squeeze %dma_wait3A_437 : memref<1x80x128xf32, #tpu.memory_space<vmem>> -> memref<80x128xf32, #tpu.memory_space<vmem>>
    tpu.wait_dma2 semaphore(%arg31 : memref<!tpu.dma_semaphore, #tpu.memory_space<semaphore_mem>>) src(%dma_wait3A_438 : memref<80x128xf32, #tpu.memory_space<vmem>>) dst(%dma_wait3A_434 : memref<80x128xf32, #tpu.memory_space<hbm>>)
    %dma_wait3A_439 = arith.constant 4 : i32
    %dma_wait3A_440 = arith.constant 0 : i32
    %dma_wait3A_441 = arith.constant 0 : i32
    %dma_wait3A_442 = arith.constant 0 : i32
    %dma_wait3A_443 = tpu.memref_slice %arg8[%dma_wait3A_439, %dma_wait3A_441, %dma_wait3A_442] : memref<6x80x128xf32, #tpu.memory_space<vmem>> -> memref<1x80x128xf32, #tpu.memory_space<vmem>>
    %dma_wait3A_444 = tpu.memref_squeeze %dma_wait3A_443 : memref<1x80x128xf32, #tpu.memory_space<vmem>> -> memref<80x128xf32, #tpu.memory_space<vmem>>
    %dma_wait3A_445 = arith.constant 0 : i32
    %dma_wait3A_446 = arith.constant 0 : i32
    %dma_wait3A_447 = tpu.memref_slice %arg5[%dma_wait3A_440, %dma_wait3A_445, %dma_wait3A_446] : memref<1x50000x128xf32, #tpu.memory_space<hbm>> -> memref<1x50000x128xf32, #tpu.memory_space<hbm>>
    %dma_wait3A_448 = tpu.memref_squeeze %dma_wait3A_447 : memref<1x50000x128xf32, #tpu.memory_space<hbm>> -> memref<50000x128xf32, #tpu.memory_space<hbm>>
    %dma_wait3A_449 = arith.constant 0 : i32
    %dma_wait3A_450 = arith.constant 0 : i32
    %dma_wait3A_451 = tpu.memref_slice %dma_wait3A_448[%dma_wait3A_449, %dma_wait3A_450] : memref<50000x128xf32, #tpu.memory_space<hbm>> -> memref<80x128xf32, #tpu.memory_space<hbm>>
    %dma_wait3A_452 = arith.constant 0 : i32
    %dma_wait3A_453 = arith.constant 0 : i32
    %dma_wait3A_454 = tpu.memref_slice %arg5[%dma_wait3A_440, %dma_wait3A_452, %dma_wait3A_453] : memref<1x50000x128xf32, #tpu.memory_space<hbm>> -> memref<1x50000x128xf32, #tpu.memory_space<hbm>>
    %dma_wait3A_455 = tpu.memref_squeeze %dma_wait3A_454 : memref<1x50000x128xf32, #tpu.memory_space<hbm>> -> memref<50000x128xf32, #tpu.memory_space<hbm>>
    %dma_wait3A_456 = arith.constant 0 : i32
    %dma_wait3A_457 = arith.constant 0 : i32
    %dma_wait3A_458 = tpu.memref_slice %dma_wait3A_455[%dma_wait3A_456, %dma_wait3A_457] : memref<50000x128xf32, #tpu.memory_space<hbm>> -> memref<80x128xf32, #tpu.memory_space<hbm>>
    %dma_wait3A_459 = arith.constant 0 : i32
    %dma_wait3A_460 = arith.constant 0 : i32
    %dma_wait3A_461 = tpu.memref_slice %arg8[%dma_wait3A_439, %dma_wait3A_459, %dma_wait3A_460] : memref<6x80x128xf32, #tpu.memory_space<vmem>> -> memref<1x80x128xf32, #tpu.memory_space<vmem>>
    %dma_wait3A_462 = tpu.memref_squeeze %dma_wait3A_461 : memref<1x80x128xf32, #tpu.memory_space<vmem>> -> memref<80x128xf32, #tpu.memory_space<vmem>>
    tpu.wait_dma2 semaphore(%arg26 : memref<!tpu.dma_semaphore, #tpu.memory_space<semaphore_mem>>) src(%dma_wait3A_462 : memref<80x128xf32, #tpu.memory_space<vmem>>) dst(%dma_wait3A_458 : memref<80x128xf32, #tpu.memory_space<hbm>>)
    %dma_wait3A_463 = arith.constant 4 : i32
    %dma_wait3A_464 = arith.constant 0 : i32
    %dma_wait3A_465 = arith.constant 0 : i32
    %dma_wait3A_466 = tpu.memref_slice %arg9[%dma_wait3A_463, %dma_wait3A_464, %dma_wait3A_465] : memref<6x80x128xf32, #tpu.memory_space<vmem>> -> memref<1x80x128xf32, #tpu.memory_space<vmem>>
    %dma_wait3A_467 = tpu.memref_squeeze %dma_wait3A_466 : memref<1x80x128xf32, #tpu.memory_space<vmem>> -> memref<80x128xf32, #tpu.memory_space<vmem>>
    %dma_wait3A_468 = arith.constant 0 : i32
    %dma_wait3A_469 = arith.constant 0 : i32
    %dma_wait3A_470 = tpu.memref_slice %arg6[%dma_wait3A_468, %dma_wait3A_469] : memref<50000x128xf32, #tpu.memory_space<hbm>> -> memref<80x128xf32, #tpu.memory_space<hbm>>
    %dma_wait3A_471 = arith.constant 0 : i32
    %dma_wait3A_472 = arith.constant 0 : i32
    %dma_wait3A_473 = tpu.memref_slice %arg6[%dma_wait3A_471, %dma_wait3A_472] : memref<50000x128xf32, #tpu.memory_space<hbm>> -> memref<80x128xf32, #tpu.memory_space<hbm>>
    %dma_wait3A_474 = arith.constant 0 : i32
    %dma_wait3A_475 = arith.constant 0 : i32
    %dma_wait3A_476 = tpu.memref_slice %arg9[%dma_wait3A_463, %dma_wait3A_474, %dma_wait3A_475] : memref<6x80x128xf32, #tpu.memory_space<vmem>> -> memref<1x80x128xf32, #tpu.memory_space<vmem>>
    %dma_wait3A_477 = tpu.memref_squeeze %dma_wait3A_476 : memref<1x80x128xf32, #tpu.memory_space<vmem>> -> memref<80x128xf32, #tpu.memory_space<vmem>>
    tpu.wait_dma2 semaphore(%arg32 : memref<!tpu.dma_semaphore, #tpu.memory_space<semaphore_mem>>) src(%dma_wait3A_477 : memref<80x128xf32, #tpu.memory_space<vmem>>) dst(%dma_wait3A_473 : memref<80x128xf32, #tpu.memory_space<hbm>>)
    %dma_wait3A_478 = arith.constant 5 : i32
    %dma_wait3A_479 = arith.constant 0 : i32
    %dma_wait3A_480 = arith.constant 0 : i32
    %dma_wait3A_481 = arith.constant 0 : i32
    %dma_wait3A_482 = tpu.memref_slice %arg8[%dma_wait3A_478, %dma_wait3A_480, %dma_wait3A_481] : memref<6x80x128xf32, #tpu.memory_space<vmem>> -> memref<1x80x128xf32, #tpu.memory_space<vmem>>
    %dma_wait3A_483 = tpu.memref_squeeze %dma_wait3A_482 : memref<1x80x128xf32, #tpu.memory_space<vmem>> -> memref<80x128xf32, #tpu.memory_space<vmem>>
    %dma_wait3A_484 = arith.constant 0 : i32
    %dma_wait3A_485 = arith.constant 0 : i32
    %dma_wait3A_486 = tpu.memref_slice %arg5[%dma_wait3A_479, %dma_wait3A_484, %dma_wait3A_485] : memref<1x50000x128xf32, #tpu.memory_space<hbm>> -> memref<1x50000x128xf32, #tpu.memory_space<hbm>>
    %dma_wait3A_487 = tpu.memref_squeeze %dma_wait3A_486 : memref<1x50000x128xf32, #tpu.memory_space<hbm>> -> memref<50000x128xf32, #tpu.memory_space<hbm>>
    %dma_wait3A_488 = arith.constant 0 : i32
    %dma_wait3A_489 = arith.constant 0 : i32
    %dma_wait3A_490 = tpu.memref_slice %dma_wait3A_487[%dma_wait3A_488, %dma_wait3A_489] : memref<50000x128xf32, #tpu.memory_space<hbm>> -> memref<80x128xf32, #tpu.memory_space<hbm>>
    %dma_wait3A_491 = arith.constant 0 : i32
    %dma_wait3A_492 = arith.constant 0 : i32
    %dma_wait3A_493 = tpu.memref_slice %arg5[%dma_wait3A_479, %dma_wait3A_491, %dma_wait3A_492] : memref<1x50000x128xf32, #tpu.memory_space<hbm>> -> memref<1x50000x128xf32, #tpu.memory_space<hbm>>
    %dma_wait3A_494 = tpu.memref_squeeze %dma_wait3A_493 : memref<1x50000x128xf32, #tpu.memory_space<hbm>> -> memref<50000x128xf32, #tpu.memory_space<hbm>>
    %dma_wait3A_495 = arith.constant 0 : i32
    %dma_wait3A_496 = arith.constant 0 : i32
    %dma_wait3A_497 = tpu.memref_slice %dma_wait3A_494[%dma_wait3A_495, %dma_wait3A_496] : memref<50000x128xf32, #tpu.memory_space<hbm>> -> memref<80x128xf32, #tpu.memory_space<hbm>>
    %dma_wait3A_498 = arith.constant 0 : i32
    %dma_wait3A_499 = arith.constant 0 : i32
    %dma_wait3A_500 = tpu.memref_slice %arg8[%dma_wait3A_478, %dma_wait3A_498, %dma_wait3A_499] : memref<6x80x128xf32, #tpu.memory_space<vmem>> -> memref<1x80x128xf32, #tpu.memory_space<vmem>>
    %dma_wait3A_501 = tpu.memref_squeeze %dma_wait3A_500 : memref<1x80x128xf32, #tpu.memory_space<vmem>> -> memref<80x128xf32, #tpu.memory_space<vmem>>
    tpu.wait_dma2 semaphore(%arg27 : memref<!tpu.dma_semaphore, #tpu.memory_space<semaphore_mem>>) src(%dma_wait3A_501 : memref<80x128xf32, #tpu.memory_space<vmem>>) dst(%dma_wait3A_497 : memref<80x128xf32, #tpu.memory_space<hbm>>)
    %dma_wait3A_502 = arith.constant 5 : i32
    %dma_wait3A_503 = arith.constant 0 : i32
    %dma_wait3A_504 = arith.constant 0 : i32
    %dma_wait3A_505 = tpu.memref_slice %arg9[%dma_wait3A_502, %dma_wait3A_503, %dma_wait3A_504] : memref<6x80x128xf32, #tpu.memory_space<vmem>> -> memref<1x80x128xf32, #tpu.memory_space<vmem>>
    %dma_wait3A_506 = tpu.memref_squeeze %dma_wait3A_505 : memref<1x80x128xf32, #tpu.memory_space<vmem>> -> memref<80x128xf32, #tpu.memory_space<vmem>>
    %dma_wait3A_507 = arith.constant 0 : i32
    %dma_wait3A_508 = arith.constant 0 : i32
    %dma_wait3A_509 = tpu.memref_slice %arg6[%dma_wait3A_507, %dma_wait3A_508] : memref<50000x128xf32, #tpu.memory_space<hbm>> -> memref<80x128xf32, #tpu.memory_space<hbm>>
    %dma_wait3A_510 = arith.constant 0 : i32
    %dma_wait3A_511 = arith.constant 0 : i32
    %dma_wait3A_512 = tpu.memref_slice %arg6[%dma_wait3A_510, %dma_wait3A_511] : memref<50000x128xf32, #tpu.memory_space<hbm>> -> memref<80x128xf32, #tpu.memory_space<hbm>>
    %dma_wait3A_513 = arith.constant 0 : i32
    %dma_wait3A_514 = arith.constant 0 : i32
    %dma_wait3A_515 = tpu.memref_slice %arg9[%dma_wait3A_502, %dma_wait3A_513, %dma_wait3A_514] : memref<6x80x128xf32, #tpu.memory_space<vmem>> -> memref<1x80x128xf32, #tpu.memory_space<vmem>>
    %dma_wait3A_516 = tpu.memref_squeeze %dma_wait3A_515 : memref<1x80x128xf32, #tpu.memory_space<vmem>> -> memref<80x128xf32, #tpu.memory_space<vmem>>
    tpu.wait_dma2 semaphore(%arg33 : memref<!tpu.dma_semaphore, #tpu.memory_space<semaphore_mem>>) src(%dma_wait3A_516 : memref<80x128xf32, #tpu.memory_space<vmem>>) dst(%dma_wait3A_512 : memref<80x128xf32, #tpu.memory_space<hbm>>)
    return
  }
}

</mosaic_0001>

<sc_bundles>
// kernel: kernel.3.cloned.1.call-start
scs
__scs_entry_jumppad:
0x0: {  	(pc) =	sbr.rel $0x88, $3  }
0x1: {  	(tag) =	ssettag $0x0;
	lr =	simm.s32 $0x1  }
0x2: {  	[smem:$0x3F9D] =	sst lr;
	_ =	strace $0xD0000000  }
0x3: {  	_ = 	snop  }
0x4: {  	_ = 	snop  }
0x5: {  	_ = 	snop  }
0x6: {  	_ = 	snop  }
0x7: {  	_ = 	snop  }
__scs_overlays_trampoline_lowered:
0x8: {  	[smem:$0x3FAC] =	sst s0  }
0x9: {  	[smem:$0x3FAD] =	sst s1  }
0xa: {  	[smem:$0x3FAE] =	sst s2  }
0xb: {  	[smem:$0x3FAF] =	sst s3  }
0xc: {  	[smem:$0x3FB0] =	sst s4  }
0xd: {  	[smem:$0x3FB1] =	sst s5  }
0xe: {  	[smem:$0x3FB2] =	sst s6  }
0xf: {  	[smem:$0x3FB3] =	sst s7  }
0x10: {  	[smem:$0x3FB4] =	sst s8  }
0x11: {  	[smem:$0x3FB5] =	sst s9;
	s0 =	simm.s32 @!p0 $0x0  }
0x12: {  	s1 =	sld [smem:$0x3F9B];
	s0 =	simm.s32 @p0 $0x1  }
0x13: {  	[smem:$0x3FB6] =	sst s0;
	s0 =	simm.s32 @!p1 $0x0  }
0x14: {  	s2 =	sld [smem:$0x3F9A];
	s0 =	simm.s32 @p1 $0x1  }
0x15: {  	[smem:$0x3FB7] =	sst s0;
	s0 =	simm.s32 @!p2 $0x0  }
0x16: {  	s3 =	sld [smem:$0x3FDB];
	s0 =	simm.s32 @p2 $0x1  }
0x17: {  	s4 =	simm.s32 $0x1BF5;
	[smem:$0x3FB9] =	sst s0  }
0x18: {  	s0 =	sld [smem:$0x3F9C];
	_ =	swait.ge [sflag:s4], $0x0  }
0x19: {  	s7 =	sld [smem:$0x3F9D]  }
0x1a: {  	s8 =	sadd.s32 $0xFFFFE003, lr  }
0x1b: {  	s9 =	sadd.s32 $0xFFFFFEF7, lr;
	s5 =	simm.s32 $0xFFFFFFFF;
	p2 =	slt.u32 s8, $0xFFFFF086  }
0x1c: {  	p1 =	slt.u32 s9, $0xF7A;
	s5 =	simm.s32 @!p2 $0x0  }
0x1d: {  	s5 =	simm.s32 @p1 $0x1;
	p0 =	seq.s32 s7, s2  }
0x1e: {  	s7 =	smul.u32 @!p0 $0xF7A, s2;
	p2 =	seq.s32 @!p0 s5, $0x0  }
0x1f: {  	s9 =	smul.u32 $0xF7A, s1;
	s8 =	simm.s32 @!p0 $0x1BF5;
	p2 =	por !p2, p0  }
0x20: {  	[sflag:s8] =	ssyncset.s32 @!p0 $0xFFFFF086;
	s6 =	sadd.s32 @!p0 s3, s7;
	s7 =	simm.s32 @!p0 $0x108  }
0x21: {  	s3 =	sadd.s32 s3, s9;
	s6 =	sadd.s32 @!p0 $0x88, s6;
	s7 =	simm.s32 @p2 $0x1082  }
0x22: {  	[simem:s7], [sflag:s8] =	dma.local @!p0 [hbm:s6], $0xF7A  }
0x23: {  	s9 =	sor.u32 $0xD0000000, s2;
	s6 =	simm.s32 $0x108;
	_ =	swait.ge @!p0 [sflag:s8], $0x0  }
0x24: {  	s3 =	sadd.s32 $0x88, s3;
	s6 =	simm.s32 @!p1 $0x1082;
	[sflag:s4] =	ssyncset.s32 $0xFFFFF086  }
0x25: {  	[simem:s6], [sflag:s4] =	dma.local [hbm:s3], $0xF7A  }
0x26: {  	[smem:$0x3F9D] =	sst s1;
	(tag) =	ssettag s2;
	_ =	strace s9  }
0x27: {  	s1 =	sld [smem:$0x3FAD]  }
0x28: {  	s2 =	sld [smem:$0x3FAE]  }
0x29: {  	s4 =	sld [smem:$0x3FB0]  }
0x2a: {  	p0 =	seq.s32 s5, $0x0;
	s5 =	sld [smem:$0x3FB1]  }
0x2b: {  	s6 =	sld [smem:$0x3FB2]  }
0x2c: {  	s7 =	sld [smem:$0x3FB3]  }
0x2d: {  	s3 =	simm.s32 $0x108;
	s8 =	sld [smem:$0x3FB4]  }
0x2e: {  	s3 =	simm.s32 @!p0 $0x1082;
	s9 =	sld [smem:$0x3FB5]  }
0x2f: {  	lr =	sadd.s32 s0, s3;
	s0 =	sld [smem:$0x3FAC]  }
0x30: {  	s3 =	sld [smem:$0x3FAF]  }
0x31: {  	[smem:$0x3FB8] =	sst s10  }
0x32: {  	s10 =	sld [smem:$0x3FB6];
	_ =	sdelay $0x3  }
0x33: {  	p0 =	seq.s32 s10, $0x1;
	s10 =	sld [smem:$0x3FB8];
	_ =	sdelay $0x3  }
0x34: {  	[smem:$0x3FB8] =	sst s10  }
0x35: {  	s10 =	sld [smem:$0x3FB7];
	_ =	sdelay $0x3  }
0x36: {  	p1 =	seq.s32 s10, $0x1;
	s10 =	sld [smem:$0x3FB8];
	_ =	sdelay $0x3  }
0x37: {  	[smem:$0x3FB8] =	sst s10  }
0x38: {  	s10 =	sld [smem:$0x3FB9]  }
0x39: {  	_ = 	snop;
	(pc) =	sbr.ind lr, $3  }
0x3a: {  	_ = 	snop  }
0x3b: {  	_ = 	snop  }
0x3c: {  	p2 =	seq.s32 s10, $0x1;
	s10 =	sld [smem:$0x3FB8]  }
0x3d: {  	_ =	shalt  }
0x3e: {  	_ =	shalt  }
0x3f: {  	_ =	shalt  }
0x40: {  	_ =	shalt  }
0x41: {  	_ =	shalt  }
0x42: {  	_ =	shalt  }
0x43: {  	_ =	shalt  }
0x44: {  	_ =	shalt  }
0x45: {  	_ =	shalt  }
0x46: {  	_ =	shalt  }
0x47: {  	_ =	shalt  }
0x48: {  	_ =	shalt  }
0x49: {  	_ =	shalt  }
0x4a: {  	_ =	shalt  }
0x4b: {  	_ =	shalt  }
0x4c: {  	_ =	shalt  }
0x4d: {  	_ =	shalt  }
0x4e: {  	_ =	shalt  }
0x4f: {  	_ =	shalt  }
0x50: {  	_ =	shalt  }
0x51: {  	_ =	shalt  }
0x52: {  	_ =	shalt  }
0x53: {  	_ =	shalt  }
0x54: {  	_ =	shalt  }
0x55: {  	_ =	shalt  }
0x56: {  	_ =	shalt  }
0x57: {  	_ =	shalt  }
0x58: {  	_ =	shalt  }
0x59: {  	_ =	shalt  }
0x5a: {  	_ =	shalt  }
0x5b: {  	_ =	shalt  }
0x5c: {  	_ =	shalt  }
0x5d: {  	_ =	shalt  }
0x5e: {  	_ =	shalt  }
0x5f: {  	_ =	shalt  }
0x60: {  	_ =	shalt  }
0x61: {  	_ =	shalt  }
0x62: {  	_ =	shalt  }
0x63: {  	_ =	shalt  }
0x64: {  	_ =	shalt  }
0x65: {  	_ =	shalt  }
0x66: {  	_ =	shalt  }
0x67: {  	_ =	shalt  }
0x68: {  	_ =	shalt  }
0x69: {  	_ =	shalt  }
0x6a: {  	_ =	shalt  }
0x6b: {  	_ =	shalt  }
0x6c: {  	_ =	shalt  }
0x6d: {  	_ =	shalt  }
0x6e: {  	_ =	shalt  }
0x6f: {  	_ =	shalt  }
0x70: {  	_ =	shalt  }
0x71: {  	_ =	shalt  }
0x72: {  	_ =	shalt  }
0x73: {  	_ =	shalt  }
0x74: {  	_ =	shalt  }
0x75: {  	_ =	shalt  }
0x76: {  	_ =	shalt  }
0x77: {  	_ =	shalt  }
0x78: {  	_ =	shalt  }
0x79: {  	_ =	shalt  }
0x7a: {  	_ =	shalt  }
0x7b: {  	_ =	shalt  }
0x7c: {  	_ =	shalt  }
0x7d: {  	_ =	shalt  }
0x7e: {  	_ =	shalt  }
0x7f: {  	_ =	shalt  }
0x80: {  	_ =	shalt  }
0x81: {  	_ =	shalt  }
0x82: {  	_ =	shalt  }
0x83: {  	_ =	shalt  }
0x84: {  	_ =	shalt  }
0x85: {  	_ =	shalt  }
0x86: {  	_ =	shalt  }
0x87: {  	_ =	shalt  }
.Lfunc_end0:
.L_simem_size_0:
called_computation_lowered:
.L_overlay_start_0:
0x88: {  	s2 =	sld [smem:$0x3FD9]  }
0x89: {  	s3 =	sld [smem:$0x3FFE];
	_ =	sdelay $0x1  }
0x8a: {  	s1 =	srdreg.scid  }
0x8b: {  	s0 =	sand.u32 $0x1, s1  }
0x8c: {  	s14 =	sshll.u32 s0, $0xA;
	s2 =	sadd.s32 s3, s2  }
0x8d: {  	s2 =	sadd.s32 s2, s14  }
0x8e: {  	[smem:$0x3FC4] =	sst s2  }
0x8f: {  	_ = 	snop  }
0x90: {  	s2 =	sld [smem:$0x3FD0];
	_ =	sdelay $0x2  }
0x91: {  	s4 =	simm.s32 $0xA;
	s5 =	simm.s32 $0x10;
	s15 =	sld [smem:$0x3FC8]  }
0x92: {  	[smem:s5], [sflag:s4] =	dma.local [hbm:s2], $0x1  }
0x93: {  	_ =	swait.eq [sflag:s4], $0x1  }
0x94: {  	[sflag:s4] =	ssyncset.done $0x0  }
0x95: {  	s16 =	sld [smem:$0x10];
	[sflag:s4] =	ssyncadd.s32 $0xFFFFFFFF  }
0x96: {  	s17 =	sld [smem:$0x11];
	(tm) =	ssettm $0x1  }
0x97: {  	s18 =	sld [smem:$0x3FFB];
	_ =	sdelay $0x3  }
0x98: {  	_ =	strace s18  }
0x99: {  	s5 =	sld [smem:$0x3FFC];
	_ =	sdelay $0x3  }
0x9a: {  	_ =	strace s5  }
0x9b: {  	s5 =	sld [smem:$0x3FFD];
	_ =	sdelay $0x3  }
0x9c: {  	_ =	strace s5  }
0x9d: {  	_ =	strace $0x8FFFFFFF  }
0x9e: {  	s19 =	sld [smem:$0x3FDB];
	_ =	sdelay $0x1  }
0x9f: {  	s6 =	simm.s32 $_scs_section_size  }
0xa0: {  	s7 =	simm.s32 $_size__tile_overlayer_lowered;
	s8 =	simm.s32 $_tile_overlayer_lowered  }
0xa1: {  	s22 =	simm.s32 $0x1BFF;
	s21 =	sshll.u32 s8, $0x1;
	s5 =	sadd.s32 s6, s19  }
0xa2: {  	s9 =	simm.s32 $0x0;
	s20 =	sshll.u32 s7, $0x1;
	s7 =	sadd.s32 s21, s5  }
0xa3: {  	[timem:s9], [sflag:s22] =	dma.local [hbm:s7], s20  }
0xa4: {  	_ =	swait.ge [sflag:s22], s20  }
0xa5: {  	s6 =	ssub.s32 $0x0, s20;
	[sflag:s22] =	ssyncset.done $0x0  }
0xa6: {  	[sflag:s22] =	ssyncadd.s32 s6;
	_ =	sdelay $0x1  }
0xa7: {  	s23 =	simm.s32 $0x1B8B  }
0xa8: {  	_ =	swait.ge [sflag:s23], $0x1  }
0xa9: {  	[sflag:s23] =	ssyncset.done $0x0  }
0xaa: {  	s25 =	simm.s32 $0x1B8E;
	s24 =	sld [smem:$0x3FFE];
	[sflag:s23] =	ssyncadd.s32 $0xFFFFFFFF  }
0xab: {  	s26 =	simm.s32 $execute0_lowered;
	[smem:$0x3FD2] =	sst s25  }
0xac: {  	s7 =	sshll.u32 s26, $0x1;
	_ =	strace $0x80000046;
	[dreg:$0x1] =	wrdreg $0xFFFFFFFF  }
0xad: {  	s28 =	simm.s32 $_size_execute0_lowered;
	s5 =	sadd.s32 s5, s7;
	[dreg:$0x0] =	wrdreg $0x0  }
0xae: {  	s7 =	sshll.u32 s28, $0x1;
	[dreg:$0x2] =	wrdreg s5  }
0xaf: {  	[dreg:$0x3] =	wrdreg s7  }
0xb0: {  	[dreg:$0x4] =	wrdreg $0xC0  }
0xb1: {  	_ =	task [dreg:s9], $0x5FFFF  }
0xb2: {  	[dreg:$0x1] =	wrdreg $0xFFFFFFFF  }
0xb3: {  	[dreg:$0x0] =	wrdreg $0x60  }
0xb4: {  	[dreg:$0x2] =	wrdreg s17  }
0xb5: {  	[dreg:$0x3] =	wrdreg s15  }
0xb6: {  	[dreg:$0x4] =	wrdreg s24  }
0xb7: {  	[dreg:$0x5] =	wrdreg s16  }
0xb8: {  	[dreg:$0x6] =	wrdreg $0x9  }
0xb9: {  	_ =	task.clear_ibuf [dreg:s9], $0x7FFFF;
	_ =	strace $0x90000046  }
0xba: {  	s29 =	simm.s32 $0x9;
	_ =	strace $0x80000048  }
0xbb: {  	_ =	swait.ge [sflag:s29], $0x1  }
0xbc: {  	[sflag:s29] =	ssyncadd.s32 $0xFFFFFFFF  }
0xbd: {  	_ =	strace $0x90000048  }
0xbe: {  	_ =	sfence  }
0xbf: {  	s30 =	sld [smem:$0x0];
	_ =	sdelay $0x2  }
0xc0: {  	s31 =	sshll.u32 s1, $0xD;
	s1 =	sshrl.u32 s1, $0x2  }
0xc1: {  	s3 =	sand.u32 $0x4000, s31;
	s1 =	sadd.s32 s1, s30  }
0xc2: {  	s0 =	sor.u32 s3, s0;
	s1 =	sshll.u32 s1, $0x11  }
0xc3: {  	s0 =	sor.u32 s1, s0  }
0xc4: {  	s0 =	sadd.s32 $0x8F2B, s0  }
0xc5: {  	[sflag:s0] =	ssyncadd.remote.s32 $0x1  }
0xc6: {  	_ =	sfence.sel $0xFFFF  }
0xc7: {  	[dreg:$0x0] =	wrdreg $0xFFFFFFFF;
	(pc) =	sbr.abs _section_cstart, $3  }
0xc8: {  	[dreg:$0x1] =	wrdreg $0xFFFFFFFF  }
0xc9: {  	_ =	task.clear_ibuf [dreg:s9], $0x2FFFF;
	_ =	strace $0x9FFFFFFF  }
0xca: {  	(tm) =	ssettm $0x7FFFFFFF  }
0xcb: {  	_ =	shalt  }
tec
execute0_lowered:
.L_overlay_start_1:
0x0: {  	(tag) =	ssettag $0x1  }
0x1: {  	s0 =	srdreg.scid;
	s1 =	stileid.u32  }
0x2: {  	s0 =	sand.u32 $0x1, s0;
	s1 =	sshll.u32 s1, $0x1  }
0x3: {  	s2 =	sor.u32 s0, s1  }
0x4: {  	s6 =	rddreg [dreg:$0x0];
	s3 =	smul.u32 $0x13, s2  }
0x5: {  	s30 =	rddreg [dreg:$0x1];
	s5 =	smin.u32 s2, $0x11  }
0x6: {  	[smem:$0x7FD] =	sst s0;
	s7 =	sadd.s32 s5, s3  }
0x7: {  	s1 =	rddreg [dreg:$0x2];
	s8 =	smul.u32 $0x50, s7  }
0x8: {  	s5 =	rddreg [dreg:$0x3];
	s3 =	simm.s32 $0x0;
	s9 =	smul.u32 $0x500, s7  }
0x9: {  	[smem:$0x7FF] =	sst s3;
	s7 =	smul.u32 $0x2800, s7  }
0xa: {  	_ =	strace $0x80000047;
	s8 =	sshrl.u32 s8, $0x3;
	s21 =	sadd.s32 s5, s9  }
0xb: {  	s7 =	sshrl.u32 s7, $0x3;
	s0 =	sadd.s32 s6, s8;
	[dreg:$0x6] =	wrdreg s21  }
0xc: {  	s6 =	sadd.s32 $0x800, s1;
	s8 =	sadd.s32 $0xBE, s0;
	[smem:$0x7EE] =	sst s0  }
0xd: {  	[tilespmem:s3], [sflag:$0x19] =	stream.linear.gather [hbm4b:s0+s3], $0x5F0, $0x38;
	[tilespmem:$0x1E680] =	vst v63  }
0xe: {  	s23 =	sadd.s32 $0x500, s7;
	s22 =	sadd.s32 s6, s9;
	[dreg:$0x5] =	wrdreg s8  }
0xf: {  	s24 =	sadd.s32 s5, s23;
	[dreg:$0x7] =	wrdreg s22  }
0x10: {  	s26 =	sadd.s32 $0xA00, s7;
	s25 =	sadd.s32 s6, s23;
	[dreg:$0x8] =	wrdreg s24  }
0x11: {  	s28 =	sadd.s32 s5, s26;
	[dreg:$0x9] =	wrdreg s25  }
0x12: {  	s31 =	sadd.s32 $0xF00, s7;
	s29 =	sadd.s32 s6, s26;
	[dreg:$0xa] =	wrdreg s28  }
0x13: {  	s4 =	sadd.s32 s5, s31;
	[dreg:$0xb] =	wrdreg s29  }
0x14: {  	s11 =	sadd.s32 $0x1400, s7;
	s10 =	sadd.s32 s6, s31;
	[dreg:$0xc] =	wrdreg s4  }
0x15: {  	s12 =	sadd.s32 s5, s11;
	[dreg:$0xd] =	wrdreg s10  }
0x16: {  	s14 =	sadd.s32 $0x1900, s7;
	s13 =	sadd.s32 s6, s11;
	[dreg:$0xe] =	wrdreg s12  }
0x17: {  	s15 =	sadd.s32 s5, s14;
	[dreg:$0xf] =	wrdreg s13  }
0x18: {  	s17 =	sadd.s32 $0x1E00, s7;
	s16 =	sadd.s32 s6, s14;
	[dreg:$0x10] =	wrdreg s15  }
0x19: {  	s18 =	sadd.s32 s5, s17;
	[dreg:$0x11] =	wrdreg s16  }
0x1a: {  	s20 =	sadd.s32 $0x2300, s7;
	s19 =	sadd.s32 s6, s17;
	[dreg:$0x12] =	wrdreg s18  }
0x1b: {  	s21 =	sadd.s32 s5, s20;
	[dreg:$0x13] =	wrdreg s19  }
0x1c: {  	s23 =	sadd.s32 $0x2800, s7;
	[dreg:$0x14] =	wrdreg s21;
	s22 =	sadd.s32 s6, s20  }
0x1d: {  	s24 =	sadd.s32 s5, s23;
	[dreg:$0x15] =	wrdreg s22  }
0x1e: {  	s26 =	sadd.s32 $0x2D00, s7;
	s25 =	sadd.s32 s6, s23;
	[dreg:$0x16] =	wrdreg s24  }
0x1f: {  	s28 =	sadd.s32 s5, s26;
	[dreg:$0x17] =	wrdreg s25  }
0x20: {  	s31 =	sadd.s32 $0x3200, s7;
	s29 =	sadd.s32 s6, s26;
	[dreg:$0x18] =	wrdreg s28  }
0x21: {  	s4 =	sadd.s32 s5, s31;
	[dreg:$0x19] =	wrdreg s29  }
0x22: {  	s11 =	sadd.s32 $0x3700, s7;
	s10 =	sadd.s32 s6, s31;
	[dreg:$0x1a] =	wrdreg s4  }
0x23: {  	s12 =	sadd.s32 s5, s11;
	[dreg:$0x1b] =	wrdreg s10  }
0x24: {  	s14 =	sadd.s32 $0x3C00, s7;
	s13 =	sadd.s32 s6, s11;
	[dreg:$0x1c] =	wrdreg s12  }
0x25: {  	s15 =	sadd.s32 s5, s14;
	[dreg:$0x1d] =	wrdreg s13  }
0x26: {  	s17 =	sadd.s32 $0x4100, s7;
	s16 =	sadd.s32 s6, s14;
	[dreg:$0x1e] =	wrdreg s15  }
0x27: {  	s18 =	sadd.s32 s5, s17;
	[dreg:$0x1f] =	wrdreg s16  }
0x28: {  	s19 =	sadd.s32 s6, s17;
	s20 =	sadd.s32 $0x4600, s7;
	[smem:$0x7EF] =	sst s18  }
0x29: {  	[smem:$0x7F0] =	sst s19;
	s21 =	sadd.s32 s5, s20  }
0x2a: {  	s23 =	sadd.s32 $0x4B00, s7;
	s22 =	sadd.s32 s6, s20;
	[smem:$0x7F1] =	sst s21  }
0x2b: {  	s24 =	sadd.s32 s5, s23;
	[smem:$0x7F2] =	sst s22  }
0x2c: {  	s26 =	sadd.s32 $0x5000, s7;
	s25 =	sadd.s32 s6, s23;
	[smem:$0x7F3] =	sst s24  }
0x2d: {  	s28 =	sadd.s32 s5, s26;
	[smem:$0x7F4] =	sst s25  }
0x2e: {  	s31 =	sadd.s32 $0x5500, s7;
	s29 =	sadd.s32 s6, s26;
	[smem:$0x7F5] =	sst s28  }
0x2f: {  	s4 =	sadd.s32 s5, s31;
	[smem:$0x7F6] =	sst s29  }
0x30: {  	s9 =	sadd.s32 s6, s31;
	s10 =	sadd.s32 $0x5A00, s7;
	[smem:$0x7F7] =	sst s4  }
0x31: {  	[smem:$0x7F8] =	sst s9;
	s11 =	sadd.s32 s5, s10  }
0x32: {  	s7 =	sadd.s32 $0x5F00, s7;
	s12 =	sadd.s32 s6, s10;
	[smem:$0x7F9] =	sst s11  }
0x33: {  	s5 =	sadd.s32 s5, s7;
	[smem:$0x7FA] =	sst s12  }
0x34: {  	s13 =	sadd.s32 s6, s7;
	[smem:$0x7FB] =	sst s5  }
0x35: {  	s14 =	simm.s32 $0x19;
	[smem:$0x7FC] =	sst s13  }
0x36: {  	p0 =	sgt.u32 s2, $0x10;
	_ =	swait.ge [sflag:s14], $0x5F0  }
0x37: {  	s0 =	simm.s32 @!p0 $0x19;
	s4 =	simm.s32 @!p0 $0x0;
	[sflag:s14] =	ssyncset.done $0x0  }
0x38: {  	s5 =	simm.s32 @!p0 $0x5F0;
	s2 =	rddreg [dreg:$0x5];
	[sflag:s14] =	ssyncadd.s32 $0xFFFFFA10  }
0x39: {  	[tilespmem:s5], [sflag:$0x19] =	stream.linear.gather @!p0 [hbm4b:s2+s4], $0x50, $0x38;
	[tilespmem:$0x1E680] =	vst v63  }
0x3a: {  	_ =	swait.ge @!p0 [sflag:s0], $0x50  }
0x3b: {  	[sflag:s0] =	ssyncset.done @!p0 $0x0  }
0x3c: {  	s15 =	simm.s32 $0x680;
	s9 =	simm.s32 $0x50;
	[sflag:s0] =	ssyncadd.s32 @!p0 $0xFFFFFFB0  }
0x3d: {  	[tilespmem:s15], [sflag:$0x1] =	stream.indirect.gather [hbm4b:s30+s9], $0x80, s3, s9, $0xb8;
	[tilespmem:$0x1E680] =	vst v63  }
0x3e: {  	s17 =	simm.s32 $0xF680;
	s11 =	sadd.s32 $0x187200, s1  }
0x3f: {  	[tilespmem:s17], [sflag:$0x7] =	stream.indirect.gather [hbm4b:s11+s9], $0x80, s3, s9, $0xb8;
	[tilespmem:$0x1E680] =	vst v63  }
0x40: {  	s19 =	simm.s32 $0x2E80  }
0x41: {  	[tilespmem:s19], [sflag:$0x2] =	stream.indirect.gather [hbm4b:s30+s9], $0x80, s9, s9, $0xb8;
	[tilespmem:$0x1E680] =	vst v63  }
0x42: {  	s20 =	simm.s32 $0x11E80  }
0x43: {  	[tilespmem:s20], [sflag:$0x8] =	stream.indirect.gather [hbm4b:s11+s9], $0x80, s9, s9, $0xb8;
	[tilespmem:$0x1E680] =	vst v63  }
0x44: {  	s21 =	simm.s32 $0xA0;
	s22 =	simm.s32 $0x5680  }
0x45: {  	[tilespmem:s22], [sflag:$0x3] =	stream.indirect.gather [hbm4b:s30+s9], $0x80, s21, s9, $0xb8;
	[tilespmem:$0x1E680] =	vst v63  }
0x46: {  	s23 =	simm.s32 $0x14680;
	s29 =	simm.s32 $0x1  }
0x47: {  	[tilespmem:s23], [sflag:$0x9] =	stream.indirect.gather [hbm4b:s11+s9], $0x80, s21, s9, $0xb8;
	[tilespmem:$0x1E680] =	vst v63  }
0x48: {  	_ =	swait.ge [sflag:s29], $0x2800  }
0x49: {  	[sflag:s29] =	ssyncset.done $0x0  }
0x4a: {  	s24 =	simm.s32 $0x7;
	[sflag:s29] =	ssyncadd.s32 $0xFFFFD800  }
0x4b: {  	_ =	swait.ge [sflag:s24], $0x2800  }
0x4c: {  	[sflag:s24] =	ssyncset.done $0x0  }
0x4d: {  	s16 =	simm.s32 $0x680;
	s25 =	rddreg [dreg:$0x6];
	[sflag:s24] =	ssyncadd.s32 $0xFFFFD800  }
0x4e: {  	[hbm4b:s25+s3] =	stream.linear.scatter [tilespmem:s16], [sflag:$0xD], $0x2800, $0x38;
	[tilespmem:$0x1E680] =	vst v63  }
0x4f: {  	s18 =	simm.s32 $0xF680;
	s26 =	rddreg [dreg:$0x7]  }
0x50: {  	[hbm4b:s26+s3] =	stream.linear.scatter [tilespmem:s18], [sflag:$0x13], $0x2800, $0x38;
	[tilespmem:$0x1E680] =	vst v63  }
0x51: {  	s31 =	simm.s32 $0x7E80;
	s28 =	simm.s32 $0xF0  }
0x52: {  	[tilespmem:s31], [sflag:$0x4] =	stream.indirect.gather [hbm4b:s30+s9], $0x80, s28, s9, $0xb8;
	[tilespmem:$0x1E680] =	vst v63  }
0x53: {  	s2 =	simm.s32 $0x16E80;
	s17 =	simm.s32 $0x2  }
0x54: {  	[tilespmem:s2], [sflag:$0xA] =	stream.indirect.gather [hbm4b:s11+s9], $0x80, s28, s9, $0xb8;
	[tilespmem:$0x1E680] =	vst v63  }
0x55: {  	_ =	swait.ge [sflag:s17], $0x2800  }
0x56: {  	[sflag:s17] =	ssyncset.done $0x0  }
0x57: {  	s18 =	simm.s32 $0x8;
	[sflag:s17] =	ssyncadd.s32 $0xFFFFD800  }
0x58: {  	_ =	swait.ge [sflag:s18], $0x2800  }
0x59: {  	[sflag:s18] =	ssyncset.done $0x0  }
0x5a: {  	s13 =	simm.s32 $0x2E80;
	s4 =	rddreg [dreg:$0x8];
	[sflag:s18] =	ssyncadd.s32 $0xFFFFD800  }
0x5b: {  	[hbm4b:s4+s3] =	stream.linear.scatter [tilespmem:s13], [sflag:$0xE], $0x2800, $0x38;
	[tilespmem:$0x1E680] =	vst v63  }
0x5c: {  	s14 =	simm.s32 $0x11E80;
	s10 =	rddreg [dreg:$0x9]  }
0x5d: {  	[hbm4b:s10+s3] =	stream.linear.scatter [tilespmem:s14], [sflag:$0x14], $0x2800, $0x38;
	[tilespmem:$0x1E680] =	vst v63  }
0x5e: {  	s12 =	simm.s32 $0x140;
	s13 =	simm.s32 $0xA680  }
0x5f: {  	[tilespmem:s13], [sflag:$0x5] =	stream.indirect.gather [hbm4b:s30+s9], $0x80, s12, s9, $0xb8;
	[tilespmem:$0x1E680] =	vst v63  }
0x60: {  	s19 =	simm.s32 $0x3;
	s14 =	simm.s32 $0x19680  }
0x61: {  	[tilespmem:s14], [sflag:$0xB] =	stream.indirect.gather [hbm4b:s11+s9], $0x80, s12, s9, $0xb8;
	[tilespmem:$0x1E680] =	vst v63  }
0x62: {  	_ =	swait.ge [sflag:s19], $0x2800  }
0x63: {  	[sflag:s19] =	ssyncset.done $0x0  }
0x64: {  	s21 =	simm.s32 $0x9;
	[sflag:s19] =	ssyncadd.s32 $0xFFFFD800  }
0x65: {  	_ =	swait.ge [sflag:s21], $0x2800  }
0x66: {  	[sflag:s21] =	ssyncset.done $0x0  }
0x67: {  	s5 =	simm.s32 $0x5680;
	s20 =	rddreg [dreg:$0xa];
	[sflag:s21] =	ssyncadd.s32 $0xFFFFD800  }
0x68: {  	[hbm4b:s20+s3] =	stream.linear.scatter [tilespmem:s5], [sflag:$0xF], $0x2800, $0x38;
	[tilespmem:$0x1E680] =	vst v63  }
0x69: {  	s8 =	simm.s32 $0x14680;
	s23 =	rddreg [dreg:$0xb]  }
0x6a: {  	[hbm4b:s23+s3] =	stream.linear.scatter [tilespmem:s8], [sflag:$0x15], $0x2800, $0x38;
	[tilespmem:$0x1E680] =	vst v63  }
0x6b: {  	s25 =	simm.s32 $0x190;
	s26 =	simm.s32 $0xCE80  }
0x6c: {  	[tilespmem:s26], [sflag:$0x6] =	stream.indirect.gather [hbm4b:s30+s9], $0x80, s25, s9, $0xb8;
	[tilespmem:$0x1E680] =	vst v63  }
0x6d: {  	s28 =	simm.s32 $0x1BE80;
	s23 =	simm.s32 $0x4  }
0x6e: {  	[tilespmem:s28], [sflag:$0xC] =	stream.indirect.gather [hbm4b:s11+s9], $0x80, s25, s9, $0xb8;
	[tilespmem:$0x1E680] =	vst v63  }
0x6f: {  	_ =	swait.ge [sflag:s23], $0x2800  }
0x70: {  	[sflag:s23] =	ssyncset.done $0x0  }
0x71: {  	s26 =	simm.s32 $0xA;
	[sflag:s23] =	ssyncadd.s32 $0xFFFFD800  }
0x72: {  	_ =	swait.ge [sflag:s26], $0x2800  }
0x73: {  	[sflag:s26] =	ssyncset.done $0x0  }
0x74: {  	s6 =	simm.s32 $0x7E80;
	s31 =	rddreg [dreg:$0xc];
	[sflag:s26] =	ssyncadd.s32 $0xFFFFD800  }
0x75: {  	[hbm4b:s31+s3] =	stream.linear.scatter [tilespmem:s6], [sflag:$0x10], $0x2800, $0x38;
	[tilespmem:$0x1E680] =	vst v63  }
0x76: {  	s7 =	simm.s32 $0x16E80;
	s20 =	simm.s32 $0xD;
	s0 =	rddreg [dreg:$0xd]  }
0x77: {  	[hbm4b:s0+s3] =	stream.linear.scatter [tilespmem:s7], [sflag:$0x16], $0x2800, $0x38;
	[tilespmem:$0x1E680] =	vst v63  }
0x78: {  	_ =	swait.ge [sflag:s20], $0x2800  }
0x79: {  	[sflag:s20] =	ssyncset.done $0x0  }
0x7a: {  	s12 =	simm.s32 $0x13;
	[sflag:s20] =	ssyncadd.s32 $0xFFFFD800  }
0x7b: {  	_ =	swait.ge [sflag:s12], $0x2800  }
0x7c: {  	[sflag:s12] =	ssyncset.done $0x0  }
0x7d: {  	s24 =	simm.s32 $0x680;
	s6 =	simm.s32 $0x1E0;
	[sflag:s12] =	ssyncadd.s32 $0xFFFFD800  }
0x7e: {  	[tilespmem:s24], [sflag:$0x1] =	stream.indirect.gather [hbm4b:s30+s9], $0x80, s6, s9, $0xb8;
	[tilespmem:$0x1E680] =	vst v63  }
0x7f: {  	s22 =	simm.s32 $0xF680;
	s10 =	simm.s32 $0x5  }
0x80: {  	[tilespmem:s22], [sflag:$0x7] =	stream.indirect.gather [hbm4b:s11+s9], $0x80, s6, s9, $0xb8;
	[tilespmem:$0x1E680] =	vst v63  }
0x81: {  	_ =	swait.ge [sflag:s10], $0x2800  }
0x82: {  	[sflag:s10] =	ssyncset.done $0x0  }
0x83: {  	s31 =	simm.s32 $0xB;
	[sflag:s10] =	ssyncadd.s32 $0xFFFFD800  }
0x84: {  	_ =	swait.ge [sflag:s31], $0x2800  }
0x85: {  	[sflag:s31] =	ssyncset.done $0x0  }
0x86: {  	s13 =	simm.s32 $0xA680;
	s7 =	rddreg [dreg:$0xe];
	[sflag:s31] =	ssyncadd.s32 $0xFFFFD800  }
0x87: {  	[hbm4b:s7+s3] =	stream.linear.scatter [tilespmem:s13], [sflag:$0x11], $0x2800, $0x38;
	[tilespmem:$0x1E680] =	vst v63  }
0x88: {  	s16 =	simm.s32 $0x19680;
	s14 =	simm.s32 $0xE;
	s8 =	rddreg [dreg:$0xf]  }
0x89: {  	[hbm4b:s8+s3] =	stream.linear.scatter [tilespmem:s16], [sflag:$0x17], $0x2800, $0x38;
	[tilespmem:$0x1E680] =	vst v63  }
0x8a: {  	_ =	swait.ge [sflag:s14], $0x2800  }
0x8b: {  	[sflag:s14] =	ssyncset.done $0x0  }
0x8c: {  	s16 =	simm.s32 $0x14;
	[sflag:s14] =	ssyncadd.s32 $0xFFFFD800  }
0x8d: {  	_ =	swait.ge [sflag:s16], $0x2800  }
0x8e: {  	[sflag:s16] =	ssyncset.done $0x0  }
0x8f: {  	s25 =	simm.s32 $0x230;
	s6 =	simm.s32 $0x2E80;
	[sflag:s16] =	ssyncadd.s32 $0xFFFFD800  }
0x90: {  	[tilespmem:s6], [sflag:$0x2] =	stream.indirect.gather [hbm4b:s30+s9], $0x80, s25, s9, $0xb8;
	[tilespmem:$0x1E680] =	vst v63  }
0x91: {  	s15 =	simm.s32 $0x11E80  }
0x92: {  	[tilespmem:s15], [sflag:$0x8] =	stream.indirect.gather [hbm4b:s11+s9], $0x80, s25, s9, $0xb8;
	[tilespmem:$0x1E680] =	vst v63  }
0x93: {  	s15 =	simm.s32 $0x6  }
0x94: {  	_ =	swait.ge [sflag:s15], $0x2800  }
0x95: {  	[sflag:s15] =	ssyncset.done $0x0  }
0x96: {  	s16 =	simm.s32 $0xC;
	[sflag:s15] =	ssyncadd.s32 $0xFFFFD800  }
0x97: {  	_ =	swait.ge [sflag:s16], $0x2800  }
0x98: {  	[sflag:s16] =	ssyncset.done $0x0  }
0x99: {  	s4 =	simm.s32 $0xCE80;
	s28 =	rddreg [dreg:$0x10];
	[sflag:s16] =	ssyncadd.s32 $0xFFFFD800  }
0x9a: {  	[hbm4b:s28+s3] =	stream.linear.scatter [tilespmem:s4], [sflag:$0x12], $0x2800, $0x38;
	[tilespmem:$0x1E680] =	vst v63  }
0x9b: {  	s2 =	simm.s32 $0x1BE80;
	s0 =	rddreg [dreg:$0x11];
	s4 =	simm.s32 $0xF  }
0x9c: {  	[hbm4b:s0+s3] =	stream.linear.scatter [tilespmem:s2], [sflag:$0x18], $0x2800, $0x38;
	[tilespmem:$0x1E680] =	vst v63  }
0x9d: {  	_ =	swait.ge [sflag:s4], $0x2800  }
0x9e: {  	[sflag:s4] =	ssyncset.done $0x0  }
0x9f: {  	s5 =	simm.s32 $0x15;
	[sflag:s4] =	ssyncadd.s32 $0xFFFFD800  }
0xa0: {  	_ =	swait.ge [sflag:s5], $0x2800  }
0xa1: {  	[sflag:s5] =	ssyncset.done $0x0  }
0xa2: {  	s13 =	simm.s32 $0x5680;
	s8 =	simm.s32 $0x280;
	[sflag:s5] =	ssyncadd.s32 $0xFFFFD800  }
0xa3: {  	[tilespmem:s13], [sflag:$0x3] =	stream.indirect.gather [hbm4b:s30+s9], $0x80, s8, s9, $0xb8;
	[tilespmem:$0x1E680] =	vst v63  }
0xa4: {  	s2 =	simm.s32 $0x14680  }
0xa5: {  	[tilespmem:s2], [sflag:$0x9] =	stream.indirect.gather [hbm4b:s11+s9], $0x80, s8, s9, $0xb8;
	[tilespmem:$0x1E680] =	vst v63  }
0xa6: {  	_ =	swait.ge [sflag:s29], $0x2800  }
0xa7: {  	[sflag:s29] =	ssyncset.done $0x0  }
0xa8: {  	s14 =	simm.s32 $0x7;
	[sflag:s29] =	ssyncadd.s32 $0xFFFFD800  }
0xa9: {  	_ =	swait.ge [sflag:s14], $0x2800  }
0xaa: {  	[sflag:s14] =	ssyncset.done $0x0  }
0xab: {  	s25 =	rddreg [dreg:$0x12];
	[sflag:s14] =	ssyncadd.s32 $0xFFFFD800  }
0xac: {  	[hbm4b:s25+s3] =	stream.linear.scatter [tilespmem:s24], [sflag:$0xD], $0x2800, $0x38;
	[tilespmem:$0x1E680] =	vst v63  }
0xad: {  	s28 =	rddreg [dreg:$0x13];
	s25 =	simm.s32 $0x10  }
0xae: {  	[hbm4b:s28+s3] =	stream.linear.scatter [tilespmem:s22], [sflag:$0x13], $0x2800, $0x38;
	[tilespmem:$0x1E680] =	vst v63  }
0xaf: {  	_ =	swait.ge [sflag:s25], $0x2800  }
0xb0: {  	[sflag:s25] =	ssyncset.done $0x0  }
0xb1: {  	s24 =	simm.s32 $0x16;
	[sflag:s25] =	ssyncadd.s32 $0xFFFFD800  }
0xb2: {  	_ =	swait.ge [sflag:s24], $0x2800  }
0xb3: {  	[sflag:s24] =	ssyncset.done $0x0  }
0xb4: {  	s1 =	simm.s32 $0x2D0;
	s8 =	simm.s32 $0x7E80;
	[sflag:s24] =	ssyncadd.s32 $0xFFFFD800  }
0xb5: {  	[tilespmem:s8], [sflag:$0x4] =	stream.indirect.gather [hbm4b:s30+s9], $0x80, s1, s9, $0xb8;
	[tilespmem:$0x1E680] =	vst v63  }
0xb6: {  	s5 =	simm.s32 $0x16E80  }
0xb7: {  	[tilespmem:s5], [sflag:$0xA] =	stream.indirect.gather [hbm4b:s11+s9], $0x80, s1, s9, $0xb8;
	[tilespmem:$0x1E680] =	vst v63  }
0xb8: {  	_ =	swait.ge [sflag:s17], $0x2800  }
0xb9: {  	[sflag:s17] =	ssyncset.done $0x0  }
0xba: {  	[sflag:s17] =	ssyncadd.s32 $0xFFFFD800  }
0xbb: {  	_ =	swait.ge [sflag:s18], $0x2800  }
0xbc: {  	[sflag:s18] =	ssyncset.done $0x0  }
0xbd: {  	s4 =	rddreg [dreg:$0x14];
	[sflag:s18] =	ssyncadd.s32 $0xFFFFD800  }
0xbe: {  	[hbm4b:s4+s3] =	stream.linear.scatter [tilespmem:s6], [sflag:$0xE], $0x2800, $0x38;
	[tilespmem:$0x1E680] =	vst v63  }
0xbf: {  	s7 =	simm.s32 $0x11E80;
	s22 =	simm.s32 $0x11;
	s14 =	rddreg [dreg:$0x15]  }
0xc0: {  	[hbm4b:s14+s3] =	stream.linear.scatter [tilespmem:s7], [sflag:$0x14], $0x2800, $0x38;
	[tilespmem:$0x1E680] =	vst v63  }
0xc1: {  	_ =	swait.ge [sflag:s22], $0x2800  }
0xc2: {  	[sflag:s22] =	ssyncset.done $0x0  }
0xc3: {  	s14 =	simm.s32 $0x17;
	[sflag:s22] =	ssyncadd.s32 $0xFFFFD800  }
0xc4: {  	_ =	swait.ge [sflag:s14], $0x2800  }
0xc5: {  	[sflag:s14] =	ssyncset.done $0x0  }
0xc6: {  	s28 =	simm.s32 $0x320;
	s4 =	simm.s32 $0xA680;
	[sflag:s14] =	ssyncadd.s32 $0xFFFFD800  }
0xc7: {  	[tilespmem:s4], [sflag:$0x5] =	stream.indirect.gather [hbm4b:s30+s9], $0x80, s28, s9, $0xb8;
	[tilespmem:$0x1E680] =	vst v63  }
0xc8: {  	s6 =	simm.s32 $0x19680  }
0xc9: {  	[tilespmem:s6], [sflag:$0xB] =	stream.indirect.gather [hbm4b:s11+s9], $0x80, s28, s9, $0xb8;
	[tilespmem:$0x1E680] =	vst v63  }
0xca: {  	_ =	swait.ge [sflag:s19], $0x2800  }
0xcb: {  	[sflag:s19] =	ssyncset.done $0x0  }
0xcc: {  	[sflag:s19] =	ssyncadd.s32 $0xFFFFD800  }
0xcd: {  	_ =	swait.ge [sflag:s21], $0x2800  }
0xce: {  	[sflag:s21] =	ssyncset.done $0x0  }
0xcf: {  	s0 =	rddreg [dreg:$0x16];
	[sflag:s21] =	ssyncadd.s32 $0xFFFFD800  }
0xd0: {  	[hbm4b:s0+s3] =	stream.linear.scatter [tilespmem:s13], [sflag:$0xF], $0x2800, $0x38;
	[tilespmem:$0x1E680] =	vst v63  }
0xd1: {  	s28 =	rddreg [dreg:$0x17];
	s13 =	simm.s32 $0x12  }
0xd2: {  	[hbm4b:s28+s3] =	stream.linear.scatter [tilespmem:s2], [sflag:$0x15], $0x2800, $0x38;
	[tilespmem:$0x1E680] =	vst v63  }
0xd3: {  	_ =	swait.ge [sflag:s13], $0x2800  }
0xd4: {  	[sflag:s13] =	ssyncset.done $0x0  }
0xd5: {  	s28 =	simm.s32 $0x18;
	[sflag:s13] =	ssyncadd.s32 $0xFFFFD800  }
0xd6: {  	_ =	swait.ge [sflag:s28], $0x2800  }
0xd7: {  	[sflag:s28] =	ssyncset.done $0x0  }
0xd8: {  	s1 =	simm.s32 $0x370;
	s7 =	simm.s32 $0xCE80;
	[sflag:s28] =	ssyncadd.s32 $0xFFFFD800  }
0xd9: {  	[tilespmem:s7], [sflag:$0x6] =	stream.indirect.gather [hbm4b:s30+s9], $0x80, s1, s9, $0xb8;
	[tilespmem:$0x1E680] =	vst v63  }
0xda: {  	s2 =	simm.s32 $0x1BE80  }
0xdb: {  	[tilespmem:s2], [sflag:$0xC] =	stream.indirect.gather [hbm4b:s11+s9], $0x80, s1, s9, $0xb8;
	[tilespmem:$0x1E680] =	vst v63  }
0xdc: {  	_ =	swait.ge [sflag:s23], $0x2800  }
0xdd: {  	[sflag:s23] =	ssyncset.done $0x0  }
0xde: {  	[sflag:s23] =	ssyncadd.s32 $0xFFFFD800  }
0xdf: {  	_ =	swait.ge [sflag:s26], $0x2800  }
0xe0: {  	[sflag:s26] =	ssyncset.done $0x0  }
0xe1: {  	s1 =	rddreg [dreg:$0x18];
	[sflag:s26] =	ssyncadd.s32 $0xFFFFD800  }
0xe2: {  	[hbm4b:s1+s3] =	stream.linear.scatter [tilespmem:s8], [sflag:$0x10], $0x2800, $0x38;
	[tilespmem:$0x1E680] =	vst v63  }
0xe3: {  	s0 =	rddreg [dreg:$0x19]  }
0xe4: {  	[hbm4b:s0+s3] =	stream.linear.scatter [tilespmem:s5], [sflag:$0x16], $0x2800, $0x38;
	[tilespmem:$0x1E680] =	vst v63  }
0xe5: {  	_ =	swait.ge [sflag:s20], $0x2800  }
0xe6: {  	[sflag:s20] =	ssyncset.done $0x0  }
0xe7: {  	[sflag:s20] =	ssyncadd.s32 $0xFFFFD800  }
0xe8: {  	_ =	swait.ge [sflag:s12], $0x2800  }
0xe9: {  	[sflag:s12] =	ssyncset.done $0x0  }
0xea: {  	s8 =	simm.s32 $0x3C0;
	s5 =	simm.s32 $0x680;
	[sflag:s12] =	ssyncadd.s32 $0xFFFFD800  }
0xeb: {  	[tilespmem:s5], [sflag:$0x1] =	stream.indirect.gather [hbm4b:s30+s9], $0x80, s8, s9, $0xb8;
	[tilespmem:$0x1E680] =	vst v63  }
0xec: {  	s1 =	simm.s32 $0xF680  }
0xed: {  	[tilespmem:s1], [sflag:$0x7] =	stream.indirect.gather [hbm4b:s11+s9], $0x80, s8, s9, $0xb8;
	[tilespmem:$0x1E680] =	vst v63  }
0xee: {  	_ =	swait.ge [sflag:s10], $0x2800  }
0xef: {  	[sflag:s10] =	ssyncset.done $0x0  }
0xf0: {  	[sflag:s10] =	ssyncadd.s32 $0xFFFFD800  }
0xf1: {  	_ =	swait.ge [sflag:s31], $0x2800  }
0xf2: {  	[sflag:s31] =	ssyncset.done $0x0  }
0xf3: {  	s8 =	rddreg [dreg:$0x1a];
	[sflag:s31] =	ssyncadd.s32 $0xFFFFD800  }
0xf4: {  	[hbm4b:s8+s3] =	stream.linear.scatter [tilespmem:s4], [sflag:$0x11], $0x2800, $0x38;
	[tilespmem:$0x1E680] =	vst v63  }
0xf5: {  	s0 =	rddreg [dreg:$0x1b];
	s4 =	simm.s32 $0xE  }
0xf6: {  	[hbm4b:s0+s3] =	stream.linear.scatter [tilespmem:s6], [sflag:$0x17], $0x2800, $0x38;
	[tilespmem:$0x1E680] =	vst v63  }
0xf7: {  	_ =	swait.ge [sflag:s4], $0x2800  }
0xf8: {  	[sflag:s4] =	ssyncset.done $0x0  }
0xf9: {  	s6 =	simm.s32 $0x14;
	[sflag:s4] =	ssyncadd.s32 $0xFFFFD800  }
0xfa: {  	_ =	swait.ge [sflag:s6], $0x2800  }
0xfb: {  	[sflag:s6] =	ssyncset.done $0x0  }
0xfc: {  	s8 =	simm.s32 $0x410;
	[sflag:s6] =	ssyncadd.s32 $0xFFFFD800;
	s6 =	simm.s32 $0x2E80  }
0xfd: {  	[tilespmem:s6], [sflag:$0x2] =	stream.indirect.gather [hbm4b:s30+s9], $0x80, s8, s9, $0xb8;
	[tilespmem:$0x1E680] =	vst v63  }
0xfe: {  	s4 =	simm.s32 $0x11E80  }
0xff: {  	[tilespmem:s4], [sflag:$0x8] =	stream.indirect.gather [hbm4b:s11+s9], $0x80, s8, s9, $0xb8;
	[tilespmem:$0x1E680] =	vst v63  }
0x100: {  	_ =	swait.ge [sflag:s15], $0x2800  }
0x101: {  	[sflag:s15] =	ssyncset.done $0x0  }
0x102: {  	[sflag:s15] =	ssyncadd.s32 $0xFFFFD800  }
0x103: {  	_ =	swait.ge [sflag:s16], $0x2800  }
0x104: {  	[sflag:s16] =	ssyncset.done $0x0  }
0x105: {  	s8 =	rddreg [dreg:$0x1c];
	[sflag:s16] =	ssyncadd.s32 $0xFFFFD800  }
0x106: {  	[hbm4b:s8+s3] =	stream.linear.scatter [tilespmem:s7], [sflag:$0x12], $0x2800, $0x38;
	[tilespmem:$0x1E680] =	vst v63  }
0x107: {  	s0 =	rddreg [dreg:$0x1d];
	s8 =	simm.s32 $0xF  }
0x108: {  	[hbm4b:s0+s3] =	stream.linear.scatter [tilespmem:s2], [sflag:$0x18], $0x2800, $0x38;
	[tilespmem:$0x1E680] =	vst v63  }
0x109: {  	_ =	swait.ge [sflag:s8], $0x2800  }
0x10a: {  	[sflag:s8] =	ssyncset.done $0x0  }
0x10b: {  	s2 =	simm.s32 $0x15;
	[sflag:s8] =	ssyncadd.s32 $0xFFFFD800  }
0x10c: {  	_ =	swait.ge [sflag:s2], $0x2800  }
0x10d: {  	[sflag:s2] =	ssyncset.done $0x0  }
0x10e: {  	s7 =	simm.s32 $0x460;
	[sflag:s2] =	ssyncadd.s32 $0xFFFFD800;
	s2 =	simm.s32 $0x5680  }
0x10f: {  	[tilespmem:s2], [sflag:$0x3] =	stream.indirect.gather [hbm4b:s30+s9], $0x80, s7, s9, $0xb8;
	[tilespmem:$0x1E680] =	vst v63  }
0x110: {  	s8 =	simm.s32 $0x14680  }
0x111: {  	[tilespmem:s8], [sflag:$0x9] =	stream.indirect.gather [hbm4b:s11+s9], $0x80, s7, s9, $0xb8;
	[tilespmem:$0x1E680] =	vst v63  }
0x112: {  	_ =	swait.ge [sflag:s29], $0x2800  }
0x113: {  	[sflag:s29] =	ssyncset.done $0x0  }
0x114: {  	s0 =	simm.s32 $0x7;
	[sflag:s29] =	ssyncadd.s32 $0xFFFFD800  }
0x115: {  	_ =	swait.ge [sflag:s0], $0x2800  }
0x116: {  	[sflag:s0] =	ssyncset.done $0x0  }
0x117: {  	s7 =	rddreg [dreg:$0x1e];
	[sflag:s0] =	ssyncadd.s32 $0xFFFFD800  }
0x118: {  	[hbm4b:s7+s3] =	stream.linear.scatter [tilespmem:s5], [sflag:$0xD], $0x2800, $0x38;
	[tilespmem:$0x1E680] =	vst v63  }
0x119: {  	s0 =	rddreg [dreg:$0x1f]  }
0x11a: {  	[hbm4b:s0+s3] =	stream.linear.scatter [tilespmem:s1], [sflag:$0x13], $0x2800, $0x38;
	[tilespmem:$0x1E680] =	vst v63  }
0x11b: {  	_ =	swait.ge [sflag:s25], $0x2800  }
0x11c: {  	[sflag:s25] =	ssyncset.done $0x0  }
0x11d: {  	[sflag:s25] =	ssyncadd.s32 $0xFFFFD800  }
0x11e: {  	_ =	swait.ge [sflag:s24], $0x2800  }
0x11f: {  	[sflag:s24] =	ssyncset.done $0x0  }
0x120: {  	s5 =	simm.s32 $0x4B0;
	s7 =	simm.s32 $0x7E80;
	[sflag:s24] =	ssyncadd.s32 $0xFFFFD800  }
0x121: {  	[tilespmem:s7], [sflag:$0x4] =	stream.indirect.gather [hbm4b:s30+s9], $0x80, s5, s9, $0xb8;
	[tilespmem:$0x1E680] =	vst v63  }
0x122: {  	s1 =	simm.s32 $0x16E80  }
0x123: {  	[tilespmem:s1], [sflag:$0xA] =	stream.indirect.gather [hbm4b:s11+s9], $0x80, s5, s9, $0xb8;
	[tilespmem:$0x1E680] =	vst v63  }
0x124: {  	_ =	swait.ge [sflag:s17], $0x2800  }
0x125: {  	[sflag:s17] =	ssyncset.done $0x0  }
0x126: {  	[sflag:s17] =	ssyncadd.s32 $0xFFFFD800  }
0x127: {  	_ =	swait.ge [sflag:s18], $0x2800  }
0x128: {  	s17 =	sld [smem:$0x7EF]  }
0x129: {  	[sflag:s18] =	ssyncset.done $0x0  }
0x12a: {  	[sflag:s18] =	ssyncadd.s32 $0xFFFFD800;
	s18 =	sld [smem:$0x7F0]  }
0x12b: {  	[hbm4b:s17+s3] =	stream.linear.scatter [tilespmem:s6], [sflag:$0xE], $0x2800, $0x38;
	[tilespmem:$0x1E680] =	vst v63  }
0x12c: {  	_ = 	snop  }
0x12d: {  	[hbm4b:s18+s3] =	stream.linear.scatter [tilespmem:s4], [sflag:$0x14], $0x2800, $0x38;
	[tilespmem:$0x1E680] =	vst v63  }
0x12e: {  	_ =	swait.ge [sflag:s22], $0x2800  }
0x12f: {  	[sflag:s22] =	ssyncset.done $0x0  }
0x130: {  	[sflag:s22] =	ssyncadd.s32 $0xFFFFD800  }
0x131: {  	_ =	swait.ge [sflag:s14], $0x2800  }
0x132: {  	[sflag:s14] =	ssyncset.done $0x0  }
0x133: {  	s17 =	simm.s32 $0x500;
	s18 =	simm.s32 $0xA680;
	[sflag:s14] =	ssyncadd.s32 $0xFFFFD800  }
0x134: {  	[tilespmem:s18], [sflag:$0x5] =	stream.indirect.gather [hbm4b:s30+s9], $0x80, s17, s9, $0xb8;
	[tilespmem:$0x1E680] =	vst v63  }
0x135: {  	s4 =	simm.s32 $0x19680  }
0x136: {  	[tilespmem:s4], [sflag:$0xB] =	stream.indirect.gather [hbm4b:s11+s9], $0x80, s17, s9, $0xb8;
	[tilespmem:$0x1E680] =	vst v63  }
0x137: {  	_ =	swait.ge [sflag:s19], $0x2800  }
0x138: {  	[sflag:s19] =	ssyncset.done $0x0  }
0x139: {  	[sflag:s19] =	ssyncadd.s32 $0xFFFFD800  }
0x13a: {  	_ =	swait.ge [sflag:s21], $0x2800  }
0x13b: {  	s19 =	sld [smem:$0x7F1]  }
0x13c: {  	[sflag:s21] =	ssyncset.done $0x0  }
0x13d: {  	[sflag:s21] =	ssyncadd.s32 $0xFFFFD800;
	s21 =	sld [smem:$0x7F2]  }
0x13e: {  	[hbm4b:s19+s3] =	stream.linear.scatter [tilespmem:s2], [sflag:$0xF], $0x2800, $0x38;
	[tilespmem:$0x1E680] =	vst v63  }
0x13f: {  	s8 =	simm.s32 $0x14680  }
0x140: {  	[hbm4b:s21+s3] =	stream.linear.scatter [tilespmem:s8], [sflag:$0x15], $0x2800, $0x38;
	[tilespmem:$0x1E680] =	vst v63  }
0x141: {  	_ =	swait.ge [sflag:s13], $0x2800  }
0x142: {  	[sflag:s13] =	ssyncset.done $0x0  }
0x143: {  	[sflag:s13] =	ssyncadd.s32 $0xFFFFD800  }
0x144: {  	_ =	swait.ge [sflag:s28], $0x2800  }
0x145: {  	[sflag:s28] =	ssyncset.done $0x0  }
0x146: {  	s6 =	simm.s32 $0x550;
	s8 =	simm.s32 $0xCE80;
	[sflag:s28] =	ssyncadd.s32 $0xFFFFD800  }
0x147: {  	[tilespmem:s8], [sflag:$0x6] =	stream.indirect.gather [hbm4b:s30+s9], $0x80, s6, s9, $0xb8;
	[tilespmem:$0x1E680] =	vst v63  }
0x148: {  	s19 =	simm.s32 $0x1BE80  }
0x149: {  	[tilespmem:s19], [sflag:$0xC] =	stream.indirect.gather [hbm4b:s11+s9], $0x80, s6, s9, $0xb8;
	[tilespmem:$0x1E680] =	vst v63  }
0x14a: {  	_ =	swait.ge [sflag:s23], $0x2800  }
0x14b: {  	[sflag:s23] =	ssyncset.done $0x0  }
0x14c: {  	[sflag:s23] =	ssyncadd.s32 $0xFFFFD800  }
0x14d: {  	_ =	swait.ge [sflag:s26], $0x2800  }
0x14e: {  	s23 =	sld [smem:$0x7F3]  }
0x14f: {  	[sflag:s26] =	ssyncset.done $0x0  }
0x150: {  	[sflag:s26] =	ssyncadd.s32 $0xFFFFD800;
	s26 =	sld [smem:$0x7F4]  }
0x151: {  	[hbm4b:s23+s3] =	stream.linear.scatter [tilespmem:s7], [sflag:$0x10], $0x2800, $0x38;
	[tilespmem:$0x1E680] =	vst v63  }
0x152: {  	_ = 	snop  }
0x153: {  	[hbm4b:s26+s3] =	stream.linear.scatter [tilespmem:s1], [sflag:$0x16], $0x2800, $0x38;
	[tilespmem:$0x1E680] =	vst v63  }
0x154: {  	_ =	swait.ge [sflag:s20], $0x2800  }
0x155: {  	[sflag:s20] =	ssyncset.done $0x0  }
0x156: {  	[sflag:s20] =	ssyncadd.s32 $0xFFFFD800  }
0x157: {  	_ =	swait.ge [sflag:s12], $0x2800  }
0x158: {  	[sflag:s12] =	ssyncset.done $0x0  }
0x159: {  	s2 =	simm.s32 $0x680;
	s1 =	simm.s32 $0x5A0;
	[sflag:s12] =	ssyncadd.s32 $0xFFFFD800  }
0x15a: {  	[tilespmem:s2], [sflag:$0x1] =	stream.indirect.gather [hbm4b:s30+s9], $0x80, s1, s9, $0xb8;
	[tilespmem:$0x1E680] =	vst v63  }
0x15b: {  	s7 =	simm.s32 $0xF680  }
0x15c: {  	[tilespmem:s7], [sflag:$0x7] =	stream.indirect.gather [hbm4b:s11+s9], $0x80, s1, s9, $0xb8;
	[tilespmem:$0x1E680] =	vst v63  }
0x15d: {  	_ =	swait.ge [sflag:s10], $0x2800  }
0x15e: {  	[sflag:s10] =	ssyncset.done $0x0  }
0x15f: {  	[sflag:s10] =	ssyncadd.s32 $0xFFFFD800  }
0x160: {  	_ =	swait.ge [sflag:s31], $0x2800  }
0x161: {  	s8 =	sld [smem:$0x7F5]  }
0x162: {  	[sflag:s31] =	ssyncset.done $0x0  }
0x163: {  	s10 =	sld [smem:$0x7F6];
	[sflag:s31] =	ssyncadd.s32 $0xFFFFD800  }
0x164: {  	[hbm4b:s8+s3] =	stream.linear.scatter [tilespmem:s18], [sflag:$0x11], $0x2800, $0x38;
	[tilespmem:$0x1E680] =	vst v63  }
0x165: {  	s0 =	simm.s32 @!p0 $0xE  }
0x166: {  	[hbm4b:s10+s3] =	stream.linear.scatter [tilespmem:s4], [sflag:$0x17], $0x2800, $0x38;
	[tilespmem:$0x1E680] =	vst v63  }
0x167: {  	_ =	swait.ge @!p0 [sflag:s0], $0x2800  }
0x168: {  	[sflag:s0] =	ssyncset.done @!p0 $0x0  }
0x169: {  	[sflag:s0] =	ssyncadd.s32 @!p0 $0xFFFFD800;
	s0 =	simm.s32 @!p0 $0x14  }
0x16a: {  	_ =	swait.ge @!p0 [sflag:s0], $0x2800  }
0x16b: {  	s5 =	simm.s32 @!p0 $0x2E80;
	[sflag:s0] =	ssyncset.done @!p0 $0x0  }
0x16c: {  	s10 =	simm.s32 @!p0 $0x5F0;
	[sflag:s0] =	ssyncadd.s32 @!p0 $0xFFFFD800;
	s0 =	simm.s32 @!p0 $0x50  }
0x16d: {  	[tilespmem:s5], [sflag:$0x2] =	stream.indirect.gather @!p0 [hbm4b:s30+s0], $0x80, s10, s0, $0xb8;
	[tilespmem:$0x1E680] =	vst v63  }
0x16e: {  	s8 =	simm.s32 @!p0 $0x11E80  }
0x16f: {  	[tilespmem:s8], [sflag:$0x8] =	stream.indirect.gather @!p0 [hbm4b:s11+s0], $0x80, s10, s0, $0xb8;
	[tilespmem:$0x1E680] =	vst v63  }
0x170: {  	_ =	swait.ge [sflag:s15], $0x2800  }
0x171: {  	[sflag:s15] =	ssyncset.done $0x0  }
0x172: {  	[sflag:s15] =	ssyncadd.s32 $0xFFFFD800  }
0x173: {  	_ =	swait.ge [sflag:s16], $0x2800  }
0x174: {  	s15 =	sld [smem:$0x7F7]  }
0x175: {  	[sflag:s16] =	ssyncset.done $0x0  }
0x176: {  	s17 =	simm.s32 $0xCE80;
	[sflag:s16] =	ssyncadd.s32 $0xFFFFD800;
	s16 =	sld [smem:$0x7F8]  }
0x177: {  	[hbm4b:s15+s3] =	stream.linear.scatter [tilespmem:s17], [sflag:$0x12], $0x2800, $0x38;
	[tilespmem:$0x1E680] =	vst v63  }
0x178: {  	s21 =	simm.s32 $0x1BE80  }
0x179: {  	[hbm4b:s16+s3] =	stream.linear.scatter [tilespmem:s21], [sflag:$0x18], $0x2800, $0x38;
	[tilespmem:$0x1E680] =	vst v63  }
0x17a: {  	_ =	swait.ge [sflag:s29], $0x2800  }
0x17b: {  	[sflag:s29] =	ssyncset.done $0x0  }
0x17c: {  	s17 =	simm.s32 $0x7;
	[sflag:s29] =	ssyncadd.s32 $0xFFFFD800  }
0x17d: {  	_ =	swait.ge [sflag:s17], $0x2800  }
0x17e: {  	s18 =	sld [smem:$0x7F9]  }
0x17f: {  	[sflag:s17] =	ssyncset.done $0x0  }
0x180: {  	s19 =	sld [smem:$0x7FA];
	[sflag:s17] =	ssyncadd.s32 $0xFFFFD800  }
0x181: {  	[hbm4b:s18+s3] =	stream.linear.scatter [tilespmem:s2], [sflag:$0xD], $0x2800, $0x38;
	[tilespmem:$0x1E680] =	vst v63  }
0x182: {  	s0 =	simm.s32 @!p0 $0x2  }
0x183: {  	[hbm4b:s19+s3] =	stream.linear.scatter [tilespmem:s7], [sflag:$0x13], $0x2800, $0x38;
	[tilespmem:$0x1E680] =	vst v63  }
0x184: {  	_ =	swait.ge @!p0 [sflag:s0], $0x2800  }
0x185: {  	[sflag:s0] =	ssyncset.done @!p0 $0x0  }
0x186: {  	[sflag:s0] =	ssyncadd.s32 @!p0 $0xFFFFD800;
	s0 =	simm.s32 @!p0 $0x8  }
0x187: {  	_ =	swait.ge @!p0 [sflag:s0], $0x2800  }
0x188: {  	s1 =	sld [smem:$0x7FB]  }
0x189: {  	[sflag:s0] =	ssyncset.done @!p0 $0x0  }
0x18a: {  	s6 =	simm.s32 @!p0 $0x0;
	[sflag:s0] =	ssyncadd.s32 @!p0 $0xFFFFD800;
	s0 =	sld [smem:$0x7FC]  }
0x18b: {  	[hbm4b:s1+s6] =	stream.linear.scatter @!p0 [tilespmem:s5], [sflag:$0xE], $0x2800, $0x38;
	[tilespmem:$0x1E680] =	vst v63  }
0x18c: {  	_ = 	snop  }
0x18d: {  	[hbm4b:s0+s6] =	stream.linear.scatter @!p0 [tilespmem:s8], [sflag:$0x14], $0x2800, $0x38;
	[tilespmem:$0x1E680] =	vst v63  }
0x18e: {  	_ =	swait.ge [sflag:s20], $0x2800  }
0x18f: {  	[sflag:s20] =	ssyncset.done $0x0  }
0x190: {  	[sflag:s20] =	ssyncadd.s32 $0xFFFFD800  }
0x191: {  	_ =	swait.ge [sflag:s12], $0x2800  }
0x192: {  	[sflag:s12] =	ssyncset.done $0x0  }
0x193: {  	s21 =	simm.s32 $0xE;
	[sflag:s12] =	ssyncadd.s32 $0xFFFFD800  }
0x194: {  	_ =	swait.ge [sflag:s21], $0x2800  }
0x195: {  	[sflag:s21] =	ssyncset.done $0x0  }
0x196: {  	s23 =	simm.s32 $0x14;
	[sflag:s21] =	ssyncadd.s32 $0xFFFFD800  }
0x197: {  	_ =	swait.ge [sflag:s23], $0x2800  }
0x198: {  	[sflag:s23] =	ssyncset.done $0x0  }
0x199: {  	s26 =	simm.s32 $0xF;
	[sflag:s23] =	ssyncadd.s32 $0xFFFFD800  }
0x19a: {  	_ =	swait.ge [sflag:s26], $0x2800  }
0x19b: {  	[sflag:s26] =	ssyncset.done $0x0  }
0x19c: {  	s29 =	simm.s32 $0x15;
	[sflag:s26] =	ssyncadd.s32 $0xFFFFD800  }
0x19d: {  	_ =	swait.ge [sflag:s29], $0x2800  }
0x19e: {  	[sflag:s29] =	ssyncset.done $0x0  }
0x19f: {  	[sflag:s29] =	ssyncadd.s32 $0xFFFFD800  }
0x1a0: {  	_ =	swait.ge [sflag:s25], $0x2800  }
0x1a1: {  	[sflag:s25] =	ssyncset.done $0x0  }
0x1a2: {  	[sflag:s25] =	ssyncadd.s32 $0xFFFFD800  }
0x1a3: {  	_ =	swait.ge [sflag:s24], $0x2800  }
0x1a4: {  	[sflag:s24] =	ssyncset.done $0x0  }
0x1a5: {  	[sflag:s24] =	ssyncadd.s32 $0xFFFFD800  }
0x1a6: {  	_ =	swait.ge [sflag:s22], $0x2800  }
0x1a7: {  	[sflag:s22] =	ssyncset.done $0x0  }
0x1a8: {  	[sflag:s22] =	ssyncadd.s32 $0xFFFFD800  }
0x1a9: {  	_ =	swait.ge [sflag:s14], $0x2800  }
0x1aa: {  	s30 =	sld [smem:$0x7FD];
	_ =	sdelay $0x2  }
0x1ab: {  	s31 =	ssub.s32 $0x2, s30  }
0x1ac: {  	s0 =	sshrl.u32 s31, $0x1  }
0x1ad: {  	s0 =	ssub.s32 s31, s0  }
0x1ae: {  	s0 =	smax.u32 s0, $0x1  }
0x1af: {  	[sflag:s14] =	ssyncset.done $0x0;
	s2 =	sadd.s32 $0xFFFFFFFF, s0  }
0x1b0: {  	[sflag:s14] =	ssyncadd.s32 $0xFFFFD800;
	p1 =	sne.s32 s2, $0x0  }
.Ltmp0:
0x1b1: {  	_ =	swait.ge [sflag:s13], $0x2800;
	(pc) =	sbr.rel @!p1 .LBB2_3-.Ltmp0, $4  }
0x1b2: {  	[sflag:s13] =	ssyncset.done $0x0  }
0x1b3: {  	[sflag:s13] =	ssyncadd.s32 $0xFFFFD800  }
0x1b4: {  	_ =	swait.ge [sflag:s28], $0x2800  }
0x1b5: {  	[sflag:s28] =	ssyncset.done $0x0;
	s0 =	simm.s32 $0x18  }
0x1b6: {  	s19 =	simm.s32 $0x1  }
0x1b7: {  	s20 =	simm.s32 $0x7;
	s16 =	simm.s32 $0x9;
	s26 =	simm.s32 $0xA  }
0x1b8: {  	s25 =	simm.s32 $0xD;
	s28 =	simm.s32 $0x5;
	s17 =	simm.s32 $0xB  }
.LBB2_2:
0x1b9: {  	s10 =	sld [smem:$0x7EE]  }
0x1ba: {  	s2 =	sadd.s32 $0xFFFFFFFF, s2;
	s8 =	simm.s32 $0x18  }
0x1bb: {  	s12 =	simm.s32 $0x19;
	[smem:$0x7ED] =	sst s2;
	[sflag:s8] =	ssyncadd.s32 $0xFFFFD800  }
0x1bc: {  	[tilespmem:s3], [sflag:$0x19] =	stream.linear.gather [hbm4b:s10+s3], $0x5F0, $0x38;
	[tilespmem:$0x1E680] =	vst v63  }
0x1bd: {  	_ =	swait.ge [sflag:s12], $0x5F0  }
0x1be: {  	s0 =	simm.s32 @!p0 $0x0;
	[sflag:s12] =	ssyncset.done $0x0  }
0x1bf: {  	s1 =	simm.s32 @!p0 $0x5F0;
	s10 =	rddreg [dreg:$0x5];
	[sflag:s12] =	ssyncadd.s32 $0xFFFFFA10  }
0x1c0: {  	[tilespmem:s1], [sflag:$0x19] =	stream.linear.gather @!p0 [hbm4b:s10+s0], $0x50, $0x38;
	[tilespmem:$0x1E680] =	vst v63  }
0x1c1: {  	s10 =	simm.s32 @!p0 $0x19  }
0x1c2: {  	_ =	swait.ge @!p0 [sflag:s10], $0x50  }
0x1c3: {  	[sflag:s10] =	ssyncset.done @!p0 $0x0  }
0x1c4: {  	[sflag:s10] =	ssyncadd.s32 @!p0 $0xFFFFFFB0  }
0x1c5: {  	s18 =	simm.s32 $0x680;
	s0 =	rddreg [dreg:$0x1]  }
0x1c6: {  	[tilespmem:s18], [sflag:$0x1] =	stream.indirect.gather [hbm4b:s0+s9], $0x80, s3, s9, $0xb8;
	[tilespmem:$0x1E680] =	vst v63  }
0x1c7: {  	s22 =	simm.s32 $0xF680  }
0x1c8: {  	[tilespmem:s22], [sflag:$0x7] =	stream.indirect.gather [hbm4b:s11+s9], $0x80, s3, s9, $0xb8;
	[tilespmem:$0x1E680] =	vst v63  }
0x1c9: {  	s4 =	simm.s32 $0x2E80  }
0x1ca: {  	[tilespmem:s4], [sflag:$0x2] =	stream.indirect.gather [hbm4b:s0+s9], $0x80, s9, s9, $0xb8;
	[tilespmem:$0x1E680] =	vst v63  }
0x1cb: {  	s24 =	simm.s32 $0x11E80  }
0x1cc: {  	[tilespmem:s24], [sflag:$0x8] =	stream.indirect.gather [hbm4b:s11+s9], $0x80, s9, s9, $0xb8;
	[tilespmem:$0x1E680] =	vst v63  }
0x1cd: {  	s29 =	simm.s32 $0xA0;
	s30 =	simm.s32 $0x5680  }
0x1ce: {  	[tilespmem:s30], [sflag:$0x3] =	stream.indirect.gather [hbm4b:s0+s9], $0x80, s29, s9, $0xb8;
	[tilespmem:$0x1E680] =	vst v63  }
0x1cf: {  	s31 =	simm.s32 $0x14680  }
0x1d0: {  	[tilespmem:s31], [sflag:$0x9] =	stream.indirect.gather [hbm4b:s11+s9], $0x80, s29, s9, $0xb8;
	[tilespmem:$0x1E680] =	vst v63  }
0x1d1: {  	_ =	swait.ge [sflag:s19], $0x2800  }
0x1d2: {  	[sflag:s19] =	ssyncset.done $0x0  }
0x1d3: {  	[sflag:s19] =	ssyncadd.s32 $0xFFFFD800  }
0x1d4: {  	_ =	swait.ge [sflag:s20], $0x2800  }
0x1d5: {  	[sflag:s20] =	ssyncset.done $0x0  }
0x1d6: {  	s21 =	simm.s32 $0x680;
	s5 =	rddreg [dreg:$0x6];
	[sflag:s20] =	ssyncadd.s32 $0xFFFFD800  }
0x1d7: {  	[hbm4b:s5+s3] =	stream.linear.scatter [tilespmem:s21], [sflag:$0xD], $0x2800, $0x38;
	[tilespmem:$0x1E680] =	vst v63  }
0x1d8: {  	s23 =	simm.s32 $0xF680;
	s6 =	rddreg [dreg:$0x7]  }
0x1d9: {  	[hbm4b:s6+s3] =	stream.linear.scatter [tilespmem:s23], [sflag:$0x13], $0x2800, $0x38;
	[tilespmem:$0x1E680] =	vst v63  }
0x1da: {  	s15 =	simm.s32 $0xF0;
	s21 =	simm.s32 $0x7E80  }
0x1db: {  	[tilespmem:s21], [sflag:$0x4] =	stream.indirect.gather [hbm4b:s0+s9], $0x80, s15, s9, $0xb8;
	[tilespmem:$0x1E680] =	vst v63  }
0x1dc: {  	s23 =	simm.s32 $0x16E80;
	s6 =	simm.s32 $0x2  }
0x1dd: {  	[tilespmem:s23], [sflag:$0xA] =	stream.indirect.gather [hbm4b:s11+s9], $0x80, s15, s9, $0xb8;
	[tilespmem:$0x1E680] =	vst v63  }
0x1de: {  	_ =	swait.ge [sflag:s6], $0x2800  }
0x1df: {  	[sflag:s6] =	ssyncset.done $0x0  }
0x1e0: {  	s15 =	simm.s32 $0x8;
	[sflag:s6] =	ssyncadd.s32 $0xFFFFD800  }
0x1e1: {  	_ =	swait.ge [sflag:s15], $0x2800  }
0x1e2: {  	[sflag:s15] =	ssyncset.done $0x0  }
0x1e3: {  	s13 =	simm.s32 $0x2E80;
	s24 =	rddreg [dreg:$0x8];
	[sflag:s15] =	ssyncadd.s32 $0xFFFFD800  }
0x1e4: {  	[hbm4b:s24+s3] =	stream.linear.scatter [tilespmem:s13], [sflag:$0xE], $0x2800, $0x38;
	[tilespmem:$0x1E680] =	vst v63  }
0x1e5: {  	s14 =	simm.s32 $0x11E80;
	s29 =	rddreg [dreg:$0x9]  }
0x1e6: {  	[hbm4b:s29+s3] =	stream.linear.scatter [tilespmem:s14], [sflag:$0x14], $0x2800, $0x38;
	[tilespmem:$0x1E680] =	vst v63  }
0x1e7: {  	s30 =	simm.s32 $0x140;
	s31 =	simm.s32 $0xA680  }
0x1e8: {  	[tilespmem:s31], [sflag:$0x5] =	stream.indirect.gather [hbm4b:s0+s9], $0x80, s30, s9, $0xb8;
	[tilespmem:$0x1E680] =	vst v63  }
0x1e9: {  	s4 =	simm.s32 $0x19680;
	s14 =	simm.s32 $0x3  }
0x1ea: {  	[tilespmem:s4], [sflag:$0xB] =	stream.indirect.gather [hbm4b:s11+s9], $0x80, s30, s9, $0xb8;
	[tilespmem:$0x1E680] =	vst v63  }
0x1eb: {  	_ =	swait.ge [sflag:s14], $0x2800  }
0x1ec: {  	[sflag:s14] =	ssyncset.done $0x0  }
0x1ed: {  	[sflag:s14] =	ssyncadd.s32 $0xFFFFD800  }
0x1ee: {  	_ =	swait.ge [sflag:s16], $0x2800  }
0x1ef: {  	[sflag:s16] =	ssyncset.done $0x0  }
0x1f0: {  	s7 =	simm.s32 $0x5680;
	s12 =	rddreg [dreg:$0xa];
	[sflag:s16] =	ssyncadd.s32 $0xFFFFD800  }
0x1f1: {  	[hbm4b:s12+s3] =	stream.linear.scatter [tilespmem:s7], [sflag:$0xF], $0x2800, $0x38;
	[tilespmem:$0x1E680] =	vst v63  }
0x1f2: {  	s22 =	simm.s32 $0x14680;
	s13 =	rddreg [dreg:$0xb]  }
0x1f3: {  	[hbm4b:s13+s3] =	stream.linear.scatter [tilespmem:s22], [sflag:$0x15], $0x2800, $0x38;
	[tilespmem:$0x1E680] =	vst v63  }
0x1f4: {  	s23 =	simm.s32 $0xCE80;
	s22 =	simm.s32 $0x190  }
0x1f5: {  	[tilespmem:s23], [sflag:$0x6] =	stream.indirect.gather [hbm4b:s0+s9], $0x80, s22, s9, $0xb8;
	[tilespmem:$0x1E680] =	vst v63  }
0x1f6: {  	s29 =	simm.s32 $0x1BE80  }
0x1f7: {  	[tilespmem:s29], [sflag:$0xC] =	stream.indirect.gather [hbm4b:s11+s9], $0x80, s22, s9, $0xb8;
	[tilespmem:$0x1E680] =	vst v63  }
0x1f8: {  	s22 =	simm.s32 $0x4  }
0x1f9: {  	_ =	swait.ge [sflag:s22], $0x2800  }
0x1fa: {  	[sflag:s22] =	ssyncset.done $0x0  }
0x1fb: {  	[sflag:s22] =	ssyncadd.s32 $0xFFFFD800  }
0x1fc: {  	_ =	swait.ge [sflag:s26], $0x2800  }
0x1fd: {  	[sflag:s26] =	ssyncset.done $0x0  }
0x1fe: {  	s18 =	simm.s32 $0x7E80;
	s30 =	rddreg [dreg:$0xc];
	[sflag:s26] =	ssyncadd.s32 $0xFFFFD800  }
0x1ff: {  	[hbm4b:s30+s3] =	stream.linear.scatter [tilespmem:s18], [sflag:$0x10], $0x2800, $0x38;
	[tilespmem:$0x1E680] =	vst v63  }
0x200: {  	p1 =	sne.s32 s2, $0x0;
	s21 =	simm.s32 $0x16E80;
	s2 =	rddreg [dreg:$0xd]  }
0x201: {  	[hbm4b:s2+s3] =	stream.linear.scatter [tilespmem:s21], [sflag:$0x16], $0x2800, $0x38;
	[tilespmem:$0x1E680] =	vst v63  }
0x202: {  	_ =	swait.ge [sflag:s25], $0x2800  }
0x203: {  	[sflag:s25] =	ssyncset.done $0x0  }
0x204: {  	s13 =	simm.s32 $0x13;
	[sflag:s25] =	ssyncadd.s32 $0xFFFFD800  }
0x205: {  	_ =	swait.ge [sflag:s13], $0x2800  }
0x206: {  	[sflag:s13] =	ssyncset.done $0x0  }
0x207: {  	s5 =	simm.s32 $0x680;
	s7 =	simm.s32 $0x1E0;
	[sflag:s13] =	ssyncadd.s32 $0xFFFFD800  }
0x208: {  	[tilespmem:s5], [sflag:$0x1] =	stream.indirect.gather [hbm4b:s0+s9], $0x80, s7, s9, $0xb8;
	[tilespmem:$0x1E680] =	vst v63  }
0x209: {  	s1 =	simm.s32 $0xF680  }
0x20a: {  	[tilespmem:s1], [sflag:$0x7] =	stream.indirect.gather [hbm4b:s11+s9], $0x80, s7, s9, $0xb8;
	[tilespmem:$0x1E680] =	vst v63  }
0x20b: {  	_ =	swait.ge [sflag:s28], $0x2800  }
0x20c: {  	[sflag:s28] =	ssyncset.done $0x0  }
0x20d: {  	[sflag:s28] =	ssyncadd.s32 $0xFFFFD800  }
0x20e: {  	_ =	swait.ge [sflag:s17], $0x2800  }
0x20f: {  	[sflag:s17] =	ssyncset.done $0x0  }
0x210: {  	s24 =	simm.s32 $0xA680;
	s12 =	rddreg [dreg:$0xe];
	[sflag:s17] =	ssyncadd.s32 $0xFFFFD800  }
0x211: {  	[hbm4b:s12+s3] =	stream.linear.scatter [tilespmem:s24], [sflag:$0x11], $0x2800, $0x38;
	[tilespmem:$0x1E680] =	vst v63  }
0x212: {  	s4 =	simm.s32 $0x19680;
	s21 =	simm.s32 $0xE;
	s18 =	rddreg [dreg:$0xf]  }
0x213: {  	[hbm4b:s18+s3] =	stream.linear.scatter [tilespmem:s4], [sflag:$0x17], $0x2800, $0x38;
	[tilespmem:$0x1E680] =	vst v63  }
0x214: {  	_ =	swait.ge [sflag:s21], $0x2800  }
0x215: {  	[sflag:s21] =	ssyncset.done $0x0  }
0x216: {  	s24 =	simm.s32 $0x14;
	[sflag:s21] =	ssyncadd.s32 $0xFFFFD800  }
0x217: {  	_ =	swait.ge [sflag:s24], $0x2800  }
0x218: {  	[sflag:s24] =	ssyncset.done $0x0  }
0x219: {  	s5 =	simm.s32 $0x2E80;
	s1 =	simm.s32 $0x230;
	[sflag:s24] =	ssyncadd.s32 $0xFFFFD800  }
0x21a: {  	[tilespmem:s5], [sflag:$0x2] =	stream.indirect.gather [hbm4b:s0+s9], $0x80, s1, s9, $0xb8;
	[tilespmem:$0x1E680] =	vst v63  }
0x21b: {  	s21 =	simm.s32 $0x6;
	s24 =	simm.s32 $0x11E80  }
0x21c: {  	[tilespmem:s24], [sflag:$0x8] =	stream.indirect.gather [hbm4b:s11+s9], $0x80, s1, s9, $0xb8;
	[tilespmem:$0x1E680] =	vst v63  }
0x21d: {  	_ =	swait.ge [sflag:s21], $0x2800  }
0x21e: {  	[sflag:s21] =	ssyncset.done $0x0  }
0x21f: {  	s18 =	simm.s32 $0xC;
	[sflag:s21] =	ssyncadd.s32 $0xFFFFD800  }
0x220: {  	_ =	swait.ge [sflag:s18], $0x2800  }
0x221: {  	[sflag:s18] =	ssyncset.done $0x0  }
0x222: {  	s31 =	simm.s32 $0xCE80;
	s2 =	rddreg [dreg:$0x10];
	[sflag:s18] =	ssyncadd.s32 $0xFFFFD800  }
0x223: {  	[hbm4b:s2+s3] =	stream.linear.scatter [tilespmem:s31], [sflag:$0x12], $0x2800, $0x38;
	[tilespmem:$0x1E680] =	vst v63  }
0x224: {  	s23 =	simm.s32 $0x1BE80;
	s4 =	rddreg [dreg:$0x11]  }
0x225: {  	[hbm4b:s4+s3] =	stream.linear.scatter [tilespmem:s23], [sflag:$0x18], $0x2800, $0x38;
	[tilespmem:$0x1E680] =	vst v63  }
0x226: {  	s23 =	simm.s32 $0xF  }
0x227: {  	_ =	swait.ge [sflag:s23], $0x2800  }
0x228: {  	[sflag:s23] =	ssyncset.done $0x0  }
0x229: {  	s31 =	simm.s32 $0x15;
	[sflag:s23] =	ssyncadd.s32 $0xFFFFD800  }
0x22a: {  	_ =	swait.ge [sflag:s31], $0x2800  }
0x22b: {  	[sflag:s31] =	ssyncset.done $0x0  }
0x22c: {  	s1 =	simm.s32 $0x280;
	s2 =	simm.s32 $0x5680;
	[sflag:s31] =	ssyncadd.s32 $0xFFFFD800  }
0x22d: {  	[tilespmem:s2], [sflag:$0x3] =	stream.indirect.gather [hbm4b:s0+s9], $0x80, s1, s9, $0xb8;
	[tilespmem:$0x1E680] =	vst v63  }
0x22e: {  	s4 =	simm.s32 $0x14680  }
0x22f: {  	[tilespmem:s4], [sflag:$0x9] =	stream.indirect.gather [hbm4b:s11+s9], $0x80, s1, s9, $0xb8;
	[tilespmem:$0x1E680] =	vst v63  }
0x230: {  	_ =	swait.ge [sflag:s19], $0x2800  }
0x231: {  	[sflag:s19] =	ssyncset.done $0x0  }
0x232: {  	[sflag:s19] =	ssyncadd.s32 $0xFFFFD800  }
0x233: {  	_ =	swait.ge [sflag:s20], $0x2800  }
0x234: {  	[sflag:s20] =	ssyncset.done $0x0  }
0x235: {  	s29 =	simm.s32 $0x680;
	s12 =	rddreg [dreg:$0x12];
	[sflag:s20] =	ssyncadd.s32 $0xFFFFD800  }
0x236: {  	[hbm4b:s12+s3] =	stream.linear.scatter [tilespmem:s29], [sflag:$0xD], $0x2800, $0x38;
	[tilespmem:$0x1E680] =	vst v63  }
0x237: {  	s7 =	simm.s32 $0xF680;
	s31 =	simm.s32 $0x10;
	s23 =	rddreg [dreg:$0x13]  }
0x238: {  	[hbm4b:s23+s3] =	stream.linear.scatter [tilespmem:s7], [sflag:$0x13], $0x2800, $0x38;
	[tilespmem:$0x1E680] =	vst v63  }
0x239: {  	_ =	swait.ge [sflag:s31], $0x2800  }
0x23a: {  	[sflag:s31] =	ssyncset.done $0x0  }
0x23b: {  	s23 =	simm.s32 $0x16;
	[sflag:s31] =	ssyncadd.s32 $0xFFFFD800  }
0x23c: {  	_ =	swait.ge [sflag:s23], $0x2800  }
0x23d: {  	[sflag:s23] =	ssyncset.done $0x0  }
0x23e: {  	s1 =	simm.s32 $0x7E80;
	s29 =	simm.s32 $0x2D0;
	[sflag:s23] =	ssyncadd.s32 $0xFFFFD800  }
0x23f: {  	[tilespmem:s1], [sflag:$0x4] =	stream.indirect.gather [hbm4b:s0+s9], $0x80, s29, s9, $0xb8;
	[tilespmem:$0x1E680] =	vst v63  }
0x240: {  	s7 =	simm.s32 $0x16E80  }
0x241: {  	[tilespmem:s7], [sflag:$0xA] =	stream.indirect.gather [hbm4b:s11+s9], $0x80, s29, s9, $0xb8;
	[tilespmem:$0x1E680] =	vst v63  }
0x242: {  	_ =	swait.ge [sflag:s6], $0x2800  }
0x243: {  	[sflag:s6] =	ssyncset.done $0x0  }
0x244: {  	[sflag:s6] =	ssyncadd.s32 $0xFFFFD800  }
0x245: {  	_ =	swait.ge [sflag:s15], $0x2800  }
0x246: {  	[sflag:s15] =	ssyncset.done $0x0  }
0x247: {  	s12 =	rddreg [dreg:$0x14];
	[sflag:s15] =	ssyncadd.s32 $0xFFFFD800  }
0x248: {  	[hbm4b:s12+s3] =	stream.linear.scatter [tilespmem:s5], [sflag:$0xE], $0x2800, $0x38;
	[tilespmem:$0x1E680] =	vst v63  }
0x249: {  	s29 =	rddreg [dreg:$0x15]  }
0x24a: {  	[hbm4b:s29+s3] =	stream.linear.scatter [tilespmem:s24], [sflag:$0x14], $0x2800, $0x38;
	[tilespmem:$0x1E680] =	vst v63  }
0x24b: {  	s24 =	simm.s32 $0x11  }
0x24c: {  	_ =	swait.ge [sflag:s24], $0x2800  }
0x24d: {  	[sflag:s24] =	ssyncset.done $0x0  }
0x24e: {  	s29 =	simm.s32 $0x17;
	[sflag:s24] =	ssyncadd.s32 $0xFFFFD800  }
0x24f: {  	_ =	swait.ge [sflag:s29], $0x2800  }
0x250: {  	[sflag:s29] =	ssyncset.done $0x0  }
0x251: {  	s10 =	simm.s32 $0x320;
	s12 =	simm.s32 $0xA680;
	[sflag:s29] =	ssyncadd.s32 $0xFFFFD800  }
0x252: {  	[tilespmem:s12], [sflag:$0x5] =	stream.indirect.gather [hbm4b:s0+s9], $0x80, s10, s9, $0xb8;
	[tilespmem:$0x1E680] =	vst v63  }
0x253: {  	s30 =	simm.s32 $0x19680  }
0x254: {  	[tilespmem:s30], [sflag:$0xB] =	stream.indirect.gather [hbm4b:s11+s9], $0x80, s10, s9, $0xb8;
	[tilespmem:$0x1E680] =	vst v63  }
0x255: {  	_ =	swait.ge [sflag:s14], $0x2800  }
0x256: {  	[sflag:s14] =	ssyncset.done $0x0  }
0x257: {  	[sflag:s14] =	ssyncadd.s32 $0xFFFFD800  }
0x258: {  	_ =	swait.ge [sflag:s16], $0x2800  }
0x259: {  	[sflag:s16] =	ssyncset.done $0x0  }
0x25a: {  	s30 =	rddreg [dreg:$0x16];
	[sflag:s16] =	ssyncadd.s32 $0xFFFFD800  }
0x25b: {  	[hbm4b:s30+s3] =	stream.linear.scatter [tilespmem:s2], [sflag:$0xF], $0x2800, $0x38;
	[tilespmem:$0x1E680] =	vst v63  }
0x25c: {  	s5 =	rddreg [dreg:$0x17];
	s30 =	simm.s32 $0x12  }
0x25d: {  	[hbm4b:s5+s3] =	stream.linear.scatter [tilespmem:s4], [sflag:$0x15], $0x2800, $0x38;
	[tilespmem:$0x1E680] =	vst v63  }
0x25e: {  	_ =	swait.ge [sflag:s30], $0x2800  }
0x25f: {  	[sflag:s30] =	ssyncset.done $0x0  }
0x260: {  	[sflag:s30] =	ssyncadd.s32 $0xFFFFD800  }
0x261: {  	_ =	swait.ge [sflag:s8], $0x2800  }
0x262: {  	[sflag:s8] =	ssyncset.done $0x0  }
0x263: {  	s12 =	simm.s32 $0x370;
	[sflag:s8] =	ssyncadd.s32 $0xFFFFD800;
	s8 =	simm.s32 $0xCE80  }
0x264: {  	[tilespmem:s8], [sflag:$0x6] =	stream.indirect.gather [hbm4b:s0+s9], $0x80, s12, s9, $0xb8;
	[tilespmem:$0x1E680] =	vst v63  }
0x265: {  	s5 =	simm.s32 $0x1BE80  }
0x266: {  	[tilespmem:s5], [sflag:$0xC] =	stream.indirect.gather [hbm4b:s11+s9], $0x80, s12, s9, $0xb8;
	[tilespmem:$0x1E680] =	vst v63  }
0x267: {  	_ =	swait.ge [sflag:s22], $0x2800  }
0x268: {  	[sflag:s22] =	ssyncset.done $0x0  }
0x269: {  	[sflag:s22] =	ssyncadd.s32 $0xFFFFD800  }
0x26a: {  	_ =	swait.ge [sflag:s26], $0x2800  }
0x26b: {  	[sflag:s26] =	ssyncset.done $0x0  }
0x26c: {  	s2 =	rddreg [dreg:$0x18];
	[sflag:s26] =	ssyncadd.s32 $0xFFFFD800  }
0x26d: {  	[hbm4b:s2+s3] =	stream.linear.scatter [tilespmem:s1], [sflag:$0x10], $0x2800, $0x38;
	[tilespmem:$0x1E680] =	vst v63  }
0x26e: {  	s10 =	simm.s32 $0x16E80;
	s4 =	rddreg [dreg:$0x19]  }
0x26f: {  	[hbm4b:s4+s3] =	stream.linear.scatter [tilespmem:s10], [sflag:$0x16], $0x2800, $0x38;
	[tilespmem:$0x1E680] =	vst v63  }
0x270: {  	_ =	swait.ge [sflag:s25], $0x2800  }
0x271: {  	[sflag:s25] =	ssyncset.done $0x0  }
0x272: {  	[sflag:s25] =	ssyncadd.s32 $0xFFFFD800  }
0x273: {  	_ =	swait.ge [sflag:s13], $0x2800  }
0x274: {  	[sflag:s13] =	ssyncset.done $0x0  }
0x275: {  	s1 =	simm.s32 $0x3C0;
	s4 =	simm.s32 $0x680;
	[sflag:s13] =	ssyncadd.s32 $0xFFFFD800  }
0x276: {  	[tilespmem:s4], [sflag:$0x1] =	stream.indirect.gather [hbm4b:s0+s9], $0x80, s1, s9, $0xb8;
	[tilespmem:$0x1E680] =	vst v63  }
0x277: {  	s2 =	simm.s32 $0xF680  }
0x278: {  	[tilespmem:s2], [sflag:$0x7] =	stream.indirect.gather [hbm4b:s11+s9], $0x80, s1, s9, $0xb8;
	[tilespmem:$0x1E680] =	vst v63  }
0x279: {  	_ =	swait.ge [sflag:s28], $0x2800  }
0x27a: {  	[sflag:s28] =	ssyncset.done $0x0  }
0x27b: {  	[sflag:s28] =	ssyncadd.s32 $0xFFFFD800  }
0x27c: {  	_ =	swait.ge [sflag:s17], $0x2800  }
0x27d: {  	[sflag:s17] =	ssyncset.done $0x0  }
0x27e: {  	s1 =	simm.s32 $0xA680;
	s10 =	rddreg [dreg:$0x1a];
	[sflag:s17] =	ssyncadd.s32 $0xFFFFD800  }
0x27f: {  	[hbm4b:s10+s3] =	stream.linear.scatter [tilespmem:s1], [sflag:$0x11], $0x2800, $0x38;
	[tilespmem:$0x1E680] =	vst v63  }
0x280: {  	s12 =	rddreg [dreg:$0x1b];
	s10 =	simm.s32 $0x19680  }
0x281: {  	[hbm4b:s12+s3] =	stream.linear.scatter [tilespmem:s10], [sflag:$0x17], $0x2800, $0x38;
	[tilespmem:$0x1E680] =	vst v63  }
0x282: {  	s10 =	simm.s32 $0xE  }
0x283: {  	_ =	swait.ge [sflag:s10], $0x2800  }
0x284: {  	[sflag:s10] =	ssyncset.done $0x0  }
0x285: {  	s12 =	simm.s32 $0x14;
	[sflag:s10] =	ssyncadd.s32 $0xFFFFD800  }
0x286: {  	_ =	swait.ge [sflag:s12], $0x2800  }
0x287: {  	[sflag:s12] =	ssyncset.done $0x0  }
0x288: {  	s7 =	simm.s32 $0x2E80;
	s1 =	simm.s32 $0x410;
	[sflag:s12] =	ssyncadd.s32 $0xFFFFD800  }
0x289: {  	[tilespmem:s7], [sflag:$0x2] =	stream.indirect.gather [hbm4b:s0+s9], $0x80, s1, s9, $0xb8;
	[tilespmem:$0x1E680] =	vst v63  }
0x28a: {  	s12 =	simm.s32 $0x11E80  }
0x28b: {  	[tilespmem:s12], [sflag:$0x8] =	stream.indirect.gather [hbm4b:s11+s9], $0x80, s1, s9, $0xb8;
	[tilespmem:$0x1E680] =	vst v63  }
0x28c: {  	_ =	swait.ge [sflag:s21], $0x2800  }
0x28d: {  	[sflag:s21] =	ssyncset.done $0x0  }
0x28e: {  	[sflag:s21] =	ssyncadd.s32 $0xFFFFD800  }
0x28f: {  	_ =	swait.ge [sflag:s18], $0x2800  }
0x290: {  	[sflag:s18] =	ssyncset.done $0x0  }
0x291: {  	s1 =	rddreg [dreg:$0x1c];
	[sflag:s18] =	ssyncadd.s32 $0xFFFFD800  }
0x292: {  	[hbm4b:s1+s3] =	stream.linear.scatter [tilespmem:s8], [sflag:$0x12], $0x2800, $0x38;
	[tilespmem:$0x1E680] =	vst v63  }
0x293: {  	s7 =	rddreg [dreg:$0x1d];
	s8 =	simm.s32 $0xF  }
0x294: {  	[hbm4b:s7+s3] =	stream.linear.scatter [tilespmem:s5], [sflag:$0x18], $0x2800, $0x38;
	[tilespmem:$0x1E680] =	vst v63  }
0x295: {  	_ =	swait.ge [sflag:s8], $0x2800  }
0x296: {  	[sflag:s8] =	ssyncset.done $0x0  }
0x297: {  	s10 =	simm.s32 $0x15;
	[sflag:s8] =	ssyncadd.s32 $0xFFFFD800  }
0x298: {  	_ =	swait.ge [sflag:s10], $0x2800  }
0x299: {  	[sflag:s10] =	ssyncset.done $0x0  }
0x29a: {  	s12 =	simm.s32 $0x460;
	s5 =	simm.s32 $0x5680;
	[sflag:s10] =	ssyncadd.s32 $0xFFFFD800  }
0x29b: {  	[tilespmem:s5], [sflag:$0x3] =	stream.indirect.gather [hbm4b:s0+s9], $0x80, s12, s9, $0xb8;
	[tilespmem:$0x1E680] =	vst v63  }
0x29c: {  	s7 =	simm.s32 $0x14680  }
0x29d: {  	[tilespmem:s7], [sflag:$0x9] =	stream.indirect.gather [hbm4b:s11+s9], $0x80, s12, s9, $0xb8;
	[tilespmem:$0x1E680] =	vst v63  }
0x29e: {  	_ =	swait.ge [sflag:s19], $0x2800  }
0x29f: {  	[sflag:s19] =	ssyncset.done $0x0  }
0x2a0: {  	[sflag:s19] =	ssyncadd.s32 $0xFFFFD800  }
0x2a1: {  	_ =	swait.ge [sflag:s20], $0x2800  }
0x2a2: {  	[sflag:s20] =	ssyncset.done $0x0  }
0x2a3: {  	s1 =	rddreg [dreg:$0x1e];
	[sflag:s20] =	ssyncadd.s32 $0xFFFFD800  }
0x2a4: {  	[hbm4b:s1+s3] =	stream.linear.scatter [tilespmem:s4], [sflag:$0xD], $0x2800, $0x38;
	[tilespmem:$0x1E680] =	vst v63  }
0x2a5: {  	s8 =	rddreg [dreg:$0x1f]  }
0x2a6: {  	[hbm4b:s8+s3] =	stream.linear.scatter [tilespmem:s2], [sflag:$0x13], $0x2800, $0x38;
	[tilespmem:$0x1E680] =	vst v63  }
0x2a7: {  	_ =	swait.ge [sflag:s31], $0x2800  }
0x2a8: {  	[sflag:s31] =	ssyncset.done $0x0  }
0x2a9: {  	[sflag:s31] =	ssyncadd.s32 $0xFFFFD800  }
0x2aa: {  	_ =	swait.ge [sflag:s23], $0x2800  }
0x2ab: {  	[sflag:s23] =	ssyncset.done $0x0  }
0x2ac: {  	s12 =	simm.s32 $0x4B0;
	s2 =	simm.s32 $0x7E80;
	[sflag:s23] =	ssyncadd.s32 $0xFFFFD800  }
0x2ad: {  	[tilespmem:s2], [sflag:$0x4] =	stream.indirect.gather [hbm4b:s0+s9], $0x80, s12, s9, $0xb8;
	[tilespmem:$0x1E680] =	vst v63  }
0x2ae: {  	s1 =	simm.s32 $0x16E80  }
0x2af: {  	[tilespmem:s1], [sflag:$0xA] =	stream.indirect.gather [hbm4b:s11+s9], $0x80, s12, s9, $0xb8;
	[tilespmem:$0x1E680] =	vst v63  }
0x2b0: {  	_ =	swait.ge [sflag:s6], $0x2800  }
0x2b1: {  	[sflag:s6] =	ssyncset.done $0x0  }
0x2b2: {  	[sflag:s6] =	ssyncadd.s32 $0xFFFFD800  }
0x2b3: {  	_ =	swait.ge [sflag:s15], $0x2800  }
0x2b4: {  	s4 =	sld [smem:$0x7EF]  }
0x2b5: {  	[sflag:s15] =	ssyncset.done $0x0  }
0x2b6: {  	s8 =	simm.s32 $0x2E80;
	s6 =	sld [smem:$0x7F0];
	[sflag:s15] =	ssyncadd.s32 $0xFFFFD800  }
0x2b7: {  	[hbm4b:s4+s3] =	stream.linear.scatter [tilespmem:s8], [sflag:$0xE], $0x2800, $0x38;
	[tilespmem:$0x1E680] =	vst v63  }
0x2b8: {  	s10 =	simm.s32 $0x11E80  }
0x2b9: {  	[hbm4b:s6+s3] =	stream.linear.scatter [tilespmem:s10], [sflag:$0x14], $0x2800, $0x38;
	[tilespmem:$0x1E680] =	vst v63  }
0x2ba: {  	_ =	swait.ge [sflag:s24], $0x2800  }
0x2bb: {  	[sflag:s24] =	ssyncset.done $0x0  }
0x2bc: {  	[sflag:s24] =	ssyncadd.s32 $0xFFFFD800  }
0x2bd: {  	_ =	swait.ge [sflag:s29], $0x2800  }
0x2be: {  	[sflag:s29] =	ssyncset.done $0x0  }
0x2bf: {  	s12 =	simm.s32 $0x500;
	s4 =	simm.s32 $0xA680;
	[sflag:s29] =	ssyncadd.s32 $0xFFFFD800  }
0x2c0: {  	[tilespmem:s4], [sflag:$0x5] =	stream.indirect.gather [hbm4b:s0+s9], $0x80, s12, s9, $0xb8;
	[tilespmem:$0x1E680] =	vst v63  }
0x2c1: {  	s8 =	simm.s32 $0x19680  }
0x2c2: {  	[tilespmem:s8], [sflag:$0xB] =	stream.indirect.gather [hbm4b:s11+s9], $0x80, s12, s9, $0xb8;
	[tilespmem:$0x1E680] =	vst v63  }
0x2c3: {  	_ =	swait.ge [sflag:s14], $0x2800  }
0x2c4: {  	[sflag:s14] =	ssyncset.done $0x0  }
0x2c5: {  	[sflag:s14] =	ssyncadd.s32 $0xFFFFD800  }
0x2c6: {  	_ =	swait.ge [sflag:s16], $0x2800  }
0x2c7: {  	s14 =	sld [smem:$0x7F1]  }
0x2c8: {  	[sflag:s16] =	ssyncset.done $0x0  }
0x2c9: {  	s15 =	sld [smem:$0x7F2];
	[sflag:s16] =	ssyncadd.s32 $0xFFFFD800  }
0x2ca: {  	[hbm4b:s14+s3] =	stream.linear.scatter [tilespmem:s5], [sflag:$0xF], $0x2800, $0x38;
	[tilespmem:$0x1E680] =	vst v63  }
0x2cb: {  	_ = 	snop  }
0x2cc: {  	[hbm4b:s15+s3] =	stream.linear.scatter [tilespmem:s7], [sflag:$0x15], $0x2800, $0x38;
	[tilespmem:$0x1E680] =	vst v63  }
0x2cd: {  	_ =	swait.ge [sflag:s30], $0x2800  }
0x2ce: {  	[sflag:s30] =	ssyncset.done $0x0  }
0x2cf: {  	s5 =	simm.s32 $0x18;
	[sflag:s30] =	ssyncadd.s32 $0xFFFFD800  }
0x2d0: {  	_ =	swait.ge [sflag:s5], $0x2800  }
0x2d1: {  	[sflag:s5] =	ssyncset.done $0x0  }
0x2d2: {  	s10 =	simm.s32 $0xCE80;
	s7 =	simm.s32 $0x550;
	[sflag:s5] =	ssyncadd.s32 $0xFFFFD800  }
0x2d3: {  	[tilespmem:s10], [sflag:$0x6] =	stream.indirect.gather [hbm4b:s0+s9], $0x80, s7, s9, $0xb8;
	[tilespmem:$0x1E680] =	vst v63  }
0x2d4: {  	s12 =	simm.s32 $0x1BE80  }
0x2d5: {  	[tilespmem:s12], [sflag:$0xC] =	stream.indirect.gather [hbm4b:s11+s9], $0x80, s7, s9, $0xb8;
	[tilespmem:$0x1E680] =	vst v63  }
0x2d6: {  	_ =	swait.ge [sflag:s22], $0x2800  }
0x2d7: {  	[sflag:s22] =	ssyncset.done $0x0  }
0x2d8: {  	[sflag:s22] =	ssyncadd.s32 $0xFFFFD800  }
0x2d9: {  	_ =	swait.ge [sflag:s26], $0x2800  }
0x2da: {  	s6 =	sld [smem:$0x7F3]  }
0x2db: {  	[sflag:s26] =	ssyncset.done $0x0  }
0x2dc: {  	s7 =	sld [smem:$0x7F4];
	[sflag:s26] =	ssyncadd.s32 $0xFFFFD800  }
0x2dd: {  	[hbm4b:s6+s3] =	stream.linear.scatter [tilespmem:s2], [sflag:$0x10], $0x2800, $0x38;
	[tilespmem:$0x1E680] =	vst v63  }
0x2de: {  	_ = 	snop  }
0x2df: {  	[hbm4b:s7+s3] =	stream.linear.scatter [tilespmem:s1], [sflag:$0x16], $0x2800, $0x38;
	[tilespmem:$0x1E680] =	vst v63  }
0x2e0: {  	_ =	swait.ge [sflag:s25], $0x2800  }
0x2e1: {  	[sflag:s25] =	ssyncset.done $0x0  }
0x2e2: {  	[sflag:s25] =	ssyncadd.s32 $0xFFFFD800  }
0x2e3: {  	_ =	swait.ge [sflag:s13], $0x2800  }
0x2e4: {  	[sflag:s13] =	ssyncset.done $0x0  }
0x2e5: {  	s22 =	simm.s32 $0x5A0;
	s7 =	simm.s32 $0x680;
	[sflag:s13] =	ssyncadd.s32 $0xFFFFD800  }
0x2e6: {  	[tilespmem:s7], [sflag:$0x1] =	stream.indirect.gather [hbm4b:s0+s9], $0x80, s22, s9, $0xb8;
	[tilespmem:$0x1E680] =	vst v63  }
0x2e7: {  	s2 =	simm.s32 $0xF680  }
0x2e8: {  	[tilespmem:s2], [sflag:$0x7] =	stream.indirect.gather [hbm4b:s11+s9], $0x80, s22, s9, $0xb8;
	[tilespmem:$0x1E680] =	vst v63  }
0x2e9: {  	_ =	swait.ge [sflag:s28], $0x2800  }
0x2ea: {  	[sflag:s28] =	ssyncset.done $0x0  }
0x2eb: {  	[sflag:s28] =	ssyncadd.s32 $0xFFFFD800  }
0x2ec: {  	_ =	swait.ge [sflag:s17], $0x2800  }
0x2ed: {  	s1 =	sld [smem:$0x7F5]  }
0x2ee: {  	[sflag:s17] =	ssyncset.done $0x0  }
0x2ef: {  	s6 =	sld [smem:$0x7F6];
	[sflag:s17] =	ssyncadd.s32 $0xFFFFD800  }
0x2f0: {  	[hbm4b:s1+s3] =	stream.linear.scatter [tilespmem:s4], [sflag:$0x11], $0x2800, $0x38;
	[tilespmem:$0x1E680] =	vst v63  }
0x2f1: {  	s1 =	simm.s32 @!p0 $0xE  }
0x2f2: {  	[hbm4b:s6+s3] =	stream.linear.scatter [tilespmem:s8], [sflag:$0x17], $0x2800, $0x38;
	[tilespmem:$0x1E680] =	vst v63  }
0x2f3: {  	_ =	swait.ge @!p0 [sflag:s1], $0x2800  }
0x2f4: {  	[sflag:s1] =	ssyncset.done @!p0 $0x0  }
0x2f5: {  	[sflag:s1] =	ssyncadd.s32 @!p0 $0xFFFFD800;
	s1 =	simm.s32 @!p0 $0x14  }
0x2f6: {  	_ =	swait.ge @!p0 [sflag:s1], $0x2800  }
0x2f7: {  	s6 =	simm.s32 @!p0 $0x2E80;
	[sflag:s1] =	ssyncset.done @!p0 $0x0  }
0x2f8: {  	s8 =	simm.s32 @!p0 $0x5F0;
	[sflag:s1] =	ssyncadd.s32 @!p0 $0xFFFFD800;
	s1 =	simm.s32 @!p0 $0x50  }
0x2f9: {  	[tilespmem:s6], [sflag:$0x2] =	stream.indirect.gather @!p0 [hbm4b:s0+s1], $0x80, s8, s1, $0xb8;
	[tilespmem:$0x1E680] =	vst v63  }
0x2fa: {  	s0 =	simm.s32 @!p0 $0x11E80  }
0x2fb: {  	[tilespmem:s0], [sflag:$0x8] =	stream.indirect.gather @!p0 [hbm4b:s11+s1], $0x80, s8, s1, $0xb8;
	[tilespmem:$0x1E680] =	vst v63  }
0x2fc: {  	_ =	swait.ge [sflag:s21], $0x2800  }
0x2fd: {  	[sflag:s21] =	ssyncset.done $0x0  }
0x2fe: {  	[sflag:s21] =	ssyncadd.s32 $0xFFFFD800  }
0x2ff: {  	_ =	swait.ge [sflag:s18], $0x2800  }
0x300: {  	s22 =	sld [smem:$0x7F7]  }
0x301: {  	[sflag:s18] =	ssyncset.done $0x0  }
0x302: {  	s15 =	simm.s32 $0xCE80;
	s1 =	sld [smem:$0x7F8];
	[sflag:s18] =	ssyncadd.s32 $0xFFFFD800  }
0x303: {  	[hbm4b:s22+s3] =	stream.linear.scatter [tilespmem:s15], [sflag:$0x12], $0x2800, $0x38;
	[tilespmem:$0x1E680] =	vst v63  }
0x304: {  	s5 =	simm.s32 $0x1BE80  }
0x305: {  	[hbm4b:s1+s3] =	stream.linear.scatter [tilespmem:s5], [sflag:$0x18], $0x2800, $0x38;
	[tilespmem:$0x1E680] =	vst v63  }
0x306: {  	_ =	swait.ge [sflag:s19], $0x2800  }
0x307: {  	[sflag:s19] =	ssyncset.done $0x0  }
0x308: {  	[sflag:s19] =	ssyncadd.s32 $0xFFFFD800  }
0x309: {  	_ =	swait.ge [sflag:s20], $0x2800  }
0x30a: {  	s4 =	sld [smem:$0x7F9]  }
0x30b: {  	[sflag:s20] =	ssyncset.done $0x0  }
0x30c: {  	s5 =	sld [smem:$0x7FA];
	[sflag:s20] =	ssyncadd.s32 $0xFFFFD800  }
0x30d: {  	[hbm4b:s4+s3] =	stream.linear.scatter [tilespmem:s7], [sflag:$0xD], $0x2800, $0x38;
	[tilespmem:$0x1E680] =	vst v63  }
0x30e: {  	s1 =	simm.s32 @!p0 $0x2  }
0x30f: {  	[hbm4b:s5+s3] =	stream.linear.scatter [tilespmem:s2], [sflag:$0x13], $0x2800, $0x38;
	[tilespmem:$0x1E680] =	vst v63  }
0x310: {  	_ =	swait.ge @!p0 [sflag:s1], $0x2800  }
0x311: {  	[sflag:s1] =	ssyncset.done @!p0 $0x0  }
0x312: {  	[sflag:s1] =	ssyncadd.s32 @!p0 $0xFFFFD800;
	s1 =	simm.s32 @!p0 $0x8  }
0x313: {  	_ =	swait.ge @!p0 [sflag:s1], $0x2800  }
0x314: {  	s10 =	sld [smem:$0x7FB]  }
0x315: {  	[sflag:s1] =	ssyncset.done @!p0 $0x0  }
0x316: {  	s12 =	sld [smem:$0x7FC];
	[sflag:s1] =	ssyncadd.s32 @!p0 $0xFFFFD800;
	s1 =	simm.s32 @!p0 $0x0  }
0x317: {  	[hbm4b:s10+s1] =	stream.linear.scatter @!p0 [tilespmem:s6], [sflag:$0xE], $0x2800, $0x38;
	[tilespmem:$0x1E680] =	vst v63  }
0x318: {  	_ = 	snop  }
0x319: {  	[hbm4b:s12+s1] =	stream.linear.scatter @!p0 [tilespmem:s0], [sflag:$0x14], $0x2800, $0x38;
	[tilespmem:$0x1E680] =	vst v63  }
0x31a: {  	_ =	swait.ge [sflag:s25], $0x2800  }
0x31b: {  	[sflag:s25] =	ssyncset.done $0x0  }
0x31c: {  	[sflag:s25] =	ssyncadd.s32 $0xFFFFD800  }
0x31d: {  	_ =	swait.ge [sflag:s13], $0x2800  }
0x31e: {  	[sflag:s13] =	ssyncset.done $0x0  }
0x31f: {  	s8 =	simm.s32 $0xE;
	[sflag:s13] =	ssyncadd.s32 $0xFFFFD800  }
0x320: {  	s2 =	sld [smem:$0x7ED];
	_ =	swait.ge [sflag:s8], $0x2800  }
0x321: {  	s10 =	simm.s32 $0xE;
	[sflag:s8] =	ssyncset.done $0x0  }
0x322: {  	s12 =	simm.s32 $0x14;
	[sflag:s10] =	ssyncadd.s32 $0xFFFFD800  }
0x323: {  	_ =	swait.ge [sflag:s12], $0x2800  }
0x324: {  	s13 =	simm.s32 $0x14;
	[sflag:s12] =	ssyncset.done $0x0  }
0x325: {  	s15 =	simm.s32 $0xF;
	[sflag:s13] =	ssyncadd.s32 $0xFFFFD800  }
0x326: {  	_ =	swait.ge [sflag:s15], $0x2800  }
0x327: {  	s18 =	simm.s32 $0xF;
	[sflag:s15] =	ssyncset.done $0x0  }
0x328: {  	s21 =	simm.s32 $0x15;
	[sflag:s18] =	ssyncadd.s32 $0xFFFFD800  }
0x329: {  	_ =	swait.ge [sflag:s21], $0x2800  }
0x32a: {  	s22 =	simm.s32 $0x15;
	[sflag:s21] =	ssyncset.done $0x0  }
0x32b: {  	[sflag:s22] =	ssyncadd.s32 $0xFFFFD800  }
0x32c: {  	_ =	swait.ge [sflag:s31], $0x2800  }
0x32d: {  	[sflag:s31] =	ssyncset.done $0x0  }
0x32e: {  	[sflag:s31] =	ssyncadd.s32 $0xFFFFD800  }
0x32f: {  	_ =	swait.ge [sflag:s23], $0x2800  }
0x330: {  	[sflag:s23] =	ssyncset.done $0x0  }
0x331: {  	[sflag:s23] =	ssyncadd.s32 $0xFFFFD800  }
0x332: {  	_ =	swait.ge [sflag:s24], $0x2800  }
0x333: {  	[sflag:s24] =	ssyncset.done $0x0  }
0x334: {  	[sflag:s24] =	ssyncadd.s32 $0xFFFFD800  }
0x335: {  	_ =	swait.ge [sflag:s29], $0x2800  }
0x336: {  	[sflag:s29] =	ssyncset.done $0x0  }
0x337: {  	[sflag:s29] =	ssyncadd.s32 $0xFFFFD800  }
.Ltmp1:
0x338: {  	_ =	swait.ge [sflag:s30], $0x2800;
	(pc) =	sbr.rel @p1 .LBB2_2-.Ltmp1, $4  }
0x339: {  	[sflag:s30] =	ssyncset.done $0x0  }
0x33a: {  	s14 =	simm.s32 $0x18;
	[sflag:s30] =	ssyncadd.s32 $0xFFFFD800  }
0x33b: {  	_ =	swait.ge [sflag:s14], $0x2800  }
0x33c: {  	s0 =	simm.s32 $0x18;
	[sflag:s14] =	ssyncset.done $0x0  }
.LBB2_3:
0x33d: {  	[sflag:s0] =	ssyncadd.s32 $0xFFFFD800  }
0x33e: {  	_ =	sfence.sel $0x180000  }
0x33f: {  	[bflag:$0x0] =	sbarrier.arrive $0xFFFF  }
0x340: {  	_ =	strace $0x90000047  }
0x341: {  	s31 =	stileid.u32;
	[bflag:$0x2] =	sbarrier.arrive $0xFFFF  }
0x342: {  	p0 =	sne.s32 s31, $0x0;
	s0 =	rddreg [dreg:$0x4]  }
0x343: {  	s0 =	sadd.s32 @!p0 $0x100000, s0  }
0x344: {  	[sflag:s0] =	ssyncadd.tile.s32 @!p0 $0x1;
	_ =	shalt  }
.Lfunc_end2:
_tile_overlayer_lowered:
.L_overlay_start_2:
0x345: {  	(tag) =	ssettag $0x2  }
0x346: {  	s0 =	rddreg [dreg:$0x0];
	s2 =	stileid.u32  }
0x347: {  	s1 =	rddreg [dreg:$0x1];
	p0 =	sne.s32 s2, $0x0  }
0x348: {  	s3 =	rddreg [dreg:$0x2];
	[bflag:$0x3] =	sbarrier.arrive $0xFFFF;
	s2 =	simm.s32 @!p0 $0x1C19  }
0x349: {  	[timem:s3], [sflag:s2] =	dma.local @!p0 [hbm:s0], s1  }
0x34a: {  	s0 =	simm.s32 @!p0 $0x19  }
0x34b: {  	_ =	swait.ge @!p0 [sflag:s0], s1  }
0x34c: {  	s1 =	ssub.s32 @!p0 $0x0, s1;
	[sflag:s0] =	ssyncset.done @!p0 $0x0  }
0x34d: {  	[sflag:s0] =	ssyncadd.s32 @!p0 s1  }
0x34e: {  	[bflag:$0x3] =	sbarrier.arrive $0xFFFF  }
0x34f: {  	_ =	shalt  }

</sc_bundles>
